<compile_context>
chip_gen: v7x
topology: tpu7x:2x2x1
jax: 0.10.2.dev20260603
libtpu: 0.0.44.dev20260713+nightly
codegen_flags: <defaults>
</compile_context>

<pallas_src>
import functools

import jax
import jax.numpy as jnp
from jax import lax
from jax.experimental import pallas as pl
from jax.experimental.pallas import tpu as pltpu
from jax.experimental.pallas import tpu_sc as plsc

F32 = jnp.float32
I32 = jnp.int32

IN_C = 128
NTY = 2
ETY = 4
N0 = 10000
S1 = 5000
S2 = 2000
E1 = 320000
E2 = 160000
ETOT = 480000
NX0 = 6000

NC = 2
NS = 16
L = 16
K = 80
H = 64
HROWS = 5120
XROWS = 2048
SCK = 2000
AP1 = 20480
AP2 = 8192


def _sc_layer1(tbl_lo, tbl_hi, nt_h, li_h, src_h, dst_h, eid_h, et_h,
               zk64, zk8, ones_in,
               h_lo, h_hi, acc_a, acc_b, cnt_o,
               acc_s, cnt_s, h_s,
               src_a, dst_a, eid_a, keyv, etv0, etv1, rowsv, rowsv1, onesv,
               cidxv,
               sem, semE0, semE1, semR0, semR1):
    rpt = AP1 // NS
    ept = E1 // NS
    nch = ept // K
    hpt = HROWS // NS

    c = lax.axis_index("c")
    s = lax.axis_index("s")
    is0 = c == 0

    ab = s * rpt

    pltpu.sync_copy(zk64, rowsv)
    for r in range(rpt // K):
        pltpu.sync_copy(rowsv, acc_s.at[pl.ds(ab + r * K, K)])

    @pl.when(is0)
    def _():
        pltpu.sync_copy(zk8, onesv)
        for r in range(rpt // K):
            pltpu.sync_copy(onesv, cnt_s.at[pl.ds(ab + r * K, K)])

    pltpu.sync_copy(ones_in, onesv)

    nchA = hpt // K
    hb = s * hpt
    pltpu.sync_copy(nt_h.at[pl.ds(hb, hpt)], src_a.at[pl.ds(0, hpt)])
    pltpu.sync_copy(li_h.at[pl.ds(hb, hpt)], dst_a.at[pl.ds(0, hpt)])

    def cidx_for(i, buf):
        for j in range(K // L):
            nt16 = src_a[pl.ds(i * K + j * L, L)]
            li16 = dst_a[pl.ds(i * K + j * L, L)]
            buf[pl.ds(j * L, L)] = jnp.where(nt16 == 0, li16, li16 + NX0)

    ibufs = [cidxv, keyv]
    rbufs = [rowsv, rowsv1]
    rsems = [semR0, semR1]
    cidx_for(0, ibufs[0])

    @pl.when(is0)
    def _():
        pltpu.async_copy(tbl_lo.at[ibufs[0]], rbufs[0], rsems[0])

    @pl.when(~is0)
    def _():
        pltpu.async_copy(tbl_hi.at[ibufs[0]], rbufs[0], rsems[0])

    for i in range(nchA):
        p, q = i % 2, (i + 1) % 2
        if i + 1 < nchA:
            cidx_for(i + 1, ibufs[q])

            @pl.when(is0)
            def _():
                pltpu.async_copy(tbl_lo.at[ibufs[q]], rbufs[q], rsems[q])

            @pl.when(~is0)
            def _():
                pltpu.async_copy(tbl_hi.at[ibufs[q]], rbufs[q], rsems[q])

        pltpu.make_async_copy(tbl_lo.at[pl.ds(0, K)], rbufs[p],
                              rsems[p]).wait()
        pltpu.sync_copy(rbufs[p], h_s.at[pl.ds(hb + i * K, K)])

    @pl.when(is0)
    def _():
        pltpu.async_copy(h_s.at[pl.ds(hb, hpt)], h_lo.at[pl.ds(hb, hpt)], sem)

    @pl.when(~is0)
    def _():
        pltpu.async_copy(h_s.at[pl.ds(hb, hpt)], h_hi.at[pl.ds(hb, hpt)], sem)

    plsc.subcore_barrier()

    nchs = SCK // K

    def super_chunk(u, carry):
        ub = s * ept + u * SCK
        pltpu.sync_copy(src_h.at[pl.ds(ub, SCK)], src_a)
        pltpu.sync_copy(dst_h.at[pl.ds(ub, SCK)], dst_a)
        pltpu.sync_copy(eid_h.at[pl.ds(ub, SCK)], eid_a)
        pltpu.async_copy(et_h.at[eid_a.at[pl.ds(0, K)]], etv0, semE0)
        pltpu.async_copy(h_s.at[src_a.at[pl.ds(0, K)]], rowsv, semR0)

        def edge_chunk(i, carry2):
            base = i * K

            def do(cur, cursem, rcur, rcursem, nxt, nxtsem, rnxt, rnxtsem):
                @pl.when(i + 1 < nchs)
                def _():
                    pltpu.async_copy(
                        et_h.at[eid_a.at[pl.ds(base + K, K)]], nxt, nxtsem)
                    pltpu.async_copy(
                        h_s.at[src_a.at[pl.ds(base + K, K)]], rnxt, rnxtsem)

                pltpu.make_async_copy(et_h.at[pl.ds(0, K)], cur,
                                      cursem).wait()
                for j in range(K // L):
                    et16 = cur[pl.ds(j * L, L)]
                    d16 = dst_a[pl.ds(base + j * L, L)]
                    keyv[pl.ds(j * L, L)] = et16 * S1 + d16

                pltpu.make_async_copy(h_s.at[pl.ds(0, K)], rcur,
                                      rcursem).wait()
                pltpu.sync_copy(rcur, acc_s.at[keyv], add=True)

                @pl.when(is0)
                def _():
                    pltpu.sync_copy(onesv, cnt_s.at[keyv], add=True)

            @pl.when(i % 2 == 0)
            def _():
                do(etv0, semE0, rowsv, semR0, etv1, semE1, rowsv1, semR1)

            @pl.when(i % 2 == 1)
            def _():
                do(etv1, semE1, rowsv1, semR1, etv0, semE0, rowsv, semR0)

            return carry2

        lax.fori_loop(0, nchs, edge_chunk, 0)
        return carry

    lax.fori_loop(0, ept // SCK, super_chunk, 0)
    plsc.subcore_barrier()

    @pl.when(is0)
    def _():
        pltpu.make_async_copy(h_s.at[pl.ds(hb, hpt)],
                              h_lo.at[pl.ds(hb, hpt)], sem).wait()
        pltpu.sync_copy(acc_s.at[pl.ds(ab, rpt)], acc_a.at[pl.ds(ab, rpt)])
        pltpu.sync_copy(cnt_s.at[pl.ds(ab, rpt)], cnt_o.at[pl.ds(ab, rpt)])

    @pl.when(~is0)
    def _():
        pltpu.make_async_copy(h_s.at[pl.ds(hb, hpt)],
                              h_hi.at[pl.ds(hb, hpt)], sem).wait()
        pltpu.sync_copy(acc_s.at[pl.ds(ab, rpt)], acc_b.at[pl.ds(ab, rpt)])


def _sc_layer2(x_lo, x_hi, src_h, dst_h, eid_h, et_h, zk64, zk8, ones_in,
               acc_a, acc_b, cnt_o,
               acc_s, cnt_s, x_s, et_s,
               src_a, dst_a, eid_a, keyv, etv, etv1, rowsv, rowsv1, onesv,
               semE0, semE1, semR0, semR1):
    rpt = AP2 // NS
    ept = E2 // NS
    nch = ept // K
    xpt = XROWS // NS
    etpt = ETOT // NS

    c = lax.axis_index("c")
    s = lax.axis_index("s")
    is0 = c == 0

    ab = s * rpt
    pltpu.sync_copy(zk64, rowsv)
    for r in range(rpt // K):
        pltpu.sync_copy(rowsv, acc_s.at[pl.ds(ab + r * K, K)])
    if rpt % K:
        pltpu.sync_copy(rowsv.at[pl.ds(0, rpt % K)],
                        acc_s.at[pl.ds(ab + (rpt // K) * K, rpt % K)])

    @pl.when(is0)
    def _():
        pltpu.sync_copy(zk8, onesv)
        for r in range(rpt // K):
            pltpu.sync_copy(onesv, cnt_s.at[pl.ds(ab + r * K, K)])
        if rpt % K:
            pltpu.sync_copy(onesv.at[pl.ds(0, rpt % K)],
                            cnt_s.at[pl.ds(ab + (rpt // K) * K, rpt % K)])

    @pl.when(is0)
    def _():
        pltpu.sync_copy(x_lo.at[pl.ds(s * xpt, xpt)], x_s.at[pl.ds(s * xpt, xpt)])

    @pl.when(~is0)
    def _():
        pltpu.sync_copy(x_hi.at[pl.ds(s * xpt, xpt)], x_s.at[pl.ds(s * xpt, xpt)])

    pltpu.sync_copy(et_h.at[pl.ds(s * etpt, etpt)], et_s.at[pl.ds(s * etpt, etpt)])
    pltpu.sync_copy(ones_in, onesv)

    eb = s * ept
    pltpu.sync_copy(src_h.at[pl.ds(eb, ept)], src_a)
    pltpu.sync_copy(dst_h.at[pl.ds(eb, ept)], dst_a)
    pltpu.sync_copy(eid_h.at[pl.ds(eb, ept)], eid_a)
    plsc.subcore_barrier()

    pltpu.async_copy(et_s.at[eid_a.at[pl.ds(0, K)]], etv, semE0)
    pltpu.async_copy(x_s.at[src_a.at[pl.ds(0, K)]], rowsv, semR0)

    def edge_chunk(i, carry):
        base = i * K

        def do(cur, cursem, rcur, rcursem, nxt, nxtsem, rnxt, rnxtsem):
            @pl.when(i + 1 < nch)
            def _():
                pltpu.async_copy(
                    et_s.at[eid_a.at[pl.ds(base + K, K)]], nxt, nxtsem)
                pltpu.async_copy(
                    x_s.at[src_a.at[pl.ds(base + K, K)]], rnxt, rnxtsem)

            pltpu.make_async_copy(et_s.at[pl.ds(0, K)], cur, cursem).wait()
            for j in range(K // L):
                et16 = cur[pl.ds(j * L, L)]
                d16 = dst_a[pl.ds(base + j * L, L)]
                keyv[pl.ds(j * L, L)] = et16 * S2 + d16

            pltpu.make_async_copy(x_s.at[pl.ds(0, K)], rcur, rcursem).wait()
            pltpu.sync_copy(rcur, acc_s.at[keyv], add=True)

            @pl.when(is0)
            def _():
                pltpu.sync_copy(onesv, cnt_s.at[keyv], add=True)

        @pl.when(i % 2 == 0)
        def _():
            do(etv, semE0, rowsv, semR0, etv1, semE1, rowsv1, semR1)

        @pl.when(i % 2 == 1)
        def _():
            do(etv1, semE1, rowsv1, semR1, etv, semE0, rowsv, semR0)

        return carry

    lax.fori_loop(0, nch, edge_chunk, 0)
    plsc.subcore_barrier()

    @pl.when(is0)
    def _():
        pltpu.sync_copy(acc_s.at[pl.ds(ab, rpt)], acc_a.at[pl.ds(ab, rpt)])
        pltpu.sync_copy(cnt_s.at[pl.ds(ab, rpt)], cnt_o.at[pl.ds(ab, rpt)])

    @pl.when(~is0)
    def _():
        pltpu.sync_copy(acc_s.at[pl.ds(ab, rpt)], acc_b.at[pl.ds(ab, rpt)])


def _make_l1():
    A = AP1
    mesh = plsc.VectorSubcoreMesh(core_axis_name="c", subcore_axis_name="s")
    return pl.kernel(
        _sc_layer1,
        compiler_params=pltpu.CompilerParams(use_tc_tiling_on_sc=False),
        out_type=[
            jax.ShapeDtypeStruct((HROWS, H), F32),
            jax.ShapeDtypeStruct((HROWS, H), F32),
            jax.ShapeDtypeStruct((A, H), F32),
            jax.ShapeDtypeStruct((A, H), F32),
            jax.ShapeDtypeStruct((A, 8), F32),
        ],
        mesh=mesh,
        scratch_types=[
            pltpu.VMEM_SHARED((A, H), F32),
            pltpu.VMEM_SHARED((A, 8), F32),
            pltpu.VMEM_SHARED((HROWS, H), F32),
            pltpu.VMEM((SCK,), I32),
            pltpu.VMEM((SCK,), I32),
            pltpu.VMEM((SCK,), I32),
            pltpu.VMEM((K,), I32),
            pltpu.VMEM((K,), I32),
            pltpu.VMEM((K,), I32),
            pltpu.VMEM((K, H), F32),
            pltpu.VMEM((K, H), F32),
            pltpu.VMEM((K, 8), F32),
            pltpu.VMEM((K,), I32),
            pltpu.SemaphoreType.DMA,
            pltpu.SemaphoreType.DMA,
            pltpu.SemaphoreType.DMA,
            pltpu.SemaphoreType.DMA,
            pltpu.SemaphoreType.DMA,
        ],
    )


def _make_l2():
    A = AP2
    mesh = plsc.VectorSubcoreMesh(core_axis_name="c", subcore_axis_name="s")
    return pl.kernel(
        _sc_layer2,
        compiler_params=pltpu.CompilerParams(use_tc_tiling_on_sc=False),
        out_type=[
            jax.ShapeDtypeStruct((A, H), F32),
            jax.ShapeDtypeStruct((A, H), F32),
            jax.ShapeDtypeStruct((A, 8), F32),
        ],
        mesh=mesh,
        scratch_types=[
            pltpu.VMEM_SHARED((A, H), F32),
            pltpu.VMEM_SHARED((A, 8), F32),
            pltpu.VMEM_SHARED((XROWS, H), F32),
            pltpu.VMEM_SHARED((ETOT,), I32),
            pltpu.VMEM((E2 // NS,), I32),
            pltpu.VMEM((E2 // NS,), I32),
            pltpu.VMEM((E2 // NS,), I32),
            pltpu.VMEM((K,), I32),
            pltpu.VMEM((K,), I32),
            pltpu.VMEM((K,), I32),
            pltpu.VMEM((K, H), F32),
            pltpu.VMEM((K, H), F32),
            pltpu.VMEM((K, 8), F32),
            pltpu.SemaphoreType.DMA,
            pltpu.SemaphoreType.DMA,
            pltpu.SemaphoreType.DMA,
            pltpu.SemaphoreType.DMA,
        ],
    )


def _dense_body(acc_lo, acc_hi, cnt_ref, xl_ref, xh_ref, ntf_ref,
                w_ref, r_ref, b_ref, *outs, last_t, relu, logsm, split_out):
    t = pl.program_id(1)

    @pl.when(t == 0)
    def _():
        xl = xl_ref[...]
        xh = xh_ref[...]
        m0 = ntf_ref[...] == 0.0
        r0 = (jnp.dot(xl, r_ref[0, :H], preferred_element_type=F32) +
              jnp.dot(xh, r_ref[0, H:], preferred_element_type=F32) +
              b_ref[0, :])
        r1 = (jnp.dot(xl, r_ref[1, :H], preferred_element_type=F32) +
              jnp.dot(xh, r_ref[1, H:], preferred_element_type=F32) +
              b_ref[1, :])
        y = jnp.where(m0, r0, r1)
        if split_out:
            outs[0][...] = y[:, :H]
            outs[1][...] = y[:, H:]
        else:
            outs[0][...] = y

    inv = 1.0 / jnp.maximum(cnt_ref[:, :1], 1.0)
    al = acc_lo[...] * inv
    ah = acc_hi[...] * inv
    y = (jnp.dot(al, w_ref[0, :H], preferred_element_type=F32) +
         jnp.dot(ah, w_ref[0, H:], preferred_element_type=F32))
    if split_out:
        outs[0][...] += y[:, :H]
        outs[1][...] += y[:, H:]
    else:
        outs[0][...] += y

    @pl.when(t == last_t)
    def _():
        if relu:
            for o in outs:
                o[...] = jnp.maximum(o[...], 0.0)
        if logsm:
            y2 = outs[0][...]
            m = jnp.max(y2, axis=-1, keepdims=True)
            e = jnp.exp(y2 - m)
            outs[0][...] = y2 - m - jnp.log(
                jnp.sum(e, axis=-1, keepdims=True))


def _make_dense(S, blk, relu, logsm, split_out):
    rb = S // blk
    body = functools.partial(_dense_body, last_t=ETY - 1, relu=relu,
                             logsm=logsm, split_out=split_out)
    amap = lambda i, t: (t * rb + i, 0)
    if split_out:
        out_specs = [pl.BlockSpec((blk, H), lambda i, t: (i, 0)),
                     pl.BlockSpec((blk, H), lambda i, t: (i, 0))]
        out_shape = [jax.ShapeDtypeStruct((S, H), F32),
                     jax.ShapeDtypeStruct((S, H), F32)]
    else:
        out_specs = pl.BlockSpec((blk, IN_C), lambda i, t: (i, 0))
        out_shape = jax.ShapeDtypeStruct((S, IN_C), F32)
    return pl.pallas_call(
        body,
        grid=(rb, ETY),
        in_specs=[
            pl.BlockSpec((blk, H), amap),
            pl.BlockSpec((blk, H), amap),
            pl.BlockSpec((blk, 8), amap),
            pl.BlockSpec((blk, H), lambda i, t: (i, 0)),
            pl.BlockSpec((blk, H), lambda i, t: (i, 0)),
            pl.BlockSpec((blk, 1), lambda i, t: (i, 0)),
            pl.BlockSpec((1, IN_C, IN_C), lambda i, t: (t, 0, 0)),
            pl.BlockSpec((NTY, IN_C, IN_C), lambda i, t: (0, 0, 0)),
            pl.BlockSpec((NTY, IN_C), lambda i, t: (0, 0)),
        ],
        out_specs=out_specs,
        out_shape=out_shape,
    )


_L1 = _make_l1()
_L2 = _make_l2()
_D1 = _make_dense(S1, 1000, relu=True, logsm=False, split_out=True)
_D2 = _make_dense(S2, 1000, relu=False, logsm=True, split_out=False)


def kernel(n_id, x0, emb1, edge_index1, e_id1, edge_index2, e_id2, edge_type,
           node_type, local_node_idx, rel_W1, root_W1, root_b1, rel_W2,
           root_W2, root_b2):
    tbl_lo = jnp.concatenate([x0[:, :H], emb1[:, :H]], axis=0)
    tbl_hi = jnp.concatenate([x0[:, H:], emb1[:, H:]], axis=0)
    zk64 = jnp.zeros((K, H), F32)
    zk8 = jnp.zeros((K, 8), F32)
    ones_in = jnp.ones((K, 8), F32)

    h_lo, h_hi, acc1a, acc1b, cnt1 = _L1(
        tbl_lo, tbl_hi, node_type, local_node_idx,
        edge_index1[0], edge_index1[1], e_id1, edge_type,
        zk64, zk8, ones_in)

    ntf1 = node_type[:S1].astype(F32)[:, None]

    x1_lo, x1_hi = _D1(acc1a, acc1b, cnt1, h_lo, h_hi, ntf1,
                       rel_W1, root_W1, root_b1)

    acc2a, acc2b, cnt2 = _L2(
        x1_lo, x1_hi,
        edge_index2[0], edge_index2[1], e_id2, edge_type,
        zk64, zk8, ones_in)

    ntf2 = node_type[:S2].astype(F32)[:, None]

    return _D2(acc2a, acc2b, cnt2, x1_lo, x1_hi, ntf2, rel_W2,
               root_W2, root_b2)

# --- scband reference (transcript-rebuilt; emitter-appended) ---
"""Pipeline reference for scband-rgcn-6468220747930 (READ-ONLY COPY).

The authoritative reference and input builder live on the scoring server;
editing this copy changes nothing except your own understanding.
"""

import jax, jax.numpy as jnp
import numpy as np

IN_C = 128; HID = 128; OUT_C = 128
NUM_NODE_TYPES = 2; NUM_EDGE_TYPES = 4
N0 = 10000; S1 = 5000; S2 = 2000
E1 = 320000; E2 = 160000; E_TOTAL = 480000
N_X0 = 6000; N_EMB1 = 4000


def setup_inputs(seed: int = 0):
    key = jax.random.key(seed)
    ks = jax.random.split(key, 16)
    inp = {}
    inp['n_id'] = jnp.arange(N0, dtype=jnp.int32)
    inp['x0'] = jax.random.normal(ks[0], (N_X0, IN_C), dtype=jnp.float32)
    inp['emb1'] = jax.random.normal(ks[1], (N_EMB1, IN_C), dtype=jnp.float32)
    inp['edge_index1'] = jax.random.randint(ks[2], (2, E1), 0, S1, dtype=jnp.int32)
    inp['e_id1'] = jax.random.randint(ks[3], (E1,), 0, E_TOTAL, dtype=jnp.int32)
    inp['edge_index2'] = jax.random.randint(ks[4], (2, E2), 0, S2, dtype=jnp.int32)
    inp['e_id2'] = jax.random.randint(ks[5], (E2,), 0, E_TOTAL, dtype=jnp.int32)
    inp['edge_type'] = jax.random.randint(ks[6], (E_TOTAL,), 0, NUM_EDGE_TYPES, dtype=jnp.int32)
    inp['node_type'] = jax.random.randint(ks[7], (N0,), 0, NUM_NODE_TYPES, dtype=jnp.int32)
    inp['local_node_idx'] = jax.random.randint(ks[8], (N0,), 0, N_EMB1, dtype=jnp.int32)
    inp['rel_W1'] = jax.random.normal(ks[9], (NUM_EDGE_TYPES, IN_C, HID), dtype=jnp.float32) * 0.05
    inp['root_W1'] = jax.random.normal(ks[10], (NUM_NODE_TYPES, IN_C, HID), dtype=jnp.float32) * 0.05
    inp['root_b1'] = jnp.zeros((NUM_NODE_TYPES, HID), dtype=jnp.float32)
    inp['rel_W2'] = jax.random.normal(ks[11], (NUM_EDGE_TYPES, HID, OUT_C), dtype=jnp.float32) * 0.05
    inp['root_W2'] = jax.random.normal(ks[12], (NUM_NODE_TYPES, HID, OUT_C), dtype=jnp.float32) * 0.05
    inp['root_b2'] = jnp.zeros((NUM_NODE_TYPES, OUT_C), dtype=jnp.float32)
    return inp


def _rgcn_conv(x, nt, edge_index, et, size_dst, rel_W, root_W, root_b):
    # RGCNConv with aggr='mean': per-edge-type mean aggregation, summed over types,
    # plus per-node-type root linear transform.
    x_target = x[:size_dst]
    nt_t = nt[:size_dst]
    src = edge_index[0]
    dst = edge_index[1]
    # transform node features once per relation type, then gather per edge
    xt = jnp.einsum('nd,tdh->tnh', x, rel_W)  # [T, N, H]
    msg = xt[et, src]  # [E, H]
    # per-(type, dst) counts for mean normalization
    cnt = jnp.zeros((rel_W.shape[0], size_dst), jnp.float32).at[et, dst].add(1.0)
    w = 1.0 / jnp.maximum(cnt[et, dst], 1.0)
    out = jnp.zeros((size_dst, rel_W.shape[2]), x.dtype).at[dst].add(msg * w[:, None])
    # root transform per node type
    for i in range(root_W.shape[0]):
        m = (nt_t == i).astype(x.dtype)[:, None]
        out = out + m * (x_target @ root_W[i] + root_b[i])
    return out, nt_t


def reference(n_id, x0, emb1, edge_index1, e_id1, edge_index2, e_id2, edge_type, node_type, local_node_idx, rel_W1, root_W1, root_b1, rel_W2, root_W2, root_b2):
    # group_input: assemble features from x_dict (type 0) and learned embedding (type 1)
    nt = node_type[n_id]
    li = local_node_idx[n_id]
    h = jnp.where((nt == 0)[:, None], x0[li], emb1[li])
    x, nt = _rgcn_conv(h, nt, edge_index1, edge_type[e_id1], S1, rel_W1, root_W1, root_b1)
    x = jax.nn.relu(x)  # dropout p=0.0 is identity
    x, nt = _rgcn_conv(x, nt, edge_index2, edge_type[e_id2], S2, rel_W2, root_W2, root_b2)
    return jax.nn.log_softmax(x, axis=-1)

if __name__ == "__main__":
    import jax
    _d = setup_inputs()
    print(jax.jit(kernel)(*tuple(_d.values())))

</pallas_src>

<mosaic_0001>
#map = affine_map<(d0, d1) -> (0, 0)>
#map1 = affine_map<(d0, d1) -> (0)>
module attributes {stable_mosaic.version = 14 : i64} {
  func.func @_sc_layer1(%arg0: i32, %arg1: i32, %arg2: memref<10000x64xf32, #tpu.memory_space<hbm>>, %arg3: memref<10000x64xf32, #tpu.memory_space<hbm>>, %arg4: memref<10000xi32, #tpu.memory_space<hbm>>, %arg5: memref<10000xi32, #tpu.memory_space<hbm>>, %arg6: memref<320000xi32, #tpu.memory_space<hbm>>, %arg7: memref<320000xi32, #tpu.memory_space<hbm>>, %arg8: memref<320000xi32, #tpu.memory_space<hbm>>, %arg9: memref<480000xi32, #tpu.memory_space<hbm>>, %arg10: memref<80x64xf32, #tpu.memory_space<hbm>>, %arg11: memref<80x8xf32, #tpu.memory_space<hbm>>, %arg12: memref<80x8xf32, #tpu.memory_space<hbm>>, %arg13: memref<5120x64xf32, #tpu.memory_space<hbm>>, %arg14: memref<5120x64xf32, #tpu.memory_space<hbm>>, %arg15: memref<20480x64xf32, #tpu.memory_space<hbm>>, %arg16: memref<20480x64xf32, #tpu.memory_space<hbm>>, %arg17: memref<20480x8xf32, #tpu.memory_space<hbm>>, %arg18: memref<20480x64xf32, #tpu.memory_space<vmem_shared>>, %arg19: memref<20480x8xf32, #tpu.memory_space<vmem_shared>>, %arg20: memref<5120x64xf32, #tpu.memory_space<vmem_shared>>, %arg21: memref<2000xi32, #tpu.memory_space<vmem>>, %arg22: memref<2000xi32, #tpu.memory_space<vmem>>, %arg23: memref<2000xi32, #tpu.memory_space<vmem>>, %arg24: memref<80xi32, #tpu.memory_space<vmem>>, %arg25: memref<80xi32, #tpu.memory_space<vmem>>, %arg26: memref<80xi32, #tpu.memory_space<vmem>>, %arg27: memref<80x64xf32, #tpu.memory_space<vmem>>, %arg28: memref<80x64xf32, #tpu.memory_space<vmem>>, %arg29: memref<80x8xf32, #tpu.memory_space<vmem>>, %arg30: memref<80xi32, #tpu.memory_space<vmem>>, %arg31: memref<!tpu.dma_semaphore, #tpu.memory_space<semaphore_mem>>, %arg32: memref<!tpu.dma_semaphore, #tpu.memory_space<semaphore_mem>>, %arg33: memref<!tpu.dma_semaphore, #tpu.memory_space<semaphore_mem>>, %arg34: memref<!tpu.dma_semaphore, #tpu.memory_space<semaphore_mem>>, %arg35: memref<!tpu.dma_semaphore, #tpu.memory_space<semaphore_mem>>) attributes {dimension_semantics = [#tpu.dimension_semantics<core_parallel>, #tpu.dimension_semantics<subcore_parallel>], iteration_bounds = array<i64: 2, 16>, scalar_prefetch = 0 : i64, scratch_operands = 18 : i64, tpu.core_type = #tpu.core_type<sc_vector_subcore>, window_params = [{transform_indices = #map}, {transform_indices = #map}, {transform_indices = #map1}, {transform_indices = #map1}, {transform_indices = #map1}, {transform_indices = #map1}, {transform_indices = #map1}, {transform_indices = #map1}, {transform_indices = #map}, {transform_indices = #map}, {transform_indices = #map}, {transform_indices = #map}, {transform_indices = #map}, {transform_indices = #map}, {transform_indices = #map}, {transform_indices = #map}]} {
    %eq3A = arith.constant 0 : i32
    %eq3A_0 = arith.cmpi eq, %arg0, %eq3A : i32
    %mul3A = arith.constant 1280 : i32
    %mul3A_1 = arith.muli %arg1, %mul3A : i32
    "tpu.region"() ({
      %run_scoped3A = tpu.sem_alloc : memref<!tpu.dma_semaphore, #tpu.memory_space<semaphore_mem>>
      tpu.enqueue_dma source(%arg10 : memref<80x64xf32, #tpu.memory_space<hbm>>) target(%arg27 : memref<80x64xf32, #tpu.memory_space<vmem>>) target_semaphore(%run_scoped3A : memref<!tpu.dma_semaphore, #tpu.memory_space<semaphore_mem>>)
      tpu.wait_dma2 semaphore(%run_scoped3A : memref<!tpu.dma_semaphore, #tpu.memory_space<semaphore_mem>>) src(%arg10 : memref<80x64xf32, #tpu.memory_space<hbm>>) dst(%arg27 : memref<80x64xf32, #tpu.memory_space<vmem>>)
      tpu.yield
    }) : () -> ()
    %add3A = arith.constant 0 : i32
    %add3A_2 = arith.addi %mul3A_1, %add3A : i32
    "tpu.region"() ({
      %run_scoped3A = tpu.sem_alloc : memref<!tpu.dma_semaphore, #tpu.memory_space<semaphore_mem>>
      %dma_start3A = arith.constant 0 : i32
      %dma_start3A_457 = tpu.memref_slice %arg18[%add3A_2, %dma_start3A] : memref<20480x64xf32, #tpu.memory_space<vmem_shared>> -> memref<80x64xf32, #tpu.memory_space<vmem_shared>>
      %dma_start3A_458 = arith.constant 0 : i32
      %dma_start3A_459 = tpu.memref_slice %arg18[%add3A_2, %dma_start3A_458] : memref<20480x64xf32, #tpu.memory_space<vmem_shared>> -> memref<80x64xf32, #tpu.memory_space<vmem_shared>>
      tpu.enqueue_dma source(%arg27 : memref<80x64xf32, #tpu.memory_space<vmem>>) target(%dma_start3A_459 : memref<80x64xf32, #tpu.memory_space<vmem_shared>>) target_semaphore(%run_scoped3A : memref<!tpu.dma_semaphore, #tpu.memory_space<semaphore_mem>>)
      %dma_wait3A_460 = arith.constant 0 : i32
      %dma_wait3A_461 = tpu.memref_slice %arg18[%add3A_2, %dma_wait3A_460] : memref<20480x64xf32, #tpu.memory_space<vmem_shared>> -> memref<80x64xf32, #tpu.memory_space<vmem_shared>>
      %dma_wait3A_462 = arith.constant 0 : i32
      %dma_wait3A_463 = tpu.memref_slice %arg18[%add3A_2, %dma_wait3A_462] : memref<20480x64xf32, #tpu.memory_space<vmem_shared>> -> memref<80x64xf32, #tpu.memory_space<vmem_shared>>
      tpu.wait_dma2 semaphore(%run_scoped3A : memref<!tpu.dma_semaphore, #tpu.memory_space<semaphore_mem>>) src(%arg27 : memref<80x64xf32, #tpu.memory_space<vmem>>) dst(%dma_wait3A_463 : memref<80x64xf32, #tpu.memory_space<vmem_shared>>)
      tpu.yield
    }) : () -> ()
    %add3A_3 = arith.constant 80 : i32
    %add3A_4 = arith.addi %mul3A_1, %add3A_3 : i32
    "tpu.region"() ({
      %run_scoped3A = tpu.sem_alloc : memref<!tpu.dma_semaphore, #tpu.memory_space<semaphore_mem>>
      %dma_start3A = arith.constant 0 : i32
      %dma_start3A_457 = tpu.memref_slice %arg18[%add3A_4, %dma_start3A] : memref<20480x64xf32, #tpu.memory_space<vmem_shared>> -> memref<80x64xf32, #tpu.memory_space<vmem_shared>>
      %dma_start3A_458 = arith.constant 0 : i32
      %dma_start3A_459 = tpu.memref_slice %arg18[%add3A_4, %dma_start3A_458] : memref<20480x64xf32, #tpu.memory_space<vmem_shared>> -> memref<80x64xf32, #tpu.memory_space<vmem_shared>>
      tpu.enqueue_dma source(%arg27 : memref<80x64xf32, #tpu.memory_space<vmem>>) target(%dma_start3A_459 : memref<80x64xf32, #tpu.memory_space<vmem_shared>>) target_semaphore(%run_scoped3A : memref<!tpu.dma_semaphore, #tpu.memory_space<semaphore_mem>>)
      %dma_wait3A_460 = arith.constant 0 : i32
      %dma_wait3A_461 = tpu.memref_slice %arg18[%add3A_4, %dma_wait3A_460] : memref<20480x64xf32, #tpu.memory_space<vmem_shared>> -> memref<80x64xf32, #tpu.memory_space<vmem_shared>>
      %dma_wait3A_462 = arith.constant 0 : i32
      %dma_wait3A_463 = tpu.memref_slice %arg18[%add3A_4, %dma_wait3A_462] : memref<20480x64xf32, #tpu.memory_space<vmem_shared>> -> memref<80x64xf32, #tpu.memory_space<vmem_shared>>
      tpu.wait_dma2 semaphore(%run_scoped3A : memref<!tpu.dma_semaphore, #tpu.memory_space<semaphore_mem>>) src(%arg27 : memref<80x64xf32, #tpu.memory_space<vmem>>) dst(%dma_wait3A_463 : memref<80x64xf32, #tpu.memory_space<vmem_shared>>)
      tpu.yield
    }) : () -> ()
    %add3A_5 = arith.constant 160 : i32
    %add3A_6 = arith.addi %mul3A_1, %add3A_5 : i32
    "tpu.region"() ({
      %run_scoped3A = tpu.sem_alloc : memref<!tpu.dma_semaphore, #tpu.memory_space<semaphore_mem>>
      %dma_start3A = arith.constant 0 : i32
      %dma_start3A_457 = tpu.memref_slice %arg18[%add3A_6, %dma_start3A] : memref<20480x64xf32, #tpu.memory_space<vmem_shared>> -> memref<80x64xf32, #tpu.memory_space<vmem_shared>>
      %dma_start3A_458 = arith.constant 0 : i32
      %dma_start3A_459 = tpu.memref_slice %arg18[%add3A_6, %dma_start3A_458] : memref<20480x64xf32, #tpu.memory_space<vmem_shared>> -> memref<80x64xf32, #tpu.memory_space<vmem_shared>>
      tpu.enqueue_dma source(%arg27 : memref<80x64xf32, #tpu.memory_space<vmem>>) target(%dma_start3A_459 : memref<80x64xf32, #tpu.memory_space<vmem_shared>>) target_semaphore(%run_scoped3A : memref<!tpu.dma_semaphore, #tpu.memory_space<semaphore_mem>>)
      %dma_wait3A_460 = arith.constant 0 : i32
      %dma_wait3A_461 = tpu.memref_slice %arg18[%add3A_6, %dma_wait3A_460] : memref<20480x64xf32, #tpu.memory_space<vmem_shared>> -> memref<80x64xf32, #tpu.memory_space<vmem_shared>>
      %dma_wait3A_462 = arith.constant 0 : i32
      %dma_wait3A_463 = tpu.memref_slice %arg18[%add3A_6, %dma_wait3A_462] : memref<20480x64xf32, #tpu.memory_space<vmem_shared>> -> memref<80x64xf32, #tpu.memory_space<vmem_shared>>
      tpu.wait_dma2 semaphore(%run_scoped3A : memref<!tpu.dma_semaphore, #tpu.memory_space<semaphore_mem>>) src(%arg27 : memref<80x64xf32, #tpu.memory_space<vmem>>) dst(%dma_wait3A_463 : memref<80x64xf32, #tpu.memory_space<vmem_shared>>)
      tpu.yield
    }) : () -> ()
    %add3A_7 = arith.constant 240 : i32
    %add3A_8 = arith.addi %mul3A_1, %add3A_7 : i32
    "tpu.region"() ({
      %run_scoped3A = tpu.sem_alloc : memref<!tpu.dma_semaphore, #tpu.memory_space<semaphore_mem>>
      %dma_start3A = arith.constant 0 : i32
      %dma_start3A_457 = tpu.memref_slice %arg18[%add3A_8, %dma_start3A] : memref<20480x64xf32, #tpu.memory_space<vmem_shared>> -> memref<80x64xf32, #tpu.memory_space<vmem_shared>>
      %dma_start3A_458 = arith.constant 0 : i32
      %dma_start3A_459 = tpu.memref_slice %arg18[%add3A_8, %dma_start3A_458] : memref<20480x64xf32, #tpu.memory_space<vmem_shared>> -> memref<80x64xf32, #tpu.memory_space<vmem_shared>>
      tpu.enqueue_dma source(%arg27 : memref<80x64xf32, #tpu.memory_space<vmem>>) target(%dma_start3A_459 : memref<80x64xf32, #tpu.memory_space<vmem_shared>>) target_semaphore(%run_scoped3A : memref<!tpu.dma_semaphore, #tpu.memory_space<semaphore_mem>>)
      %dma_wait3A_460 = arith.constant 0 : i32
      %dma_wait3A_461 = tpu.memref_slice %arg18[%add3A_8, %dma_wait3A_460] : memref<20480x64xf32, #tpu.memory_space<vmem_shared>> -> memref<80x64xf32, #tpu.memory_space<vmem_shared>>
      %dma_wait3A_462 = arith.constant 0 : i32
      %dma_wait3A_463 = tpu.memref_slice %arg18[%add3A_8, %dma_wait3A_462] : memref<20480x64xf32, #tpu.memory_space<vmem_shared>> -> memref<80x64xf32, #tpu.memory_space<vmem_shared>>
      tpu.wait_dma2 semaphore(%run_scoped3A : memref<!tpu.dma_semaphore, #tpu.memory_space<semaphore_mem>>) src(%arg27 : memref<80x64xf32, #tpu.memory_space<vmem>>) dst(%dma_wait3A_463 : memref<80x64xf32, #tpu.memory_space<vmem_shared>>)
      tpu.yield
    }) : () -> ()
    %add3A_9 = arith.constant 320 : i32
    %add3A_10 = arith.addi %mul3A_1, %add3A_9 : i32
    "tpu.region"() ({
      %run_scoped3A = tpu.sem_alloc : memref<!tpu.dma_semaphore, #tpu.memory_space<semaphore_mem>>
      %dma_start3A = arith.constant 0 : i32
      %dma_start3A_457 = tpu.memref_slice %arg18[%add3A_10, %dma_start3A] : memref<20480x64xf32, #tpu.memory_space<vmem_shared>> -> memref<80x64xf32, #tpu.memory_space<vmem_shared>>
      %dma_start3A_458 = arith.constant 0 : i32
      %dma_start3A_459 = tpu.memref_slice %arg18[%add3A_10, %dma_start3A_458] : memref<20480x64xf32, #tpu.memory_space<vmem_shared>> -> memref<80x64xf32, #tpu.memory_space<vmem_shared>>
      tpu.enqueue_dma source(%arg27 : memref<80x64xf32, #tpu.memory_space<vmem>>) target(%dma_start3A_459 : memref<80x64xf32, #tpu.memory_space<vmem_shared>>) target_semaphore(%run_scoped3A : memref<!tpu.dma_semaphore, #tpu.memory_space<semaphore_mem>>)
      %dma_wait3A_460 = arith.constant 0 : i32
      %dma_wait3A_461 = tpu.memref_slice %arg18[%add3A_10, %dma_wait3A_460] : memref<20480x64xf32, #tpu.memory_space<vmem_shared>> -> memref<80x64xf32, #tpu.memory_space<vmem_shared>>
      %dma_wait3A_462 = arith.constant 0 : i32
      %dma_wait3A_463 = tpu.memref_slice %arg18[%add3A_10, %dma_wait3A_462] : memref<20480x64xf32, #tpu.memory_space<vmem_shared>> -> memref<80x64xf32, #tpu.memory_space<vmem_shared>>
      tpu.wait_dma2 semaphore(%run_scoped3A : memref<!tpu.dma_semaphore, #tpu.memory_space<semaphore_mem>>) src(%arg27 : memref<80x64xf32, #tpu.memory_space<vmem>>) dst(%dma_wait3A_463 : memref<80x64xf32, #tpu.memory_space<vmem_shared>>)
      tpu.yield
    }) : () -> ()
    %add3A_11 = arith.constant 400 : i32
    %add3A_12 = arith.addi %mul3A_1, %add3A_11 : i32
    "tpu.region"() ({
      %run_scoped3A = tpu.sem_alloc : memref<!tpu.dma_semaphore, #tpu.memory_space<semaphore_mem>>
      %dma_start3A = arith.constant 0 : i32
      %dma_start3A_457 = tpu.memref_slice %arg18[%add3A_12, %dma_start3A] : memref<20480x64xf32, #tpu.memory_space<vmem_shared>> -> memref<80x64xf32, #tpu.memory_space<vmem_shared>>
      %dma_start3A_458 = arith.constant 0 : i32
      %dma_start3A_459 = tpu.memref_slice %arg18[%add3A_12, %dma_start3A_458] : memref<20480x64xf32, #tpu.memory_space<vmem_shared>> -> memref<80x64xf32, #tpu.memory_space<vmem_shared>>
      tpu.enqueue_dma source(%arg27 : memref<80x64xf32, #tpu.memory_space<vmem>>) target(%dma_start3A_459 : memref<80x64xf32, #tpu.memory_space<vmem_shared>>) target_semaphore(%run_scoped3A : memref<!tpu.dma_semaphore, #tpu.memory_space<semaphore_mem>>)
      %dma_wait3A_460 = arith.constant 0 : i32
      %dma_wait3A_461 = tpu.memref_slice %arg18[%add3A_12, %dma_wait3A_460] : memref<20480x64xf32, #tpu.memory_space<vmem_shared>> -> memref<80x64xf32, #tpu.memory_space<vmem_shared>>
      %dma_wait3A_462 = arith.constant 0 : i32
      %dma_wait3A_463 = tpu.memref_slice %arg18[%add3A_12, %dma_wait3A_462] : memref<20480x64xf32, #tpu.memory_space<vmem_shared>> -> memref<80x64xf32, #tpu.memory_space<vmem_shared>>
      tpu.wait_dma2 semaphore(%run_scoped3A : memref<!tpu.dma_semaphore, #tpu.memory_space<semaphore_mem>>) src(%arg27 : memref<80x64xf32, #tpu.memory_space<vmem>>) dst(%dma_wait3A_463 : memref<80x64xf32, #tpu.memory_space<vmem_shared>>)
      tpu.yield
    }) : () -> ()
    %add3A_13 = arith.constant 480 : i32
    %add3A_14 = arith.addi %mul3A_1, %add3A_13 : i32
    "tpu.region"() ({
      %run_scoped3A = tpu.sem_alloc : memref<!tpu.dma_semaphore, #tpu.memory_space<semaphore_mem>>
      %dma_start3A = arith.constant 0 : i32
      %dma_start3A_457 = tpu.memref_slice %arg18[%add3A_14, %dma_start3A] : memref<20480x64xf32, #tpu.memory_space<vmem_shared>> -> memref<80x64xf32, #tpu.memory_space<vmem_shared>>
      %dma_start3A_458 = arith.constant 0 : i32
      %dma_start3A_459 = tpu.memref_slice %arg18[%add3A_14, %dma_start3A_458] : memref<20480x64xf32, #tpu.memory_space<vmem_shared>> -> memref<80x64xf32, #tpu.memory_space<vmem_shared>>
      tpu.enqueue_dma source(%arg27 : memref<80x64xf32, #tpu.memory_space<vmem>>) target(%dma_start3A_459 : memref<80x64xf32, #tpu.memory_space<vmem_shared>>) target_semaphore(%run_scoped3A : memref<!tpu.dma_semaphore, #tpu.memory_space<semaphore_mem>>)
      %dma_wait3A_460 = arith.constant 0 : i32
      %dma_wait3A_461 = tpu.memref_slice %arg18[%add3A_14, %dma_wait3A_460] : memref<20480x64xf32, #tpu.memory_space<vmem_shared>> -> memref<80x64xf32, #tpu.memory_space<vmem_shared>>
      %dma_wait3A_462 = arith.constant 0 : i32
      %dma_wait3A_463 = tpu.memref_slice %arg18[%add3A_14, %dma_wait3A_462] : memref<20480x64xf32, #tpu.memory_space<vmem_shared>> -> memref<80x64xf32, #tpu.memory_space<vmem_shared>>
      tpu.wait_dma2 semaphore(%run_scoped3A : memref<!tpu.dma_semaphore, #tpu.memory_space<semaphore_mem>>) src(%arg27 : memref<80x64xf32, #tpu.memory_space<vmem>>) dst(%dma_wait3A_463 : memref<80x64xf32, #tpu.memory_space<vmem_shared>>)
      tpu.yield
    }) : () -> ()
    %add3A_15 = arith.constant 560 : i32
    %add3A_16 = arith.addi %mul3A_1, %add3A_15 : i32
    "tpu.region"() ({
      %run_scoped3A = tpu.sem_alloc : memref<!tpu.dma_semaphore, #tpu.memory_space<semaphore_mem>>
      %dma_start3A = arith.constant 0 : i32
      %dma_start3A_457 = tpu.memref_slice %arg18[%add3A_16, %dma_start3A] : memref<20480x64xf32, #tpu.memory_space<vmem_shared>> -> memref<80x64xf32, #tpu.memory_space<vmem_shared>>
      %dma_start3A_458 = arith.constant 0 : i32
      %dma_start3A_459 = tpu.memref_slice %arg18[%add3A_16, %dma_start3A_458] : memref<20480x64xf32, #tpu.memory_space<vmem_shared>> -> memref<80x64xf32, #tpu.memory_space<vmem_shared>>
      tpu.enqueue_dma source(%arg27 : memref<80x64xf32, #tpu.memory_space<vmem>>) target(%dma_start3A_459 : memref<80x64xf32, #tpu.memory_space<vmem_shared>>) target_semaphore(%run_scoped3A : memref<!tpu.dma_semaphore, #tpu.memory_space<semaphore_mem>>)
      %dma_wait3A_460 = arith.constant 0 : i32
      %dma_wait3A_461 = tpu.memref_slice %arg18[%add3A_16, %dma_wait3A_460] : memref<20480x64xf32, #tpu.memory_space<vmem_shared>> -> memref<80x64xf32, #tpu.memory_space<vmem_shared>>
      %dma_wait3A_462 = arith.constant 0 : i32
      %dma_wait3A_463 = tpu.memref_slice %arg18[%add3A_16, %dma_wait3A_462] : memref<20480x64xf32, #tpu.memory_space<vmem_shared>> -> memref<80x64xf32, #tpu.memory_space<vmem_shared>>
      tpu.wait_dma2 semaphore(%run_scoped3A : memref<!tpu.dma_semaphore, #tpu.memory_space<semaphore_mem>>) src(%arg27 : memref<80x64xf32, #tpu.memory_space<vmem>>) dst(%dma_wait3A_463 : memref<80x64xf32, #tpu.memory_space<vmem_shared>>)
      tpu.yield
    }) : () -> ()
    %add3A_17 = arith.constant 640 : i32
    %add3A_18 = arith.addi %mul3A_1, %add3A_17 : i32
    "tpu.region"() ({
      %run_scoped3A = tpu.sem_alloc : memref<!tpu.dma_semaphore, #tpu.memory_space<semaphore_mem>>
      %dma_start3A = arith.constant 0 : i32
      %dma_start3A_457 = tpu.memref_slice %arg18[%add3A_18, %dma_start3A] : memref<20480x64xf32, #tpu.memory_space<vmem_shared>> -> memref<80x64xf32, #tpu.memory_space<vmem_shared>>
      %dma_start3A_458 = arith.constant 0 : i32
      %dma_start3A_459 = tpu.memref_slice %arg18[%add3A_18, %dma_start3A_458] : memref<20480x64xf32, #tpu.memory_space<vmem_shared>> -> memref<80x64xf32, #tpu.memory_space<vmem_shared>>
      tpu.enqueue_dma source(%arg27 : memref<80x64xf32, #tpu.memory_space<vmem>>) target(%dma_start3A_459 : memref<80x64xf32, #tpu.memory_space<vmem_shared>>) target_semaphore(%run_scoped3A : memref<!tpu.dma_semaphore, #tpu.memory_space<semaphore_mem>>)
      %dma_wait3A_460 = arith.constant 0 : i32
      %dma_wait3A_461 = tpu.memref_slice %arg18[%add3A_18, %dma_wait3A_460] : memref<20480x64xf32, #tpu.memory_space<vmem_shared>> -> memref<80x64xf32, #tpu.memory_space<vmem_shared>>
      %dma_wait3A_462 = arith.constant 0 : i32
      %dma_wait3A_463 = tpu.memref_slice %arg18[%add3A_18, %dma_wait3A_462] : memref<20480x64xf32, #tpu.memory_space<vmem_shared>> -> memref<80x64xf32, #tpu.memory_space<vmem_shared>>
      tpu.wait_dma2 semaphore(%run_scoped3A : memref<!tpu.dma_semaphore, #tpu.memory_space<semaphore_mem>>) src(%arg27 : memref<80x64xf32, #tpu.memory_space<vmem>>) dst(%dma_wait3A_463 : memref<80x64xf32, #tpu.memory_space<vmem_shared>>)
      tpu.yield
    }) : () -> ()
    %add3A_19 = arith.constant 720 : i32
    %add3A_20 = arith.addi %mul3A_1, %add3A_19 : i32
    "tpu.region"() ({
      %run_scoped3A = tpu.sem_alloc : memref<!tpu.dma_semaphore, #tpu.memory_space<semaphore_mem>>
      %dma_start3A = arith.constant 0 : i32
      %dma_start3A_457 = tpu.memref_slice %arg18[%add3A_20, %dma_start3A] : memref<20480x64xf32, #tpu.memory_space<vmem_shared>> -> memref<80x64xf32, #tpu.memory_space<vmem_shared>>
      %dma_start3A_458 = arith.constant 0 : i32
      %dma_start3A_459 = tpu.memref_slice %arg18[%add3A_20, %dma_start3A_458] : memref<20480x64xf32, #tpu.memory_space<vmem_shared>> -> memref<80x64xf32, #tpu.memory_space<vmem_shared>>
      tpu.enqueue_dma source(%arg27 : memref<80x64xf32, #tpu.memory_space<vmem>>) target(%dma_start3A_459 : memref<80x64xf32, #tpu.memory_space<vmem_shared>>) target_semaphore(%run_scoped3A : memref<!tpu.dma_semaphore, #tpu.memory_space<semaphore_mem>>)
      %dma_wait3A_460 = arith.constant 0 : i32
      %dma_wait3A_461 = tpu.memref_slice %arg18[%add3A_20, %dma_wait3A_460] : memref<20480x64xf32, #tpu.memory_space<vmem_shared>> -> memref<80x64xf32, #tpu.memory_space<vmem_shared>>
      %dma_wait3A_462 = arith.constant 0 : i32
      %dma_wait3A_463 = tpu.memref_slice %arg18[%add3A_20, %dma_wait3A_462] : memref<20480x64xf32, #tpu.memory_space<vmem_shared>> -> memref<80x64xf32, #tpu.memory_space<vmem_shared>>
      tpu.wait_dma2 semaphore(%run_scoped3A : memref<!tpu.dma_semaphore, #tpu.memory_space<semaphore_mem>>) src(%arg27 : memref<80x64xf32, #tpu.memory_space<vmem>>) dst(%dma_wait3A_463 : memref<80x64xf32, #tpu.memory_space<vmem_shared>>)
      tpu.yield
    }) : () -> ()
    %add3A_21 = arith.constant 800 : i32
    %add3A_22 = arith.addi %mul3A_1, %add3A_21 : i32
    "tpu.region"() ({
      %run_scoped3A = tpu.sem_alloc : memref<!tpu.dma_semaphore, #tpu.memory_space<semaphore_mem>>
      %dma_start3A = arith.constant 0 : i32
      %dma_start3A_457 = tpu.memref_slice %arg18[%add3A_22, %dma_start3A] : memref<20480x64xf32, #tpu.memory_space<vmem_shared>> -> memref<80x64xf32, #tpu.memory_space<vmem_shared>>
      %dma_start3A_458 = arith.constant 0 : i32
      %dma_start3A_459 = tpu.memref_slice %arg18[%add3A_22, %dma_start3A_458] : memref<20480x64xf32, #tpu.memory_space<vmem_shared>> -> memref<80x64xf32, #tpu.memory_space<vmem_shared>>
      tpu.enqueue_dma source(%arg27 : memref<80x64xf32, #tpu.memory_space<vmem>>) target(%dma_start3A_459 : memref<80x64xf32, #tpu.memory_space<vmem_shared>>) target_semaphore(%run_scoped3A : memref<!tpu.dma_semaphore, #tpu.memory_space<semaphore_mem>>)
      %dma_wait3A_460 = arith.constant 0 : i32
      %dma_wait3A_461 = tpu.memref_slice %arg18[%add3A_22, %dma_wait3A_460] : memref<20480x64xf32, #tpu.memory_space<vmem_shared>> -> memref<80x64xf32, #tpu.memory_space<vmem_shared>>
      %dma_wait3A_462 = arith.constant 0 : i32
      %dma_wait3A_463 = tpu.memref_slice %arg18[%add3A_22, %dma_wait3A_462] : memref<20480x64xf32, #tpu.memory_space<vmem_shared>> -> memref<80x64xf32, #tpu.memory_space<vmem_shared>>
      tpu.wait_dma2 semaphore(%run_scoped3A : memref<!tpu.dma_semaphore, #tpu.memory_space<semaphore_mem>>) src(%arg27 : memref<80x64xf32, #tpu.memory_space<vmem>>) dst(%dma_wait3A_463 : memref<80x64xf32, #tpu.memory_space<vmem_shared>>)
      tpu.yield
    }) : () -> ()
    %add3A_23 = arith.constant 880 : i32
    %add3A_24 = arith.addi %mul3A_1, %add3A_23 : i32
    "tpu.region"() ({
      %run_scoped3A = tpu.sem_alloc : memref<!tpu.dma_semaphore, #tpu.memory_space<semaphore_mem>>
      %dma_start3A = arith.constant 0 : i32
      %dma_start3A_457 = tpu.memref_slice %arg18[%add3A_24, %dma_start3A] : memref<20480x64xf32, #tpu.memory_space<vmem_shared>> -> memref<80x64xf32, #tpu.memory_space<vmem_shared>>
      %dma_start3A_458 = arith.constant 0 : i32
      %dma_start3A_459 = tpu.memref_slice %arg18[%add3A_24, %dma_start3A_458] : memref<20480x64xf32, #tpu.memory_space<vmem_shared>> -> memref<80x64xf32, #tpu.memory_space<vmem_shared>>
      tpu.enqueue_dma source(%arg27 : memref<80x64xf32, #tpu.memory_space<vmem>>) target(%dma_start3A_459 : memref<80x64xf32, #tpu.memory_space<vmem_shared>>) target_semaphore(%run_scoped3A : memref<!tpu.dma_semaphore, #tpu.memory_space<semaphore_mem>>)
      %dma_wait3A_460 = arith.constant 0 : i32
      %dma_wait3A_461 = tpu.memref_slice %arg18[%add3A_24, %dma_wait3A_460] : memref<20480x64xf32, #tpu.memory_space<vmem_shared>> -> memref<80x64xf32, #tpu.memory_space<vmem_shared>>
      %dma_wait3A_462 = arith.constant 0 : i32
      %dma_wait3A_463 = tpu.memref_slice %arg18[%add3A_24, %dma_wait3A_462] : memref<20480x64xf32, #tpu.memory_space<vmem_shared>> -> memref<80x64xf32, #tpu.memory_space<vmem_shared>>
      tpu.wait_dma2 semaphore(%run_scoped3A : memref<!tpu.dma_semaphore, #tpu.memory_space<semaphore_mem>>) src(%arg27 : memref<80x64xf32, #tpu.memory_space<vmem>>) dst(%dma_wait3A_463 : memref<80x64xf32, #tpu.memory_space<vmem_shared>>)
      tpu.yield
    }) : () -> ()
    %add3A_25 = arith.constant 960 : i32
    %add3A_26 = arith.addi %mul3A_1, %add3A_25 : i32
    "tpu.region"() ({
      %run_scoped3A = tpu.sem_alloc : memref<!tpu.dma_semaphore, #tpu.memory_space<semaphore_mem>>
      %dma_start3A = arith.constant 0 : i32
      %dma_start3A_457 = tpu.memref_slice %arg18[%add3A_26, %dma_start3A] : memref<20480x64xf32, #tpu.memory_space<vmem_shared>> -> memref<80x64xf32, #tpu.memory_space<vmem_shared>>
      %dma_start3A_458 = arith.constant 0 : i32
      %dma_start3A_459 = tpu.memref_slice %arg18[%add3A_26, %dma_start3A_458] : memref<20480x64xf32, #tpu.memory_space<vmem_shared>> -> memref<80x64xf32, #tpu.memory_space<vmem_shared>>
      tpu.enqueue_dma source(%arg27 : memref<80x64xf32, #tpu.memory_space<vmem>>) target(%dma_start3A_459 : memref<80x64xf32, #tpu.memory_space<vmem_shared>>) target_semaphore(%run_scoped3A : memref<!tpu.dma_semaphore, #tpu.memory_space<semaphore_mem>>)
      %dma_wait3A_460 = arith.constant 0 : i32
      %dma_wait3A_461 = tpu.memref_slice %arg18[%add3A_26, %dma_wait3A_460] : memref<20480x64xf32, #tpu.memory_space<vmem_shared>> -> memref<80x64xf32, #tpu.memory_space<vmem_shared>>
      %dma_wait3A_462 = arith.constant 0 : i32
      %dma_wait3A_463 = tpu.memref_slice %arg18[%add3A_26, %dma_wait3A_462] : memref<20480x64xf32, #tpu.memory_space<vmem_shared>> -> memref<80x64xf32, #tpu.memory_space<vmem_shared>>
      tpu.wait_dma2 semaphore(%run_scoped3A : memref<!tpu.dma_semaphore, #tpu.memory_space<semaphore_mem>>) src(%arg27 : memref<80x64xf32, #tpu.memory_space<vmem>>) dst(%dma_wait3A_463 : memref<80x64xf32, #tpu.memory_space<vmem_shared>>)
      tpu.yield
    }) : () -> ()
    %add3A_27 = arith.constant 1040 : i32
    %add3A_28 = arith.addi %mul3A_1, %add3A_27 : i32
    "tpu.region"() ({
      %run_scoped3A = tpu.sem_alloc : memref<!tpu.dma_semaphore, #tpu.memory_space<semaphore_mem>>
      %dma_start3A = arith.constant 0 : i32
      %dma_start3A_457 = tpu.memref_slice %arg18[%add3A_28, %dma_start3A] : memref<20480x64xf32, #tpu.memory_space<vmem_shared>> -> memref<80x64xf32, #tpu.memory_space<vmem_shared>>
      %dma_start3A_458 = arith.constant 0 : i32
      %dma_start3A_459 = tpu.memref_slice %arg18[%add3A_28, %dma_start3A_458] : memref<20480x64xf32, #tpu.memory_space<vmem_shared>> -> memref<80x64xf32, #tpu.memory_space<vmem_shared>>
      tpu.enqueue_dma source(%arg27 : memref<80x64xf32, #tpu.memory_space<vmem>>) target(%dma_start3A_459 : memref<80x64xf32, #tpu.memory_space<vmem_shared>>) target_semaphore(%run_scoped3A : memref<!tpu.dma_semaphore, #tpu.memory_space<semaphore_mem>>)
      %dma_wait3A_460 = arith.constant 0 : i32
      %dma_wait3A_461 = tpu.memref_slice %arg18[%add3A_28, %dma_wait3A_460] : memref<20480x64xf32, #tpu.memory_space<vmem_shared>> -> memref<80x64xf32, #tpu.memory_space<vmem_shared>>
      %dma_wait3A_462 = arith.constant 0 : i32
      %dma_wait3A_463 = tpu.memref_slice %arg18[%add3A_28, %dma_wait3A_462] : memref<20480x64xf32, #tpu.memory_space<vmem_shared>> -> memref<80x64xf32, #tpu.memory_space<vmem_shared>>
      tpu.wait_dma2 semaphore(%run_scoped3A : memref<!tpu.dma_semaphore, #tpu.memory_space<semaphore_mem>>) src(%arg27 : memref<80x64xf32, #tpu.memory_space<vmem>>) dst(%dma_wait3A_463 : memref<80x64xf32, #tpu.memory_space<vmem_shared>>)
      tpu.yield
    }) : () -> ()
    %add3A_29 = arith.constant 1120 : i32
    %add3A_30 = arith.addi %mul3A_1, %add3A_29 : i32
    "tpu.region"() ({
      %run_scoped3A = tpu.sem_alloc : memref<!tpu.dma_semaphore, #tpu.memory_space<semaphore_mem>>
      %dma_start3A = arith.constant 0 : i32
      %dma_start3A_457 = tpu.memref_slice %arg18[%add3A_30, %dma_start3A] : memref<20480x64xf32, #tpu.memory_space<vmem_shared>> -> memref<80x64xf32, #tpu.memory_space<vmem_shared>>
      %dma_start3A_458 = arith.constant 0 : i32
      %dma_start3A_459 = tpu.memref_slice %arg18[%add3A_30, %dma_start3A_458] : memref<20480x64xf32, #tpu.memory_space<vmem_shared>> -> memref<80x64xf32, #tpu.memory_space<vmem_shared>>
      tpu.enqueue_dma source(%arg27 : memref<80x64xf32, #tpu.memory_space<vmem>>) target(%dma_start3A_459 : memref<80x64xf32, #tpu.memory_space<vmem_shared>>) target_semaphore(%run_scoped3A : memref<!tpu.dma_semaphore, #tpu.memory_space<semaphore_mem>>)
      %dma_wait3A_460 = arith.constant 0 : i32
      %dma_wait3A_461 = tpu.memref_slice %arg18[%add3A_30, %dma_wait3A_460] : memref<20480x64xf32, #tpu.memory_space<vmem_shared>> -> memref<80x64xf32, #tpu.memory_space<vmem_shared>>
      %dma_wait3A_462 = arith.constant 0 : i32
      %dma_wait3A_463 = tpu.memref_slice %arg18[%add3A_30, %dma_wait3A_462] : memref<20480x64xf32, #tpu.memory_space<vmem_shared>> -> memref<80x64xf32, #tpu.memory_space<vmem_shared>>
      tpu.wait_dma2 semaphore(%run_scoped3A : memref<!tpu.dma_semaphore, #tpu.memory_space<semaphore_mem>>) src(%arg27 : memref<80x64xf32, #tpu.memory_space<vmem>>) dst(%dma_wait3A_463 : memref<80x64xf32, #tpu.memory_space<vmem_shared>>)
      tpu.yield
    }) : () -> ()
    %add3A_31 = arith.constant 1200 : i32
    %add3A_32 = arith.addi %mul3A_1, %add3A_31 : i32
    "tpu.region"() ({
      %run_scoped3A = tpu.sem_alloc : memref<!tpu.dma_semaphore, #tpu.memory_space<semaphore_mem>>
      %dma_start3A = arith.constant 0 : i32
      %dma_start3A_457 = tpu.memref_slice %arg18[%add3A_32, %dma_start3A] : memref<20480x64xf32, #tpu.memory_space<vmem_shared>> -> memref<80x64xf32, #tpu.memory_space<vmem_shared>>
      %dma_start3A_458 = arith.constant 0 : i32
      %dma_start3A_459 = tpu.memref_slice %arg18[%add3A_32, %dma_start3A_458] : memref<20480x64xf32, #tpu.memory_space<vmem_shared>> -> memref<80x64xf32, #tpu.memory_space<vmem_shared>>
      tpu.enqueue_dma source(%arg27 : memref<80x64xf32, #tpu.memory_space<vmem>>) target(%dma_start3A_459 : memref<80x64xf32, #tpu.memory_space<vmem_shared>>) target_semaphore(%run_scoped3A : memref<!tpu.dma_semaphore, #tpu.memory_space<semaphore_mem>>)
      %dma_wait3A_460 = arith.constant 0 : i32
      %dma_wait3A_461 = tpu.memref_slice %arg18[%add3A_32, %dma_wait3A_460] : memref<20480x64xf32, #tpu.memory_space<vmem_shared>> -> memref<80x64xf32, #tpu.memory_space<vmem_shared>>
      %dma_wait3A_462 = arith.constant 0 : i32
      %dma_wait3A_463 = tpu.memref_slice %arg18[%add3A_32, %dma_wait3A_462] : memref<20480x64xf32, #tpu.memory_space<vmem_shared>> -> memref<80x64xf32, #tpu.memory_space<vmem_shared>>
      tpu.wait_dma2 semaphore(%run_scoped3A : memref<!tpu.dma_semaphore, #tpu.memory_space<semaphore_mem>>) src(%arg27 : memref<80x64xf32, #tpu.memory_space<vmem>>) dst(%dma_wait3A_463 : memref<80x64xf32, #tpu.memory_space<vmem_shared>>)
      tpu.yield
    }) : () -> ()
    %convert_element_type3A = arith.extui %eq3A_0 : i1 to i32
    %cond3A = arith.constant 0 : i32
    %cond3A_33 = arith.cmpi ne, %convert_element_type3A, %cond3A : i32
    scf.if %cond3A_33 {
      "tpu.region"() ({
        %run_scoped3A = tpu.sem_alloc : memref<!tpu.dma_semaphore, #tpu.memory_space<semaphore_mem>>
        tpu.enqueue_dma source(%arg11 : memref<80x8xf32, #tpu.memory_space<hbm>>) target(%arg29 : memref<80x8xf32, #tpu.memory_space<vmem>>) target_semaphore(%run_scoped3A : memref<!tpu.dma_semaphore, #tpu.memory_space<semaphore_mem>>)
        tpu.wait_dma2 semaphore(%run_scoped3A : memref<!tpu.dma_semaphore, #tpu.memory_space<semaphore_mem>>) src(%arg11 : memref<80x8xf32, #tpu.memory_space<hbm>>) dst(%arg29 : memref<80x8xf32, #tpu.memory_space<vmem>>)
        tpu.yield
      }) : () -> ()
      %add3A_457 = arith.constant 0 : i32
      %add3A_458 = arith.addi %mul3A_1, %add3A_457 : i32
      "tpu.region"() ({
        %run_scoped3A = tpu.sem_alloc : memref<!tpu.dma_semaphore, #tpu.memory_space<semaphore_mem>>
        %dma_start3A = arith.constant 0 : i32
        %dma_start3A_489 = tpu.memref_slice %arg19[%add3A_458, %dma_start3A] : memref<20480x8xf32, #tpu.memory_space<vmem_shared>> -> memref<80x8xf32, #tpu.memory_space<vmem_shared>>
        %dma_start3A_490 = arith.constant 0 : i32
        %dma_start3A_491 = tpu.memref_slice %arg19[%add3A_458, %dma_start3A_490] : memref<20480x8xf32, #tpu.memory_space<vmem_shared>> -> memref<80x8xf32, #tpu.memory_space<vmem_shared>>
        tpu.enqueue_dma source(%arg29 : memref<80x8xf32, #tpu.memory_space<vmem>>) target(%dma_start3A_491 : memref<80x8xf32, #tpu.memory_space<vmem_shared>>) target_semaphore(%run_scoped3A : memref<!tpu.dma_semaphore, #tpu.memory_space<semaphore_mem>>)
        %dma_wait3A_492 = arith.constant 0 : i32
        %dma_wait3A_493 = tpu.memref_slice %arg19[%add3A_458, %dma_wait3A_492] : memref<20480x8xf32, #tpu.memory_space<vmem_shared>> -> memref<80x8xf32, #tpu.memory_space<vmem_shared>>
        %dma_wait3A_494 = arith.constant 0 : i32
        %dma_wait3A_495 = tpu.memref_slice %arg19[%add3A_458, %dma_wait3A_494] : memref<20480x8xf32, #tpu.memory_space<vmem_shared>> -> memref<80x8xf32, #tpu.memory_space<vmem_shared>>
        tpu.wait_dma2 semaphore(%run_scoped3A : memref<!tpu.dma_semaphore, #tpu.memory_space<semaphore_mem>>) src(%arg29 : memref<80x8xf32, #tpu.memory_space<vmem>>) dst(%dma_wait3A_495 : memref<80x8xf32, #tpu.memory_space<vmem_shared>>)
        tpu.yield
      }) : () -> ()
      %add3A_459 = arith.constant 80 : i32
      %add3A_460 = arith.addi %mul3A_1, %add3A_459 : i32
      "tpu.region"() ({
        %run_scoped3A = tpu.sem_alloc : memref<!tpu.dma_semaphore, #tpu.memory_space<semaphore_mem>>
        %dma_start3A = arith.constant 0 : i32
        %dma_start3A_489 = tpu.memref_slice %arg19[%add3A_460, %dma_start3A] : memref<20480x8xf32, #tpu.memory_space<vmem_shared>> -> memref<80x8xf32, #tpu.memory_space<vmem_shared>>
        %dma_start3A_490 = arith.constant 0 : i32
        %dma_start3A_491 = tpu.memref_slice %arg19[%add3A_460, %dma_start3A_490] : memref<20480x8xf32, #tpu.memory_space<vmem_shared>> -> memref<80x8xf32, #tpu.memory_space<vmem_shared>>
        tpu.enqueue_dma source(%arg29 : memref<80x8xf32, #tpu.memory_space<vmem>>) target(%dma_start3A_491 : memref<80x8xf32, #tpu.memory_space<vmem_shared>>) target_semaphore(%run_scoped3A : memref<!tpu.dma_semaphore, #tpu.memory_space<semaphore_mem>>)
        %dma_wait3A_492 = arith.constant 0 : i32
        %dma_wait3A_493 = tpu.memref_slice %arg19[%add3A_460, %dma_wait3A_492] : memref<20480x8xf32, #tpu.memory_space<vmem_shared>> -> memref<80x8xf32, #tpu.memory_space<vmem_shared>>
        %dma_wait3A_494 = arith.constant 0 : i32
        %dma_wait3A_495 = tpu.memref_slice %arg19[%add3A_460, %dma_wait3A_494] : memref<20480x8xf32, #tpu.memory_space<vmem_shared>> -> memref<80x8xf32, #tpu.memory_space<vmem_shared>>
        tpu.wait_dma2 semaphore(%run_scoped3A : memref<!tpu.dma_semaphore, #tpu.memory_space<semaphore_mem>>) src(%arg29 : memref<80x8xf32, #tpu.memory_space<vmem>>) dst(%dma_wait3A_495 : memref<80x8xf32, #tpu.memory_space<vmem_shared>>)
        tpu.yield
      }) : () -> ()
      %add3A_461 = arith.constant 160 : i32
      %add3A_462 = arith.addi %mul3A_1, %add3A_461 : i32
      "tpu.region"() ({
        %run_scoped3A = tpu.sem_alloc : memref<!tpu.dma_semaphore, #tpu.memory_space<semaphore_mem>>
        %dma_start3A = arith.constant 0 : i32
        %dma_start3A_489 = tpu.memref_slice %arg19[%add3A_462, %dma_start3A] : memref<20480x8xf32, #tpu.memory_space<vmem_shared>> -> memref<80x8xf32, #tpu.memory_space<vmem_shared>>
        %dma_start3A_490 = arith.constant 0 : i32
        %dma_start3A_491 = tpu.memref_slice %arg19[%add3A_462, %dma_start3A_490] : memref<20480x8xf32, #tpu.memory_space<vmem_shared>> -> memref<80x8xf32, #tpu.memory_space<vmem_shared>>
        tpu.enqueue_dma source(%arg29 : memref<80x8xf32, #tpu.memory_space<vmem>>) target(%dma_start3A_491 : memref<80x8xf32, #tpu.memory_space<vmem_shared>>) target_semaphore(%run_scoped3A : memref<!tpu.dma_semaphore, #tpu.memory_space<semaphore_mem>>)
        %dma_wait3A_492 = arith.constant 0 : i32
        %dma_wait3A_493 = tpu.memref_slice %arg19[%add3A_462, %dma_wait3A_492] : memref<20480x8xf32, #tpu.memory_space<vmem_shared>> -> memref<80x8xf32, #tpu.memory_space<vmem_shared>>
        %dma_wait3A_494 = arith.constant 0 : i32
        %dma_wait3A_495 = tpu.memref_slice %arg19[%add3A_462, %dma_wait3A_494] : memref<20480x8xf32, #tpu.memory_space<vmem_shared>> -> memref<80x8xf32, #tpu.memory_space<vmem_shared>>
        tpu.wait_dma2 semaphore(%run_scoped3A : memref<!tpu.dma_semaphore, #tpu.memory_space<semaphore_mem>>) src(%arg29 : memref<80x8xf32, #tpu.memory_space<vmem>>) dst(%dma_wait3A_495 : memref<80x8xf32, #tpu.memory_space<vmem_shared>>)
        tpu.yield
      }) : () -> ()
      %add3A_463 = arith.constant 240 : i32
      %add3A_464 = arith.addi %mul3A_1, %add3A_463 : i32
      "tpu.region"() ({
        %run_scoped3A = tpu.sem_alloc : memref<!tpu.dma_semaphore, #tpu.memory_space<semaphore_mem>>
        %dma_start3A = arith.constant 0 : i32
        %dma_start3A_489 = tpu.memref_slice %arg19[%add3A_464, %dma_start3A] : memref<20480x8xf32, #tpu.memory_space<vmem_shared>> -> memref<80x8xf32, #tpu.memory_space<vmem_shared>>
        %dma_start3A_490 = arith.constant 0 : i32
        %dma_start3A_491 = tpu.memref_slice %arg19[%add3A_464, %dma_start3A_490] : memref<20480x8xf32, #tpu.memory_space<vmem_shared>> -> memref<80x8xf32, #tpu.memory_space<vmem_shared>>
        tpu.enqueue_dma source(%arg29 : memref<80x8xf32, #tpu.memory_space<vmem>>) target(%dma_start3A_491 : memref<80x8xf32, #tpu.memory_space<vmem_shared>>) target_semaphore(%run_scoped3A : memref<!tpu.dma_semaphore, #tpu.memory_space<semaphore_mem>>)
        %dma_wait3A_492 = arith.constant 0 : i32
        %dma_wait3A_493 = tpu.memref_slice %arg19[%add3A_464, %dma_wait3A_492] : memref<20480x8xf32, #tpu.memory_space<vmem_shared>> -> memref<80x8xf32, #tpu.memory_space<vmem_shared>>
        %dma_wait3A_494 = arith.constant 0 : i32
        %dma_wait3A_495 = tpu.memref_slice %arg19[%add3A_464, %dma_wait3A_494] : memref<20480x8xf32, #tpu.memory_space<vmem_shared>> -> memref<80x8xf32, #tpu.memory_space<vmem_shared>>
        tpu.wait_dma2 semaphore(%run_scoped3A : memref<!tpu.dma_semaphore, #tpu.memory_space<semaphore_mem>>) src(%arg29 : memref<80x8xf32, #tpu.memory_space<vmem>>) dst(%dma_wait3A_495 : memref<80x8xf32, #tpu.memory_space<vmem_shared>>)
        tpu.yield
      }) : () -> ()
      %add3A_465 = arith.constant 320 : i32
      %add3A_466 = arith.addi %mul3A_1, %add3A_465 : i32
      "tpu.region"() ({
        %run_scoped3A = tpu.sem_alloc : memref<!tpu.dma_semaphore, #tpu.memory_space<semaphore_mem>>
        %dma_start3A = arith.constant 0 : i32
        %dma_start3A_489 = tpu.memref_slice %arg19[%add3A_466, %dma_start3A] : memref<20480x8xf32, #tpu.memory_space<vmem_shared>> -> memref<80x8xf32, #tpu.memory_space<vmem_shared>>
        %dma_start3A_490 = arith.constant 0 : i32
        %dma_start3A_491 = tpu.memref_slice %arg19[%add3A_466, %dma_start3A_490] : memref<20480x8xf32, #tpu.memory_space<vmem_shared>> -> memref<80x8xf32, #tpu.memory_space<vmem_shared>>
        tpu.enqueue_dma source(%arg29 : memref<80x8xf32, #tpu.memory_space<vmem>>) target(%dma_start3A_491 : memref<80x8xf32, #tpu.memory_space<vmem_shared>>) target_semaphore(%run_scoped3A : memref<!tpu.dma_semaphore, #tpu.memory_space<semaphore_mem>>)
        %dma_wait3A_492 = arith.constant 0 : i32
        %dma_wait3A_493 = tpu.memref_slice %arg19[%add3A_466, %dma_wait3A_492] : memref<20480x8xf32, #tpu.memory_space<vmem_shared>> -> memref<80x8xf32, #tpu.memory_space<vmem_shared>>
        %dma_wait3A_494 = arith.constant 0 : i32
        %dma_wait3A_495 = tpu.memref_slice %arg19[%add3A_466, %dma_wait3A_494] : memref<20480x8xf32, #tpu.memory_space<vmem_shared>> -> memref<80x8xf32, #tpu.memory_space<vmem_shared>>
        tpu.wait_dma2 semaphore(%run_scoped3A : memref<!tpu.dma_semaphore, #tpu.memory_space<semaphore_mem>>) src(%arg29 : memref<80x8xf32, #tpu.memory_space<vmem>>) dst(%dma_wait3A_495 : memref<80x8xf32, #tpu.memory_space<vmem_shared>>)
        tpu.yield
      }) : () -> ()
      %add3A_467 = arith.constant 400 : i32
      %add3A_468 = arith.addi %mul3A_1, %add3A_467 : i32
      "tpu.region"() ({
        %run_scoped3A = tpu.sem_alloc : memref<!tpu.dma_semaphore, #tpu.memory_space<semaphore_mem>>
        %dma_start3A = arith.constant 0 : i32
        %dma_start3A_489 = tpu.memref_slice %arg19[%add3A_468, %dma_start3A] : memref<20480x8xf32, #tpu.memory_space<vmem_shared>> -> memref<80x8xf32, #tpu.memory_space<vmem_shared>>
        %dma_start3A_490 = arith.constant 0 : i32
        %dma_start3A_491 = tpu.memref_slice %arg19[%add3A_468, %dma_start3A_490] : memref<20480x8xf32, #tpu.memory_space<vmem_shared>> -> memref<80x8xf32, #tpu.memory_space<vmem_shared>>
        tpu.enqueue_dma source(%arg29 : memref<80x8xf32, #tpu.memory_space<vmem>>) target(%dma_start3A_491 : memref<80x8xf32, #tpu.memory_space<vmem_shared>>) target_semaphore(%run_scoped3A : memref<!tpu.dma_semaphore, #tpu.memory_space<semaphore_mem>>)
        %dma_wait3A_492 = arith.constant 0 : i32
        %dma_wait3A_493 = tpu.memref_slice %arg19[%add3A_468, %dma_wait3A_492] : memref<20480x8xf32, #tpu.memory_space<vmem_shared>> -> memref<80x8xf32, #tpu.memory_space<vmem_shared>>
        %dma_wait3A_494 = arith.constant 0 : i32
        %dma_wait3A_495 = tpu.memref_slice %arg19[%add3A_468, %dma_wait3A_494] : memref<20480x8xf32, #tpu.memory_space<vmem_shared>> -> memref<80x8xf32, #tpu.memory_space<vmem_shared>>
        tpu.wait_dma2 semaphore(%run_scoped3A : memref<!tpu.dma_semaphore, #tpu.memory_space<semaphore_mem>>) src(%arg29 : memref<80x8xf32, #tpu.memory_space<vmem>>) dst(%dma_wait3A_495 : memref<80x8xf32, #tpu.memory_space<vmem_shared>>)
        tpu.yield
      }) : () -> ()
      %add3A_469 = arith.constant 480 : i32
      %add3A_470 = arith.addi %mul3A_1, %add3A_469 : i32
      "tpu.region"() ({
        %run_scoped3A = tpu.sem_alloc : memref<!tpu.dma_semaphore, #tpu.memory_space<semaphore_mem>>
        %dma_start3A = arith.constant 0 : i32
        %dma_start3A_489 = tpu.memref_slice %arg19[%add3A_470, %dma_start3A] : memref<20480x8xf32, #tpu.memory_space<vmem_shared>> -> memref<80x8xf32, #tpu.memory_space<vmem_shared>>
        %dma_start3A_490 = arith.constant 0 : i32
        %dma_start3A_491 = tpu.memref_slice %arg19[%add3A_470, %dma_start3A_490] : memref<20480x8xf32, #tpu.memory_space<vmem_shared>> -> memref<80x8xf32, #tpu.memory_space<vmem_shared>>
        tpu.enqueue_dma source(%arg29 : memref<80x8xf32, #tpu.memory_space<vmem>>) target(%dma_start3A_491 : memref<80x8xf32, #tpu.memory_space<vmem_shared>>) target_semaphore(%run_scoped3A : memref<!tpu.dma_semaphore, #tpu.memory_space<semaphore_mem>>)
        %dma_wait3A_492 = arith.constant 0 : i32
        %dma_wait3A_493 = tpu.memref_slice %arg19[%add3A_470, %dma_wait3A_492] : memref<20480x8xf32, #tpu.memory_space<vmem_shared>> -> memref<80x8xf32, #tpu.memory_space<vmem_shared>>
        %dma_wait3A_494 = arith.constant 0 : i32
        %dma_wait3A_495 = tpu.memref_slice %arg19[%add3A_470, %dma_wait3A_494] : memref<20480x8xf32, #tpu.memory_space<vmem_shared>> -> memref<80x8xf32, #tpu.memory_space<vmem_shared>>
        tpu.wait_dma2 semaphore(%run_scoped3A : memref<!tpu.dma_semaphore, #tpu.memory_space<semaphore_mem>>) src(%arg29 : memref<80x8xf32, #tpu.memory_space<vmem>>) dst(%dma_wait3A_495 : memref<80x8xf32, #tpu.memory_space<vmem_shared>>)
        tpu.yield
      }) : () -> ()
      %add3A_471 = arith.constant 560 : i32
      %add3A_472 = arith.addi %mul3A_1, %add3A_471 : i32
      "tpu.region"() ({
        %run_scoped3A = tpu.sem_alloc : memref<!tpu.dma_semaphore, #tpu.memory_space<semaphore_mem>>
        %dma_start3A = arith.constant 0 : i32
        %dma_start3A_489 = tpu.memref_slice %arg19[%add3A_472, %dma_start3A] : memref<20480x8xf32, #tpu.memory_space<vmem_shared>> -> memref<80x8xf32, #tpu.memory_space<vmem_shared>>
        %dma_start3A_490 = arith.constant 0 : i32
        %dma_start3A_491 = tpu.memref_slice %arg19[%add3A_472, %dma_start3A_490] : memref<20480x8xf32, #tpu.memory_space<vmem_shared>> -> memref<80x8xf32, #tpu.memory_space<vmem_shared>>
        tpu.enqueue_dma source(%arg29 : memref<80x8xf32, #tpu.memory_space<vmem>>) target(%dma_start3A_491 : memref<80x8xf32, #tpu.memory_space<vmem_shared>>) target_semaphore(%run_scoped3A : memref<!tpu.dma_semaphore, #tpu.memory_space<semaphore_mem>>)
        %dma_wait3A_492 = arith.constant 0 : i32
        %dma_wait3A_493 = tpu.memref_slice %arg19[%add3A_472, %dma_wait3A_492] : memref<20480x8xf32, #tpu.memory_space<vmem_shared>> -> memref<80x8xf32, #tpu.memory_space<vmem_shared>>
        %dma_wait3A_494 = arith.constant 0 : i32
        %dma_wait3A_495 = tpu.memref_slice %arg19[%add3A_472, %dma_wait3A_494] : memref<20480x8xf32, #tpu.memory_space<vmem_shared>> -> memref<80x8xf32, #tpu.memory_space<vmem_shared>>
        tpu.wait_dma2 semaphore(%run_scoped3A : memref<!tpu.dma_semaphore, #tpu.memory_space<semaphore_mem>>) src(%arg29 : memref<80x8xf32, #tpu.memory_space<vmem>>) dst(%dma_wait3A_495 : memref<80x8xf32, #tpu.memory_space<vmem_shared>>)
        tpu.yield
      }) : () -> ()
      %add3A_473 = arith.constant 640 : i32
      %add3A_474 = arith.addi %mul3A_1, %add3A_473 : i32
      "tpu.region"() ({
        %run_scoped3A = tpu.sem_alloc : memref<!tpu.dma_semaphore, #tpu.memory_space<semaphore_mem>>
        %dma_start3A = arith.constant 0 : i32
        %dma_start3A_489 = tpu.memref_slice %arg19[%add3A_474, %dma_start3A] : memref<20480x8xf32, #tpu.memory_space<vmem_shared>> -> memref<80x8xf32, #tpu.memory_space<vmem_shared>>
        %dma_start3A_490 = arith.constant 0 : i32
        %dma_start3A_491 = tpu.memref_slice %arg19[%add3A_474, %dma_start3A_490] : memref<20480x8xf32, #tpu.memory_space<vmem_shared>> -> memref<80x8xf32, #tpu.memory_space<vmem_shared>>
        tpu.enqueue_dma source(%arg29 : memref<80x8xf32, #tpu.memory_space<vmem>>) target(%dma_start3A_491 : memref<80x8xf32, #tpu.memory_space<vmem_shared>>) target_semaphore(%run_scoped3A : memref<!tpu.dma_semaphore, #tpu.memory_space<semaphore_mem>>)
        %dma_wait3A_492 = arith.constant 0 : i32
        %dma_wait3A_493 = tpu.memref_slice %arg19[%add3A_474, %dma_wait3A_492] : memref<20480x8xf32, #tpu.memory_space<vmem_shared>> -> memref<80x8xf32, #tpu.memory_space<vmem_shared>>
        %dma_wait3A_494 = arith.constant 0 : i32
        %dma_wait3A_495 = tpu.memref_slice %arg19[%add3A_474, %dma_wait3A_494] : memref<20480x8xf32, #tpu.memory_space<vmem_shared>> -> memref<80x8xf32, #tpu.memory_space<vmem_shared>>
        tpu.wait_dma2 semaphore(%run_scoped3A : memref<!tpu.dma_semaphore, #tpu.memory_space<semaphore_mem>>) src(%arg29 : memref<80x8xf32, #tpu.memory_space<vmem>>) dst(%dma_wait3A_495 : memref<80x8xf32, #tpu.memory_space<vmem_shared>>)
        tpu.yield
      }) : () -> ()
      %add3A_475 = arith.constant 720 : i32
      %add3A_476 = arith.addi %mul3A_1, %add3A_475 : i32
      "tpu.region"() ({
        %run_scoped3A = tpu.sem_alloc : memref<!tpu.dma_semaphore, #tpu.memory_space<semaphore_mem>>
        %dma_start3A = arith.constant 0 : i32
        %dma_start3A_489 = tpu.memref_slice %arg19[%add3A_476, %dma_start3A] : memref<20480x8xf32, #tpu.memory_space<vmem_shared>> -> memref<80x8xf32, #tpu.memory_space<vmem_shared>>
        %dma_start3A_490 = arith.constant 0 : i32
        %dma_start3A_491 = tpu.memref_slice %arg19[%add3A_476, %dma_start3A_490] : memref<20480x8xf32, #tpu.memory_space<vmem_shared>> -> memref<80x8xf32, #tpu.memory_space<vmem_shared>>
        tpu.enqueue_dma source(%arg29 : memref<80x8xf32, #tpu.memory_space<vmem>>) target(%dma_start3A_491 : memref<80x8xf32, #tpu.memory_space<vmem_shared>>) target_semaphore(%run_scoped3A : memref<!tpu.dma_semaphore, #tpu.memory_space<semaphore_mem>>)
        %dma_wait3A_492 = arith.constant 0 : i32
        %dma_wait3A_493 = tpu.memref_slice %arg19[%add3A_476, %dma_wait3A_492] : memref<20480x8xf32, #tpu.memory_space<vmem_shared>> -> memref<80x8xf32, #tpu.memory_space<vmem_shared>>
        %dma_wait3A_494 = arith.constant 0 : i32
        %dma_wait3A_495 = tpu.memref_slice %arg19[%add3A_476, %dma_wait3A_494] : memref<20480x8xf32, #tpu.memory_space<vmem_shared>> -> memref<80x8xf32, #tpu.memory_space<vmem_shared>>
        tpu.wait_dma2 semaphore(%run_scoped3A : memref<!tpu.dma_semaphore, #tpu.memory_space<semaphore_mem>>) src(%arg29 : memref<80x8xf32, #tpu.memory_space<vmem>>) dst(%dma_wait3A_495 : memref<80x8xf32, #tpu.memory_space<vmem_shared>>)
        tpu.yield
      }) : () -> ()
      %add3A_477 = arith.constant 800 : i32
      %add3A_478 = arith.addi %mul3A_1, %add3A_477 : i32
      "tpu.region"() ({
        %run_scoped3A = tpu.sem_alloc : memref<!tpu.dma_semaphore, #tpu.memory_space<semaphore_mem>>
        %dma_start3A = arith.constant 0 : i32
        %dma_start3A_489 = tpu.memref_slice %arg19[%add3A_478, %dma_start3A] : memref<20480x8xf32, #tpu.memory_space<vmem_shared>> -> memref<80x8xf32, #tpu.memory_space<vmem_shared>>
        %dma_start3A_490 = arith.constant 0 : i32
        %dma_start3A_491 = tpu.memref_slice %arg19[%add3A_478, %dma_start3A_490] : memref<20480x8xf32, #tpu.memory_space<vmem_shared>> -> memref<80x8xf32, #tpu.memory_space<vmem_shared>>
        tpu.enqueue_dma source(%arg29 : memref<80x8xf32, #tpu.memory_space<vmem>>) target(%dma_start3A_491 : memref<80x8xf32, #tpu.memory_space<vmem_shared>>) target_semaphore(%run_scoped3A : memref<!tpu.dma_semaphore, #tpu.memory_space<semaphore_mem>>)
        %dma_wait3A_492 = arith.constant 0 : i32
        %dma_wait3A_493 = tpu.memref_slice %arg19[%add3A_478, %dma_wait3A_492] : memref<20480x8xf32, #tpu.memory_space<vmem_shared>> -> memref<80x8xf32, #tpu.memory_space<vmem_shared>>
        %dma_wait3A_494 = arith.constant 0 : i32
        %dma_wait3A_495 = tpu.memref_slice %arg19[%add3A_478, %dma_wait3A_494] : memref<20480x8xf32, #tpu.memory_space<vmem_shared>> -> memref<80x8xf32, #tpu.memory_space<vmem_shared>>
        tpu.wait_dma2 semaphore(%run_scoped3A : memref<!tpu.dma_semaphore, #tpu.memory_space<semaphore_mem>>) src(%arg29 : memref<80x8xf32, #tpu.memory_space<vmem>>) dst(%dma_wait3A_495 : memref<80x8xf32, #tpu.memory_space<vmem_shared>>)
        tpu.yield
      }) : () -> ()
      %add3A_479 = arith.constant 880 : i32
      %add3A_480 = arith.addi %mul3A_1, %add3A_479 : i32
      "tpu.region"() ({
        %run_scoped3A = tpu.sem_alloc : memref<!tpu.dma_semaphore, #tpu.memory_space<semaphore_mem>>
        %dma_start3A = arith.constant 0 : i32
        %dma_start3A_489 = tpu.memref_slice %arg19[%add3A_480, %dma_start3A] : memref<20480x8xf32, #tpu.memory_space<vmem_shared>> -> memref<80x8xf32, #tpu.memory_space<vmem_shared>>
        %dma_start3A_490 = arith.constant 0 : i32
        %dma_start3A_491 = tpu.memref_slice %arg19[%add3A_480, %dma_start3A_490] : memref<20480x8xf32, #tpu.memory_space<vmem_shared>> -> memref<80x8xf32, #tpu.memory_space<vmem_shared>>
        tpu.enqueue_dma source(%arg29 : memref<80x8xf32, #tpu.memory_space<vmem>>) target(%dma_start3A_491 : memref<80x8xf32, #tpu.memory_space<vmem_shared>>) target_semaphore(%run_scoped3A : memref<!tpu.dma_semaphore, #tpu.memory_space<semaphore_mem>>)
        %dma_wait3A_492 = arith.constant 0 : i32
        %dma_wait3A_493 = tpu.memref_slice %arg19[%add3A_480, %dma_wait3A_492] : memref<20480x8xf32, #tpu.memory_space<vmem_shared>> -> memref<80x8xf32, #tpu.memory_space<vmem_shared>>
        %dma_wait3A_494 = arith.constant 0 : i32
        %dma_wait3A_495 = tpu.memref_slice %arg19[%add3A_480, %dma_wait3A_494] : memref<20480x8xf32, #tpu.memory_space<vmem_shared>> -> memref<80x8xf32, #tpu.memory_space<vmem_shared>>
        tpu.wait_dma2 semaphore(%run_scoped3A : memref<!tpu.dma_semaphore, #tpu.memory_space<semaphore_mem>>) src(%arg29 : memref<80x8xf32, #tpu.memory_space<vmem>>) dst(%dma_wait3A_495 : memref<80x8xf32, #tpu.memory_space<vmem_shared>>)
        tpu.yield
      }) : () -> ()
      %add3A_481 = arith.constant 960 : i32
      %add3A_482 = arith.addi %mul3A_1, %add3A_481 : i32
      "tpu.region"() ({
        %run_scoped3A = tpu.sem_alloc : memref<!tpu.dma_semaphore, #tpu.memory_space<semaphore_mem>>
        %dma_start3A = arith.constant 0 : i32
        %dma_start3A_489 = tpu.memref_slice %arg19[%add3A_482, %dma_start3A] : memref<20480x8xf32, #tpu.memory_space<vmem_shared>> -> memref<80x8xf32, #tpu.memory_space<vmem_shared>>
        %dma_start3A_490 = arith.constant 0 : i32
        %dma_start3A_491 = tpu.memref_slice %arg19[%add3A_482, %dma_start3A_490] : memref<20480x8xf32, #tpu.memory_space<vmem_shared>> -> memref<80x8xf32, #tpu.memory_space<vmem_shared>>
        tpu.enqueue_dma source(%arg29 : memref<80x8xf32, #tpu.memory_space<vmem>>) target(%dma_start3A_491 : memref<80x8xf32, #tpu.memory_space<vmem_shared>>) target_semaphore(%run_scoped3A : memref<!tpu.dma_semaphore, #tpu.memory_space<semaphore_mem>>)
        %dma_wait3A_492 = arith.constant 0 : i32
        %dma_wait3A_493 = tpu.memref_slice %arg19[%add3A_482, %dma_wait3A_492] : memref<20480x8xf32, #tpu.memory_space<vmem_shared>> -> memref<80x8xf32, #tpu.memory_space<vmem_shared>>
        %dma_wait3A_494 = arith.constant 0 : i32
        %dma_wait3A_495 = tpu.memref_slice %arg19[%add3A_482, %dma_wait3A_494] : memref<20480x8xf32, #tpu.memory_space<vmem_shared>> -> memref<80x8xf32, #tpu.memory_space<vmem_shared>>
        tpu.wait_dma2 semaphore(%run_scoped3A : memref<!tpu.dma_semaphore, #tpu.memory_space<semaphore_mem>>) src(%arg29 : memref<80x8xf32, #tpu.memory_space<vmem>>) dst(%dma_wait3A_495 : memref<80x8xf32, #tpu.memory_space<vmem_shared>>)
        tpu.yield
      }) : () -> ()
      %add3A_483 = arith.constant 1040 : i32
      %add3A_484 = arith.addi %mul3A_1, %add3A_483 : i32
      "tpu.region"() ({
        %run_scoped3A = tpu.sem_alloc : memref<!tpu.dma_semaphore, #tpu.memory_space<semaphore_mem>>
        %dma_start3A = arith.constant 0 : i32
        %dma_start3A_489 = tpu.memref_slice %arg19[%add3A_484, %dma_start3A] : memref<20480x8xf32, #tpu.memory_space<vmem_shared>> -> memref<80x8xf32, #tpu.memory_space<vmem_shared>>
        %dma_start3A_490 = arith.constant 0 : i32
        %dma_start3A_491 = tpu.memref_slice %arg19[%add3A_484, %dma_start3A_490] : memref<20480x8xf32, #tpu.memory_space<vmem_shared>> -> memref<80x8xf32, #tpu.memory_space<vmem_shared>>
        tpu.enqueue_dma source(%arg29 : memref<80x8xf32, #tpu.memory_space<vmem>>) target(%dma_start3A_491 : memref<80x8xf32, #tpu.memory_space<vmem_shared>>) target_semaphore(%run_scoped3A : memref<!tpu.dma_semaphore, #tpu.memory_space<semaphore_mem>>)
        %dma_wait3A_492 = arith.constant 0 : i32
        %dma_wait3A_493 = tpu.memref_slice %arg19[%add3A_484, %dma_wait3A_492] : memref<20480x8xf32, #tpu.memory_space<vmem_shared>> -> memref<80x8xf32, #tpu.memory_space<vmem_shared>>
        %dma_wait3A_494 = arith.constant 0 : i32
        %dma_wait3A_495 = tpu.memref_slice %arg19[%add3A_484, %dma_wait3A_494] : memref<20480x8xf32, #tpu.memory_space<vmem_shared>> -> memref<80x8xf32, #tpu.memory_space<vmem_shared>>
        tpu.wait_dma2 semaphore(%run_scoped3A : memref<!tpu.dma_semaphore, #tpu.memory_space<semaphore_mem>>) src(%arg29 : memref<80x8xf32, #tpu.memory_space<vmem>>) dst(%dma_wait3A_495 : memref<80x8xf32, #tpu.memory_space<vmem_shared>>)
        tpu.yield
      }) : () -> ()
      %add3A_485 = arith.constant 1120 : i32
      %add3A_486 = arith.addi %mul3A_1, %add3A_485 : i32
      "tpu.region"() ({
        %run_scoped3A = tpu.sem_alloc : memref<!tpu.dma_semaphore, #tpu.memory_space<semaphore_mem>>
        %dma_start3A = arith.constant 0 : i32
        %dma_start3A_489 = tpu.memref_slice %arg19[%add3A_486, %dma_start3A] : memref<20480x8xf32, #tpu.memory_space<vmem_shared>> -> memref<80x8xf32, #tpu.memory_space<vmem_shared>>
        %dma_start3A_490 = arith.constant 0 : i32
        %dma_start3A_491 = tpu.memref_slice %arg19[%add3A_486, %dma_start3A_490] : memref<20480x8xf32, #tpu.memory_space<vmem_shared>> -> memref<80x8xf32, #tpu.memory_space<vmem_shared>>
        tpu.enqueue_dma source(%arg29 : memref<80x8xf32, #tpu.memory_space<vmem>>) target(%dma_start3A_491 : memref<80x8xf32, #tpu.memory_space<vmem_shared>>) target_semaphore(%run_scoped3A : memref<!tpu.dma_semaphore, #tpu.memory_space<semaphore_mem>>)
        %dma_wait3A_492 = arith.constant 0 : i32
        %dma_wait3A_493 = tpu.memref_slice %arg19[%add3A_486, %dma_wait3A_492] : memref<20480x8xf32, #tpu.memory_space<vmem_shared>> -> memref<80x8xf32, #tpu.memory_space<vmem_shared>>
        %dma_wait3A_494 = arith.constant 0 : i32
        %dma_wait3A_495 = tpu.memref_slice %arg19[%add3A_486, %dma_wait3A_494] : memref<20480x8xf32, #tpu.memory_space<vmem_shared>> -> memref<80x8xf32, #tpu.memory_space<vmem_shared>>
        tpu.wait_dma2 semaphore(%run_scoped3A : memref<!tpu.dma_semaphore, #tpu.memory_space<semaphore_mem>>) src(%arg29 : memref<80x8xf32, #tpu.memory_space<vmem>>) dst(%dma_wait3A_495 : memref<80x8xf32, #tpu.memory_space<vmem_shared>>)
        tpu.yield
      }) : () -> ()
      %add3A_487 = arith.constant 1200 : i32
      %add3A_488 = arith.addi %mul3A_1, %add3A_487 : i32
      "tpu.region"() ({
        %run_scoped3A = tpu.sem_alloc : memref<!tpu.dma_semaphore, #tpu.memory_space<semaphore_mem>>
        %dma_start3A = arith.constant 0 : i32
        %dma_start3A_489 = tpu.memref_slice %arg19[%add3A_488, %dma_start3A] : memref<20480x8xf32, #tpu.memory_space<vmem_shared>> -> memref<80x8xf32, #tpu.memory_space<vmem_shared>>
        %dma_start3A_490 = arith.constant 0 : i32
        %dma_start3A_491 = tpu.memref_slice %arg19[%add3A_488, %dma_start3A_490] : memref<20480x8xf32, #tpu.memory_space<vmem_shared>> -> memref<80x8xf32, #tpu.memory_space<vmem_shared>>
        tpu.enqueue_dma source(%arg29 : memref<80x8xf32, #tpu.memory_space<vmem>>) target(%dma_start3A_491 : memref<80x8xf32, #tpu.memory_space<vmem_shared>>) target_semaphore(%run_scoped3A : memref<!tpu.dma_semaphore, #tpu.memory_space<semaphore_mem>>)
        %dma_wait3A_492 = arith.constant 0 : i32
        %dma_wait3A_493 = tpu.memref_slice %arg19[%add3A_488, %dma_wait3A_492] : memref<20480x8xf32, #tpu.memory_space<vmem_shared>> -> memref<80x8xf32, #tpu.memory_space<vmem_shared>>
        %dma_wait3A_494 = arith.constant 0 : i32
        %dma_wait3A_495 = tpu.memref_slice %arg19[%add3A_488, %dma_wait3A_494] : memref<20480x8xf32, #tpu.memory_space<vmem_shared>> -> memref<80x8xf32, #tpu.memory_space<vmem_shared>>
        tpu.wait_dma2 semaphore(%run_scoped3A : memref<!tpu.dma_semaphore, #tpu.memory_space<semaphore_mem>>) src(%arg29 : memref<80x8xf32, #tpu.memory_space<vmem>>) dst(%dma_wait3A_495 : memref<80x8xf32, #tpu.memory_space<vmem_shared>>)
        tpu.yield
      }) : () -> ()
    } else {
    }
    "tpu.region"() ({
      %run_scoped3A = tpu.sem_alloc : memref<!tpu.dma_semaphore, #tpu.memory_space<semaphore_mem>>
      tpu.enqueue_dma source(%arg12 : memref<80x8xf32, #tpu.memory_space<hbm>>) target(%arg29 : memref<80x8xf32, #tpu.memory_space<vmem>>) target_semaphore(%run_scoped3A : memref<!tpu.dma_semaphore, #tpu.memory_space<semaphore_mem>>)
      tpu.wait_dma2 semaphore(%run_scoped3A : memref<!tpu.dma_semaphore, #tpu.memory_space<semaphore_mem>>) src(%arg12 : memref<80x8xf32, #tpu.memory_space<hbm>>) dst(%arg29 : memref<80x8xf32, #tpu.memory_space<vmem>>)
      tpu.yield
    }) : () -> ()
    %mul3A_34 = arith.constant 320 : i32
    %mul3A_35 = arith.muli %arg1, %mul3A_34 : i32
    "tpu.region"() ({
      %run_scoped3A = tpu.sem_alloc : memref<!tpu.dma_semaphore, #tpu.memory_space<semaphore_mem>>
      %dma_start3A = arith.constant 0 : i32
      %dma_start3A_457 = tpu.memref_slice %arg21[%dma_start3A] : memref<2000xi32, #tpu.memory_space<vmem>> -> memref<320xi32, #tpu.memory_space<vmem>>
      %dma_start3A_458 = tpu.memref_slice %arg4[%mul3A_35] : memref<10000xi32, #tpu.memory_space<hbm>> -> memref<320xi32, #tpu.memory_space<hbm>>
      %dma_start3A_459 = arith.constant 0 : i32
      %dma_start3A_460 = tpu.memref_slice %arg21[%dma_start3A_459] : memref<2000xi32, #tpu.memory_space<vmem>> -> memref<320xi32, #tpu.memory_space<vmem>>
      %dma_start3A_461 = tpu.memref_slice %arg4[%mul3A_35] : memref<10000xi32, #tpu.memory_space<hbm>> -> memref<320xi32, #tpu.memory_space<hbm>>
      tpu.enqueue_dma source(%dma_start3A_461 : memref<320xi32, #tpu.memory_space<hbm>>) target(%dma_start3A_460 : memref<320xi32, #tpu.memory_space<vmem>>) target_semaphore(%run_scoped3A : memref<!tpu.dma_semaphore, #tpu.memory_space<semaphore_mem>>)
      %dma_wait3A_462 = arith.constant 0 : i32
      %dma_wait3A_463 = tpu.memref_slice %arg21[%dma_wait3A_462] : memref<2000xi32, #tpu.memory_space<vmem>> -> memref<320xi32, #tpu.memory_space<vmem>>
      %dma_wait3A_464 = tpu.memref_slice %arg4[%mul3A_35] : memref<10000xi32, #tpu.memory_space<hbm>> -> memref<320xi32, #tpu.memory_space<hbm>>
      %dma_wait3A_465 = arith.constant 0 : i32
      %dma_wait3A_466 = tpu.memref_slice %arg21[%dma_wait3A_465] : memref<2000xi32, #tpu.memory_space<vmem>> -> memref<320xi32, #tpu.memory_space<vmem>>
      %dma_wait3A_467 = tpu.memref_slice %arg4[%mul3A_35] : memref<10000xi32, #tpu.memory_space<hbm>> -> memref<320xi32, #tpu.memory_space<hbm>>
      tpu.wait_dma2 semaphore(%run_scoped3A : memref<!tpu.dma_semaphore, #tpu.memory_space<semaphore_mem>>) src(%dma_wait3A_467 : memref<320xi32, #tpu.memory_space<hbm>>) dst(%dma_wait3A_466 : memref<320xi32, #tpu.memory_space<vmem>>)
      tpu.yield
    }) : () -> ()
    "tpu.region"() ({
      %run_scoped3A = tpu.sem_alloc : memref<!tpu.dma_semaphore, #tpu.memory_space<semaphore_mem>>
      %dma_start3A = arith.constant 0 : i32
      %dma_start3A_457 = tpu.memref_slice %arg22[%dma_start3A] : memref<2000xi32, #tpu.memory_space<vmem>> -> memref<320xi32, #tpu.memory_space<vmem>>
      %dma_start3A_458 = tpu.memref_slice %arg5[%mul3A_35] : memref<10000xi32, #tpu.memory_space<hbm>> -> memref<320xi32, #tpu.memory_space<hbm>>
      %dma_start3A_459 = arith.constant 0 : i32
      %dma_start3A_460 = tpu.memref_slice %arg22[%dma_start3A_459] : memref<2000xi32, #tpu.memory_space<vmem>> -> memref<320xi32, #tpu.memory_space<vmem>>
      %dma_start3A_461 = tpu.memref_slice %arg5[%mul3A_35] : memref<10000xi32, #tpu.memory_space<hbm>> -> memref<320xi32, #tpu.memory_space<hbm>>
      tpu.enqueue_dma source(%dma_start3A_461 : memref<320xi32, #tpu.memory_space<hbm>>) target(%dma_start3A_460 : memref<320xi32, #tpu.memory_space<vmem>>) target_semaphore(%run_scoped3A : memref<!tpu.dma_semaphore, #tpu.memory_space<semaphore_mem>>)
      %dma_wait3A_462 = arith.constant 0 : i32
      %dma_wait3A_463 = tpu.memref_slice %arg22[%dma_wait3A_462] : memref<2000xi32, #tpu.memory_space<vmem>> -> memref<320xi32, #tpu.memory_space<vmem>>
      %dma_wait3A_464 = tpu.memref_slice %arg5[%mul3A_35] : memref<10000xi32, #tpu.memory_space<hbm>> -> memref<320xi32, #tpu.memory_space<hbm>>
      %dma_wait3A_465 = arith.constant 0 : i32
      %dma_wait3A_466 = tpu.memref_slice %arg22[%dma_wait3A_465] : memref<2000xi32, #tpu.memory_space<vmem>> -> memref<320xi32, #tpu.memory_space<vmem>>
      %dma_wait3A_467 = tpu.memref_slice %arg5[%mul3A_35] : memref<10000xi32, #tpu.memory_space<hbm>> -> memref<320xi32, #tpu.memory_space<hbm>>
      tpu.wait_dma2 semaphore(%run_scoped3A : memref<!tpu.dma_semaphore, #tpu.memory_space<semaphore_mem>>) src(%dma_wait3A_467 : memref<320xi32, #tpu.memory_space<hbm>>) dst(%dma_wait3A_466 : memref<320xi32, #tpu.memory_space<vmem>>)
      tpu.yield
    }) : () -> ()
    %get3A = arith.constant 0 : index
    %get3A_36 = tpu.vector_load %arg21[%get3A] {strides = array<i32>} : memref<2000xi32, #tpu.memory_space<vmem>>, vector<16xi32>,
    %get3A_37 = vector.shape_cast %get3A_36 : vector<16xi32> to vector<16xi32>
    %get3A_38 = arith.constant 0 : index
    %get3A_39 = tpu.vector_load %arg22[%get3A_38] {strides = array<i32>} : memref<2000xi32, #tpu.memory_space<vmem>>, vector<16xi32>,
    %get3A_40 = vector.shape_cast %get3A_39 : vector<16xi32> to vector<16xi32>
    %eq3A_41 = arith.constant 0 : i32
    %eq3A_42 = vector.broadcast %eq3A_41 : i32 to vector<16xi32>
    %eq3A_43 = arith.cmpi eq, %get3A_37, %eq3A_42 : vector<16xi32>
    %add3A_44 = arith.constant 6000 : i32
    %add3A_45 = vector.broadcast %add3A_44 : i32 to vector<16xi32>
    %add3A_46 = arith.addi %get3A_40, %add3A_45 : vector<16xi32>
    %select_n3A = arith.select %eq3A_43, %get3A_40, %add3A_46 : vector<16xi1>, vector<16xi32>
    %swap3A = arith.constant 0 : index
    %swap3A_47 = tpu.vector_load %arg30[%swap3A] {strides = array<i32>} : memref<80xi32, #tpu.memory_space<vmem>>, vector<16xi32>,
    %swap3A_48 = vector.shape_cast %swap3A_47 : vector<16xi32> to vector<16xi32>
    %swap3A_49 = vector.shape_cast %select_n3A : vector<16xi32> to vector<16xi32>
    tpu.vector_store %arg30[%swap3A], %swap3A_49 {strides = array<i32>} : memref<80xi32, #tpu.memory_space<vmem>>, vector<16xi32>,
    %get3A_50 = arith.constant 16 : index
    %get3A_51 = tpu.vector_load %arg21[%get3A_50] {strides = array<i32>} : memref<2000xi32, #tpu.memory_space<vmem>>, vector<16xi32>,
    %get3A_52 = vector.shape_cast %get3A_51 : vector<16xi32> to vector<16xi32>
    %get3A_53 = arith.constant 16 : index
    %get3A_54 = tpu.vector_load %arg22[%get3A_53] {strides = array<i32>} : memref<2000xi32, #tpu.memory_space<vmem>>, vector<16xi32>,
    %get3A_55 = vector.shape_cast %get3A_54 : vector<16xi32> to vector<16xi32>
    %eq3A_56 = arith.constant 0 : i32
    %eq3A_57 = vector.broadcast %eq3A_56 : i32 to vector<16xi32>
    %eq3A_58 = arith.cmpi eq, %get3A_52, %eq3A_57 : vector<16xi32>
    %add3A_59 = arith.constant 6000 : i32
    %add3A_60 = vector.broadcast %add3A_59 : i32 to vector<16xi32>
    %add3A_61 = arith.addi %get3A_55, %add3A_60 : vector<16xi32>
    %select_n3A_62 = arith.select %eq3A_58, %get3A_55, %add3A_61 : vector<16xi1>, vector<16xi32>
    %swap3A_63 = arith.constant 16 : index
    %swap3A_64 = tpu.vector_load %arg30[%swap3A_63] {strides = array<i32>} : memref<80xi32, #tpu.memory_space<vmem>>, vector<16xi32>,
    %swap3A_65 = vector.shape_cast %swap3A_64 : vector<16xi32> to vector<16xi32>
    %swap3A_66 = vector.shape_cast %select_n3A_62 : vector<16xi32> to vector<16xi32>
    tpu.vector_store %arg30[%swap3A_63], %swap3A_66 {strides = array<i32>} : memref<80xi32, #tpu.memory_space<vmem>>, vector<16xi32>,
    %get3A_67 = arith.constant 32 : index
    %get3A_68 = tpu.vector_load %arg21[%get3A_67] {strides = array<i32>} : memref<2000xi32, #tpu.memory_space<vmem>>, vector<16xi32>,
    %get3A_69 = vector.shape_cast %get3A_68 : vector<16xi32> to vector<16xi32>
    %get3A_70 = arith.constant 32 : index
    %get3A_71 = tpu.vector_load %arg22[%get3A_70] {strides = array<i32>} : memref<2000xi32, #tpu.memory_space<vmem>>, vector<16xi32>,
    %get3A_72 = vector.shape_cast %get3A_71 : vector<16xi32> to vector<16xi32>
    %eq3A_73 = arith.constant 0 : i32
    %eq3A_74 = vector.broadcast %eq3A_73 : i32 to vector<16xi32>
    %eq3A_75 = arith.cmpi eq, %get3A_69, %eq3A_74 : vector<16xi32>
    %add3A_76 = arith.constant 6000 : i32
    %add3A_77 = vector.broadcast %add3A_76 : i32 to vector<16xi32>
    %add3A_78 = arith.addi %get3A_72, %add3A_77 : vector<16xi32>
    %select_n3A_79 = arith.select %eq3A_75, %get3A_72, %add3A_78 : vector<16xi1>, vector<16xi32>
    %swap3A_80 = arith.constant 32 : index
    %swap3A_81 = tpu.vector_load %arg30[%swap3A_80] {strides = array<i32>} : memref<80xi32, #tpu.memory_space<vmem>>, vector<16xi32>,
    %swap3A_82 = vector.shape_cast %swap3A_81 : vector<16xi32> to vector<16xi32>
    %swap3A_83 = vector.shape_cast %select_n3A_79 : vector<16xi32> to vector<16xi32>
    tpu.vector_store %arg30[%swap3A_80], %swap3A_83 {strides = array<i32>} : memref<80xi32, #tpu.memory_space<vmem>>, vector<16xi32>,
    %get3A_84 = arith.constant 48 : index
    %get3A_85 = tpu.vector_load %arg21[%get3A_84] {strides = array<i32>} : memref<2000xi32, #tpu.memory_space<vmem>>, vector<16xi32>,
    %get3A_86 = vector.shape_cast %get3A_85 : vector<16xi32> to vector<16xi32>
    %get3A_87 = arith.constant 48 : index
    %get3A_88 = tpu.vector_load %arg22[%get3A_87] {strides = array<i32>} : memref<2000xi32, #tpu.memory_space<vmem>>, vector<16xi32>,
    %get3A_89 = vector.shape_cast %get3A_88 : vector<16xi32> to vector<16xi32>
    %eq3A_90 = arith.constant 0 : i32
    %eq3A_91 = vector.broadcast %eq3A_90 : i32 to vector<16xi32>
    %eq3A_92 = arith.cmpi eq, %get3A_86, %eq3A_91 : vector<16xi32>
    %add3A_93 = arith.constant 6000 : i32
    %add3A_94 = vector.broadcast %add3A_93 : i32 to vector<16xi32>
    %add3A_95 = arith.addi %get3A_89, %add3A_94 : vector<16xi32>
    %select_n3A_96 = arith.select %eq3A_92, %get3A_89, %add3A_95 : vector<16xi1>, vector<16xi32>
    %swap3A_97 = arith.constant 48 : index
    %swap3A_98 = tpu.vector_load %arg30[%swap3A_97] {strides = array<i32>} : memref<80xi32, #tpu.memory_space<vmem>>, vector<16xi32>,
    %swap3A_99 = vector.shape_cast %swap3A_98 : vector<16xi32> to vector<16xi32>
    %swap3A_100 = vector.shape_cast %select_n3A_96 : vector<16xi32> to vector<16xi32>
    tpu.vector_store %arg30[%swap3A_97], %swap3A_100 {strides = array<i32>} : memref<80xi32, #tpu.memory_space<vmem>>, vector<16xi32>,
    %get3A_101 = arith.constant 64 : index
    %get3A_102 = tpu.vector_load %arg21[%get3A_101] {strides = array<i32>} : memref<2000xi32, #tpu.memory_space<vmem>>, vector<16xi32>,
    %get3A_103 = vector.shape_cast %get3A_102 : vector<16xi32> to vector<16xi32>
    %get3A_104 = arith.constant 64 : index
    %get3A_105 = tpu.vector_load %arg22[%get3A_104] {strides = array<i32>} : memref<2000xi32, #tpu.memory_space<vmem>>, vector<16xi32>,
    %get3A_106 = vector.shape_cast %get3A_105 : vector<16xi32> to vector<16xi32>
    %eq3A_107 = arith.constant 0 : i32
    %eq3A_108 = vector.broadcast %eq3A_107 : i32 to vector<16xi32>
    %eq3A_109 = arith.cmpi eq, %get3A_103, %eq3A_108 : vector<16xi32>
    %add3A_110 = arith.constant 6000 : i32
    %add3A_111 = vector.broadcast %add3A_110 : i32 to vector<16xi32>
    %add3A_112 = arith.addi %get3A_106, %add3A_111 : vector<16xi32>
    %select_n3A_113 = arith.select %eq3A_109, %get3A_106, %add3A_112 : vector<16xi1>, vector<16xi32>
    %swap3A_114 = arith.constant 64 : index
    %swap3A_115 = tpu.vector_load %arg30[%swap3A_114] {strides = array<i32>} : memref<80xi32, #tpu.memory_space<vmem>>, vector<16xi32>,
    %swap3A_116 = vector.shape_cast %swap3A_115 : vector<16xi32> to vector<16xi32>
    %swap3A_117 = vector.shape_cast %select_n3A_113 : vector<16xi32> to vector<16xi32>
    tpu.vector_store %arg30[%swap3A_114], %swap3A_117 {strides = array<i32>} : memref<80xi32, #tpu.memory_space<vmem>>, vector<16xi32>,
    %convert_element_type3A_118 = arith.extui %eq3A_0 : i1 to i32
    %cond3A_119 = arith.constant 0 : i32
    %cond3A_120 = arith.cmpi ne, %convert_element_type3A_118, %cond3A_119 : i32
    scf.if %cond3A_120 {
      %dma_start3A = arith.constant 0 : i32
      %dma_start3A_457 = arith.constant 0 : i32
      %dma_start3A_458 = tpu.memref_slice %arg2[%dma_start3A, %dma_start3A_457] : memref<10000x64xf32, #tpu.memory_space<hbm>> -> memref<10000x64xf32, #tpu.memory_space<hbm>>
      tpu.enqueue_indirect_dma source(%dma_start3A_458 : memref<10000x64xf32, #tpu.memory_space<hbm>>) target(%arg27 : memref<80x64xf32, #tpu.memory_space<vmem>>) offsets(%arg30 : memref<80xi32, #tpu.memory_space<vmem>>) semaphore(%arg34 : memref<!tpu.dma_semaphore, #tpu.memory_space<semaphore_mem>>)
    } else {
    }
    %not3A = arith.constant true
    %not3A_121 = arith.xori %eq3A_0, %not3A : i1
    %convert_element_type3A_122 = arith.extui %not3A_121 : i1 to i32
    %cond3A_123 = arith.constant 0 : i32
    %cond3A_124 = arith.cmpi ne, %convert_element_type3A_122, %cond3A_123 : i32
    scf.if %cond3A_124 {
      %dma_start3A = arith.constant 0 : i32
      %dma_start3A_457 = arith.constant 0 : i32
      %dma_start3A_458 = tpu.memref_slice %arg3[%dma_start3A, %dma_start3A_457] : memref<10000x64xf32, #tpu.memory_space<hbm>> -> memref<10000x64xf32, #tpu.memory_space<hbm>>
      tpu.enqueue_indirect_dma source(%dma_start3A_458 : memref<10000x64xf32, #tpu.memory_space<hbm>>) target(%arg27 : memref<80x64xf32, #tpu.memory_space<vmem>>) offsets(%arg30 : memref<80xi32, #tpu.memory_space<vmem>>) semaphore(%arg34 : memref<!tpu.dma_semaphore, #tpu.memory_space<semaphore_mem>>)
    } else {
    }
    %get3A_125 = arith.constant 80 : index
    %get3A_126 = tpu.vector_load %arg21[%get3A_125] {strides = array<i32>} : memref<2000xi32, #tpu.memory_space<vmem>>, vector<16xi32>,
    %get3A_127 = vector.shape_cast %get3A_126 : vector<16xi32> to vector<16xi32>
    %get3A_128 = arith.constant 80 : index
    %get3A_129 = tpu.vector_load %arg22[%get3A_128] {strides = array<i32>} : memref<2000xi32, #tpu.memory_space<vmem>>, vector<16xi32>,
    %get3A_130 = vector.shape_cast %get3A_129 : vector<16xi32> to vector<16xi32>
    %eq3A_131 = arith.constant 0 : i32
    %eq3A_132 = vector.broadcast %eq3A_131 : i32 to vector<16xi32>
    %eq3A_133 = arith.cmpi eq, %get3A_127, %eq3A_132 : vector<16xi32>
    %add3A_134 = arith.constant 6000 : i32
    %add3A_135 = vector.broadcast %add3A_134 : i32 to vector<16xi32>
    %add3A_136 = arith.addi %get3A_130, %add3A_135 : vector<16xi32>
    %select_n3A_137 = arith.select %eq3A_133, %get3A_130, %add3A_136 : vector<16xi1>, vector<16xi32>
    %swap3A_138 = arith.constant 0 : index
    %swap3A_139 = tpu.vector_load %arg24[%swap3A_138] {strides = array<i32>} : memref<80xi32, #tpu.memory_space<vmem>>, vector<16xi32>,
    %swap3A_140 = vector.shape_cast %swap3A_139 : vector<16xi32> to vector<16xi32>
    %swap3A_141 = vector.shape_cast %select_n3A_137 : vector<16xi32> to vector<16xi32>
    tpu.vector_store %arg24[%swap3A_138], %swap3A_141 {strides = array<i32>} : memref<80xi32, #tpu.memory_space<vmem>>, vector<16xi32>,
    %get3A_142 = arith.constant 96 : index
    %get3A_143 = tpu.vector_load %arg21[%get3A_142] {strides = array<i32>} : memref<2000xi32, #tpu.memory_space<vmem>>, vector<16xi32>,
    %get3A_144 = vector.shape_cast %get3A_143 : vector<16xi32> to vector<16xi32>
    %get3A_145 = arith.constant 96 : index
    %get3A_146 = tpu.vector_load %arg22[%get3A_145] {strides = array<i32>} : memref<2000xi32, #tpu.memory_space<vmem>>, vector<16xi32>,
    %get3A_147 = vector.shape_cast %get3A_146 : vector<16xi32> to vector<16xi32>
    %eq3A_148 = arith.constant 0 : i32
    %eq3A_149 = vector.broadcast %eq3A_148 : i32 to vector<16xi32>
    %eq3A_150 = arith.cmpi eq, %get3A_144, %eq3A_149 : vector<16xi32>
    %add3A_151 = arith.constant 6000 : i32
    %add3A_152 = vector.broadcast %add3A_151 : i32 to vector<16xi32>
    %add3A_153 = arith.addi %get3A_147, %add3A_152 : vector<16xi32>
    %select_n3A_154 = arith.select %eq3A_150, %get3A_147, %add3A_153 : vector<16xi1>, vector<16xi32>
    %swap3A_155 = arith.constant 16 : index
    %swap3A_156 = tpu.vector_load %arg24[%swap3A_155] {strides = array<i32>} : memref<80xi32, #tpu.memory_space<vmem>>, vector<16xi32>,
    %swap3A_157 = vector.shape_cast %swap3A_156 : vector<16xi32> to vector<16xi32>
    %swap3A_158 = vector.shape_cast %select_n3A_154 : vector<16xi32> to vector<16xi32>
    tpu.vector_store %arg24[%swap3A_155], %swap3A_158 {strides = array<i32>} : memref<80xi32, #tpu.memory_space<vmem>>, vector<16xi32>,
    %get3A_159 = arith.constant 112 : index
    %get3A_160 = tpu.vector_load %arg21[%get3A_159] {strides = array<i32>} : memref<2000xi32, #tpu.memory_space<vmem>>, vector<16xi32>,
    %get3A_161 = vector.shape_cast %get3A_160 : vector<16xi32> to vector<16xi32>
    %get3A_162 = arith.constant 112 : index
    %get3A_163 = tpu.vector_load %arg22[%get3A_162] {strides = array<i32>} : memref<2000xi32, #tpu.memory_space<vmem>>, vector<16xi32>,
    %get3A_164 = vector.shape_cast %get3A_163 : vector<16xi32> to vector<16xi32>
    %eq3A_165 = arith.constant 0 : i32
    %eq3A_166 = vector.broadcast %eq3A_165 : i32 to vector<16xi32>
    %eq3A_167 = arith.cmpi eq, %get3A_161, %eq3A_166 : vector<16xi32>
    %add3A_168 = arith.constant 6000 : i32
    %add3A_169 = vector.broadcast %add3A_168 : i32 to vector<16xi32>
    %add3A_170 = arith.addi %get3A_164, %add3A_169 : vector<16xi32>
    %select_n3A_171 = arith.select %eq3A_167, %get3A_164, %add3A_170 : vector<16xi1>, vector<16xi32>
    %swap3A_172 = arith.constant 32 : index
    %swap3A_173 = tpu.vector_load %arg24[%swap3A_172] {strides = array<i32>} : memref<80xi32, #tpu.memory_space<vmem>>, vector<16xi32>,
    %swap3A_174 = vector.shape_cast %swap3A_173 : vector<16xi32> to vector<16xi32>
    %swap3A_175 = vector.shape_cast %select_n3A_171 : vector<16xi32> to vector<16xi32>
    tpu.vector_store %arg24[%swap3A_172], %swap3A_175 {strides = array<i32>} : memref<80xi32, #tpu.memory_space<vmem>>, vector<16xi32>,
    %get3A_176 = arith.constant 128 : index
    %get3A_177 = tpu.vector_load %arg21[%get3A_176] {strides = array<i32>} : memref<2000xi32, #tpu.memory_space<vmem>>, vector<16xi32>,
    %get3A_178 = vector.shape_cast %get3A_177 : vector<16xi32> to vector<16xi32>
    %get3A_179 = arith.constant 128 : index
    %get3A_180 = tpu.vector_load %arg22[%get3A_179] {strides = array<i32>} : memref<2000xi32, #tpu.memory_space<vmem>>, vector<16xi32>,
    %get3A_181 = vector.shape_cast %get3A_180 : vector<16xi32> to vector<16xi32>
    %eq3A_182 = arith.constant 0 : i32
    %eq3A_183 = vector.broadcast %eq3A_182 : i32 to vector<16xi32>
    %eq3A_184 = arith.cmpi eq, %get3A_178, %eq3A_183 : vector<16xi32>
    %add3A_185 = arith.constant 6000 : i32
    %add3A_186 = vector.broadcast %add3A_185 : i32 to vector<16xi32>
    %add3A_187 = arith.addi %get3A_181, %add3A_186 : vector<16xi32>
    %select_n3A_188 = arith.select %eq3A_184, %get3A_181, %add3A_187 : vector<16xi1>, vector<16xi32>
    %swap3A_189 = arith.constant 48 : index
    %swap3A_190 = tpu.vector_load %arg24[%swap3A_189] {strides = array<i32>} : memref<80xi32, #tpu.memory_space<vmem>>, vector<16xi32>,
    %swap3A_191 = vector.shape_cast %swap3A_190 : vector<16xi32> to vector<16xi32>
    %swap3A_192 = vector.shape_cast %select_n3A_188 : vector<16xi32> to vector<16xi32>
    tpu.vector_store %arg24[%swap3A_189], %swap3A_192 {strides = array<i32>} : memref<80xi32, #tpu.memory_space<vmem>>, vector<16xi32>,
    %get3A_193 = arith.constant 144 : index
    %get3A_194 = tpu.vector_load %arg21[%get3A_193] {strides = array<i32>} : memref<2000xi32, #tpu.memory_space<vmem>>, vector<16xi32>,
    %get3A_195 = vector.shape_cast %get3A_194 : vector<16xi32> to vector<16xi32>
    %get3A_196 = arith.constant 144 : index
    %get3A_197 = tpu.vector_load %arg22[%get3A_196] {strides = array<i32>} : memref<2000xi32, #tpu.memory_space<vmem>>, vector<16xi32>,
    %get3A_198 = vector.shape_cast %get3A_197 : vector<16xi32> to vector<16xi32>
    %eq3A_199 = arith.constant 0 : i32
    %eq3A_200 = vector.broadcast %eq3A_199 : i32 to vector<16xi32>
    %eq3A_201 = arith.cmpi eq, %get3A_195, %eq3A_200 : vector<16xi32>
    %add3A_202 = arith.constant 6000 : i32
    %add3A_203 = vector.broadcast %add3A_202 : i32 to vector<16xi32>
    %add3A_204 = arith.addi %get3A_198, %add3A_203 : vector<16xi32>
    %select_n3A_205 = arith.select %eq3A_201, %get3A_198, %add3A_204 : vector<16xi1>, vector<16xi32>
    %swap3A_206 = arith.constant 64 : index
    %swap3A_207 = tpu.vector_load %arg24[%swap3A_206] {strides = array<i32>} : memref<80xi32, #tpu.memory_space<vmem>>, vector<16xi32>,
    %swap3A_208 = vector.shape_cast %swap3A_207 : vector<16xi32> to vector<16xi32>
    %swap3A_209 = vector.shape_cast %select_n3A_205 : vector<16xi32> to vector<16xi32>
    tpu.vector_store %arg24[%swap3A_206], %swap3A_209 {strides = array<i32>} : memref<80xi32, #tpu.memory_space<vmem>>, vector<16xi32>,
    %convert_element_type3A_210 = arith.extui %eq3A_0 : i1 to i32
    %cond3A_211 = arith.constant 0 : i32
    %cond3A_212 = arith.cmpi ne, %convert_element_type3A_210, %cond3A_211 : i32
    scf.if %cond3A_212 {
      %dma_start3A = arith.constant 0 : i32
      %dma_start3A_457 = arith.constant 0 : i32
      %dma_start3A_458 = tpu.memref_slice %arg2[%dma_start3A, %dma_start3A_457] : memref<10000x64xf32, #tpu.memory_space<hbm>> -> memref<10000x64xf32, #tpu.memory_space<hbm>>
      tpu.enqueue_indirect_dma source(%dma_start3A_458 : memref<10000x64xf32, #tpu.memory_space<hbm>>) target(%arg28 : memref<80x64xf32, #tpu.memory_space<vmem>>) offsets(%arg24 : memref<80xi32, #tpu.memory_space<vmem>>) semaphore(%arg35 : memref<!tpu.dma_semaphore, #tpu.memory_space<semaphore_mem>>)
    } else {
    }
    %not3A_213 = arith.constant true
    %not3A_214 = arith.xori %eq3A_0, %not3A_213 : i1
    %convert_element_type3A_215 = arith.extui %not3A_214 : i1 to i32
    %cond3A_216 = arith.constant 0 : i32
    %cond3A_217 = arith.cmpi ne, %convert_element_type3A_215, %cond3A_216 : i32
    scf.if %cond3A_217 {
      %dma_start3A = arith.constant 0 : i32
      %dma_start3A_457 = arith.constant 0 : i32
      %dma_start3A_458 = tpu.memref_slice %arg3[%dma_start3A, %dma_start3A_457] : memref<10000x64xf32, #tpu.memory_space<hbm>> -> memref<10000x64xf32, #tpu.memory_space<hbm>>
      tpu.enqueue_indirect_dma source(%dma_start3A_458 : memref<10000x64xf32, #tpu.memory_space<hbm>>) target(%arg28 : memref<80x64xf32, #tpu.memory_space<vmem>>) offsets(%arg24 : memref<80xi32, #tpu.memory_space<vmem>>) semaphore(%arg35 : memref<!tpu.dma_semaphore, #tpu.memory_space<semaphore_mem>>)
    } else {
    }
    %dma_wait3A = arith.constant 0 : i32
    %dma_wait3A_218 = arith.constant 0 : i32
    %dma_wait3A_219 = tpu.memref_slice %arg2[%dma_wait3A, %dma_wait3A_218] : memref<10000x64xf32, #tpu.memory_space<hbm>> -> memref<80x64xf32, #tpu.memory_space<hbm>>
    %dma_wait3A_220 = arith.constant 0 : i32
    %dma_wait3A_221 = arith.constant 0 : i32
    %dma_wait3A_222 = tpu.memref_slice %arg2[%dma_wait3A_220, %dma_wait3A_221] : memref<10000x64xf32, #tpu.memory_space<hbm>> -> memref<80x64xf32, #tpu.memory_space<hbm>>
    tpu.wait_dma2 semaphore(%arg34 : memref<!tpu.dma_semaphore, #tpu.memory_space<semaphore_mem>>) src(%dma_wait3A_222 : memref<80x64xf32, #tpu.memory_space<hbm>>) dst(%arg27 : memref<80x64xf32, #tpu.memory_space<vmem>>)
    %add3A_223 = arith.constant 0 : i32
    %add3A_224 = arith.addi %mul3A_35, %add3A_223 : i32
    "tpu.region"() ({
      %run_scoped3A = tpu.sem_alloc : memref<!tpu.dma_semaphore, #tpu.memory_space<semaphore_mem>>
      %dma_start3A = arith.constant 0 : i32
      %dma_start3A_457 = tpu.memref_slice %arg20[%add3A_224, %dma_start3A] : memref<5120x64xf32, #tpu.memory_space<vmem_shared>> -> memref<80x64xf32, #tpu.memory_space<vmem_shared>>
      %dma_start3A_458 = arith.constant 0 : i32
      %dma_start3A_459 = tpu.memref_slice %arg20[%add3A_224, %dma_start3A_458] : memref<5120x64xf32, #tpu.memory_space<vmem_shared>> -> memref<80x64xf32, #tpu.memory_space<vmem_shared>>
      tpu.enqueue_dma source(%arg27 : memref<80x64xf32, #tpu.memory_space<vmem>>) target(%dma_start3A_459 : memref<80x64xf32, #tpu.memory_space<vmem_shared>>) target_semaphore(%run_scoped3A : memref<!tpu.dma_semaphore, #tpu.memory_space<semaphore_mem>>)
      %dma_wait3A_460 = arith.constant 0 : i32
      %dma_wait3A_461 = tpu.memref_slice %arg20[%add3A_224, %dma_wait3A_460] : memref<5120x64xf32, #tpu.memory_space<vmem_shared>> -> memref<80x64xf32, #tpu.memory_space<vmem_shared>>
      %dma_wait3A_462 = arith.constant 0 : i32
      %dma_wait3A_463 = tpu.memref_slice %arg20[%add3A_224, %dma_wait3A_462] : memref<5120x64xf32, #tpu.memory_space<vmem_shared>> -> memref<80x64xf32, #tpu.memory_space<vmem_shared>>
      tpu.wait_dma2 semaphore(%run_scoped3A : memref<!tpu.dma_semaphore, #tpu.memory_space<semaphore_mem>>) src(%arg27 : memref<80x64xf32, #tpu.memory_space<vmem>>) dst(%dma_wait3A_463 : memref<80x64xf32, #tpu.memory_space<vmem_shared>>)
      tpu.yield
    }) : () -> ()
    %get3A_225 = arith.constant 160 : index
    %get3A_226 = tpu.vector_load %arg21[%get3A_225] {strides = array<i32>} : memref<2000xi32, #tpu.memory_space<vmem>>, vector<16xi32>,
    %get3A_227 = vector.shape_cast %get3A_226 : vector<16xi32> to vector<16xi32>
    %get3A_228 = arith.constant 160 : index
    %get3A_229 = tpu.vector_load %arg22[%get3A_228] {strides = array<i32>} : memref<2000xi32, #tpu.memory_space<vmem>>, vector<16xi32>,
    %get3A_230 = vector.shape_cast %get3A_229 : vector<16xi32> to vector<16xi32>
    %eq3A_231 = arith.constant 0 : i32
    %eq3A_232 = vector.broadcast %eq3A_231 : i32 to vector<16xi32>
    %eq3A_233 = arith.cmpi eq, %get3A_227, %eq3A_232 : vector<16xi32>
    %add3A_234 = arith.constant 6000 : i32
    %add3A_235 = vector.broadcast %add3A_234 : i32 to vector<16xi32>
    %add3A_236 = arith.addi %get3A_230, %add3A_235 : vector<16xi32>
    %select_n3A_237 = arith.select %eq3A_233, %get3A_230, %add3A_236 : vector<16xi1>, vector<16xi32>
    %swap3A_238 = arith.constant 0 : index
    %swap3A_239 = tpu.vector_load %arg30[%swap3A_238] {strides = array<i32>} : memref<80xi32, #tpu.memory_space<vmem>>, vector<16xi32>,
    %swap3A_240 = vector.shape_cast %swap3A_239 : vector<16xi32> to vector<16xi32>
    %swap3A_241 = vector.shape_cast %select_n3A_237 : vector<16xi32> to vector<16xi32>
    tpu.vector_store %arg30[%swap3A_238], %swap3A_241 {strides = array<i32>} : memref<80xi32, #tpu.memory_space<vmem>>, vector<16xi32>,
    %get3A_242 = arith.constant 176 : index
    %get3A_243 = tpu.vector_load %arg21[%get3A_242] {strides = array<i32>} : memref<2000xi32, #tpu.memory_space<vmem>>, vector<16xi32>,
    %get3A_244 = vector.shape_cast %get3A_243 : vector<16xi32> to vector<16xi32>
    %get3A_245 = arith.constant 176 : index
    %get3A_246 = tpu.vector_load %arg22[%get3A_245] {strides = array<i32>} : memref<2000xi32, #tpu.memory_space<vmem>>, vector<16xi32>,
    %get3A_247 = vector.shape_cast %get3A_246 : vector<16xi32> to vector<16xi32>
    %eq3A_248 = arith.constant 0 : i32
    %eq3A_249 = vector.broadcast %eq3A_248 : i32 to vector<16xi32>
    %eq3A_250 = arith.cmpi eq, %get3A_244, %eq3A_249 : vector<16xi32>
    %add3A_251 = arith.constant 6000 : i32
    %add3A_252 = vector.broadcast %add3A_251 : i32 to vector<16xi32>
    %add3A_253 = arith.addi %get3A_247, %add3A_252 : vector<16xi32>
    %select_n3A_254 = arith.select %eq3A_250, %get3A_247, %add3A_253 : vector<16xi1>, vector<16xi32>
    %swap3A_255 = arith.constant 16 : index
    %swap3A_256 = tpu.vector_load %arg30[%swap3A_255] {strides = array<i32>} : memref<80xi32, #tpu.memory_space<vmem>>, vector<16xi32>,
    %swap3A_257 = vector.shape_cast %swap3A_256 : vector<16xi32> to vector<16xi32>
    %swap3A_258 = vector.shape_cast %select_n3A_254 : vector<16xi32> to vector<16xi32>
    tpu.vector_store %arg30[%swap3A_255], %swap3A_258 {strides = array<i32>} : memref<80xi32, #tpu.memory_space<vmem>>, vector<16xi32>,
    %get3A_259 = arith.constant 192 : index
    %get3A_260 = tpu.vector_load %arg21[%get3A_259] {strides = array<i32>} : memref<2000xi32, #tpu.memory_space<vmem>>, vector<16xi32>,
    %get3A_261 = vector.shape_cast %get3A_260 : vector<16xi32> to vector<16xi32>
    %get3A_262 = arith.constant 192 : index
    %get3A_263 = tpu.vector_load %arg22[%get3A_262] {strides = array<i32>} : memref<2000xi32, #tpu.memory_space<vmem>>, vector<16xi32>,
    %get3A_264 = vector.shape_cast %get3A_263 : vector<16xi32> to vector<16xi32>
    %eq3A_265 = arith.constant 0 : i32
    %eq3A_266 = vector.broadcast %eq3A_265 : i32 to vector<16xi32>
    %eq3A_267 = arith.cmpi eq, %get3A_261, %eq3A_266 : vector<16xi32>
    %add3A_268 = arith.constant 6000 : i32
    %add3A_269 = vector.broadcast %add3A_268 : i32 to vector<16xi32>
    %add3A_270 = arith.addi %get3A_264, %add3A_269 : vector<16xi32>
    %select_n3A_271 = arith.select %eq3A_267, %get3A_264, %add3A_270 : vector<16xi1>, vector<16xi32>
    %swap3A_272 = arith.constant 32 : index
    %swap3A_273 = tpu.vector_load %arg30[%swap3A_272] {strides = array<i32>} : memref<80xi32, #tpu.memory_space<vmem>>, vector<16xi32>,
    %swap3A_274 = vector.shape_cast %swap3A_273 : vector<16xi32> to vector<16xi32>
    %swap3A_275 = vector.shape_cast %select_n3A_271 : vector<16xi32> to vector<16xi32>
    tpu.vector_store %arg30[%swap3A_272], %swap3A_275 {strides = array<i32>} : memref<80xi32, #tpu.memory_space<vmem>>, vector<16xi32>,
    %get3A_276 = arith.constant 208 : index
    %get3A_277 = tpu.vector_load %arg21[%get3A_276] {strides = array<i32>} : memref<2000xi32, #tpu.memory_space<vmem>>, vector<16xi32>,
    %get3A_278 = vector.shape_cast %get3A_277 : vector<16xi32> to vector<16xi32>
    %get3A_279 = arith.constant 208 : index
    %get3A_280 = tpu.vector_load %arg22[%get3A_279] {strides = array<i32>} : memref<2000xi32, #tpu.memory_space<vmem>>, vector<16xi32>,
    %get3A_281 = vector.shape_cast %get3A_280 : vector<16xi32> to vector<16xi32>
    %eq3A_282 = arith.constant 0 : i32
    %eq3A_283 = vector.broadcast %eq3A_282 : i32 to vector<16xi32>
    %eq3A_284 = arith.cmpi eq, %get3A_278, %eq3A_283 : vector<16xi32>
    %add3A_285 = arith.constant 6000 : i32
    %add3A_286 = vector.broadcast %add3A_285 : i32 to vector<16xi32>
    %add3A_287 = arith.addi %get3A_281, %add3A_286 : vector<16xi32>
    %select_n3A_288 = arith.select %eq3A_284, %get3A_281, %add3A_287 : vector<16xi1>, vector<16xi32>
    %swap3A_289 = arith.constant 48 : index
    %swap3A_290 = tpu.vector_load %arg30[%swap3A_289] {strides = array<i32>} : memref<80xi32, #tpu.memory_space<vmem>>, vector<16xi32>,
    %swap3A_291 = vector.shape_cast %swap3A_290 : vector<16xi32> to vector<16xi32>
    %swap3A_292 = vector.shape_cast %select_n3A_288 : vector<16xi32> to vector<16xi32>
    tpu.vector_store %arg30[%swap3A_289], %swap3A_292 {strides = array<i32>} : memref<80xi32, #tpu.memory_space<vmem>>, vector<16xi32>,
    %get3A_293 = arith.constant 224 : index
    %get3A_294 = tpu.vector_load %arg21[%get3A_293] {strides = array<i32>} : memref<2000xi32, #tpu.memory_space<vmem>>, vector<16xi32>,
    %get3A_295 = vector.shape_cast %get3A_294 : vector<16xi32> to vector<16xi32>
    %get3A_296 = arith.constant 224 : index
    %get3A_297 = tpu.vector_load %arg22[%get3A_296] {strides = array<i32>} : memref<2000xi32, #tpu.memory_space<vmem>>, vector<16xi32>,
    %get3A_298 = vector.shape_cast %get3A_297 : vector<16xi32> to vector<16xi32>
    %eq3A_299 = arith.constant 0 : i32
    %eq3A_300 = vector.broadcast %eq3A_299 : i32 to vector<16xi32>
    %eq3A_301 = arith.cmpi eq, %get3A_295, %eq3A_300 : vector<16xi32>
    %add3A_302 = arith.constant 6000 : i32
    %add3A_303 = vector.broadcast %add3A_302 : i32 to vector<16xi32>
    %add3A_304 = arith.addi %get3A_298, %add3A_303 : vector<16xi32>
    %select_n3A_305 = arith.select %eq3A_301, %get3A_298, %add3A_304 : vector<16xi1>, vector<16xi32>
    %swap3A_306 = arith.constant 64 : index
    %swap3A_307 = tpu.vector_load %arg30[%swap3A_306] {strides = array<i32>} : memref<80xi32, #tpu.memory_space<vmem>>, vector<16xi32>,
    %swap3A_308 = vector.shape_cast %swap3A_307 : vector<16xi32> to vector<16xi32>
    %swap3A_309 = vector.shape_cast %select_n3A_305 : vector<16xi32> to vector<16xi32>
    tpu.vector_store %arg30[%swap3A_306], %swap3A_309 {strides = array<i32>} : memref<80xi32, #tpu.memory_space<vmem>>, vector<16xi32>,
    %convert_element_type3A_310 = arith.extui %eq3A_0 : i1 to i32
    %cond3A_311 = arith.constant 0 : i32
    %cond3A_312 = arith.cmpi ne, %convert_element_type3A_310, %cond3A_311 : i32
    scf.if %cond3A_312 {
      %dma_start3A = arith.constant 0 : i32
      %dma_start3A_457 = arith.constant 0 : i32
      %dma_start3A_458 = tpu.memref_slice %arg2[%dma_start3A, %dma_start3A_457] : memref<10000x64xf32, #tpu.memory_space<hbm>> -> memref<10000x64xf32, #tpu.memory_space<hbm>>
      tpu.enqueue_indirect_dma source(%dma_start3A_458 : memref<10000x64xf32, #tpu.memory_space<hbm>>) target(%arg27 : memref<80x64xf32, #tpu.memory_space<vmem>>) offsets(%arg30 : memref<80xi32, #tpu.memory_space<vmem>>) semaphore(%arg34 : memref<!tpu.dma_semaphore, #tpu.memory_space<semaphore_mem>>)
    } else {
    }
    %not3A_313 = arith.constant true
    %not3A_314 = arith.xori %eq3A_0, %not3A_313 : i1
    %convert_element_type3A_315 = arith.extui %not3A_314 : i1 to i32
    %cond3A_316 = arith.constant 0 : i32
    %cond3A_317 = arith.cmpi ne, %convert_element_type3A_315, %cond3A_316 : i32
    scf.if %cond3A_317 {
      %dma_start3A = arith.constant 0 : i32
      %dma_start3A_457 = arith.constant 0 : i32
      %dma_start3A_458 = tpu.memref_slice %arg3[%dma_start3A, %dma_start3A_457] : memref<10000x64xf32, #tpu.memory_space<hbm>> -> memref<10000x64xf32, #tpu.memory_space<hbm>>
      tpu.enqueue_indirect_dma source(%dma_start3A_458 : memref<10000x64xf32, #tpu.memory_space<hbm>>) target(%arg27 : memref<80x64xf32, #tpu.memory_space<vmem>>) offsets(%arg30 : memref<80xi32, #tpu.memory_space<vmem>>) semaphore(%arg34 : memref<!tpu.dma_semaphore, #tpu.memory_space<semaphore_mem>>)
    } else {
    }
    %dma_wait3A_318 = arith.constant 0 : i32
    %dma_wait3A_319 = arith.constant 0 : i32
    %dma_wait3A_320 = tpu.memref_slice %arg2[%dma_wait3A_318, %dma_wait3A_319] : memref<10000x64xf32, #tpu.memory_space<hbm>> -> memref<80x64xf32, #tpu.memory_space<hbm>>
    %dma_wait3A_321 = arith.constant 0 : i32
    %dma_wait3A_322 = arith.constant 0 : i32
    %dma_wait3A_323 = tpu.memref_slice %arg2[%dma_wait3A_321, %dma_wait3A_322] : memref<10000x64xf32, #tpu.memory_space<hbm>> -> memref<80x64xf32, #tpu.memory_space<hbm>>
    tpu.wait_dma2 semaphore(%arg35 : memref<!tpu.dma_semaphore, #tpu.memory_space<semaphore_mem>>) src(%dma_wait3A_323 : memref<80x64xf32, #tpu.memory_space<hbm>>) dst(%arg28 : memref<80x64xf32, #tpu.memory_space<vmem>>)
    %add3A_324 = arith.constant 80 : i32
    %add3A_325 = arith.addi %mul3A_35, %add3A_324 : i32
    "tpu.region"() ({
      %run_scoped3A = tpu.sem_alloc : memref<!tpu.dma_semaphore, #tpu.memory_space<semaphore_mem>>
      %dma_start3A = arith.constant 0 : i32
      %dma_start3A_457 = tpu.memref_slice %arg20[%add3A_325, %dma_start3A] : memref<5120x64xf32, #tpu.memory_space<vmem_shared>> -> memref<80x64xf32, #tpu.memory_space<vmem_shared>>
      %dma_start3A_458 = arith.constant 0 : i32
      %dma_start3A_459 = tpu.memref_slice %arg20[%add3A_325, %dma_start3A_458] : memref<5120x64xf32, #tpu.memory_space<vmem_shared>> -> memref<80x64xf32, #tpu.memory_space<vmem_shared>>
      tpu.enqueue_dma source(%arg28 : memref<80x64xf32, #tpu.memory_space<vmem>>) target(%dma_start3A_459 : memref<80x64xf32, #tpu.memory_space<vmem_shared>>) target_semaphore(%run_scoped3A : memref<!tpu.dma_semaphore, #tpu.memory_space<semaphore_mem>>)
      %dma_wait3A_460 = arith.constant 0 : i32
      %dma_wait3A_461 = tpu.memref_slice %arg20[%add3A_325, %dma_wait3A_460] : memref<5120x64xf32, #tpu.memory_space<vmem_shared>> -> memref<80x64xf32, #tpu.memory_space<vmem_shared>>
      %dma_wait3A_462 = arith.constant 0 : i32
      %dma_wait3A_463 = tpu.memref_slice %arg20[%add3A_325, %dma_wait3A_462] : memref<5120x64xf32, #tpu.memory_space<vmem_shared>> -> memref<80x64xf32, #tpu.memory_space<vmem_shared>>
      tpu.wait_dma2 semaphore(%run_scoped3A : memref<!tpu.dma_semaphore, #tpu.memory_space<semaphore_mem>>) src(%arg28 : memref<80x64xf32, #tpu.memory_space<vmem>>) dst(%dma_wait3A_463 : memref<80x64xf32, #tpu.memory_space<vmem_shared>>)
      tpu.yield
    }) : () -> ()
    %get3A_326 = arith.constant 240 : index
    %get3A_327 = tpu.vector_load %arg21[%get3A_326] {strides = array<i32>} : memref<2000xi32, #tpu.memory_space<vmem>>, vector<16xi32>,
    %get3A_328 = vector.shape_cast %get3A_327 : vector<16xi32> to vector<16xi32>
    %get3A_329 = arith.constant 240 : index
    %get3A_330 = tpu.vector_load %arg22[%get3A_329] {strides = array<i32>} : memref<2000xi32, #tpu.memory_space<vmem>>, vector<16xi32>,
    %get3A_331 = vector.shape_cast %get3A_330 : vector<16xi32> to vector<16xi32>
    %eq3A_332 = arith.constant 0 : i32
    %eq3A_333 = vector.broadcast %eq3A_332 : i32 to vector<16xi32>
    %eq3A_334 = arith.cmpi eq, %get3A_328, %eq3A_333 : vector<16xi32>
    %add3A_335 = arith.constant 6000 : i32
    %add3A_336 = vector.broadcast %add3A_335 : i32 to vector<16xi32>
    %add3A_337 = arith.addi %get3A_331, %add3A_336 : vector<16xi32>
    %select_n3A_338 = arith.select %eq3A_334, %get3A_331, %add3A_337 : vector<16xi1>, vector<16xi32>
    %swap3A_339 = arith.constant 0 : index
    %swap3A_340 = tpu.vector_load %arg24[%swap3A_339] {strides = array<i32>} : memref<80xi32, #tpu.memory_space<vmem>>, vector<16xi32>,
    %swap3A_341 = vector.shape_cast %swap3A_340 : vector<16xi32> to vector<16xi32>
    %swap3A_342 = vector.shape_cast %select_n3A_338 : vector<16xi32> to vector<16xi32>
    tpu.vector_store %arg24[%swap3A_339], %swap3A_342 {strides = array<i32>} : memref<80xi32, #tpu.memory_space<vmem>>, vector<16xi32>,
    %get3A_343 = arith.constant 256 : index
    %get3A_344 = tpu.vector_load %arg21[%get3A_343] {strides = array<i32>} : memref<2000xi32, #tpu.memory_space<vmem>>, vector<16xi32>,
    %get3A_345 = vector.shape_cast %get3A_344 : vector<16xi32> to vector<16xi32>
    %get3A_346 = arith.constant 256 : index
    %get3A_347 = tpu.vector_load %arg22[%get3A_346] {strides = array<i32>} : memref<2000xi32, #tpu.memory_space<vmem>>, vector<16xi32>,
    %get3A_348 = vector.shape_cast %get3A_347 : vector<16xi32> to vector<16xi32>
    %eq3A_349 = arith.constant 0 : i32
    %eq3A_350 = vector.broadcast %eq3A_349 : i32 to vector<16xi32>
    %eq3A_351 = arith.cmpi eq, %get3A_345, %eq3A_350 : vector<16xi32>
    %add3A_352 = arith.constant 6000 : i32
    %add3A_353 = vector.broadcast %add3A_352 : i32 to vector<16xi32>
    %add3A_354 = arith.addi %get3A_348, %add3A_353 : vector<16xi32>
    %select_n3A_355 = arith.select %eq3A_351, %get3A_348, %add3A_354 : vector<16xi1>, vector<16xi32>
    %swap3A_356 = arith.constant 16 : index
    %swap3A_357 = tpu.vector_load %arg24[%swap3A_356] {strides = array<i32>} : memref<80xi32, #tpu.memory_space<vmem>>, vector<16xi32>,
    %swap3A_358 = vector.shape_cast %swap3A_357 : vector<16xi32> to vector<16xi32>
    %swap3A_359 = vector.shape_cast %select_n3A_355 : vector<16xi32> to vector<16xi32>
    tpu.vector_store %arg24[%swap3A_356], %swap3A_359 {strides = array<i32>} : memref<80xi32, #tpu.memory_space<vmem>>, vector<16xi32>,
    %get3A_360 = arith.constant 272 : index
    %get3A_361 = tpu.vector_load %arg21[%get3A_360] {strides = array<i32>} : memref<2000xi32, #tpu.memory_space<vmem>>, vector<16xi32>,
    %get3A_362 = vector.shape_cast %get3A_361 : vector<16xi32> to vector<16xi32>
    %get3A_363 = arith.constant 272 : index
    %get3A_364 = tpu.vector_load %arg22[%get3A_363] {strides = array<i32>} : memref<2000xi32, #tpu.memory_space<vmem>>, vector<16xi32>,
    %get3A_365 = vector.shape_cast %get3A_364 : vector<16xi32> to vector<16xi32>
    %eq3A_366 = arith.constant 0 : i32
    %eq3A_367 = vector.broadcast %eq3A_366 : i32 to vector<16xi32>
    %eq3A_368 = arith.cmpi eq, %get3A_362, %eq3A_367 : vector<16xi32>
    %add3A_369 = arith.constant 6000 : i32
    %add3A_370 = vector.broadcast %add3A_369 : i32 to vector<16xi32>
    %add3A_371 = arith.addi %get3A_365, %add3A_370 : vector<16xi32>
    %select_n3A_372 = arith.select %eq3A_368, %get3A_365, %add3A_371 : vector<16xi1>, vector<16xi32>
    %swap3A_373 = arith.constant 32 : index
    %swap3A_374 = tpu.vector_load %arg24[%swap3A_373] {strides = array<i32>} : memref<80xi32, #tpu.memory_space<vmem>>, vector<16xi32>,
    %swap3A_375 = vector.shape_cast %swap3A_374 : vector<16xi32> to vector<16xi32>
    %swap3A_376 = vector.shape_cast %select_n3A_372 : vector<16xi32> to vector<16xi32>
    tpu.vector_store %arg24[%swap3A_373], %swap3A_376 {strides = array<i32>} : memref<80xi32, #tpu.memory_space<vmem>>, vector<16xi32>,
    %get3A_377 = arith.constant 288 : index
    %get3A_378 = tpu.vector_load %arg21[%get3A_377] {strides = array<i32>} : memref<2000xi32, #tpu.memory_space<vmem>>, vector<16xi32>,
    %get3A_379 = vector.shape_cast %get3A_378 : vector<16xi32> to vector<16xi32>
    %get3A_380 = arith.constant 288 : index
    %get3A_381 = tpu.vector_load %arg22[%get3A_380] {strides = array<i32>} : memref<2000xi32, #tpu.memory_space<vmem>>, vector<16xi32>,
    %get3A_382 = vector.shape_cast %get3A_381 : vector<16xi32> to vector<16xi32>
    %eq3A_383 = arith.constant 0 : i32
    %eq3A_384 = vector.broadcast %eq3A_383 : i32 to vector<16xi32>
    %eq3A_385 = arith.cmpi eq, %get3A_379, %eq3A_384 : vector<16xi32>
    %add3A_386 = arith.constant 6000 : i32
    %add3A_387 = vector.broadcast %add3A_386 : i32 to vector<16xi32>
    %add3A_388 = arith.addi %get3A_382, %add3A_387 : vector<16xi32>
    %select_n3A_389 = arith.select %eq3A_385, %get3A_382, %add3A_388 : vector<16xi1>, vector<16xi32>
    %swap3A_390 = arith.constant 48 : index
    %swap3A_391 = tpu.vector_load %arg24[%swap3A_390] {strides = array<i32>} : memref<80xi32, #tpu.memory_space<vmem>>, vector<16xi32>,
    %swap3A_392 = vector.shape_cast %swap3A_391 : vector<16xi32> to vector<16xi32>
    %swap3A_393 = vector.shape_cast %select_n3A_389 : vector<16xi32> to vector<16xi32>
    tpu.vector_store %arg24[%swap3A_390], %swap3A_393 {strides = array<i32>} : memref<80xi32, #tpu.memory_space<vmem>>, vector<16xi32>,
    %get3A_394 = arith.constant 304 : index
    %get3A_395 = tpu.vector_load %arg21[%get3A_394] {strides = array<i32>} : memref<2000xi32, #tpu.memory_space<vmem>>, vector<16xi32>,
    %get3A_396 = vector.shape_cast %get3A_395 : vector<16xi32> to vector<16xi32>
    %get3A_397 = arith.constant 304 : index
    %get3A_398 = tpu.vector_load %arg22[%get3A_397] {strides = array<i32>} : memref<2000xi32, #tpu.memory_space<vmem>>, vector<16xi32>,
    %get3A_399 = vector.shape_cast %get3A_398 : vector<16xi32> to vector<16xi32>
    %eq3A_400 = arith.constant 0 : i32
    %eq3A_401 = vector.broadcast %eq3A_400 : i32 to vector<16xi32>
    %eq3A_402 = arith.cmpi eq, %get3A_396, %eq3A_401 : vector<16xi32>
    %add3A_403 = arith.constant 6000 : i32
    %add3A_404 = vector.broadcast %add3A_403 : i32 to vector<16xi32>
    %add3A_405 = arith.addi %get3A_399, %add3A_404 : vector<16xi32>
    %select_n3A_406 = arith.select %eq3A_402, %get3A_399, %add3A_405 : vector<16xi1>, vector<16xi32>
    %swap3A_407 = arith.constant 64 : index
    %swap3A_408 = tpu.vector_load %arg24[%swap3A_407] {strides = array<i32>} : memref<80xi32, #tpu.memory_space<vmem>>, vector<16xi32>,
    %swap3A_409 = vector.shape_cast %swap3A_408 : vector<16xi32> to vector<16xi32>
    %swap3A_410 = vector.shape_cast %select_n3A_406 : vector<16xi32> to vector<16xi32>
    tpu.vector_store %arg24[%swap3A_407], %swap3A_410 {strides = array<i32>} : memref<80xi32, #tpu.memory_space<vmem>>, vector<16xi32>,
    %convert_element_type3A_411 = arith.extui %eq3A_0 : i1 to i32
    %cond3A_412 = arith.constant 0 : i32
    %cond3A_413 = arith.cmpi ne, %convert_element_type3A_411, %cond3A_412 : i32
    scf.if %cond3A_413 {
      %dma_start3A = arith.constant 0 : i32
      %dma_start3A_457 = arith.constant 0 : i32
      %dma_start3A_458 = tpu.memref_slice %arg2[%dma_start3A, %dma_start3A_457] : memref<10000x64xf32, #tpu.memory_space<hbm>> -> memref<10000x64xf32, #tpu.memory_space<hbm>>
      tpu.enqueue_indirect_dma source(%dma_start3A_458 : memref<10000x64xf32, #tpu.memory_space<hbm>>) target(%arg28 : memref<80x64xf32, #tpu.memory_space<vmem>>) offsets(%arg24 : memref<80xi32, #tpu.memory_space<vmem>>) semaphore(%arg35 : memref<!tpu.dma_semaphore, #tpu.memory_space<semaphore_mem>>)
    } else {
    }
    %not3A_414 = arith.constant true
    %not3A_415 = arith.xori %eq3A_0, %not3A_414 : i1
    %convert_element_type3A_416 = arith.extui %not3A_415 : i1 to i32
    %cond3A_417 = arith.constant 0 : i32
    %cond3A_418 = arith.cmpi ne, %convert_element_type3A_416, %cond3A_417 : i32
    scf.if %cond3A_418 {
      %dma_start3A = arith.constant 0 : i32
      %dma_start3A_457 = arith.constant 0 : i32
      %dma_start3A_458 = tpu.memref_slice %arg3[%dma_start3A, %dma_start3A_457] : memref<10000x64xf32, #tpu.memory_space<hbm>> -> memref<10000x64xf32, #tpu.memory_space<hbm>>
      tpu.enqueue_indirect_dma source(%dma_start3A_458 : memref<10000x64xf32, #tpu.memory_space<hbm>>) target(%arg28 : memref<80x64xf32, #tpu.memory_space<vmem>>) offsets(%arg24 : memref<80xi32, #tpu.memory_space<vmem>>) semaphore(%arg35 : memref<!tpu.dma_semaphore, #tpu.memory_space<semaphore_mem>>)
    } else {
    }
    %dma_wait3A_419 = arith.constant 0 : i32
    %dma_wait3A_420 = arith.constant 0 : i32
    %dma_wait3A_421 = tpu.memref_slice %arg2[%dma_wait3A_419, %dma_wait3A_420] : memref<10000x64xf32, #tpu.memory_space<hbm>> -> memref<80x64xf32, #tpu.memory_space<hbm>>
    %dma_wait3A_422 = arith.constant 0 : i32
    %dma_wait3A_423 = arith.constant 0 : i32
    %dma_wait3A_424 = tpu.memref_slice %arg2[%dma_wait3A_422, %dma_wait3A_423] : memref<10000x64xf32, #tpu.memory_space<hbm>> -> memref<80x64xf32, #tpu.memory_space<hbm>>
    tpu.wait_dma2 semaphore(%arg34 : memref<!tpu.dma_semaphore, #tpu.memory_space<semaphore_mem>>) src(%dma_wait3A_424 : memref<80x64xf32, #tpu.memory_space<hbm>>) dst(%arg27 : memref<80x64xf32, #tpu.memory_space<vmem>>)
    %add3A_425 = arith.constant 160 : i32
    %add3A_426 = arith.addi %mul3A_35, %add3A_425 : i32
    "tpu.region"() ({
      %run_scoped3A = tpu.sem_alloc : memref<!tpu.dma_semaphore, #tpu.memory_space<semaphore_mem>>
      %dma_start3A = arith.constant 0 : i32
      %dma_start3A_457 = tpu.memref_slice %arg20[%add3A_426, %dma_start3A] : memref<5120x64xf32, #tpu.memory_space<vmem_shared>> -> memref<80x64xf32, #tpu.memory_space<vmem_shared>>
      %dma_start3A_458 = arith.constant 0 : i32
      %dma_start3A_459 = tpu.memref_slice %arg20[%add3A_426, %dma_start3A_458] : memref<5120x64xf32, #tpu.memory_space<vmem_shared>> -> memref<80x64xf32, #tpu.memory_space<vmem_shared>>
      tpu.enqueue_dma source(%arg27 : memref<80x64xf32, #tpu.memory_space<vmem>>) target(%dma_start3A_459 : memref<80x64xf32, #tpu.memory_space<vmem_shared>>) target_semaphore(%run_scoped3A : memref<!tpu.dma_semaphore, #tpu.memory_space<semaphore_mem>>)
      %dma_wait3A_460 = arith.constant 0 : i32
      %dma_wait3A_461 = tpu.memref_slice %arg20[%add3A_426, %dma_wait3A_460] : memref<5120x64xf32, #tpu.memory_space<vmem_shared>> -> memref<80x64xf32, #tpu.memory_space<vmem_shared>>
      %dma_wait3A_462 = arith.constant 0 : i32
      %dma_wait3A_463 = tpu.memref_slice %arg20[%add3A_426, %dma_wait3A_462] : memref<5120x64xf32, #tpu.memory_space<vmem_shared>> -> memref<80x64xf32, #tpu.memory_space<vmem_shared>>
      tpu.wait_dma2 semaphore(%run_scoped3A : memref<!tpu.dma_semaphore, #tpu.memory_space<semaphore_mem>>) src(%arg27 : memref<80x64xf32, #tpu.memory_space<vmem>>) dst(%dma_wait3A_463 : memref<80x64xf32, #tpu.memory_space<vmem_shared>>)
      tpu.yield
    }) : () -> ()
    %dma_wait3A_427 = arith.constant 0 : i32
    %dma_wait3A_428 = arith.constant 0 : i32
    %dma_wait3A_429 = tpu.memref_slice %arg2[%dma_wait3A_427, %dma_wait3A_428] : memref<10000x64xf32, #tpu.memory_space<hbm>> -> memref<80x64xf32, #tpu.memory_space<hbm>>
    %dma_wait3A_430 = arith.constant 0 : i32
    %dma_wait3A_431 = arith.constant 0 : i32
    %dma_wait3A_432 = tpu.memref_slice %arg2[%dma_wait3A_430, %dma_wait3A_431] : memref<10000x64xf32, #tpu.memory_space<hbm>> -> memref<80x64xf32, #tpu.memory_space<hbm>>
    tpu.wait_dma2 semaphore(%arg35 : memref<!tpu.dma_semaphore, #tpu.memory_space<semaphore_mem>>) src(%dma_wait3A_432 : memref<80x64xf32, #tpu.memory_space<hbm>>) dst(%arg28 : memref<80x64xf32, #tpu.memory_space<vmem>>)
    %add3A_433 = arith.constant 240 : i32
    %add3A_434 = arith.addi %mul3A_35, %add3A_433 : i32
    "tpu.region"() ({
      %run_scoped3A = tpu.sem_alloc : memref<!tpu.dma_semaphore, #tpu.memory_space<semaphore_mem>>
      %dma_start3A = arith.constant 0 : i32
      %dma_start3A_457 = tpu.memref_slice %arg20[%add3A_434, %dma_start3A] : memref<5120x64xf32, #tpu.memory_space<vmem_shared>> -> memref<80x64xf32, #tpu.memory_space<vmem_shared>>
      %dma_start3A_458 = arith.constant 0 : i32
      %dma_start3A_459 = tpu.memref_slice %arg20[%add3A_434, %dma_start3A_458] : memref<5120x64xf32, #tpu.memory_space<vmem_shared>> -> memref<80x64xf32, #tpu.memory_space<vmem_shared>>
      tpu.enqueue_dma source(%arg28 : memref<80x64xf32, #tpu.memory_space<vmem>>) target(%dma_start3A_459 : memref<80x64xf32, #tpu.memory_space<vmem_shared>>) target_semaphore(%run_scoped3A : memref<!tpu.dma_semaphore, #tpu.memory_space<semaphore_mem>>)
      %dma_wait3A_460 = arith.constant 0 : i32
      %dma_wait3A_461 = tpu.memref_slice %arg20[%add3A_434, %dma_wait3A_460] : memref<5120x64xf32, #tpu.memory_space<vmem_shared>> -> memref<80x64xf32, #tpu.memory_space<vmem_shared>>
      %dma_wait3A_462 = arith.constant 0 : i32
      %dma_wait3A_463 = tpu.memref_slice %arg20[%add3A_434, %dma_wait3A_462] : memref<5120x64xf32, #tpu.memory_space<vmem_shared>> -> memref<80x64xf32, #tpu.memory_space<vmem_shared>>
      tpu.wait_dma2 semaphore(%run_scoped3A : memref<!tpu.dma_semaphore, #tpu.memory_space<semaphore_mem>>) src(%arg28 : memref<80x64xf32, #tpu.memory_space<vmem>>) dst(%dma_wait3A_463 : memref<80x64xf32, #tpu.memory_space<vmem_shared>>)
      tpu.yield
    }) : () -> ()
    %convert_element_type3A_435 = arith.extui %eq3A_0 : i1 to i32
    %cond3A_436 = arith.constant 0 : i32
    %cond3A_437 = arith.cmpi ne, %convert_element_type3A_435, %cond3A_436 : i32
    scf.if %cond3A_437 {
      %dma_start3A = arith.constant 0 : i32
      %dma_start3A_457 = tpu.memref_slice %arg13[%mul3A_35, %dma_start3A] : memref<5120x64xf32, #tpu.memory_space<hbm>> -> memref<320x64xf32, #tpu.memory_space<hbm>>
      %dma_start3A_458 = arith.constant 0 : i32
      %dma_start3A_459 = tpu.memref_slice %arg20[%mul3A_35, %dma_start3A_458] : memref<5120x64xf32, #tpu.memory_space<vmem_shared>> -> memref<320x64xf32, #tpu.memory_space<vmem_shared>>
      tpu.enqueue_dma source(%dma_start3A_459 : memref<320x64xf32, #tpu.memory_space<vmem_shared>>) target(%dma_start3A_457 : memref<320x64xf32, #tpu.memory_space<hbm>>) target_semaphore(%arg31 : memref<!tpu.dma_semaphore, #tpu.memory_space<semaphore_mem>>)
    } else {
    }
    %not3A_438 = arith.constant true
    %not3A_439 = arith.xori %eq3A_0, %not3A_438 : i1
    %convert_element_type3A_440 = arith.extui %not3A_439 : i1 to i32
    %cond3A_441 = arith.constant 0 : i32
    %cond3A_442 = arith.cmpi ne, %convert_element_type3A_440, %cond3A_441 : i32
    scf.if %cond3A_442 {
      %dma_start3A = arith.constant 0 : i32
      %dma_start3A_457 = tpu.memref_slice %arg14[%mul3A_35, %dma_start3A] : memref<5120x64xf32, #tpu.memory_space<hbm>> -> memref<320x64xf32, #tpu.memory_space<hbm>>
      %dma_start3A_458 = arith.constant 0 : i32
      %dma_start3A_459 = tpu.memref_slice %arg20[%mul3A_35, %dma_start3A_458] : memref<5120x64xf32, #tpu.memory_space<vmem_shared>> -> memref<320x64xf32, #tpu.memory_space<vmem_shared>>
      tpu.enqueue_dma source(%dma_start3A_459 : memref<320x64xf32, #tpu.memory_space<vmem_shared>>) target(%dma_start3A_457 : memref<320x64xf32, #tpu.memory_space<hbm>>) target_semaphore(%arg31 : memref<!tpu.dma_semaphore, #tpu.memory_space<semaphore_mem>>)
    } else {
    }
    %barrier3A = arith.constant 0 : index
    tpu.barrier barrier_id(%barrier3A)
    %scan3A = arith.constant 0 : i32
    %scan3A_443 = arith.constant 0 : i32
    %scan3A_444 = arith.constant 10 : i32
    %scan3A_445 = arith.addi %scan3A_443, %scan3A_444 : i32
    %scan3A_446 = arith.constant 1 : i32
    scf.for %scan3A_457 = %scan3A_443 to %scan3A_445 step %scan3A_446  : i32 {
      %mul3A_458 = arith.constant 20000 : i32
      %mul3A_459 = arith.muli %arg1, %mul3A_458 : i32
      %mul3A_460 = arith.constant 2000 : i32
      %mul3A_461 = arith.muli %scan3A_457, %mul3A_460 : i32
      %add3A_462 = arith.addi %mul3A_459, %mul3A_461 : i32
      "tpu.region"() ({
        %run_scoped3A = tpu.sem_alloc : memref<!tpu.dma_semaphore, #tpu.memory_space<semaphore_mem>>
        %dma_start3A_477 = tpu.memref_slice %arg6[%add3A_462] : memref<320000xi32, #tpu.memory_space<hbm>> -> memref<2000xi32, #tpu.memory_space<hbm>>
        %dma_start3A_478 = tpu.memref_slice %arg6[%add3A_462] : memref<320000xi32, #tpu.memory_space<hbm>> -> memref<2000xi32, #tpu.memory_space<hbm>>
        tpu.enqueue_dma source(%dma_start3A_478 : memref<2000xi32, #tpu.memory_space<hbm>>) target(%arg21 : memref<2000xi32, #tpu.memory_space<vmem>>) target_semaphore(%run_scoped3A : memref<!tpu.dma_semaphore, #tpu.memory_space<semaphore_mem>>)
        %dma_wait3A_479 = tpu.memref_slice %arg6[%add3A_462] : memref<320000xi32, #tpu.memory_space<hbm>> -> memref<2000xi32, #tpu.memory_space<hbm>>
        %dma_wait3A_480 = tpu.memref_slice %arg6[%add3A_462] : memref<320000xi32, #tpu.memory_space<hbm>> -> memref<2000xi32, #tpu.memory_space<hbm>>
        tpu.wait_dma2 semaphore(%run_scoped3A : memref<!tpu.dma_semaphore, #tpu.memory_space<semaphore_mem>>) src(%dma_wait3A_480 : memref<2000xi32, #tpu.memory_space<hbm>>) dst(%arg21 : memref<2000xi32, #tpu.memory_space<vmem>>)
        tpu.yield
      }) : () -> ()
      "tpu.region"() ({
        %run_scoped3A = tpu.sem_alloc : memref<!tpu.dma_semaphore, #tpu.memory_space<semaphore_mem>>
        %dma_start3A_477 = tpu.memref_slice %arg7[%add3A_462] : memref<320000xi32, #tpu.memory_space<hbm>> -> memref<2000xi32, #tpu.memory_space<hbm>>
        %dma_start3A_478 = tpu.memref_slice %arg7[%add3A_462] : memref<320000xi32, #tpu.memory_space<hbm>> -> memref<2000xi32, #tpu.memory_space<hbm>>
        tpu.enqueue_dma source(%dma_start3A_478 : memref<2000xi32, #tpu.memory_space<hbm>>) target(%arg22 : memref<2000xi32, #tpu.memory_space<vmem>>) target_semaphore(%run_scoped3A : memref<!tpu.dma_semaphore, #tpu.memory_space<semaphore_mem>>)
        %dma_wait3A_479 = tpu.memref_slice %arg7[%add3A_462] : memref<320000xi32, #tpu.memory_space<hbm>> -> memref<2000xi32, #tpu.memory_space<hbm>>
        %dma_wait3A_480 = tpu.memref_slice %arg7[%add3A_462] : memref<320000xi32, #tpu.memory_space<hbm>> -> memref<2000xi32, #tpu.memory_space<hbm>>
        tpu.wait_dma2 semaphore(%run_scoped3A : memref<!tpu.dma_semaphore, #tpu.memory_space<semaphore_mem>>) src(%dma_wait3A_480 : memref<2000xi32, #tpu.memory_space<hbm>>) dst(%arg22 : memref<2000xi32, #tpu.memory_space<vmem>>)
        tpu.yield
      }) : () -> ()
      "tpu.region"() ({
        %run_scoped3A = tpu.sem_alloc : memref<!tpu.dma_semaphore, #tpu.memory_space<semaphore_mem>>
        %dma_start3A_477 = tpu.memref_slice %arg8[%add3A_462] : memref<320000xi32, #tpu.memory_space<hbm>> -> memref<2000xi32, #tpu.memory_space<hbm>>
        %dma_start3A_478 = tpu.memref_slice %arg8[%add3A_462] : memref<320000xi32, #tpu.memory_space<hbm>> -> memref<2000xi32, #tpu.memory_space<hbm>>
        tpu.enqueue_dma source(%dma_start3A_478 : memref<2000xi32, #tpu.memory_space<hbm>>) target(%arg23 : memref<2000xi32, #tpu.memory_space<vmem>>) target_semaphore(%run_scoped3A : memref<!tpu.dma_semaphore, #tpu.memory_space<semaphore_mem>>)
        %dma_wait3A_479 = tpu.memref_slice %arg8[%add3A_462] : memref<320000xi32, #tpu.memory_space<hbm>> -> memref<2000xi32, #tpu.memory_space<hbm>>
        %dma_wait3A_480 = tpu.memref_slice %arg8[%add3A_462] : memref<320000xi32, #tpu.memory_space<hbm>> -> memref<2000xi32, #tpu.memory_space<hbm>>
        tpu.wait_dma2 semaphore(%run_scoped3A : memref<!tpu.dma_semaphore, #tpu.memory_space<semaphore_mem>>) src(%dma_wait3A_480 : memref<2000xi32, #tpu.memory_space<hbm>>) dst(%arg23 : memref<2000xi32, #tpu.memory_space<vmem>>)
        tpu.yield
      }) : () -> ()
      %dma_start3A = arith.constant 0 : i32
      %dma_start3A_463 = tpu.memref_slice %arg23[%dma_start3A] : memref<2000xi32, #tpu.memory_space<vmem>> -> memref<80xi32, #tpu.memory_space<vmem>>
      %dma_start3A_464 = arith.constant 0 : i32
      %dma_start3A_465 = tpu.memref_slice %arg9[%dma_start3A_464] : memref<480000xi32, #tpu.memory_space<hbm>> -> memref<480000xi32, #tpu.memory_space<hbm>>
      tpu.enqueue_indirect_dma source(%dma_start3A_465 : memref<480000xi32, #tpu.memory_space<hbm>>) target(%arg25 : memref<80xi32, #tpu.memory_space<vmem>>) offsets(%dma_start3A_463 : memref<80xi32, #tpu.memory_space<vmem>>) semaphore(%arg32 : memref<!tpu.dma_semaphore, #tpu.memory_space<semaphore_mem>>)
      %dma_start3A_466 = arith.constant 0 : i32
      %dma_start3A_467 = tpu.memref_slice %arg21[%dma_start3A_466] : memref<2000xi32, #tpu.memory_space<vmem>> -> memref<80xi32, #tpu.memory_space<vmem>>
      %dma_start3A_468 = arith.constant 0 : i32
      %dma_start3A_469 = arith.constant 0 : i32
      %dma_start3A_470 = tpu.memref_slice %arg20[%dma_start3A_468, %dma_start3A_469] : memref<5120x64xf32, #tpu.memory_space<vmem_shared>> -> memref<5120x64xf32, #tpu.memory_space<vmem_shared>>
      tpu.enqueue_indirect_dma source(%dma_start3A_470 : memref<5120x64xf32, #tpu.memory_space<vmem_shared>>) target(%arg27 : memref<80x64xf32, #tpu.memory_space<vmem>>) offsets(%dma_start3A_467 : memref<80xi32, #tpu.memory_space<vmem>>) semaphore(%arg34 : memref<!tpu.dma_semaphore, #tpu.memory_space<semaphore_mem>>)
      %scan3A_471 = arith.constant 0 : i32
      %scan3A_472 = arith.constant 0 : i32
      %scan3A_473 = arith.constant 25 : i32
      %scan3A_474 = arith.addi %scan3A_472, %scan3A_473 : i32
      %scan3A_475 = arith.constant 1 : i32
      scf.for %scan3A_477 = %scan3A_472 to %scan3A_474 step %scan3A_475  : i32 {
        %mul3A_478 = arith.constant 80 : i32
        %mul3A_479 = arith.muli %scan3A_477, %mul3A_478 : i32
        %jit3A = arith.constant 2 : i32
        %eq3A_480 = arith.constant 0 : i32
        %eq3A_481 = arith.cmpi eq, %jit3A, %eq3A_480 : i32
        %jit3A_482 = arith.constant 1 : i32
        %select_n3A_483 = arith.select %eq3A_481, %jit3A_482, %jit3A : i32
        %rem3A = arith.remsi %scan3A_477, %select_n3A_483 : i32
        %ne3A = arith.constant 0 : i32
        %ne3A_484 = arith.cmpi ne, %rem3A, %ne3A : i32
        %lt3A = arith.constant 0 : i32
        %lt3A_485 = arith.cmpi slt, %rem3A, %lt3A : i32
        %lt3A_486 = arith.constant 0 : i32
        %lt3A_487 = arith.cmpi slt, %select_n3A_483, %lt3A_486 : i32
        %ne3A_488 = arith.xori %lt3A_485, %lt3A_487 : i1
        %and3A = arith.andi %ne3A_488, %ne3A_484 : i1
        %add3A_489 = arith.addi %rem3A, %select_n3A_483 : i32
        %select_n3A_490 = arith.select %and3A, %add3A_489, %rem3A : i32
        %eq3A_491 = arith.constant 0 : i32
        %eq3A_492 = arith.cmpi eq, %select_n3A_490, %eq3A_491 : i32
        %convert_element_type3A_493 = arith.extui %eq3A_492 : i1 to i32
        %cond3A_494 = arith.constant 0 : i32
        %cond3A_495 = arith.cmpi ne, %convert_element_type3A_493, %cond3A_494 : i32
        scf.if %cond3A_495 {
          %add3A_517 = arith.constant 1 : i32
          %add3A_518 = arith.addi %scan3A_477, %add3A_517 : i32
          %lt3A_519 = arith.constant 25 : i32
          %lt3A_520 = arith.cmpi slt, %add3A_518, %lt3A_519 : i32
          %convert_element_type3A_521 = arith.extui %lt3A_520 : i1 to i32
          %cond3A_522 = arith.constant 0 : i32
          %cond3A_523 = arith.cmpi ne, %convert_element_type3A_521, %cond3A_522 : i32
          scf.if %cond3A_523 {
            %add3A_617 = arith.constant 80 : i32
            %add3A_618 = arith.addi %mul3A_479, %add3A_617 : i32
            %dma_start3A_619 = tpu.memref_slice %arg23[%add3A_618] : memref<2000xi32, #tpu.memory_space<vmem>> -> memref<80xi32, #tpu.memory_space<vmem>>
            %dma_start3A_620 = arith.constant 0 : i32
            %dma_start3A_621 = tpu.memref_slice %arg9[%dma_start3A_620] : memref<480000xi32, #tpu.memory_space<hbm>> -> memref<480000xi32, #tpu.memory_space<hbm>>
            tpu.enqueue_indirect_dma source(%dma_start3A_621 : memref<480000xi32, #tpu.memory_space<hbm>>) target(%arg26 : memref<80xi32, #tpu.memory_space<vmem>>) offsets(%dma_start3A_619 : memref<80xi32, #tpu.memory_space<vmem>>) semaphore(%arg33 : memref<!tpu.dma_semaphore, #tpu.memory_space<semaphore_mem>>)
            %add3A_622 = arith.constant 80 : i32
            %add3A_623 = arith.addi %mul3A_479, %add3A_622 : i32
            %dma_start3A_624 = tpu.memref_slice %arg21[%add3A_623] : memref<2000xi32, #tpu.memory_space<vmem>> -> memref<80xi32, #tpu.memory_space<vmem>>
            %dma_start3A_625 = arith.constant 0 : i32
            %dma_start3A_626 = arith.constant 0 : i32
            %dma_start3A_627 = tpu.memref_slice %arg20[%dma_start3A_625, %dma_start3A_626] : memref<5120x64xf32, #tpu.memory_space<vmem_shared>> -> memref<5120x64xf32, #tpu.memory_space<vmem_shared>>
            tpu.enqueue_indirect_dma source(%dma_start3A_627 : memref<5120x64xf32, #tpu.memory_space<vmem_shared>>) target(%arg28 : memref<80x64xf32, #tpu.memory_space<vmem>>) offsets(%dma_start3A_624 : memref<80xi32, #tpu.memory_space<vmem>>) semaphore(%arg35 : memref<!tpu.dma_semaphore, #tpu.memory_space<semaphore_mem>>)
          } else {
          }
          %dma_wait3A_524 = arith.constant 0 : i32
          %dma_wait3A_525 = tpu.memref_slice %arg9[%dma_wait3A_524] : memref<480000xi32, #tpu.memory_space<hbm>> -> memref<80xi32, #tpu.memory_space<hbm>>
          %dma_wait3A_526 = arith.constant 0 : i32
          %dma_wait3A_527 = tpu.memref_slice %arg9[%dma_wait3A_526] : memref<480000xi32, #tpu.memory_space<hbm>> -> memref<80xi32, #tpu.memory_space<hbm>>
          tpu.wait_dma2 semaphore(%arg32 : memref<!tpu.dma_semaphore, #tpu.memory_space<semaphore_mem>>) src(%dma_wait3A_527 : memref<80xi32, #tpu.memory_space<hbm>>) dst(%arg25 : memref<80xi32, #tpu.memory_space<vmem>>)
          %get3A_528 = arith.constant 0 : index
          %get3A_529 = tpu.vector_load %arg25[%get3A_528] {strides = array<i32>} : memref<80xi32, #tpu.memory_space<vmem>>, vector<16xi32>,
          %get3A_530 = vector.shape_cast %get3A_529 : vector<16xi32> to vector<16xi32>
          %add3A_531 = arith.constant 0 : i32
          %add3A_532 = arith.addi %mul3A_479, %add3A_531 : i32
          %get3A_533 = arith.index_cast %add3A_532 : i32 to index
          %get3A_534 = tpu.vector_load %arg22[%get3A_533] {strides = array<i32>} : memref<2000xi32, #tpu.memory_space<vmem>>, vector<16xi32>,
          %get3A_535 = vector.shape_cast %get3A_534 : vector<16xi32> to vector<16xi32>
          %mul3A_536 = arith.constant 5000 : i32
          %mul3A_537 = vector.broadcast %mul3A_536 : i32 to vector<16xi32>
          %mul3A_538 = arith.muli %get3A_530, %mul3A_537 : vector<16xi32>
          %add3A_539 = arith.addi %mul3A_538, %get3A_535 : vector<16xi32>
          %swap3A_540 = arith.constant 0 : index
          %swap3A_541 = tpu.vector_load %arg24[%swap3A_540] {strides = array<i32>} : memref<80xi32, #tpu.memory_space<vmem>>, vector<16xi32>,
          %swap3A_542 = vector.shape_cast %swap3A_541 : vector<16xi32> to vector<16xi32>
          %swap3A_543 = vector.shape_cast %add3A_539 : vector<16xi32> to vector<16xi32>
          tpu.vector_store %arg24[%swap3A_540], %swap3A_543 {strides = array<i32>} : memref<80xi32, #tpu.memory_space<vmem>>, vector<16xi32>,
          %get3A_544 = arith.constant 16 : index
          %get3A_545 = tpu.vector_load %arg25[%get3A_544] {strides = array<i32>} : memref<80xi32, #tpu.memory_space<vmem>>, vector<16xi32>,
          %get3A_546 = vector.shape_cast %get3A_545 : vector<16xi32> to vector<16xi32>
          %add3A_547 = arith.constant 16 : i32
          %add3A_548 = arith.addi %mul3A_479, %add3A_547 : i32
          %get3A_549 = arith.index_cast %add3A_548 : i32 to index
          %get3A_550 = tpu.vector_load %arg22[%get3A_549] {strides = array<i32>} : memref<2000xi32, #tpu.memory_space<vmem>>, vector<16xi32>,
          %get3A_551 = vector.shape_cast %get3A_550 : vector<16xi32> to vector<16xi32>
          %mul3A_552 = arith.constant 5000 : i32
          %mul3A_553 = vector.broadcast %mul3A_552 : i32 to vector<16xi32>
          %mul3A_554 = arith.muli %get3A_546, %mul3A_553 : vector<16xi32>
          %add3A_555 = arith.addi %mul3A_554, %get3A_551 : vector<16xi32>
          %swap3A_556 = arith.constant 16 : index
          %swap3A_557 = tpu.vector_load %arg24[%swap3A_556] {strides = array<i32>} : memref<80xi32, #tpu.memory_space<vmem>>, vector<16xi32>,
          %swap3A_558 = vector.shape_cast %swap3A_557 : vector<16xi32> to vector<16xi32>
          %swap3A_559 = vector.shape_cast %add3A_555 : vector<16xi32> to vector<16xi32>
          tpu.vector_store %arg24[%swap3A_556], %swap3A_559 {strides = array<i32>} : memref<80xi32, #tpu.memory_space<vmem>>, vector<16xi32>,
          %get3A_560 = arith.constant 32 : index
          %get3A_561 = tpu.vector_load %arg25[%get3A_560] {strides = array<i32>} : memref<80xi32, #tpu.memory_space<vmem>>, vector<16xi32>,
          %get3A_562 = vector.shape_cast %get3A_561 : vector<16xi32> to vector<16xi32>
          %add3A_563 = arith.constant 32 : i32
          %add3A_564 = arith.addi %mul3A_479, %add3A_563 : i32
          %get3A_565 = arith.index_cast %add3A_564 : i32 to index
          %get3A_566 = tpu.vector_load %arg22[%get3A_565] {strides = array<i32>} : memref<2000xi32, #tpu.memory_space<vmem>>, vector<16xi32>,
          %get3A_567 = vector.shape_cast %get3A_566 : vector<16xi32> to vector<16xi32>
          %mul3A_568 = arith.constant 5000 : i32
          %mul3A_569 = vector.broadcast %mul3A_568 : i32 to vector<16xi32>
          %mul3A_570 = arith.muli %get3A_562, %mul3A_569 : vector<16xi32>
          %add3A_571 = arith.addi %mul3A_570, %get3A_567 : vector<16xi32>
          %swap3A_572 = arith.constant 32 : index
          %swap3A_573 = tpu.vector_load %arg24[%swap3A_572] {strides = array<i32>} : memref<80xi32, #tpu.memory_space<vmem>>, vector<16xi32>,
          %swap3A_574 = vector.shape_cast %swap3A_573 : vector<16xi32> to vector<16xi32>
          %swap3A_575 = vector.shape_cast %add3A_571 : vector<16xi32> to vector<16xi32>
          tpu.vector_store %arg24[%swap3A_572], %swap3A_575 {strides = array<i32>} : memref<80xi32, #tpu.memory_space<vmem>>, vector<16xi32>,
          %get3A_576 = arith.constant 48 : index
          %get3A_577 = tpu.vector_load %arg25[%get3A_576] {strides = array<i32>} : memref<80xi32, #tpu.memory_space<vmem>>, vector<16xi32>,
          %get3A_578 = vector.shape_cast %get3A_577 : vector<16xi32> to vector<16xi32>
          %add3A_579 = arith.constant 48 : i32
          %add3A_580 = arith.addi %mul3A_479, %add3A_579 : i32
          %get3A_581 = arith.index_cast %add3A_580 : i32 to index
          %get3A_582 = tpu.vector_load %arg22[%get3A_581] {strides = array<i32>} : memref<2000xi32, #tpu.memory_space<vmem>>, vector<16xi32>,
          %get3A_583 = vector.shape_cast %get3A_582 : vector<16xi32> to vector<16xi32>
          %mul3A_584 = arith.constant 5000 : i32
          %mul3A_585 = vector.broadcast %mul3A_584 : i32 to vector<16xi32>
          %mul3A_586 = arith.muli %get3A_578, %mul3A_585 : vector<16xi32>
          %add3A_587 = arith.addi %mul3A_586, %get3A_583 : vector<16xi32>
          %swap3A_588 = arith.constant 48 : index
          %swap3A_589 = tpu.vector_load %arg24[%swap3A_588] {strides = array<i32>} : memref<80xi32, #tpu.memory_space<vmem>>, vector<16xi32>,
          %swap3A_590 = vector.shape_cast %swap3A_589 : vector<16xi32> to vector<16xi32>
          %swap3A_591 = vector.shape_cast %add3A_587 : vector<16xi32> to vector<16xi32>
          tpu.vector_store %arg24[%swap3A_588], %swap3A_591 {strides = array<i32>} : memref<80xi32, #tpu.memory_space<vmem>>, vector<16xi32>,
          %get3A_592 = arith.constant 64 : index
          %get3A_593 = tpu.vector_load %arg25[%get3A_592] {strides = array<i32>} : memref<80xi32, #tpu.memory_space<vmem>>, vector<16xi32>,
          %get3A_594 = vector.shape_cast %get3A_593 : vector<16xi32> to vector<16xi32>
          %add3A_595 = arith.constant 64 : i32
          %add3A_596 = arith.addi %mul3A_479, %add3A_595 : i32
          %get3A_597 = arith.index_cast %add3A_596 : i32 to index
          %get3A_598 = tpu.vector_load %arg22[%get3A_597] {strides = array<i32>} : memref<2000xi32, #tpu.memory_space<vmem>>, vector<16xi32>,
          %get3A_599 = vector.shape_cast %get3A_598 : vector<16xi32> to vector<16xi32>
          %mul3A_600 = arith.constant 5000 : i32
          %mul3A_601 = vector.broadcast %mul3A_600 : i32 to vector<16xi32>
          %mul3A_602 = arith.muli %get3A_594, %mul3A_601 : vector<16xi32>
          %add3A_603 = arith.addi %mul3A_602, %get3A_599 : vector<16xi32>
          %swap3A_604 = arith.constant 64 : index
          %swap3A_605 = tpu.vector_load %arg24[%swap3A_604] {strides = array<i32>} : memref<80xi32, #tpu.memory_space<vmem>>, vector<16xi32>,
          %swap3A_606 = vector.shape_cast %swap3A_605 : vector<16xi32> to vector<16xi32>
          %swap3A_607 = vector.shape_cast %add3A_603 : vector<16xi32> to vector<16xi32>
          tpu.vector_store %arg24[%swap3A_604], %swap3A_607 {strides = array<i32>} : memref<80xi32, #tpu.memory_space<vmem>>, vector<16xi32>,
          %dma_wait3A_608 = arith.constant 0 : i32
          %dma_wait3A_609 = arith.constant 0 : i32
          %dma_wait3A_610 = tpu.memref_slice %arg20[%dma_wait3A_608, %dma_wait3A_609] : memref<5120x64xf32, #tpu.memory_space<vmem_shared>> -> memref<80x64xf32, #tpu.memory_space<vmem_shared>>
          %dma_wait3A_611 = arith.constant 0 : i32
          %dma_wait3A_612 = arith.constant 0 : i32
          %dma_wait3A_613 = tpu.memref_slice %arg20[%dma_wait3A_611, %dma_wait3A_612] : memref<5120x64xf32, #tpu.memory_space<vmem_shared>> -> memref<80x64xf32, #tpu.memory_space<vmem_shared>>
          tpu.wait_dma2 semaphore(%arg34 : memref<!tpu.dma_semaphore, #tpu.memory_space<semaphore_mem>>) src(%dma_wait3A_613 : memref<80x64xf32, #tpu.memory_space<vmem_shared>>) dst(%arg27 : memref<80x64xf32, #tpu.memory_space<vmem>>)
          "tpu.region"() ({
            %run_scoped3A = tpu.sem_alloc : memref<!tpu.dma_semaphore, #tpu.memory_space<semaphore_mem>>
            %dma_start3A_617 = arith.constant 0 : i32
            %dma_start3A_618 = arith.constant 0 : i32
            %dma_start3A_619 = tpu.memref_slice %arg18[%dma_start3A_617, %dma_start3A_618] : memref<20480x64xf32, #tpu.memory_space<vmem_shared>> -> memref<20480x64xf32, #tpu.memory_space<vmem_shared>>
            tpu.enqueue_indirect_dma source(%arg27 : memref<80x64xf32, #tpu.memory_space<vmem>>) target(%dma_start3A_619 : memref<20480x64xf32, #tpu.memory_space<vmem_shared>>) offsets(%arg24 : memref<80xi32, #tpu.memory_space<vmem>>) semaphore(%run_scoped3A : memref<!tpu.dma_semaphore, #tpu.memory_space<semaphore_mem>>) {add = true}
            %dma_wait3A_620 = arith.constant 0 : i32
            %dma_wait3A_621 = arith.constant 0 : i32
            %dma_wait3A_622 = tpu.memref_slice %arg18[%dma_wait3A_620, %dma_wait3A_621] : memref<20480x64xf32, #tpu.memory_space<vmem_shared>> -> memref<20480x64xf32, #tpu.memory_space<vmem_shared>>
            tpu.wait_indirect_dma semaphore(%run_scoped3A : memref<!tpu.dma_semaphore, #tpu.memory_space<semaphore_mem>>) src(%arg27 : memref<80x64xf32, #tpu.memory_space<vmem>>) dst(%dma_wait3A_622 : memref<20480x64xf32, #tpu.memory_space<vmem_shared>>)
            tpu.yield
          }) : () -> ()
          %convert_element_type3A_614 = arith.extui %eq3A_0 : i1 to i32
          %cond3A_615 = arith.constant 0 : i32
          %cond3A_616 = arith.cmpi ne, %convert_element_type3A_614, %cond3A_615 : i32
          scf.if %cond3A_616 {
            "tpu.region"() ({
              %run_scoped3A = tpu.sem_alloc : memref<!tpu.dma_semaphore, #tpu.memory_space<semaphore_mem>>
              %dma_start3A_617 = arith.constant 0 : i32
              %dma_start3A_618 = arith.constant 0 : i32
              %dma_start3A_619 = tpu.memref_slice %arg19[%dma_start3A_617, %dma_start3A_618] : memref<20480x8xf32, #tpu.memory_space<vmem_shared>> -> memref<20480x8xf32, #tpu.memory_space<vmem_shared>>
              tpu.enqueue_indirect_dma source(%arg29 : memref<80x8xf32, #tpu.memory_space<vmem>>) target(%dma_start3A_619 : memref<20480x8xf32, #tpu.memory_space<vmem_shared>>) offsets(%arg24 : memref<80xi32, #tpu.memory_space<vmem>>) semaphore(%run_scoped3A : memref<!tpu.dma_semaphore, #tpu.memory_space<semaphore_mem>>) {add = true}
              %dma_wait3A_620 = arith.constant 0 : i32
              %dma_wait3A_621 = arith.constant 0 : i32
              %dma_wait3A_622 = tpu.memref_slice %arg19[%dma_wait3A_620, %dma_wait3A_621] : memref<20480x8xf32, #tpu.memory_space<vmem_shared>> -> memref<20480x8xf32, #tpu.memory_space<vmem_shared>>
              tpu.wait_indirect_dma semaphore(%run_scoped3A : memref<!tpu.dma_semaphore, #tpu.memory_space<semaphore_mem>>) src(%arg29 : memref<80x8xf32, #tpu.memory_space<vmem>>) dst(%dma_wait3A_622 : memref<20480x8xf32, #tpu.memory_space<vmem_shared>>)
              tpu.yield
            }) : () -> ()
          } else {
          }
        } else {
        }
        %jit3A_496 = arith.constant 2 : i32
        %eq3A_497 = arith.constant 0 : i32
        %eq3A_498 = arith.cmpi eq, %jit3A_496, %eq3A_497 : i32
        %jit3A_499 = arith.constant 1 : i32
        %select_n3A_500 = arith.select %eq3A_498, %jit3A_499, %jit3A_496 : i32
        %rem3A_501 = arith.remsi %scan3A_477, %select_n3A_500 : i32
        %ne3A_502 = arith.constant 0 : i32
        %ne3A_503 = arith.cmpi ne, %rem3A_501, %ne3A_502 : i32
        %lt3A_504 = arith.constant 0 : i32
        %lt3A_505 = arith.cmpi slt, %rem3A_501, %lt3A_504 : i32
        %lt3A_506 = arith.constant 0 : i32
        %lt3A_507 = arith.cmpi slt, %select_n3A_500, %lt3A_506 : i32
        %ne3A_508 = arith.xori %lt3A_505, %lt3A_507 : i1
        %and3A_509 = arith.andi %ne3A_508, %ne3A_503 : i1
        %add3A_510 = arith.addi %rem3A_501, %select_n3A_500 : i32
        %select_n3A_511 = arith.select %and3A_509, %add3A_510, %rem3A_501 : i32
        %eq3A_512 = arith.constant 1 : i32
        %eq3A_513 = arith.cmpi eq, %select_n3A_511, %eq3A_512 : i32
        %convert_element_type3A_514 = arith.extui %eq3A_513 : i1 to i32
        %cond3A_515 = arith.constant 0 : i32
        %cond3A_516 = arith.cmpi ne, %convert_element_type3A_514, %cond3A_515 : i32
        scf.if %cond3A_516 {
          %add3A_517 = arith.constant 1 : i32
          %add3A_518 = arith.addi %scan3A_477, %add3A_517 : i32
          %lt3A_519 = arith.constant 25 : i32
          %lt3A_520 = arith.cmpi slt, %add3A_518, %lt3A_519 : i32
          %convert_element_type3A_521 = arith.extui %lt3A_520 : i1 to i32
          %cond3A_522 = arith.constant 0 : i32
          %cond3A_523 = arith.cmpi ne, %convert_element_type3A_521, %cond3A_522 : i32
          scf.if %cond3A_523 {
            %add3A_617 = arith.constant 80 : i32
            %add3A_618 = arith.addi %mul3A_479, %add3A_617 : i32
            %dma_start3A_619 = tpu.memref_slice %arg23[%add3A_618] : memref<2000xi32, #tpu.memory_space<vmem>> -> memref<80xi32, #tpu.memory_space<vmem>>
            %dma_start3A_620 = arith.constant 0 : i32
            %dma_start3A_621 = tpu.memref_slice %arg9[%dma_start3A_620] : memref<480000xi32, #tpu.memory_space<hbm>> -> memref<480000xi32, #tpu.memory_space<hbm>>
            tpu.enqueue_indirect_dma source(%dma_start3A_621 : memref<480000xi32, #tpu.memory_space<hbm>>) target(%arg25 : memref<80xi32, #tpu.memory_space<vmem>>) offsets(%dma_start3A_619 : memref<80xi32, #tpu.memory_space<vmem>>) semaphore(%arg32 : memref<!tpu.dma_semaphore, #tpu.memory_space<semaphore_mem>>)
            %add3A_622 = arith.constant 80 : i32
            %add3A_623 = arith.addi %mul3A_479, %add3A_622 : i32
            %dma_start3A_624 = tpu.memref_slice %arg21[%add3A_623] : memref<2000xi32, #tpu.memory_space<vmem>> -> memref<80xi32, #tpu.memory_space<vmem>>
            %dma_start3A_625 = arith.constant 0 : i32
            %dma_start3A_626 = arith.constant 0 : i32
            %dma_start3A_627 = tpu.memref_slice %arg20[%dma_start3A_625, %dma_start3A_626] : memref<5120x64xf32, #tpu.memory_space<vmem_shared>> -> memref<5120x64xf32, #tpu.memory_space<vmem_shared>>
            tpu.enqueue_indirect_dma source(%dma_start3A_627 : memref<5120x64xf32, #tpu.memory_space<vmem_shared>>) target(%arg27 : memref<80x64xf32, #tpu.memory_space<vmem>>) offsets(%dma_start3A_624 : memref<80xi32, #tpu.memory_space<vmem>>) semaphore(%arg34 : memref<!tpu.dma_semaphore, #tpu.memory_space<semaphore_mem>>)
          } else {
          }
          %dma_wait3A_524 = arith.constant 0 : i32
          %dma_wait3A_525 = tpu.memref_slice %arg9[%dma_wait3A_524] : memref<480000xi32, #tpu.memory_space<hbm>> -> memref<80xi32, #tpu.memory_space<hbm>>
          %dma_wait3A_526 = arith.constant 0 : i32
          %dma_wait3A_527 = tpu.memref_slice %arg9[%dma_wait3A_526] : memref<480000xi32, #tpu.memory_space<hbm>> -> memref<80xi32, #tpu.memory_space<hbm>>
          tpu.wait_dma2 semaphore(%arg33 : memref<!tpu.dma_semaphore, #tpu.memory_space<semaphore_mem>>) src(%dma_wait3A_527 : memref<80xi32, #tpu.memory_space<hbm>>) dst(%arg26 : memref<80xi32, #tpu.memory_space<vmem>>)
          %get3A_528 = arith.constant 0 : index
          %get3A_529 = tpu.vector_load %arg26[%get3A_528] {strides = array<i32>} : memref<80xi32, #tpu.memory_space<vmem>>, vector<16xi32>,
          %get3A_530 = vector.shape_cast %get3A_529 : vector<16xi32> to vector<16xi32>
          %add3A_531 = arith.constant 0 : i32
          %add3A_532 = arith.addi %mul3A_479, %add3A_531 : i32
          %get3A_533 = arith.index_cast %add3A_532 : i32 to index
          %get3A_534 = tpu.vector_load %arg22[%get3A_533] {strides = array<i32>} : memref<2000xi32, #tpu.memory_space<vmem>>, vector<16xi32>,
          %get3A_535 = vector.shape_cast %get3A_534 : vector<16xi32> to vector<16xi32>
          %mul3A_536 = arith.constant 5000 : i32
          %mul3A_537 = vector.broadcast %mul3A_536 : i32 to vector<16xi32>
          %mul3A_538 = arith.muli %get3A_530, %mul3A_537 : vector<16xi32>
          %add3A_539 = arith.addi %mul3A_538, %get3A_535 : vector<16xi32>
          %swap3A_540 = arith.constant 0 : index
          %swap3A_541 = tpu.vector_load %arg24[%swap3A_540] {strides = array<i32>} : memref<80xi32, #tpu.memory_space<vmem>>, vector<16xi32>,
          %swap3A_542 = vector.shape_cast %swap3A_541 : vector<16xi32> to vector<16xi32>
          %swap3A_543 = vector.shape_cast %add3A_539 : vector<16xi32> to vector<16xi32>
          tpu.vector_store %arg24[%swap3A_540], %swap3A_543 {strides = array<i32>} : memref<80xi32, #tpu.memory_space<vmem>>, vector<16xi32>,
          %get3A_544 = arith.constant 16 : index
          %get3A_545 = tpu.vector_load %arg26[%get3A_544] {strides = array<i32>} : memref<80xi32, #tpu.memory_space<vmem>>, vector<16xi32>,
          %get3A_546 = vector.shape_cast %get3A_545 : vector<16xi32> to vector<16xi32>
          %add3A_547 = arith.constant 16 : i32
          %add3A_548 = arith.addi %mul3A_479, %add3A_547 : i32
          %get3A_549 = arith.index_cast %add3A_548 : i32 to index
          %get3A_550 = tpu.vector_load %arg22[%get3A_549] {strides = array<i32>} : memref<2000xi32, #tpu.memory_space<vmem>>, vector<16xi32>,
          %get3A_551 = vector.shape_cast %get3A_550 : vector<16xi32> to vector<16xi32>
          %mul3A_552 = arith.constant 5000 : i32
          %mul3A_553 = vector.broadcast %mul3A_552 : i32 to vector<16xi32>
          %mul3A_554 = arith.muli %get3A_546, %mul3A_553 : vector<16xi32>
          %add3A_555 = arith.addi %mul3A_554, %get3A_551 : vector<16xi32>
          %swap3A_556 = arith.constant 16 : index
          %swap3A_557 = tpu.vector_load %arg24[%swap3A_556] {strides = array<i32>} : memref<80xi32, #tpu.memory_space<vmem>>, vector<16xi32>,
          %swap3A_558 = vector.shape_cast %swap3A_557 : vector<16xi32> to vector<16xi32>
          %swap3A_559 = vector.shape_cast %add3A_555 : vector<16xi32> to vector<16xi32>
          tpu.vector_store %arg24[%swap3A_556], %swap3A_559 {strides = array<i32>} : memref<80xi32, #tpu.memory_space<vmem>>, vector<16xi32>,
          %get3A_560 = arith.constant 32 : index
          %get3A_561 = tpu.vector_load %arg26[%get3A_560] {strides = array<i32>} : memref<80xi32, #tpu.memory_space<vmem>>, vector<16xi32>,
          %get3A_562 = vector.shape_cast %get3A_561 : vector<16xi32> to vector<16xi32>
          %add3A_563 = arith.constant 32 : i32
          %add3A_564 = arith.addi %mul3A_479, %add3A_563 : i32
          %get3A_565 = arith.index_cast %add3A_564 : i32 to index
          %get3A_566 = tpu.vector_load %arg22[%get3A_565] {strides = array<i32>} : memref<2000xi32, #tpu.memory_space<vmem>>, vector<16xi32>,
          %get3A_567 = vector.shape_cast %get3A_566 : vector<16xi32> to vector<16xi32>
          %mul3A_568 = arith.constant 5000 : i32
          %mul3A_569 = vector.broadcast %mul3A_568 : i32 to vector<16xi32>
          %mul3A_570 = arith.muli %get3A_562, %mul3A_569 : vector<16xi32>
          %add3A_571 = arith.addi %mul3A_570, %get3A_567 : vector<16xi32>
          %swap3A_572 = arith.constant 32 : index
          %swap3A_573 = tpu.vector_load %arg24[%swap3A_572] {strides = array<i32>} : memref<80xi32, #tpu.memory_space<vmem>>, vector<16xi32>,
          %swap3A_574 = vector.shape_cast %swap3A_573 : vector<16xi32> to vector<16xi32>
          %swap3A_575 = vector.shape_cast %add3A_571 : vector<16xi32> to vector<16xi32>
          tpu.vector_store %arg24[%swap3A_572], %swap3A_575 {strides = array<i32>} : memref<80xi32, #tpu.memory_space<vmem>>, vector<16xi32>,
          %get3A_576 = arith.constant 48 : index
          %get3A_577 = tpu.vector_load %arg26[%get3A_576] {strides = array<i32>} : memref<80xi32, #tpu.memory_space<vmem>>, vector<16xi32>,
          %get3A_578 = vector.shape_cast %get3A_577 : vector<16xi32> to vector<16xi32>
          %add3A_579 = arith.constant 48 : i32
          %add3A_580 = arith.addi %mul3A_479, %add3A_579 : i32
          %get3A_581 = arith.index_cast %add3A_580 : i32 to index
          %get3A_582 = tpu.vector_load %arg22[%get3A_581] {strides = array<i32>} : memref<2000xi32, #tpu.memory_space<vmem>>, vector<16xi32>,
          %get3A_583 = vector.shape_cast %get3A_582 : vector<16xi32> to vector<16xi32>
          %mul3A_584 = arith.constant 5000 : i32
          %mul3A_585 = vector.broadcast %mul3A_584 : i32 to vector<16xi32>
          %mul3A_586 = arith.muli %get3A_578, %mul3A_585 : vector<16xi32>
          %add3A_587 = arith.addi %mul3A_586, %get3A_583 : vector<16xi32>
          %swap3A_588 = arith.constant 48 : index
          %swap3A_589 = tpu.vector_load %arg24[%swap3A_588] {strides = array<i32>} : memref<80xi32, #tpu.memory_space<vmem>>, vector<16xi32>,
          %swap3A_590 = vector.shape_cast %swap3A_589 : vector<16xi32> to vector<16xi32>
          %swap3A_591 = vector.shape_cast %add3A_587 : vector<16xi32> to vector<16xi32>
          tpu.vector_store %arg24[%swap3A_588], %swap3A_591 {strides = array<i32>} : memref<80xi32, #tpu.memory_space<vmem>>, vector<16xi32>,
          %get3A_592 = arith.constant 64 : index
          %get3A_593 = tpu.vector_load %arg26[%get3A_592] {strides = array<i32>} : memref<80xi32, #tpu.memory_space<vmem>>, vector<16xi32>,
          %get3A_594 = vector.shape_cast %get3A_593 : vector<16xi32> to vector<16xi32>
          %add3A_595 = arith.constant 64 : i32
          %add3A_596 = arith.addi %mul3A_479, %add3A_595 : i32
          %get3A_597 = arith.index_cast %add3A_596 : i32 to index
          %get3A_598 = tpu.vector_load %arg22[%get3A_597] {strides = array<i32>} : memref<2000xi32, #tpu.memory_space<vmem>>, vector<16xi32>,
          %get3A_599 = vector.shape_cast %get3A_598 : vector<16xi32> to vector<16xi32>
          %mul3A_600 = arith.constant 5000 : i32
          %mul3A_601 = vector.broadcast %mul3A_600 : i32 to vector<16xi32>
          %mul3A_602 = arith.muli %get3A_594, %mul3A_601 : vector<16xi32>
          %add3A_603 = arith.addi %mul3A_602, %get3A_599 : vector<16xi32>
          %swap3A_604 = arith.constant 64 : index
          %swap3A_605 = tpu.vector_load %arg24[%swap3A_604] {strides = array<i32>} : memref<80xi32, #tpu.memory_space<vmem>>, vector<16xi32>,
          %swap3A_606 = vector.shape_cast %swap3A_605 : vector<16xi32> to vector<16xi32>
          %swap3A_607 = vector.shape_cast %add3A_603 : vector<16xi32> to vector<16xi32>
          tpu.vector_store %arg24[%swap3A_604], %swap3A_607 {strides = array<i32>} : memref<80xi32, #tpu.memory_space<vmem>>, vector<16xi32>,
          %dma_wait3A_608 = arith.constant 0 : i32
          %dma_wait3A_609 = arith.constant 0 : i32
          %dma_wait3A_610 = tpu.memref_slice %arg20[%dma_wait3A_608, %dma_wait3A_609] : memref<5120x64xf32, #tpu.memory_space<vmem_shared>> -> memref<80x64xf32, #tpu.memory_space<vmem_shared>>
          %dma_wait3A_611 = arith.constant 0 : i32
          %dma_wait3A_612 = arith.constant 0 : i32
          %dma_wait3A_613 = tpu.memref_slice %arg20[%dma_wait3A_611, %dma_wait3A_612] : memref<5120x64xf32, #tpu.memory_space<vmem_shared>> -> memref<80x64xf32, #tpu.memory_space<vmem_shared>>
          tpu.wait_dma2 semaphore(%arg35 : memref<!tpu.dma_semaphore, #tpu.memory_space<semaphore_mem>>) src(%dma_wait3A_613 : memref<80x64xf32, #tpu.memory_space<vmem_shared>>) dst(%arg28 : memref<80x64xf32, #tpu.memory_space<vmem>>)
          "tpu.region"() ({
            %run_scoped3A = tpu.sem_alloc : memref<!tpu.dma_semaphore, #tpu.memory_space<semaphore_mem>>
            %dma_start3A_617 = arith.constant 0 : i32
            %dma_start3A_618 = arith.constant 0 : i32
            %dma_start3A_619 = tpu.memref_slice %arg18[%dma_start3A_617, %dma_start3A_618] : memref<20480x64xf32, #tpu.memory_space<vmem_shared>> -> memref<20480x64xf32, #tpu.memory_space<vmem_shared>>
            tpu.enqueue_indirect_dma source(%arg28 : memref<80x64xf32, #tpu.memory_space<vmem>>) target(%dma_start3A_619 : memref<20480x64xf32, #tpu.memory_space<vmem_shared>>) offsets(%arg24 : memref<80xi32, #tpu.memory_space<vmem>>) semaphore(%run_scoped3A : memref<!tpu.dma_semaphore, #tpu.memory_space<semaphore_mem>>) {add = true}
            %dma_wait3A_620 = arith.constant 0 : i32
            %dma_wait3A_621 = arith.constant 0 : i32
            %dma_wait3A_622 = tpu.memref_slice %arg18[%dma_wait3A_620, %dma_wait3A_621] : memref<20480x64xf32, #tpu.memory_space<vmem_shared>> -> memref<20480x64xf32, #tpu.memory_space<vmem_shared>>
            tpu.wait_indirect_dma semaphore(%run_scoped3A : memref<!tpu.dma_semaphore, #tpu.memory_space<semaphore_mem>>) src(%arg28 : memref<80x64xf32, #tpu.memory_space<vmem>>) dst(%dma_wait3A_622 : memref<20480x64xf32, #tpu.memory_space<vmem_shared>>)
            tpu.yield
          }) : () -> ()
          %convert_element_type3A_614 = arith.extui %eq3A_0 : i1 to i32
          %cond3A_615 = arith.constant 0 : i32
          %cond3A_616 = arith.cmpi ne, %convert_element_type3A_614, %cond3A_615 : i32
          scf.if %cond3A_616 {
            "tpu.region"() ({
              %run_scoped3A = tpu.sem_alloc : memref<!tpu.dma_semaphore, #tpu.memory_space<semaphore_mem>>
              %dma_start3A_617 = arith.constant 0 : i32
              %dma_start3A_618 = arith.constant 0 : i32
              %dma_start3A_619 = tpu.memref_slice %arg19[%dma_start3A_617, %dma_start3A_618] : memref<20480x8xf32, #tpu.memory_space<vmem_shared>> -> memref<20480x8xf32, #tpu.memory_space<vmem_shared>>
              tpu.enqueue_indirect_dma source(%arg29 : memref<80x8xf32, #tpu.memory_space<vmem>>) target(%dma_start3A_619 : memref<20480x8xf32, #tpu.memory_space<vmem_shared>>) offsets(%arg24 : memref<80xi32, #tpu.memory_space<vmem>>) semaphore(%run_scoped3A : memref<!tpu.dma_semaphore, #tpu.memory_space<semaphore_mem>>) {add = true}
              %dma_wait3A_620 = arith.constant 0 : i32
              %dma_wait3A_621 = arith.constant 0 : i32
              %dma_wait3A_622 = tpu.memref_slice %arg19[%dma_wait3A_620, %dma_wait3A_621] : memref<20480x8xf32, #tpu.memory_space<vmem_shared>> -> memref<20480x8xf32, #tpu.memory_space<vmem_shared>>
              tpu.wait_indirect_dma semaphore(%run_scoped3A : memref<!tpu.dma_semaphore, #tpu.memory_space<semaphore_mem>>) src(%arg29 : memref<80x8xf32, #tpu.memory_space<vmem>>) dst(%dma_wait3A_622 : memref<20480x8xf32, #tpu.memory_space<vmem_shared>>)
              tpu.yield
            }) : () -> ()
          } else {
          }
        } else {
        }
      }
      %scan3A_476 = arith.constant 25 : i32
    }
    %scan3A_447 = arith.constant 10 : i32
    %barrier3A_448 = arith.constant 0 : index
    tpu.barrier barrier_id(%barrier3A_448)
    %convert_element_type3A_449 = arith.extui %eq3A_0 : i1 to i32
    %cond3A_450 = arith.constant 0 : i32
    %cond3A_451 = arith.cmpi ne, %convert_element_type3A_449, %cond3A_450 : i32
    scf.if %cond3A_451 {
      %dma_wait3A_457 = arith.constant 0 : i32
      %dma_wait3A_458 = tpu.memref_slice %arg13[%mul3A_35, %dma_wait3A_457] : memref<5120x64xf32, #tpu.memory_space<hbm>> -> memref<320x64xf32, #tpu.memory_space<hbm>>
      %dma_wait3A_459 = arith.constant 0 : i32
      %dma_wait3A_460 = tpu.memref_slice %arg20[%mul3A_35, %dma_wait3A_459] : memref<5120x64xf32, #tpu.memory_space<vmem_shared>> -> memref<320x64xf32, #tpu.memory_space<vmem_shared>>
      tpu.wait_dma2 semaphore(%arg31 : memref<!tpu.dma_semaphore, #tpu.memory_space<semaphore_mem>>) src(%dma_wait3A_460 : memref<320x64xf32, #tpu.memory_space<vmem_shared>>) dst(%dma_wait3A_458 : memref<320x64xf32, #tpu.memory_space<hbm>>)
      "tpu.region"() ({
        %run_scoped3A = tpu.sem_alloc : memref<!tpu.dma_semaphore, #tpu.memory_space<semaphore_mem>>
        %dma_start3A = arith.constant 0 : i32
        %dma_start3A_461 = tpu.memref_slice %arg15[%mul3A_1, %dma_start3A] : memref<20480x64xf32, #tpu.memory_space<hbm>> -> memref<1280x64xf32, #tpu.memory_space<hbm>>
        %dma_start3A_462 = arith.constant 0 : i32
        %dma_start3A_463 = tpu.memref_slice %arg18[%mul3A_1, %dma_start3A_462] : memref<20480x64xf32, #tpu.memory_space<vmem_shared>> -> memref<1280x64xf32, #tpu.memory_space<vmem_shared>>
        tpu.enqueue_dma source(%dma_start3A_463 : memref<1280x64xf32, #tpu.memory_space<vmem_shared>>) target(%dma_start3A_461 : memref<1280x64xf32, #tpu.memory_space<hbm>>) target_semaphore(%run_scoped3A : memref<!tpu.dma_semaphore, #tpu.memory_space<semaphore_mem>>)
        %dma_wait3A_464 = arith.constant 0 : i32
        %dma_wait3A_465 = tpu.memref_slice %arg15[%mul3A_1, %dma_wait3A_464] : memref<20480x64xf32, #tpu.memory_space<hbm>> -> memref<1280x64xf32, #tpu.memory_space<hbm>>
        %dma_wait3A_466 = arith.constant 0 : i32
        %dma_wait3A_467 = tpu.memref_slice %arg18[%mul3A_1, %dma_wait3A_466] : memref<20480x64xf32, #tpu.memory_space<vmem_shared>> -> memref<1280x64xf32, #tpu.memory_space<vmem_shared>>
        tpu.wait_dma2 semaphore(%run_scoped3A : memref<!tpu.dma_semaphore, #tpu.memory_space<semaphore_mem>>) src(%dma_wait3A_467 : memref<1280x64xf32, #tpu.memory_space<vmem_shared>>) dst(%dma_wait3A_465 : memref<1280x64xf32, #tpu.memory_space<hbm>>)
        tpu.yield
      }) : () -> ()
      "tpu.region"() ({
        %run_scoped3A = tpu.sem_alloc : memref<!tpu.dma_semaphore, #tpu.memory_space<semaphore_mem>>
        %dma_start3A = arith.constant 0 : i32
        %dma_start3A_461 = tpu.memref_slice %arg17[%mul3A_1, %dma_start3A] : memref<20480x8xf32, #tpu.memory_space<hbm>> -> memref<1280x8xf32, #tpu.memory_space<hbm>>
        %dma_start3A_462 = arith.constant 0 : i32
        %dma_start3A_463 = tpu.memref_slice %arg19[%mul3A_1, %dma_start3A_462] : memref<20480x8xf32, #tpu.memory_space<vmem_shared>> -> memref<1280x8xf32, #tpu.memory_space<vmem_shared>>
        tpu.enqueue_dma source(%dma_start3A_463 : memref<1280x8xf32, #tpu.memory_space<vmem_shared>>) target(%dma_start3A_461 : memref<1280x8xf32, #tpu.memory_space<hbm>>) target_semaphore(%run_scoped3A : memref<!tpu.dma_semaphore, #tpu.memory_space<semaphore_mem>>)
        %dma_wait3A_464 = arith.constant 0 : i32
        %dma_wait3A_465 = tpu.memref_slice %arg17[%mul3A_1, %dma_wait3A_464] : memref<20480x8xf32, #tpu.memory_space<hbm>> -> memref<1280x8xf32, #tpu.memory_space<hbm>>
        %dma_wait3A_466 = arith.constant 0 : i32
        %dma_wait3A_467 = tpu.memref_slice %arg19[%mul3A_1, %dma_wait3A_466] : memref<20480x8xf32, #tpu.memory_space<vmem_shared>> -> memref<1280x8xf32, #tpu.memory_space<vmem_shared>>
        tpu.wait_dma2 semaphore(%run_scoped3A : memref<!tpu.dma_semaphore, #tpu.memory_space<semaphore_mem>>) src(%dma_wait3A_467 : memref<1280x8xf32, #tpu.memory_space<vmem_shared>>) dst(%dma_wait3A_465 : memref<1280x8xf32, #tpu.memory_space<hbm>>)
        tpu.yield
      }) : () -> ()
    } else {
    }
    %not3A_452 = arith.constant true
    %not3A_453 = arith.xori %eq3A_0, %not3A_452 : i1
    %convert_element_type3A_454 = arith.extui %not3A_453 : i1 to i32
    %cond3A_455 = arith.constant 0 : i32
    %cond3A_456 = arith.cmpi ne, %convert_element_type3A_454, %cond3A_455 : i32
    scf.if %cond3A_456 {
      %dma_wait3A_457 = arith.constant 0 : i32
      %dma_wait3A_458 = tpu.memref_slice %arg14[%mul3A_35, %dma_wait3A_457] : memref<5120x64xf32, #tpu.memory_space<hbm>> -> memref<320x64xf32, #tpu.memory_space<hbm>>
      %dma_wait3A_459 = arith.constant 0 : i32
      %dma_wait3A_460 = tpu.memref_slice %arg20[%mul3A_35, %dma_wait3A_459] : memref<5120x64xf32, #tpu.memory_space<vmem_shared>> -> memref<320x64xf32, #tpu.memory_space<vmem_shared>>
      tpu.wait_dma2 semaphore(%arg31 : memref<!tpu.dma_semaphore, #tpu.memory_space<semaphore_mem>>) src(%dma_wait3A_460 : memref<320x64xf32, #tpu.memory_space<vmem_shared>>) dst(%dma_wait3A_458 : memref<320x64xf32, #tpu.memory_space<hbm>>)
      "tpu.region"() ({
        %run_scoped3A = tpu.sem_alloc : memref<!tpu.dma_semaphore, #tpu.memory_space<semaphore_mem>>
        %dma_start3A = arith.constant 0 : i32
        %dma_start3A_461 = tpu.memref_slice %arg16[%mul3A_1, %dma_start3A] : memref<20480x64xf32, #tpu.memory_space<hbm>> -> memref<1280x64xf32, #tpu.memory_space<hbm>>
        %dma_start3A_462 = arith.constant 0 : i32
        %dma_start3A_463 = tpu.memref_slice %arg18[%mul3A_1, %dma_start3A_462] : memref<20480x64xf32, #tpu.memory_space<vmem_shared>> -> memref<1280x64xf32, #tpu.memory_space<vmem_shared>>
        tpu.enqueue_dma source(%dma_start3A_463 : memref<1280x64xf32, #tpu.memory_space<vmem_shared>>) target(%dma_start3A_461 : memref<1280x64xf32, #tpu.memory_space<hbm>>) target_semaphore(%run_scoped3A : memref<!tpu.dma_semaphore, #tpu.memory_space<semaphore_mem>>)
        %dma_wait3A_464 = arith.constant 0 : i32
        %dma_wait3A_465 = tpu.memref_slice %arg16[%mul3A_1, %dma_wait3A_464] : memref<20480x64xf32, #tpu.memory_space<hbm>> -> memref<1280x64xf32, #tpu.memory_space<hbm>>
        %dma_wait3A_466 = arith.constant 0 : i32
        %dma_wait3A_467 = tpu.memref_slice %arg18[%mul3A_1, %dma_wait3A_466] : memref<20480x64xf32, #tpu.memory_space<vmem_shared>> -> memref<1280x64xf32, #tpu.memory_space<vmem_shared>>
        tpu.wait_dma2 semaphore(%run_scoped3A : memref<!tpu.dma_semaphore, #tpu.memory_space<semaphore_mem>>) src(%dma_wait3A_467 : memref<1280x64xf32, #tpu.memory_space<vmem_shared>>) dst(%dma_wait3A_465 : memref<1280x64xf32, #tpu.memory_space<hbm>>)
        tpu.yield
      }) : () -> ()
    } else {
    }
    return
  }
}

#map = affine_map<(d0, d1) -> (0, 0)>
#map1 = affine_map<(d0, d1) -> (0)>
module attributes {stable_mosaic.version = 14 : i64} {
  func.func @_sc_layer2(%arg0: i32, %arg1: i32, %arg2: memref<5000x64xf32, #tpu.memory_space<hbm>>, %arg3: memref<5000x64xf32, #tpu.memory_space<hbm>>, %arg4: memref<160000xi32, #tpu.memory_space<hbm>>, %arg5: memref<160000xi32, #tpu.memory_space<hbm>>, %arg6: memref<160000xi32, #tpu.memory_space<hbm>>, %arg7: memref<480000xi32, #tpu.memory_space<hbm>>, %arg8: memref<80x64xf32, #tpu.memory_space<hbm>>, %arg9: memref<80x8xf32, #tpu.memory_space<hbm>>, %arg10: memref<80x8xf32, #tpu.memory_space<hbm>>, %arg11: memref<8192x64xf32, #tpu.memory_space<hbm>>, %arg12: memref<8192x64xf32, #tpu.memory_space<hbm>>, %arg13: memref<8192x8xf32, #tpu.memory_space<hbm>>, %arg14: memref<8192x64xf32, #tpu.memory_space<vmem_shared>>, %arg15: memref<8192x8xf32, #tpu.memory_space<vmem_shared>>, %arg16: memref<2048x64xf32, #tpu.memory_space<vmem_shared>>, %arg17: memref<480000xi32, #tpu.memory_space<vmem_shared>>, %arg18: memref<10000xi32, #tpu.memory_space<vmem>>, %arg19: memref<10000xi32, #tpu.memory_space<vmem>>, %arg20: memref<10000xi32, #tpu.memory_space<vmem>>, %arg21: memref<80xi32, #tpu.memory_space<vmem>>, %arg22: memref<80xi32, #tpu.memory_space<vmem>>, %arg23: memref<80xi32, #tpu.memory_space<vmem>>, %arg24: memref<80x64xf32, #tpu.memory_space<vmem>>, %arg25: memref<80x64xf32, #tpu.memory_space<vmem>>, %arg26: memref<80x8xf32, #tpu.memory_space<vmem>>, %arg27: memref<!tpu.dma_semaphore, #tpu.memory_space<semaphore_mem>>, %arg28: memref<!tpu.dma_semaphore, #tpu.memory_space<semaphore_mem>>, %arg29: memref<!tpu.dma_semaphore, #tpu.memory_space<semaphore_mem>>, %arg30: memref<!tpu.dma_semaphore, #tpu.memory_space<semaphore_mem>>) attributes {dimension_semantics = [#tpu.dimension_semantics<core_parallel>, #tpu.dimension_semantics<subcore_parallel>], iteration_bounds = array<i64: 2, 16>, scalar_prefetch = 0 : i64, scratch_operands = 17 : i64, tpu.core_type = #tpu.core_type<sc_vector_subcore>, window_params = [{transform_indices = #map}, {transform_indices = #map}, {transform_indices = #map1}, {transform_indices = #map1}, {transform_indices = #map1}, {transform_indices = #map1}, {transform_indices = #map}, {transform_indices = #map}, {transform_indices = #map}, {transform_indices = #map}, {transform_indices = #map}, {transform_indices = #map}]} {
    %eq3A = arith.constant 0 : i32
    %eq3A_0 = arith.cmpi eq, %arg0, %eq3A : i32
    %mul3A = arith.constant 512 : i32
    %mul3A_1 = arith.muli %arg1, %mul3A : i32
    "tpu.region"() ({
      %run_scoped3A = tpu.sem_alloc : memref<!tpu.dma_semaphore, #tpu.memory_space<semaphore_mem>>
      tpu.enqueue_dma source(%arg8 : memref<80x64xf32, #tpu.memory_space<hbm>>) target(%arg24 : memref<80x64xf32, #tpu.memory_space<vmem>>) target_semaphore(%run_scoped3A : memref<!tpu.dma_semaphore, #tpu.memory_space<semaphore_mem>>)
      tpu.wait_dma2 semaphore(%run_scoped3A : memref<!tpu.dma_semaphore, #tpu.memory_space<semaphore_mem>>) src(%arg8 : memref<80x64xf32, #tpu.memory_space<hbm>>) dst(%arg24 : memref<80x64xf32, #tpu.memory_space<vmem>>)
      tpu.yield
    }) : () -> ()
    %add3A = arith.constant 0 : i32
    %add3A_2 = arith.addi %mul3A_1, %add3A : i32
    "tpu.region"() ({
      %run_scoped3A = tpu.sem_alloc : memref<!tpu.dma_semaphore, #tpu.memory_space<semaphore_mem>>
      %dma_start3A_51 = arith.constant 0 : i32
      %dma_start3A_52 = tpu.memref_slice %arg14[%add3A_2, %dma_start3A_51] : memref<8192x64xf32, #tpu.memory_space<vmem_shared>> -> memref<80x64xf32, #tpu.memory_space<vmem_shared>>
      %dma_start3A_53 = arith.constant 0 : i32
      %dma_start3A_54 = tpu.memref_slice %arg14[%add3A_2, %dma_start3A_53] : memref<8192x64xf32, #tpu.memory_space<vmem_shared>> -> memref<80x64xf32, #tpu.memory_space<vmem_shared>>
      tpu.enqueue_dma source(%arg24 : memref<80x64xf32, #tpu.memory_space<vmem>>) target(%dma_start3A_54 : memref<80x64xf32, #tpu.memory_space<vmem_shared>>) target_semaphore(%run_scoped3A : memref<!tpu.dma_semaphore, #tpu.memory_space<semaphore_mem>>)
      %dma_wait3A = arith.constant 0 : i32
      %dma_wait3A_55 = tpu.memref_slice %arg14[%add3A_2, %dma_wait3A] : memref<8192x64xf32, #tpu.memory_space<vmem_shared>> -> memref<80x64xf32, #tpu.memory_space<vmem_shared>>
      %dma_wait3A_56 = arith.constant 0 : i32
      %dma_wait3A_57 = tpu.memref_slice %arg14[%add3A_2, %dma_wait3A_56] : memref<8192x64xf32, #tpu.memory_space<vmem_shared>> -> memref<80x64xf32, #tpu.memory_space<vmem_shared>>
      tpu.wait_dma2 semaphore(%run_scoped3A : memref<!tpu.dma_semaphore, #tpu.memory_space<semaphore_mem>>) src(%arg24 : memref<80x64xf32, #tpu.memory_space<vmem>>) dst(%dma_wait3A_57 : memref<80x64xf32, #tpu.memory_space<vmem_shared>>)
      tpu.yield
    }) : () -> ()
    %add3A_3 = arith.constant 80 : i32
    %add3A_4 = arith.addi %mul3A_1, %add3A_3 : i32
    "tpu.region"() ({
      %run_scoped3A = tpu.sem_alloc : memref<!tpu.dma_semaphore, #tpu.memory_space<semaphore_mem>>
      %dma_start3A_51 = arith.constant 0 : i32
      %dma_start3A_52 = tpu.memref_slice %arg14[%add3A_4, %dma_start3A_51] : memref<8192x64xf32, #tpu.memory_space<vmem_shared>> -> memref<80x64xf32, #tpu.memory_space<vmem_shared>>
      %dma_start3A_53 = arith.constant 0 : i32
      %dma_start3A_54 = tpu.memref_slice %arg14[%add3A_4, %dma_start3A_53] : memref<8192x64xf32, #tpu.memory_space<vmem_shared>> -> memref<80x64xf32, #tpu.memory_space<vmem_shared>>
      tpu.enqueue_dma source(%arg24 : memref<80x64xf32, #tpu.memory_space<vmem>>) target(%dma_start3A_54 : memref<80x64xf32, #tpu.memory_space<vmem_shared>>) target_semaphore(%run_scoped3A : memref<!tpu.dma_semaphore, #tpu.memory_space<semaphore_mem>>)
      %dma_wait3A = arith.constant 0 : i32
      %dma_wait3A_55 = tpu.memref_slice %arg14[%add3A_4, %dma_wait3A] : memref<8192x64xf32, #tpu.memory_space<vmem_shared>> -> memref<80x64xf32, #tpu.memory_space<vmem_shared>>
      %dma_wait3A_56 = arith.constant 0 : i32
      %dma_wait3A_57 = tpu.memref_slice %arg14[%add3A_4, %dma_wait3A_56] : memref<8192x64xf32, #tpu.memory_space<vmem_shared>> -> memref<80x64xf32, #tpu.memory_space<vmem_shared>>
      tpu.wait_dma2 semaphore(%run_scoped3A : memref<!tpu.dma_semaphore, #tpu.memory_space<semaphore_mem>>) src(%arg24 : memref<80x64xf32, #tpu.memory_space<vmem>>) dst(%dma_wait3A_57 : memref<80x64xf32, #tpu.memory_space<vmem_shared>>)
      tpu.yield
    }) : () -> ()
    %add3A_5 = arith.constant 160 : i32
    %add3A_6 = arith.addi %mul3A_1, %add3A_5 : i32
    "tpu.region"() ({
      %run_scoped3A = tpu.sem_alloc : memref<!tpu.dma_semaphore, #tpu.memory_space<semaphore_mem>>
      %dma_start3A_51 = arith.constant 0 : i32
      %dma_start3A_52 = tpu.memref_slice %arg14[%add3A_6, %dma_start3A_51] : memref<8192x64xf32, #tpu.memory_space<vmem_shared>> -> memref<80x64xf32, #tpu.memory_space<vmem_shared>>
      %dma_start3A_53 = arith.constant 0 : i32
      %dma_start3A_54 = tpu.memref_slice %arg14[%add3A_6, %dma_start3A_53] : memref<8192x64xf32, #tpu.memory_space<vmem_shared>> -> memref<80x64xf32, #tpu.memory_space<vmem_shared>>
      tpu.enqueue_dma source(%arg24 : memref<80x64xf32, #tpu.memory_space<vmem>>) target(%dma_start3A_54 : memref<80x64xf32, #tpu.memory_space<vmem_shared>>) target_semaphore(%run_scoped3A : memref<!tpu.dma_semaphore, #tpu.memory_space<semaphore_mem>>)
      %dma_wait3A = arith.constant 0 : i32
      %dma_wait3A_55 = tpu.memref_slice %arg14[%add3A_6, %dma_wait3A] : memref<8192x64xf32, #tpu.memory_space<vmem_shared>> -> memref<80x64xf32, #tpu.memory_space<vmem_shared>>
      %dma_wait3A_56 = arith.constant 0 : i32
      %dma_wait3A_57 = tpu.memref_slice %arg14[%add3A_6, %dma_wait3A_56] : memref<8192x64xf32, #tpu.memory_space<vmem_shared>> -> memref<80x64xf32, #tpu.memory_space<vmem_shared>>
      tpu.wait_dma2 semaphore(%run_scoped3A : memref<!tpu.dma_semaphore, #tpu.memory_space<semaphore_mem>>) src(%arg24 : memref<80x64xf32, #tpu.memory_space<vmem>>) dst(%dma_wait3A_57 : memref<80x64xf32, #tpu.memory_space<vmem_shared>>)
      tpu.yield
    }) : () -> ()
    %add3A_7 = arith.constant 240 : i32
    %add3A_8 = arith.addi %mul3A_1, %add3A_7 : i32
    "tpu.region"() ({
      %run_scoped3A = tpu.sem_alloc : memref<!tpu.dma_semaphore, #tpu.memory_space<semaphore_mem>>
      %dma_start3A_51 = arith.constant 0 : i32
      %dma_start3A_52 = tpu.memref_slice %arg14[%add3A_8, %dma_start3A_51] : memref<8192x64xf32, #tpu.memory_space<vmem_shared>> -> memref<80x64xf32, #tpu.memory_space<vmem_shared>>
      %dma_start3A_53 = arith.constant 0 : i32
      %dma_start3A_54 = tpu.memref_slice %arg14[%add3A_8, %dma_start3A_53] : memref<8192x64xf32, #tpu.memory_space<vmem_shared>> -> memref<80x64xf32, #tpu.memory_space<vmem_shared>>
      tpu.enqueue_dma source(%arg24 : memref<80x64xf32, #tpu.memory_space<vmem>>) target(%dma_start3A_54 : memref<80x64xf32, #tpu.memory_space<vmem_shared>>) target_semaphore(%run_scoped3A : memref<!tpu.dma_semaphore, #tpu.memory_space<semaphore_mem>>)
      %dma_wait3A = arith.constant 0 : i32
      %dma_wait3A_55 = tpu.memref_slice %arg14[%add3A_8, %dma_wait3A] : memref<8192x64xf32, #tpu.memory_space<vmem_shared>> -> memref<80x64xf32, #tpu.memory_space<vmem_shared>>
      %dma_wait3A_56 = arith.constant 0 : i32
      %dma_wait3A_57 = tpu.memref_slice %arg14[%add3A_8, %dma_wait3A_56] : memref<8192x64xf32, #tpu.memory_space<vmem_shared>> -> memref<80x64xf32, #tpu.memory_space<vmem_shared>>
      tpu.wait_dma2 semaphore(%run_scoped3A : memref<!tpu.dma_semaphore, #tpu.memory_space<semaphore_mem>>) src(%arg24 : memref<80x64xf32, #tpu.memory_space<vmem>>) dst(%dma_wait3A_57 : memref<80x64xf32, #tpu.memory_space<vmem_shared>>)
      tpu.yield
    }) : () -> ()
    %add3A_9 = arith.constant 320 : i32
    %add3A_10 = arith.addi %mul3A_1, %add3A_9 : i32
    "tpu.region"() ({
      %run_scoped3A = tpu.sem_alloc : memref<!tpu.dma_semaphore, #tpu.memory_space<semaphore_mem>>
      %dma_start3A_51 = arith.constant 0 : i32
      %dma_start3A_52 = tpu.memref_slice %arg14[%add3A_10, %dma_start3A_51] : memref<8192x64xf32, #tpu.memory_space<vmem_shared>> -> memref<80x64xf32, #tpu.memory_space<vmem_shared>>
      %dma_start3A_53 = arith.constant 0 : i32
      %dma_start3A_54 = tpu.memref_slice %arg14[%add3A_10, %dma_start3A_53] : memref<8192x64xf32, #tpu.memory_space<vmem_shared>> -> memref<80x64xf32, #tpu.memory_space<vmem_shared>>
      tpu.enqueue_dma source(%arg24 : memref<80x64xf32, #tpu.memory_space<vmem>>) target(%dma_start3A_54 : memref<80x64xf32, #tpu.memory_space<vmem_shared>>) target_semaphore(%run_scoped3A : memref<!tpu.dma_semaphore, #tpu.memory_space<semaphore_mem>>)
      %dma_wait3A = arith.constant 0 : i32
      %dma_wait3A_55 = tpu.memref_slice %arg14[%add3A_10, %dma_wait3A] : memref<8192x64xf32, #tpu.memory_space<vmem_shared>> -> memref<80x64xf32, #tpu.memory_space<vmem_shared>>
      %dma_wait3A_56 = arith.constant 0 : i32
      %dma_wait3A_57 = tpu.memref_slice %arg14[%add3A_10, %dma_wait3A_56] : memref<8192x64xf32, #tpu.memory_space<vmem_shared>> -> memref<80x64xf32, #tpu.memory_space<vmem_shared>>
      tpu.wait_dma2 semaphore(%run_scoped3A : memref<!tpu.dma_semaphore, #tpu.memory_space<semaphore_mem>>) src(%arg24 : memref<80x64xf32, #tpu.memory_space<vmem>>) dst(%dma_wait3A_57 : memref<80x64xf32, #tpu.memory_space<vmem_shared>>)
      tpu.yield
    }) : () -> ()
    %add3A_11 = arith.constant 400 : i32
    %add3A_12 = arith.addi %mul3A_1, %add3A_11 : i32
    "tpu.region"() ({
      %run_scoped3A = tpu.sem_alloc : memref<!tpu.dma_semaphore, #tpu.memory_space<semaphore_mem>>
      %dma_start3A_51 = arith.constant 0 : i32
      %dma_start3A_52 = tpu.memref_slice %arg14[%add3A_12, %dma_start3A_51] : memref<8192x64xf32, #tpu.memory_space<vmem_shared>> -> memref<80x64xf32, #tpu.memory_space<vmem_shared>>
      %dma_start3A_53 = arith.constant 0 : i32
      %dma_start3A_54 = tpu.memref_slice %arg14[%add3A_12, %dma_start3A_53] : memref<8192x64xf32, #tpu.memory_space<vmem_shared>> -> memref<80x64xf32, #tpu.memory_space<vmem_shared>>
      tpu.enqueue_dma source(%arg24 : memref<80x64xf32, #tpu.memory_space<vmem>>) target(%dma_start3A_54 : memref<80x64xf32, #tpu.memory_space<vmem_shared>>) target_semaphore(%run_scoped3A : memref<!tpu.dma_semaphore, #tpu.memory_space<semaphore_mem>>)
      %dma_wait3A = arith.constant 0 : i32
      %dma_wait3A_55 = tpu.memref_slice %arg14[%add3A_12, %dma_wait3A] : memref<8192x64xf32, #tpu.memory_space<vmem_shared>> -> memref<80x64xf32, #tpu.memory_space<vmem_shared>>
      %dma_wait3A_56 = arith.constant 0 : i32
      %dma_wait3A_57 = tpu.memref_slice %arg14[%add3A_12, %dma_wait3A_56] : memref<8192x64xf32, #tpu.memory_space<vmem_shared>> -> memref<80x64xf32, #tpu.memory_space<vmem_shared>>
      tpu.wait_dma2 semaphore(%run_scoped3A : memref<!tpu.dma_semaphore, #tpu.memory_space<semaphore_mem>>) src(%arg24 : memref<80x64xf32, #tpu.memory_space<vmem>>) dst(%dma_wait3A_57 : memref<80x64xf32, #tpu.memory_space<vmem_shared>>)
      tpu.yield
    }) : () -> ()
    %add3A_13 = arith.constant 480 : i32
    %add3A_14 = arith.addi %mul3A_1, %add3A_13 : i32
    "tpu.region"() ({
      %run_scoped3A = tpu.sem_alloc : memref<!tpu.dma_semaphore, #tpu.memory_space<semaphore_mem>>
      %dma_start3A_51 = arith.constant 0 : i32
      %dma_start3A_52 = arith.constant 0 : i32
      %dma_start3A_53 = tpu.memref_slice %arg24[%dma_start3A_51, %dma_start3A_52] : memref<80x64xf32, #tpu.memory_space<vmem>> -> memref<32x64xf32, #tpu.memory_space<vmem>>
      %dma_start3A_54 = arith.constant 0 : i32
      %dma_start3A_55 = tpu.memref_slice %arg14[%add3A_14, %dma_start3A_54] : memref<8192x64xf32, #tpu.memory_space<vmem_shared>> -> memref<32x64xf32, #tpu.memory_space<vmem_shared>>
      %dma_start3A_56 = arith.constant 0 : i32
      %dma_start3A_57 = tpu.memref_slice %arg14[%add3A_14, %dma_start3A_56] : memref<8192x64xf32, #tpu.memory_space<vmem_shared>> -> memref<32x64xf32, #tpu.memory_space<vmem_shared>>
      %dma_start3A_58 = arith.constant 0 : i32
      %dma_start3A_59 = arith.constant 0 : i32
      %dma_start3A_60 = tpu.memref_slice %arg24[%dma_start3A_58, %dma_start3A_59] : memref<80x64xf32, #tpu.memory_space<vmem>> -> memref<32x64xf32, #tpu.memory_space<vmem>>
      tpu.enqueue_dma source(%dma_start3A_60 : memref<32x64xf32, #tpu.memory_space<vmem>>) target(%dma_start3A_57 : memref<32x64xf32, #tpu.memory_space<vmem_shared>>) target_semaphore(%run_scoped3A : memref<!tpu.dma_semaphore, #tpu.memory_space<semaphore_mem>>)
      %dma_wait3A = arith.constant 0 : i32
      %dma_wait3A_61 = arith.constant 0 : i32
      %dma_wait3A_62 = tpu.memref_slice %arg24[%dma_wait3A, %dma_wait3A_61] : memref<80x64xf32, #tpu.memory_space<vmem>> -> memref<32x64xf32, #tpu.memory_space<vmem>>
      %dma_wait3A_63 = arith.constant 0 : i32
      %dma_wait3A_64 = tpu.memref_slice %arg14[%add3A_14, %dma_wait3A_63] : memref<8192x64xf32, #tpu.memory_space<vmem_shared>> -> memref<32x64xf32, #tpu.memory_space<vmem_shared>>
      %dma_wait3A_65 = arith.constant 0 : i32
      %dma_wait3A_66 = tpu.memref_slice %arg14[%add3A_14, %dma_wait3A_65] : memref<8192x64xf32, #tpu.memory_space<vmem_shared>> -> memref<32x64xf32, #tpu.memory_space<vmem_shared>>
      %dma_wait3A_67 = arith.constant 0 : i32
      %dma_wait3A_68 = arith.constant 0 : i32
      %dma_wait3A_69 = tpu.memref_slice %arg24[%dma_wait3A_67, %dma_wait3A_68] : memref<80x64xf32, #tpu.memory_space<vmem>> -> memref<32x64xf32, #tpu.memory_space<vmem>>
      tpu.wait_dma2 semaphore(%run_scoped3A : memref<!tpu.dma_semaphore, #tpu.memory_space<semaphore_mem>>) src(%dma_wait3A_69 : memref<32x64xf32, #tpu.memory_space<vmem>>) dst(%dma_wait3A_66 : memref<32x64xf32, #tpu.memory_space<vmem_shared>>)
      tpu.yield
    }) : () -> ()
    %convert_element_type3A = arith.extui %eq3A_0 : i1 to i32
    %cond3A = arith.constant 0 : i32
    %cond3A_15 = arith.cmpi ne, %convert_element_type3A, %cond3A : i32
    scf.if %cond3A_15 {
      "tpu.region"() ({
        %run_scoped3A = tpu.sem_alloc : memref<!tpu.dma_semaphore, #tpu.memory_space<semaphore_mem>>
        tpu.enqueue_dma source(%arg9 : memref<80x8xf32, #tpu.memory_space<hbm>>) target(%arg26 : memref<80x8xf32, #tpu.memory_space<vmem>>) target_semaphore(%run_scoped3A : memref<!tpu.dma_semaphore, #tpu.memory_space<semaphore_mem>>)
        tpu.wait_dma2 semaphore(%run_scoped3A : memref<!tpu.dma_semaphore, #tpu.memory_space<semaphore_mem>>) src(%arg9 : memref<80x8xf32, #tpu.memory_space<hbm>>) dst(%arg26 : memref<80x8xf32, #tpu.memory_space<vmem>>)
        tpu.yield
      }) : () -> ()
      %add3A_51 = arith.constant 0 : i32
      %add3A_52 = arith.addi %mul3A_1, %add3A_51 : i32
      "tpu.region"() ({
        %run_scoped3A = tpu.sem_alloc : memref<!tpu.dma_semaphore, #tpu.memory_space<semaphore_mem>>
        %dma_start3A_65 = arith.constant 0 : i32
        %dma_start3A_66 = tpu.memref_slice %arg15[%add3A_52, %dma_start3A_65] : memref<8192x8xf32, #tpu.memory_space<vmem_shared>> -> memref<80x8xf32, #tpu.memory_space<vmem_shared>>
        %dma_start3A_67 = arith.constant 0 : i32
        %dma_start3A_68 = tpu.memref_slice %arg15[%add3A_52, %dma_start3A_67] : memref<8192x8xf32, #tpu.memory_space<vmem_shared>> -> memref<80x8xf32, #tpu.memory_space<vmem_shared>>
        tpu.enqueue_dma source(%arg26 : memref<80x8xf32, #tpu.memory_space<vmem>>) target(%dma_start3A_68 : memref<80x8xf32, #tpu.memory_space<vmem_shared>>) target_semaphore(%run_scoped3A : memref<!tpu.dma_semaphore, #tpu.memory_space<semaphore_mem>>)
        %dma_wait3A = arith.constant 0 : i32
        %dma_wait3A_69 = tpu.memref_slice %arg15[%add3A_52, %dma_wait3A] : memref<8192x8xf32, #tpu.memory_space<vmem_shared>> -> memref<80x8xf32, #tpu.memory_space<vmem_shared>>
        %dma_wait3A_70 = arith.constant 0 : i32
        %dma_wait3A_71 = tpu.memref_slice %arg15[%add3A_52, %dma_wait3A_70] : memref<8192x8xf32, #tpu.memory_space<vmem_shared>> -> memref<80x8xf32, #tpu.memory_space<vmem_shared>>
        tpu.wait_dma2 semaphore(%run_scoped3A : memref<!tpu.dma_semaphore, #tpu.memory_space<semaphore_mem>>) src(%arg26 : memref<80x8xf32, #tpu.memory_space<vmem>>) dst(%dma_wait3A_71 : memref<80x8xf32, #tpu.memory_space<vmem_shared>>)
        tpu.yield
      }) : () -> ()
      %add3A_53 = arith.constant 80 : i32
      %add3A_54 = arith.addi %mul3A_1, %add3A_53 : i32
      "tpu.region"() ({
        %run_scoped3A = tpu.sem_alloc : memref<!tpu.dma_semaphore, #tpu.memory_space<semaphore_mem>>
        %dma_start3A_65 = arith.constant 0 : i32
        %dma_start3A_66 = tpu.memref_slice %arg15[%add3A_54, %dma_start3A_65] : memref<8192x8xf32, #tpu.memory_space<vmem_shared>> -> memref<80x8xf32, #tpu.memory_space<vmem_shared>>
        %dma_start3A_67 = arith.constant 0 : i32
        %dma_start3A_68 = tpu.memref_slice %arg15[%add3A_54, %dma_start3A_67] : memref<8192x8xf32, #tpu.memory_space<vmem_shared>> -> memref<80x8xf32, #tpu.memory_space<vmem_shared>>
        tpu.enqueue_dma source(%arg26 : memref<80x8xf32, #tpu.memory_space<vmem>>) target(%dma_start3A_68 : memref<80x8xf32, #tpu.memory_space<vmem_shared>>) target_semaphore(%run_scoped3A : memref<!tpu.dma_semaphore, #tpu.memory_space<semaphore_mem>>)
        %dma_wait3A = arith.constant 0 : i32
        %dma_wait3A_69 = tpu.memref_slice %arg15[%add3A_54, %dma_wait3A] : memref<8192x8xf32, #tpu.memory_space<vmem_shared>> -> memref<80x8xf32, #tpu.memory_space<vmem_shared>>
        %dma_wait3A_70 = arith.constant 0 : i32
        %dma_wait3A_71 = tpu.memref_slice %arg15[%add3A_54, %dma_wait3A_70] : memref<8192x8xf32, #tpu.memory_space<vmem_shared>> -> memref<80x8xf32, #tpu.memory_space<vmem_shared>>
        tpu.wait_dma2 semaphore(%run_scoped3A : memref<!tpu.dma_semaphore, #tpu.memory_space<semaphore_mem>>) src(%arg26 : memref<80x8xf32, #tpu.memory_space<vmem>>) dst(%dma_wait3A_71 : memref<80x8xf32, #tpu.memory_space<vmem_shared>>)
        tpu.yield
      }) : () -> ()
      %add3A_55 = arith.constant 160 : i32
      %add3A_56 = arith.addi %mul3A_1, %add3A_55 : i32
      "tpu.region"() ({
        %run_scoped3A = tpu.sem_alloc : memref<!tpu.dma_semaphore, #tpu.memory_space<semaphore_mem>>
        %dma_start3A_65 = arith.constant 0 : i32
        %dma_start3A_66 = tpu.memref_slice %arg15[%add3A_56, %dma_start3A_65] : memref<8192x8xf32, #tpu.memory_space<vmem_shared>> -> memref<80x8xf32, #tpu.memory_space<vmem_shared>>
        %dma_start3A_67 = arith.constant 0 : i32
        %dma_start3A_68 = tpu.memref_slice %arg15[%add3A_56, %dma_start3A_67] : memref<8192x8xf32, #tpu.memory_space<vmem_shared>> -> memref<80x8xf32, #tpu.memory_space<vmem_shared>>
        tpu.enqueue_dma source(%arg26 : memref<80x8xf32, #tpu.memory_space<vmem>>) target(%dma_start3A_68 : memref<80x8xf32, #tpu.memory_space<vmem_shared>>) target_semaphore(%run_scoped3A : memref<!tpu.dma_semaphore, #tpu.memory_space<semaphore_mem>>)
        %dma_wait3A = arith.constant 0 : i32
        %dma_wait3A_69 = tpu.memref_slice %arg15[%add3A_56, %dma_wait3A] : memref<8192x8xf32, #tpu.memory_space<vmem_shared>> -> memref<80x8xf32, #tpu.memory_space<vmem_shared>>
        %dma_wait3A_70 = arith.constant 0 : i32
        %dma_wait3A_71 = tpu.memref_slice %arg15[%add3A_56, %dma_wait3A_70] : memref<8192x8xf32, #tpu.memory_space<vmem_shared>> -> memref<80x8xf32, #tpu.memory_space<vmem_shared>>
        tpu.wait_dma2 semaphore(%run_scoped3A : memref<!tpu.dma_semaphore, #tpu.memory_space<semaphore_mem>>) src(%arg26 : memref<80x8xf32, #tpu.memory_space<vmem>>) dst(%dma_wait3A_71 : memref<80x8xf32, #tpu.memory_space<vmem_shared>>)
        tpu.yield
      }) : () -> ()
      %add3A_57 = arith.constant 240 : i32
      %add3A_58 = arith.addi %mul3A_1, %add3A_57 : i32
      "tpu.region"() ({
        %run_scoped3A = tpu.sem_alloc : memref<!tpu.dma_semaphore, #tpu.memory_space<semaphore_mem>>
        %dma_start3A_65 = arith.constant 0 : i32
        %dma_start3A_66 = tpu.memref_slice %arg15[%add3A_58, %dma_start3A_65] : memref<8192x8xf32, #tpu.memory_space<vmem_shared>> -> memref<80x8xf32, #tpu.memory_space<vmem_shared>>
        %dma_start3A_67 = arith.constant 0 : i32
        %dma_start3A_68 = tpu.memref_slice %arg15[%add3A_58, %dma_start3A_67] : memref<8192x8xf32, #tpu.memory_space<vmem_shared>> -> memref<80x8xf32, #tpu.memory_space<vmem_shared>>
        tpu.enqueue_dma source(%arg26 : memref<80x8xf32, #tpu.memory_space<vmem>>) target(%dma_start3A_68 : memref<80x8xf32, #tpu.memory_space<vmem_shared>>) target_semaphore(%run_scoped3A : memref<!tpu.dma_semaphore, #tpu.memory_space<semaphore_mem>>)
        %dma_wait3A = arith.constant 0 : i32
        %dma_wait3A_69 = tpu.memref_slice %arg15[%add3A_58, %dma_wait3A] : memref<8192x8xf32, #tpu.memory_space<vmem_shared>> -> memref<80x8xf32, #tpu.memory_space<vmem_shared>>
        %dma_wait3A_70 = arith.constant 0 : i32
        %dma_wait3A_71 = tpu.memref_slice %arg15[%add3A_58, %dma_wait3A_70] : memref<8192x8xf32, #tpu.memory_space<vmem_shared>> -> memref<80x8xf32, #tpu.memory_space<vmem_shared>>
        tpu.wait_dma2 semaphore(%run_scoped3A : memref<!tpu.dma_semaphore, #tpu.memory_space<semaphore_mem>>) src(%arg26 : memref<80x8xf32, #tpu.memory_space<vmem>>) dst(%dma_wait3A_71 : memref<80x8xf32, #tpu.memory_space<vmem_shared>>)
        tpu.yield
      }) : () -> ()
      %add3A_59 = arith.constant 320 : i32
      %add3A_60 = arith.addi %mul3A_1, %add3A_59 : i32
      "tpu.region"() ({
        %run_scoped3A = tpu.sem_alloc : memref<!tpu.dma_semaphore, #tpu.memory_space<semaphore_mem>>
        %dma_start3A_65 = arith.constant 0 : i32
        %dma_start3A_66 = tpu.memref_slice %arg15[%add3A_60, %dma_start3A_65] : memref<8192x8xf32, #tpu.memory_space<vmem_shared>> -> memref<80x8xf32, #tpu.memory_space<vmem_shared>>
        %dma_start3A_67 = arith.constant 0 : i32
        %dma_start3A_68 = tpu.memref_slice %arg15[%add3A_60, %dma_start3A_67] : memref<8192x8xf32, #tpu.memory_space<vmem_shared>> -> memref<80x8xf32, #tpu.memory_space<vmem_shared>>
        tpu.enqueue_dma source(%arg26 : memref<80x8xf32, #tpu.memory_space<vmem>>) target(%dma_start3A_68 : memref<80x8xf32, #tpu.memory_space<vmem_shared>>) target_semaphore(%run_scoped3A : memref<!tpu.dma_semaphore, #tpu.memory_space<semaphore_mem>>)
        %dma_wait3A = arith.constant 0 : i32
        %dma_wait3A_69 = tpu.memref_slice %arg15[%add3A_60, %dma_wait3A] : memref<8192x8xf32, #tpu.memory_space<vmem_shared>> -> memref<80x8xf32, #tpu.memory_space<vmem_shared>>
        %dma_wait3A_70 = arith.constant 0 : i32
        %dma_wait3A_71 = tpu.memref_slice %arg15[%add3A_60, %dma_wait3A_70] : memref<8192x8xf32, #tpu.memory_space<vmem_shared>> -> memref<80x8xf32, #tpu.memory_space<vmem_shared>>
        tpu.wait_dma2 semaphore(%run_scoped3A : memref<!tpu.dma_semaphore, #tpu.memory_space<semaphore_mem>>) src(%arg26 : memref<80x8xf32, #tpu.memory_space<vmem>>) dst(%dma_wait3A_71 : memref<80x8xf32, #tpu.memory_space<vmem_shared>>)
        tpu.yield
      }) : () -> ()
      %add3A_61 = arith.constant 400 : i32
      %add3A_62 = arith.addi %mul3A_1, %add3A_61 : i32
      "tpu.region"() ({
        %run_scoped3A = tpu.sem_alloc : memref<!tpu.dma_semaphore, #tpu.memory_space<semaphore_mem>>
        %dma_start3A_65 = arith.constant 0 : i32
        %dma_start3A_66 = tpu.memref_slice %arg15[%add3A_62, %dma_start3A_65] : memref<8192x8xf32, #tpu.memory_space<vmem_shared>> -> memref<80x8xf32, #tpu.memory_space<vmem_shared>>
        %dma_start3A_67 = arith.constant 0 : i32
        %dma_start3A_68 = tpu.memref_slice %arg15[%add3A_62, %dma_start3A_67] : memref<8192x8xf32, #tpu.memory_space<vmem_shared>> -> memref<80x8xf32, #tpu.memory_space<vmem_shared>>
        tpu.enqueue_dma source(%arg26 : memref<80x8xf32, #tpu.memory_space<vmem>>) target(%dma_start3A_68 : memref<80x8xf32, #tpu.memory_space<vmem_shared>>) target_semaphore(%run_scoped3A : memref<!tpu.dma_semaphore, #tpu.memory_space<semaphore_mem>>)
        %dma_wait3A = arith.constant 0 : i32
        %dma_wait3A_69 = tpu.memref_slice %arg15[%add3A_62, %dma_wait3A] : memref<8192x8xf32, #tpu.memory_space<vmem_shared>> -> memref<80x8xf32, #tpu.memory_space<vmem_shared>>
        %dma_wait3A_70 = arith.constant 0 : i32
        %dma_wait3A_71 = tpu.memref_slice %arg15[%add3A_62, %dma_wait3A_70] : memref<8192x8xf32, #tpu.memory_space<vmem_shared>> -> memref<80x8xf32, #tpu.memory_space<vmem_shared>>
        tpu.wait_dma2 semaphore(%run_scoped3A : memref<!tpu.dma_semaphore, #tpu.memory_space<semaphore_mem>>) src(%arg26 : memref<80x8xf32, #tpu.memory_space<vmem>>) dst(%dma_wait3A_71 : memref<80x8xf32, #tpu.memory_space<vmem_shared>>)
        tpu.yield
      }) : () -> ()
      %add3A_63 = arith.constant 480 : i32
      %add3A_64 = arith.addi %mul3A_1, %add3A_63 : i32
      "tpu.region"() ({
        %run_scoped3A = tpu.sem_alloc : memref<!tpu.dma_semaphore, #tpu.memory_space<semaphore_mem>>
        %dma_start3A_65 = arith.constant 0 : i32
        %dma_start3A_66 = arith.constant 0 : i32
        %dma_start3A_67 = tpu.memref_slice %arg26[%dma_start3A_65, %dma_start3A_66] : memref<80x8xf32, #tpu.memory_space<vmem>> -> memref<32x8xf32, #tpu.memory_space<vmem>>
        %dma_start3A_68 = arith.constant 0 : i32
        %dma_start3A_69 = tpu.memref_slice %arg15[%add3A_64, %dma_start3A_68] : memref<8192x8xf32, #tpu.memory_space<vmem_shared>> -> memref<32x8xf32, #tpu.memory_space<vmem_shared>>
        %dma_start3A_70 = arith.constant 0 : i32
        %dma_start3A_71 = tpu.memref_slice %arg15[%add3A_64, %dma_start3A_70] : memref<8192x8xf32, #tpu.memory_space<vmem_shared>> -> memref<32x8xf32, #tpu.memory_space<vmem_shared>>
        %dma_start3A_72 = arith.constant 0 : i32
        %dma_start3A_73 = arith.constant 0 : i32
        %dma_start3A_74 = tpu.memref_slice %arg26[%dma_start3A_72, %dma_start3A_73] : memref<80x8xf32, #tpu.memory_space<vmem>> -> memref<32x8xf32, #tpu.memory_space<vmem>>
        tpu.enqueue_dma source(%dma_start3A_74 : memref<32x8xf32, #tpu.memory_space<vmem>>) target(%dma_start3A_71 : memref<32x8xf32, #tpu.memory_space<vmem_shared>>) target_semaphore(%run_scoped3A : memref<!tpu.dma_semaphore, #tpu.memory_space<semaphore_mem>>)
        %dma_wait3A = arith.constant 0 : i32
        %dma_wait3A_75 = arith.constant 0 : i32
        %dma_wait3A_76 = tpu.memref_slice %arg26[%dma_wait3A, %dma_wait3A_75] : memref<80x8xf32, #tpu.memory_space<vmem>> -> memref<32x8xf32, #tpu.memory_space<vmem>>
        %dma_wait3A_77 = arith.constant 0 : i32
        %dma_wait3A_78 = tpu.memref_slice %arg15[%add3A_64, %dma_wait3A_77] : memref<8192x8xf32, #tpu.memory_space<vmem_shared>> -> memref<32x8xf32, #tpu.memory_space<vmem_shared>>
        %dma_wait3A_79 = arith.constant 0 : i32
        %dma_wait3A_80 = tpu.memref_slice %arg15[%add3A_64, %dma_wait3A_79] : memref<8192x8xf32, #tpu.memory_space<vmem_shared>> -> memref<32x8xf32, #tpu.memory_space<vmem_shared>>
        %dma_wait3A_81 = arith.constant 0 : i32
        %dma_wait3A_82 = arith.constant 0 : i32
        %dma_wait3A_83 = tpu.memref_slice %arg26[%dma_wait3A_81, %dma_wait3A_82] : memref<80x8xf32, #tpu.memory_space<vmem>> -> memref<32x8xf32, #tpu.memory_space<vmem>>
        tpu.wait_dma2 semaphore(%run_scoped3A : memref<!tpu.dma_semaphore, #tpu.memory_space<semaphore_mem>>) src(%dma_wait3A_83 : memref<32x8xf32, #tpu.memory_space<vmem>>) dst(%dma_wait3A_80 : memref<32x8xf32, #tpu.memory_space<vmem_shared>>)
        tpu.yield
      }) : () -> ()
    } else {
    }
    %convert_element_type3A_16 = arith.extui %eq3A_0 : i1 to i32
    %cond3A_17 = arith.constant 0 : i32
    %cond3A_18 = arith.cmpi ne, %convert_element_type3A_16, %cond3A_17 : i32
    scf.if %cond3A_18 {
      %mul3A_51 = arith.constant 128 : i32
      %mul3A_52 = arith.muli %arg1, %mul3A_51 : i32
      %mul3A_53 = arith.constant 128 : i32
      %mul3A_54 = arith.muli %arg1, %mul3A_53 : i32
      "tpu.region"() ({
        %run_scoped3A = tpu.sem_alloc : memref<!tpu.dma_semaphore, #tpu.memory_space<semaphore_mem>>
        %dma_start3A_55 = arith.constant 0 : i32
        %dma_start3A_56 = tpu.memref_slice %arg16[%mul3A_54, %dma_start3A_55] : memref<2048x64xf32, #tpu.memory_space<vmem_shared>> -> memref<128x64xf32, #tpu.memory_space<vmem_shared>>
        %dma_start3A_57 = arith.constant 0 : i32
        %dma_start3A_58 = tpu.memref_slice %arg2[%mul3A_52, %dma_start3A_57] : memref<5000x64xf32, #tpu.memory_space<hbm>> -> memref<128x64xf32, #tpu.memory_space<hbm>>
        tpu.enqueue_dma source(%dma_start3A_58 : memref<128x64xf32, #tpu.memory_space<hbm>>) target(%dma_start3A_56 : memref<128x64xf32, #tpu.memory_space<vmem_shared>>) target_semaphore(%run_scoped3A : memref<!tpu.dma_semaphore, #tpu.memory_space<semaphore_mem>>)
        %dma_wait3A = arith.constant 0 : i32
        %dma_wait3A_59 = tpu.memref_slice %arg16[%mul3A_54, %dma_wait3A] : memref<2048x64xf32, #tpu.memory_space<vmem_shared>> -> memref<128x64xf32, #tpu.memory_space<vmem_shared>>
        %dma_wait3A_60 = arith.constant 0 : i32
        %dma_wait3A_61 = tpu.memref_slice %arg2[%mul3A_52, %dma_wait3A_60] : memref<5000x64xf32, #tpu.memory_space<hbm>> -> memref<128x64xf32, #tpu.memory_space<hbm>>
        tpu.wait_dma2 semaphore(%run_scoped3A : memref<!tpu.dma_semaphore, #tpu.memory_space<semaphore_mem>>) src(%dma_wait3A_61 : memref<128x64xf32, #tpu.memory_space<hbm>>) dst(%dma_wait3A_59 : memref<128x64xf32, #tpu.memory_space<vmem_shared>>)
        tpu.yield
      }) : () -> ()
    } else {
    }
    %not3A = arith.constant true
    %not3A_19 = arith.xori %eq3A_0, %not3A : i1
    %convert_element_type3A_20 = arith.extui %not3A_19 : i1 to i32
    %cond3A_21 = arith.constant 0 : i32
    %cond3A_22 = arith.cmpi ne, %convert_element_type3A_20, %cond3A_21 : i32
    scf.if %cond3A_22 {
      %mul3A_51 = arith.constant 128 : i32
      %mul3A_52 = arith.muli %arg1, %mul3A_51 : i32
      %mul3A_53 = arith.constant 128 : i32
      %mul3A_54 = arith.muli %arg1, %mul3A_53 : i32
      "tpu.region"() ({
        %run_scoped3A = tpu.sem_alloc : memref<!tpu.dma_semaphore, #tpu.memory_space<semaphore_mem>>
        %dma_start3A_55 = arith.constant 0 : i32
        %dma_start3A_56 = tpu.memref_slice %arg16[%mul3A_54, %dma_start3A_55] : memref<2048x64xf32, #tpu.memory_space<vmem_shared>> -> memref<128x64xf32, #tpu.memory_space<vmem_shared>>
        %dma_start3A_57 = arith.constant 0 : i32
        %dma_start3A_58 = tpu.memref_slice %arg3[%mul3A_52, %dma_start3A_57] : memref<5000x64xf32, #tpu.memory_space<hbm>> -> memref<128x64xf32, #tpu.memory_space<hbm>>
        tpu.enqueue_dma source(%dma_start3A_58 : memref<128x64xf32, #tpu.memory_space<hbm>>) target(%dma_start3A_56 : memref<128x64xf32, #tpu.memory_space<vmem_shared>>) target_semaphore(%run_scoped3A : memref<!tpu.dma_semaphore, #tpu.memory_space<semaphore_mem>>)
        %dma_wait3A = arith.constant 0 : i32
        %dma_wait3A_59 = tpu.memref_slice %arg16[%mul3A_54, %dma_wait3A] : memref<2048x64xf32, #tpu.memory_space<vmem_shared>> -> memref<128x64xf32, #tpu.memory_space<vmem_shared>>
        %dma_wait3A_60 = arith.constant 0 : i32
        %dma_wait3A_61 = tpu.memref_slice %arg3[%mul3A_52, %dma_wait3A_60] : memref<5000x64xf32, #tpu.memory_space<hbm>> -> memref<128x64xf32, #tpu.memory_space<hbm>>
        tpu.wait_dma2 semaphore(%run_scoped3A : memref<!tpu.dma_semaphore, #tpu.memory_space<semaphore_mem>>) src(%dma_wait3A_61 : memref<128x64xf32, #tpu.memory_space<hbm>>) dst(%dma_wait3A_59 : memref<128x64xf32, #tpu.memory_space<vmem_shared>>)
        tpu.yield
      }) : () -> ()
    } else {
    }
    %mul3A_23 = arith.constant 30000 : i32
    %mul3A_24 = arith.muli %arg1, %mul3A_23 : i32
    %mul3A_25 = arith.constant 30000 : i32
    %mul3A_26 = arith.muli %arg1, %mul3A_25 : i32
    "tpu.region"() ({
      %run_scoped3A = tpu.sem_alloc : memref<!tpu.dma_semaphore, #tpu.memory_space<semaphore_mem>>
      %dma_start3A_51 = tpu.memref_slice %arg17[%mul3A_26] : memref<480000xi32, #tpu.memory_space<vmem_shared>> -> memref<30000xi32, #tpu.memory_space<vmem_shared>>
      %dma_start3A_52 = tpu.memref_slice %arg7[%mul3A_24] : memref<480000xi32, #tpu.memory_space<hbm>> -> memref<30000xi32, #tpu.memory_space<hbm>>
      tpu.enqueue_dma source(%dma_start3A_52 : memref<30000xi32, #tpu.memory_space<hbm>>) target(%dma_start3A_51 : memref<30000xi32, #tpu.memory_space<vmem_shared>>) target_semaphore(%run_scoped3A : memref<!tpu.dma_semaphore, #tpu.memory_space<semaphore_mem>>)
      %dma_wait3A = tpu.memref_slice %arg17[%mul3A_26] : memref<480000xi32, #tpu.memory_space<vmem_shared>> -> memref<30000xi32, #tpu.memory_space<vmem_shared>>
      %dma_wait3A_53 = tpu.memref_slice %arg7[%mul3A_24] : memref<480000xi32, #tpu.memory_space<hbm>> -> memref<30000xi32, #tpu.memory_space<hbm>>
      tpu.wait_dma2 semaphore(%run_scoped3A : memref<!tpu.dma_semaphore, #tpu.memory_space<semaphore_mem>>) src(%dma_wait3A_53 : memref<30000xi32, #tpu.memory_space<hbm>>) dst(%dma_wait3A : memref<30000xi32, #tpu.memory_space<vmem_shared>>)
      tpu.yield
    }) : () -> ()
    "tpu.region"() ({
      %run_scoped3A = tpu.sem_alloc : memref<!tpu.dma_semaphore, #tpu.memory_space<semaphore_mem>>
      tpu.enqueue_dma source(%arg10 : memref<80x8xf32, #tpu.memory_space<hbm>>) target(%arg26 : memref<80x8xf32, #tpu.memory_space<vmem>>) target_semaphore(%run_scoped3A : memref<!tpu.dma_semaphore, #tpu.memory_space<semaphore_mem>>)
      tpu.wait_dma2 semaphore(%run_scoped3A : memref<!tpu.dma_semaphore, #tpu.memory_space<semaphore_mem>>) src(%arg10 : memref<80x8xf32, #tpu.memory_space<hbm>>) dst(%arg26 : memref<80x8xf32, #tpu.memory_space<vmem>>)
      tpu.yield
    }) : () -> ()
    %mul3A_27 = arith.constant 10000 : i32
    %mul3A_28 = arith.muli %arg1, %mul3A_27 : i32
    "tpu.region"() ({
      %run_scoped3A = tpu.sem_alloc : memref<!tpu.dma_semaphore, #tpu.memory_space<semaphore_mem>>
      %dma_start3A_51 = tpu.memref_slice %arg4[%mul3A_28] : memref<160000xi32, #tpu.memory_space<hbm>> -> memref<10000xi32, #tpu.memory_space<hbm>>
      %dma_start3A_52 = tpu.memref_slice %arg4[%mul3A_28] : memref<160000xi32, #tpu.memory_space<hbm>> -> memref<10000xi32, #tpu.memory_space<hbm>>
      tpu.enqueue_dma source(%dma_start3A_52 : memref<10000xi32, #tpu.memory_space<hbm>>) target(%arg18 : memref<10000xi32, #tpu.memory_space<vmem>>) target_semaphore(%run_scoped3A : memref<!tpu.dma_semaphore, #tpu.memory_space<semaphore_mem>>)
      %dma_wait3A = tpu.memref_slice %arg4[%mul3A_28] : memref<160000xi32, #tpu.memory_space<hbm>> -> memref<10000xi32, #tpu.memory_space<hbm>>
      %dma_wait3A_53 = tpu.memref_slice %arg4[%mul3A_28] : memref<160000xi32, #tpu.memory_space<hbm>> -> memref<10000xi32, #tpu.memory_space<hbm>>
      tpu.wait_dma2 semaphore(%run_scoped3A : memref<!tpu.dma_semaphore, #tpu.memory_space<semaphore_mem>>) src(%dma_wait3A_53 : memref<10000xi32, #tpu.memory_space<hbm>>) dst(%arg18 : memref<10000xi32, #tpu.memory_space<vmem>>)
      tpu.yield
    }) : () -> ()
    "tpu.region"() ({
      %run_scoped3A = tpu.sem_alloc : memref<!tpu.dma_semaphore, #tpu.memory_space<semaphore_mem>>
      %dma_start3A_51 = tpu.memref_slice %arg5[%mul3A_28] : memref<160000xi32, #tpu.memory_space<hbm>> -> memref<10000xi32, #tpu.memory_space<hbm>>
      %dma_start3A_52 = tpu.memref_slice %arg5[%mul3A_28] : memref<160000xi32, #tpu.memory_space<hbm>> -> memref<10000xi32, #tpu.memory_space<hbm>>
      tpu.enqueue_dma source(%dma_start3A_52 : memref<10000xi32, #tpu.memory_space<hbm>>) target(%arg19 : memref<10000xi32, #tpu.memory_space<vmem>>) target_semaphore(%run_scoped3A : memref<!tpu.dma_semaphore, #tpu.memory_space<semaphore_mem>>)
      %dma_wait3A = tpu.memref_slice %arg5[%mul3A_28] : memref<160000xi32, #tpu.memory_space<hbm>> -> memref<10000xi32, #tpu.memory_space<hbm>>
      %dma_wait3A_53 = tpu.memref_slice %arg5[%mul3A_28] : memref<160000xi32, #tpu.memory_space<hbm>> -> memref<10000xi32, #tpu.memory_space<hbm>>
      tpu.wait_dma2 semaphore(%run_scoped3A : memref<!tpu.dma_semaphore, #tpu.memory_space<semaphore_mem>>) src(%dma_wait3A_53 : memref<10000xi32, #tpu.memory_space<hbm>>) dst(%arg19 : memref<10000xi32, #tpu.memory_space<vmem>>)
      tpu.yield
    }) : () -> ()
    "tpu.region"() ({
      %run_scoped3A = tpu.sem_alloc : memref<!tpu.dma_semaphore, #tpu.memory_space<semaphore_mem>>
      %dma_start3A_51 = tpu.memref_slice %arg6[%mul3A_28] : memref<160000xi32, #tpu.memory_space<hbm>> -> memref<10000xi32, #tpu.memory_space<hbm>>
      %dma_start3A_52 = tpu.memref_slice %arg6[%mul3A_28] : memref<160000xi32, #tpu.memory_space<hbm>> -> memref<10000xi32, #tpu.memory_space<hbm>>
      tpu.enqueue_dma source(%dma_start3A_52 : memref<10000xi32, #tpu.memory_space<hbm>>) target(%arg20 : memref<10000xi32, #tpu.memory_space<vmem>>) target_semaphore(%run_scoped3A : memref<!tpu.dma_semaphore, #tpu.memory_space<semaphore_mem>>)
      %dma_wait3A = tpu.memref_slice %arg6[%mul3A_28] : memref<160000xi32, #tpu.memory_space<hbm>> -> memref<10000xi32, #tpu.memory_space<hbm>>
      %dma_wait3A_53 = tpu.memref_slice %arg6[%mul3A_28] : memref<160000xi32, #tpu.memory_space<hbm>> -> memref<10000xi32, #tpu.memory_space<hbm>>
      tpu.wait_dma2 semaphore(%run_scoped3A : memref<!tpu.dma_semaphore, #tpu.memory_space<semaphore_mem>>) src(%dma_wait3A_53 : memref<10000xi32, #tpu.memory_space<hbm>>) dst(%arg20 : memref<10000xi32, #tpu.memory_space<vmem>>)
      tpu.yield
    }) : () -> ()
    %barrier3A = arith.constant 0 : index
    tpu.barrier barrier_id(%barrier3A)
    %dma_start3A = arith.constant 0 : i32
    %dma_start3A_29 = tpu.memref_slice %arg20[%dma_start3A] : memref<10000xi32, #tpu.memory_space<vmem>> -> memref<80xi32, #tpu.memory_space<vmem>>
    %dma_start3A_30 = arith.constant 0 : i32
    %dma_start3A_31 = tpu.memref_slice %arg17[%dma_start3A_30] : memref<480000xi32, #tpu.memory_space<vmem_shared>> -> memref<480000xi32, #tpu.memory_space<vmem_shared>>
    tpu.enqueue_indirect_dma source(%dma_start3A_31 : memref<480000xi32, #tpu.memory_space<vmem_shared>>) target(%arg22 : memref<80xi32, #tpu.memory_space<vmem>>) offsets(%dma_start3A_29 : memref<80xi32, #tpu.memory_space<vmem>>) semaphore(%arg27 : memref<!tpu.dma_semaphore, #tpu.memory_space<semaphore_mem>>)
    %dma_start3A_32 = arith.constant 0 : i32
    %dma_start3A_33 = tpu.memref_slice %arg18[%dma_start3A_32] : memref<10000xi32, #tpu.memory_space<vmem>> -> memref<80xi32, #tpu.memory_space<vmem>>
    %dma_start3A_34 = arith.constant 0 : i32
    %dma_start3A_35 = arith.constant 0 : i32
    %dma_start3A_36 = tpu.memref_slice %arg16[%dma_start3A_34, %dma_start3A_35] : memref<2048x64xf32, #tpu.memory_space<vmem_shared>> -> memref<2048x64xf32, #tpu.memory_space<vmem_shared>>
    tpu.enqueue_indirect_dma source(%dma_start3A_36 : memref<2048x64xf32, #tpu.memory_space<vmem_shared>>) target(%arg24 : memref<80x64xf32, #tpu.memory_space<vmem>>) offsets(%dma_start3A_33 : memref<80xi32, #tpu.memory_space<vmem>>) semaphore(%arg29 : memref<!tpu.dma_semaphore, #tpu.memory_space<semaphore_mem>>)
    %scan3A = arith.constant 0 : i32
    %scan3A_37 = arith.constant 0 : i32
    %scan3A_38 = arith.constant 125 : i32
    %scan3A_39 = arith.addi %scan3A_37, %scan3A_38 : i32
    %scan3A_40 = arith.constant 1 : i32
    scf.for %scan3A_51 = %scan3A_37 to %scan3A_39 step %scan3A_40  : i32 {
      %mul3A_52 = arith.constant 80 : i32
      %mul3A_53 = arith.muli %scan3A_51, %mul3A_52 : i32
      %jit3A = arith.constant 2 : i32
      %eq3A_54 = arith.constant 0 : i32
      %eq3A_55 = arith.cmpi eq, %jit3A, %eq3A_54 : i32
      %jit3A_56 = arith.constant 1 : i32
      %select_n3A = arith.select %eq3A_55, %jit3A_56, %jit3A : i32
      %rem3A = arith.remsi %scan3A_51, %select_n3A : i32
      %ne3A = arith.constant 0 : i32
      %ne3A_57 = arith.cmpi ne, %rem3A, %ne3A : i32
      %lt3A = arith.constant 0 : i32
      %lt3A_58 = arith.cmpi slt, %rem3A, %lt3A : i32
      %lt3A_59 = arith.constant 0 : i32
      %lt3A_60 = arith.cmpi slt, %select_n3A, %lt3A_59 : i32
      %ne3A_61 = arith.xori %lt3A_58, %lt3A_60 : i1
      %and3A = arith.andi %ne3A_61, %ne3A_57 : i1
      %add3A_62 = arith.addi %rem3A, %select_n3A : i32
      %select_n3A_63 = arith.select %and3A, %add3A_62, %rem3A : i32
      %eq3A_64 = arith.constant 0 : i32
      %eq3A_65 = arith.cmpi eq, %select_n3A_63, %eq3A_64 : i32
      %convert_element_type3A_66 = arith.extui %eq3A_65 : i1 to i32
      %cond3A_67 = arith.constant 0 : i32
      %cond3A_68 = arith.cmpi ne, %convert_element_type3A_66, %cond3A_67 : i32
      scf.if %cond3A_68 {
        %add3A_90 = arith.constant 1 : i32
        %add3A_91 = arith.addi %scan3A_51, %add3A_90 : i32
        %lt3A_92 = arith.constant 125 : i32
        %lt3A_93 = arith.cmpi slt, %add3A_91, %lt3A_92 : i32
        %convert_element_type3A_94 = arith.extui %lt3A_93 : i1 to i32
        %cond3A_95 = arith.constant 0 : i32
        %cond3A_96 = arith.cmpi ne, %convert_element_type3A_94, %cond3A_95 : i32
        scf.if %cond3A_96 {
          %add3A_187 = arith.constant 80 : i32
          %add3A_188 = arith.addi %mul3A_53, %add3A_187 : i32
          %dma_start3A_189 = tpu.memref_slice %arg20[%add3A_188] : memref<10000xi32, #tpu.memory_space<vmem>> -> memref<80xi32, #tpu.memory_space<vmem>>
          %dma_start3A_190 = arith.constant 0 : i32
          %dma_start3A_191 = tpu.memref_slice %arg17[%dma_start3A_190] : memref<480000xi32, #tpu.memory_space<vmem_shared>> -> memref<480000xi32, #tpu.memory_space<vmem_shared>>
          tpu.enqueue_indirect_dma source(%dma_start3A_191 : memref<480000xi32, #tpu.memory_space<vmem_shared>>) target(%arg23 : memref<80xi32, #tpu.memory_space<vmem>>) offsets(%dma_start3A_189 : memref<80xi32, #tpu.memory_space<vmem>>) semaphore(%arg28 : memref<!tpu.dma_semaphore, #tpu.memory_space<semaphore_mem>>)
          %add3A_192 = arith.constant 80 : i32
          %add3A_193 = arith.addi %mul3A_53, %add3A_192 : i32
          %dma_start3A_194 = tpu.memref_slice %arg18[%add3A_193] : memref<10000xi32, #tpu.memory_space<vmem>> -> memref<80xi32, #tpu.memory_space<vmem>>
          %dma_start3A_195 = arith.constant 0 : i32
          %dma_start3A_196 = arith.constant 0 : i32
          %dma_start3A_197 = tpu.memref_slice %arg16[%dma_start3A_195, %dma_start3A_196] : memref<2048x64xf32, #tpu.memory_space<vmem_shared>> -> memref<2048x64xf32, #tpu.memory_space<vmem_shared>>
          tpu.enqueue_indirect_dma source(%dma_start3A_197 : memref<2048x64xf32, #tpu.memory_space<vmem_shared>>) target(%arg25 : memref<80x64xf32, #tpu.memory_space<vmem>>) offsets(%dma_start3A_194 : memref<80xi32, #tpu.memory_space<vmem>>) semaphore(%arg30 : memref<!tpu.dma_semaphore, #tpu.memory_space<semaphore_mem>>)
        } else {
        }
        %dma_wait3A = arith.constant 0 : i32
        %dma_wait3A_97 = tpu.memref_slice %arg17[%dma_wait3A] : memref<480000xi32, #tpu.memory_space<vmem_shared>> -> memref<80xi32, #tpu.memory_space<vmem_shared>>
        %dma_wait3A_98 = arith.constant 0 : i32
        %dma_wait3A_99 = tpu.memref_slice %arg17[%dma_wait3A_98] : memref<480000xi32, #tpu.memory_space<vmem_shared>> -> memref<80xi32, #tpu.memory_space<vmem_shared>>
        tpu.wait_dma2 semaphore(%arg27 : memref<!tpu.dma_semaphore, #tpu.memory_space<semaphore_mem>>) src(%dma_wait3A_99 : memref<80xi32, #tpu.memory_space<vmem_shared>>) dst(%arg22 : memref<80xi32, #tpu.memory_space<vmem>>)
        %get3A = arith.constant 0 : index
        %get3A_100 = tpu.vector_load %arg22[%get3A] {strides = array<i32>} : memref<80xi32, #tpu.memory_space<vmem>>, vector<16xi32>,
        %get3A_101 = vector.shape_cast %get3A_100 : vector<16xi32> to vector<16xi32>
        %add3A_102 = arith.constant 0 : i32
        %add3A_103 = arith.addi %mul3A_53, %add3A_102 : i32
        %get3A_104 = arith.index_cast %add3A_103 : i32 to index
        %get3A_105 = tpu.vector_load %arg19[%get3A_104] {strides = array<i32>} : memref<10000xi32, #tpu.memory_space<vmem>>, vector<16xi32>,
        %get3A_106 = vector.shape_cast %get3A_105 : vector<16xi32> to vector<16xi32>
        %mul3A_107 = arith.constant 2000 : i32
        %mul3A_108 = vector.broadcast %mul3A_107 : i32 to vector<16xi32>
        %mul3A_109 = arith.muli %get3A_101, %mul3A_108 : vector<16xi32>
        %add3A_110 = arith.addi %mul3A_109, %get3A_106 : vector<16xi32>
        %swap3A = arith.constant 0 : index
        %swap3A_111 = tpu.vector_load %arg21[%swap3A] {strides = array<i32>} : memref<80xi32, #tpu.memory_space<vmem>>, vector<16xi32>,
        %swap3A_112 = vector.shape_cast %swap3A_111 : vector<16xi32> to vector<16xi32>
        %swap3A_113 = vector.shape_cast %add3A_110 : vector<16xi32> to vector<16xi32>
        tpu.vector_store %arg21[%swap3A], %swap3A_113 {strides = array<i32>} : memref<80xi32, #tpu.memory_space<vmem>>, vector<16xi32>,
        %get3A_114 = arith.constant 16 : index
        %get3A_115 = tpu.vector_load %arg22[%get3A_114] {strides = array<i32>} : memref<80xi32, #tpu.memory_space<vmem>>, vector<16xi32>,
        %get3A_116 = vector.shape_cast %get3A_115 : vector<16xi32> to vector<16xi32>
        %add3A_117 = arith.constant 16 : i32
        %add3A_118 = arith.addi %mul3A_53, %add3A_117 : i32
        %get3A_119 = arith.index_cast %add3A_118 : i32 to index
        %get3A_120 = tpu.vector_load %arg19[%get3A_119] {strides = array<i32>} : memref<10000xi32, #tpu.memory_space<vmem>>, vector<16xi32>,
        %get3A_121 = vector.shape_cast %get3A_120 : vector<16xi32> to vector<16xi32>
        %mul3A_122 = arith.constant 2000 : i32
        %mul3A_123 = vector.broadcast %mul3A_122 : i32 to vector<16xi32>
        %mul3A_124 = arith.muli %get3A_116, %mul3A_123 : vector<16xi32>
        %add3A_125 = arith.addi %mul3A_124, %get3A_121 : vector<16xi32>
        %swap3A_126 = arith.constant 16 : index
        %swap3A_127 = tpu.vector_load %arg21[%swap3A_126] {strides = array<i32>} : memref<80xi32, #tpu.memory_space<vmem>>, vector<16xi32>,
        %swap3A_128 = vector.shape_cast %swap3A_127 : vector<16xi32> to vector<16xi32>
        %swap3A_129 = vector.shape_cast %add3A_125 : vector<16xi32> to vector<16xi32>
        tpu.vector_store %arg21[%swap3A_126], %swap3A_129 {strides = array<i32>} : memref<80xi32, #tpu.memory_space<vmem>>, vector<16xi32>,
        %get3A_130 = arith.constant 32 : index
        %get3A_131 = tpu.vector_load %arg22[%get3A_130] {strides = array<i32>} : memref<80xi32, #tpu.memory_space<vmem>>, vector<16xi32>,
        %get3A_132 = vector.shape_cast %get3A_131 : vector<16xi32> to vector<16xi32>
        %add3A_133 = arith.constant 32 : i32
        %add3A_134 = arith.addi %mul3A_53, %add3A_133 : i32
        %get3A_135 = arith.index_cast %add3A_134 : i32 to index
        %get3A_136 = tpu.vector_load %arg19[%get3A_135] {strides = array<i32>} : memref<10000xi32, #tpu.memory_space<vmem>>, vector<16xi32>,
        %get3A_137 = vector.shape_cast %get3A_136 : vector<16xi32> to vector<16xi32>
        %mul3A_138 = arith.constant 2000 : i32
        %mul3A_139 = vector.broadcast %mul3A_138 : i32 to vector<16xi32>
        %mul3A_140 = arith.muli %get3A_132, %mul3A_139 : vector<16xi32>
        %add3A_141 = arith.addi %mul3A_140, %get3A_137 : vector<16xi32>
        %swap3A_142 = arith.constant 32 : index
        %swap3A_143 = tpu.vector_load %arg21[%swap3A_142] {strides = array<i32>} : memref<80xi32, #tpu.memory_space<vmem>>, vector<16xi32>,
        %swap3A_144 = vector.shape_cast %swap3A_143 : vector<16xi32> to vector<16xi32>
        %swap3A_145 = vector.shape_cast %add3A_141 : vector<16xi32> to vector<16xi32>
        tpu.vector_store %arg21[%swap3A_142], %swap3A_145 {strides = array<i32>} : memref<80xi32, #tpu.memory_space<vmem>>, vector<16xi32>,
        %get3A_146 = arith.constant 48 : index
        %get3A_147 = tpu.vector_load %arg22[%get3A_146] {strides = array<i32>} : memref<80xi32, #tpu.memory_space<vmem>>, vector<16xi32>,
        %get3A_148 = vector.shape_cast %get3A_147 : vector<16xi32> to vector<16xi32>
        %add3A_149 = arith.constant 48 : i32
        %add3A_150 = arith.addi %mul3A_53, %add3A_149 : i32
        %get3A_151 = arith.index_cast %add3A_150 : i32 to index
        %get3A_152 = tpu.vector_load %arg19[%get3A_151] {strides = array<i32>} : memref<10000xi32, #tpu.memory_space<vmem>>, vector<16xi32>,
        %get3A_153 = vector.shape_cast %get3A_152 : vector<16xi32> to vector<16xi32>
        %mul3A_154 = arith.constant 2000 : i32
        %mul3A_155 = vector.broadcast %mul3A_154 : i32 to vector<16xi32>
        %mul3A_156 = arith.muli %get3A_148, %mul3A_155 : vector<16xi32>
        %add3A_157 = arith.addi %mul3A_156, %get3A_153 : vector<16xi32>
        %swap3A_158 = arith.constant 48 : index
        %swap3A_159 = tpu.vector_load %arg21[%swap3A_158] {strides = array<i32>} : memref<80xi32, #tpu.memory_space<vmem>>, vector<16xi32>,
        %swap3A_160 = vector.shape_cast %swap3A_159 : vector<16xi32> to vector<16xi32>
        %swap3A_161 = vector.shape_cast %add3A_157 : vector<16xi32> to vector<16xi32>
        tpu.vector_store %arg21[%swap3A_158], %swap3A_161 {strides = array<i32>} : memref<80xi32, #tpu.memory_space<vmem>>, vector<16xi32>,
        %get3A_162 = arith.constant 64 : index
        %get3A_163 = tpu.vector_load %arg22[%get3A_162] {strides = array<i32>} : memref<80xi32, #tpu.memory_space<vmem>>, vector<16xi32>,
        %get3A_164 = vector.shape_cast %get3A_163 : vector<16xi32> to vector<16xi32>
        %add3A_165 = arith.constant 64 : i32
        %add3A_166 = arith.addi %mul3A_53, %add3A_165 : i32
        %get3A_167 = arith.index_cast %add3A_166 : i32 to index
        %get3A_168 = tpu.vector_load %arg19[%get3A_167] {strides = array<i32>} : memref<10000xi32, #tpu.memory_space<vmem>>, vector<16xi32>,
        %get3A_169 = vector.shape_cast %get3A_168 : vector<16xi32> to vector<16xi32>
        %mul3A_170 = arith.constant 2000 : i32
        %mul3A_171 = vector.broadcast %mul3A_170 : i32 to vector<16xi32>
        %mul3A_172 = arith.muli %get3A_164, %mul3A_171 : vector<16xi32>
        %add3A_173 = arith.addi %mul3A_172, %get3A_169 : vector<16xi32>
        %swap3A_174 = arith.constant 64 : index
        %swap3A_175 = tpu.vector_load %arg21[%swap3A_174] {strides = array<i32>} : memref<80xi32, #tpu.memory_space<vmem>>, vector<16xi32>,
        %swap3A_176 = vector.shape_cast %swap3A_175 : vector<16xi32> to vector<16xi32>
        %swap3A_177 = vector.shape_cast %add3A_173 : vector<16xi32> to vector<16xi32>
        tpu.vector_store %arg21[%swap3A_174], %swap3A_177 {strides = array<i32>} : memref<80xi32, #tpu.memory_space<vmem>>, vector<16xi32>,
        %dma_wait3A_178 = arith.constant 0 : i32
        %dma_wait3A_179 = arith.constant 0 : i32
        %dma_wait3A_180 = tpu.memref_slice %arg16[%dma_wait3A_178, %dma_wait3A_179] : memref<2048x64xf32, #tpu.memory_space<vmem_shared>> -> memref<80x64xf32, #tpu.memory_space<vmem_shared>>
        %dma_wait3A_181 = arith.constant 0 : i32
        %dma_wait3A_182 = arith.constant 0 : i32
        %dma_wait3A_183 = tpu.memref_slice %arg16[%dma_wait3A_181, %dma_wait3A_182] : memref<2048x64xf32, #tpu.memory_space<vmem_shared>> -> memref<80x64xf32, #tpu.memory_space<vmem_shared>>
        tpu.wait_dma2 semaphore(%arg29 : memref<!tpu.dma_semaphore, #tpu.memory_space<semaphore_mem>>) src(%dma_wait3A_183 : memref<80x64xf32, #tpu.memory_space<vmem_shared>>) dst(%arg24 : memref<80x64xf32, #tpu.memory_space<vmem>>)
        "tpu.region"() ({
          %run_scoped3A = tpu.sem_alloc : memref<!tpu.dma_semaphore, #tpu.memory_space<semaphore_mem>>
          %dma_start3A_187 = arith.constant 0 : i32
          %dma_start3A_188 = arith.constant 0 : i32
          %dma_start3A_189 = tpu.memref_slice %arg14[%dma_start3A_187, %dma_start3A_188] : memref<8192x64xf32, #tpu.memory_space<vmem_shared>> -> memref<8192x64xf32, #tpu.memory_space<vmem_shared>>
          tpu.enqueue_indirect_dma source(%arg24 : memref<80x64xf32, #tpu.memory_space<vmem>>) target(%dma_start3A_189 : memref<8192x64xf32, #tpu.memory_space<vmem_shared>>) offsets(%arg21 : memref<80xi32, #tpu.memory_space<vmem>>) semaphore(%run_scoped3A : memref<!tpu.dma_semaphore, #tpu.memory_space<semaphore_mem>>) {add = true}
          %dma_wait3A_190 = arith.constant 0 : i32
          %dma_wait3A_191 = arith.constant 0 : i32
          %dma_wait3A_192 = tpu.memref_slice %arg14[%dma_wait3A_190, %dma_wait3A_191] : memref<8192x64xf32, #tpu.memory_space<vmem_shared>> -> memref<8192x64xf32, #tpu.memory_space<vmem_shared>>
          tpu.wait_indirect_dma semaphore(%run_scoped3A : memref<!tpu.dma_semaphore, #tpu.memory_space<semaphore_mem>>) src(%arg24 : memref<80x64xf32, #tpu.memory_space<vmem>>) dst(%dma_wait3A_192 : memref<8192x64xf32, #tpu.memory_space<vmem_shared>>)
          tpu.yield
        }) : () -> ()
        %convert_element_type3A_184 = arith.extui %eq3A_0 : i1 to i32
        %cond3A_185 = arith.constant 0 : i32
        %cond3A_186 = arith.cmpi ne, %convert_element_type3A_184, %cond3A_185 : i32
        scf.if %cond3A_186 {
          "tpu.region"() ({
            %run_scoped3A = tpu.sem_alloc : memref<!tpu.dma_semaphore, #tpu.memory_space<semaphore_mem>>
            %dma_start3A_187 = arith.constant 0 : i32
            %dma_start3A_188 = arith.constant 0 : i32
            %dma_start3A_189 = tpu.memref_slice %arg15[%dma_start3A_187, %dma_start3A_188] : memref<8192x8xf32, #tpu.memory_space<vmem_shared>> -> memref<8192x8xf32, #tpu.memory_space<vmem_shared>>
            tpu.enqueue_indirect_dma source(%arg26 : memref<80x8xf32, #tpu.memory_space<vmem>>) target(%dma_start3A_189 : memref<8192x8xf32, #tpu.memory_space<vmem_shared>>) offsets(%arg21 : memref<80xi32, #tpu.memory_space<vmem>>) semaphore(%run_scoped3A : memref<!tpu.dma_semaphore, #tpu.memory_space<semaphore_mem>>) {add = true}
            %dma_wait3A_190 = arith.constant 0 : i32
            %dma_wait3A_191 = arith.constant 0 : i32
            %dma_wait3A_192 = tpu.memref_slice %arg15[%dma_wait3A_190, %dma_wait3A_191] : memref<8192x8xf32, #tpu.memory_space<vmem_shared>> -> memref<8192x8xf32, #tpu.memory_space<vmem_shared>>
            tpu.wait_indirect_dma semaphore(%run_scoped3A : memref<!tpu.dma_semaphore, #tpu.memory_space<semaphore_mem>>) src(%arg26 : memref<80x8xf32, #tpu.memory_space<vmem>>) dst(%dma_wait3A_192 : memref<8192x8xf32, #tpu.memory_space<vmem_shared>>)
            tpu.yield
          }) : () -> ()
        } else {
        }
      } else {
      }
      %jit3A_69 = arith.constant 2 : i32
      %eq3A_70 = arith.constant 0 : i32
      %eq3A_71 = arith.cmpi eq, %jit3A_69, %eq3A_70 : i32
      %jit3A_72 = arith.constant 1 : i32
      %select_n3A_73 = arith.select %eq3A_71, %jit3A_72, %jit3A_69 : i32
      %rem3A_74 = arith.remsi %scan3A_51, %select_n3A_73 : i32
      %ne3A_75 = arith.constant 0 : i32
      %ne3A_76 = arith.cmpi ne, %rem3A_74, %ne3A_75 : i32
      %lt3A_77 = arith.constant 0 : i32
      %lt3A_78 = arith.cmpi slt, %rem3A_74, %lt3A_77 : i32
      %lt3A_79 = arith.constant 0 : i32
      %lt3A_80 = arith.cmpi slt, %select_n3A_73, %lt3A_79 : i32
      %ne3A_81 = arith.xori %lt3A_78, %lt3A_80 : i1
      %and3A_82 = arith.andi %ne3A_81, %ne3A_76 : i1
      %add3A_83 = arith.addi %rem3A_74, %select_n3A_73 : i32
      %select_n3A_84 = arith.select %and3A_82, %add3A_83, %rem3A_74 : i32
      %eq3A_85 = arith.constant 1 : i32
      %eq3A_86 = arith.cmpi eq, %select_n3A_84, %eq3A_85 : i32
      %convert_element_type3A_87 = arith.extui %eq3A_86 : i1 to i32
      %cond3A_88 = arith.constant 0 : i32
      %cond3A_89 = arith.cmpi ne, %convert_element_type3A_87, %cond3A_88 : i32
      scf.if %cond3A_89 {
        %add3A_90 = arith.constant 1 : i32
        %add3A_91 = arith.addi %scan3A_51, %add3A_90 : i32
        %lt3A_92 = arith.constant 125 : i32
        %lt3A_93 = arith.cmpi slt, %add3A_91, %lt3A_92 : i32
        %convert_element_type3A_94 = arith.extui %lt3A_93 : i1 to i32
        %cond3A_95 = arith.constant 0 : i32
        %cond3A_96 = arith.cmpi ne, %convert_element_type3A_94, %cond3A_95 : i32
        scf.if %cond3A_96 {
          %add3A_187 = arith.constant 80 : i32
          %add3A_188 = arith.addi %mul3A_53, %add3A_187 : i32
          %dma_start3A_189 = tpu.memref_slice %arg20[%add3A_188] : memref<10000xi32, #tpu.memory_space<vmem>> -> memref<80xi32, #tpu.memory_space<vmem>>
          %dma_start3A_190 = arith.constant 0 : i32
          %dma_start3A_191 = tpu.memref_slice %arg17[%dma_start3A_190] : memref<480000xi32, #tpu.memory_space<vmem_shared>> -> memref<480000xi32, #tpu.memory_space<vmem_shared>>
          tpu.enqueue_indirect_dma source(%dma_start3A_191 : memref<480000xi32, #tpu.memory_space<vmem_shared>>) target(%arg22 : memref<80xi32, #tpu.memory_space<vmem>>) offsets(%dma_start3A_189 : memref<80xi32, #tpu.memory_space<vmem>>) semaphore(%arg27 : memref<!tpu.dma_semaphore, #tpu.memory_space<semaphore_mem>>)
          %add3A_192 = arith.constant 80 : i32
          %add3A_193 = arith.addi %mul3A_53, %add3A_192 : i32
          %dma_start3A_194 = tpu.memref_slice %arg18[%add3A_193] : memref<10000xi32, #tpu.memory_space<vmem>> -> memref<80xi32, #tpu.memory_space<vmem>>
          %dma_start3A_195 = arith.constant 0 : i32
          %dma_start3A_196 = arith.constant 0 : i32
          %dma_start3A_197 = tpu.memref_slice %arg16[%dma_start3A_195, %dma_start3A_196] : memref<2048x64xf32, #tpu.memory_space<vmem_shared>> -> memref<2048x64xf32, #tpu.memory_space<vmem_shared>>
          tpu.enqueue_indirect_dma source(%dma_start3A_197 : memref<2048x64xf32, #tpu.memory_space<vmem_shared>>) target(%arg24 : memref<80x64xf32, #tpu.memory_space<vmem>>) offsets(%dma_start3A_194 : memref<80xi32, #tpu.memory_space<vmem>>) semaphore(%arg29 : memref<!tpu.dma_semaphore, #tpu.memory_space<semaphore_mem>>)
        } else {
        }
        %dma_wait3A = arith.constant 0 : i32
        %dma_wait3A_97 = tpu.memref_slice %arg17[%dma_wait3A] : memref<480000xi32, #tpu.memory_space<vmem_shared>> -> memref<80xi32, #tpu.memory_space<vmem_shared>>
        %dma_wait3A_98 = arith.constant 0 : i32
        %dma_wait3A_99 = tpu.memref_slice %arg17[%dma_wait3A_98] : memref<480000xi32, #tpu.memory_space<vmem_shared>> -> memref<80xi32, #tpu.memory_space<vmem_shared>>
        tpu.wait_dma2 semaphore(%arg28 : memref<!tpu.dma_semaphore, #tpu.memory_space<semaphore_mem>>) src(%dma_wait3A_99 : memref<80xi32, #tpu.memory_space<vmem_shared>>) dst(%arg23 : memref<80xi32, #tpu.memory_space<vmem>>)
        %get3A = arith.constant 0 : index
        %get3A_100 = tpu.vector_load %arg23[%get3A] {strides = array<i32>} : memref<80xi32, #tpu.memory_space<vmem>>, vector<16xi32>,
        %get3A_101 = vector.shape_cast %get3A_100 : vector<16xi32> to vector<16xi32>
        %add3A_102 = arith.constant 0 : i32
        %add3A_103 = arith.addi %mul3A_53, %add3A_102 : i32
        %get3A_104 = arith.index_cast %add3A_103 : i32 to index
        %get3A_105 = tpu.vector_load %arg19[%get3A_104] {strides = array<i32>} : memref<10000xi32, #tpu.memory_space<vmem>>, vector<16xi32>,
        %get3A_106 = vector.shape_cast %get3A_105 : vector<16xi32> to vector<16xi32>
        %mul3A_107 = arith.constant 2000 : i32
        %mul3A_108 = vector.broadcast %mul3A_107 : i32 to vector<16xi32>
        %mul3A_109 = arith.muli %get3A_101, %mul3A_108 : vector<16xi32>
        %add3A_110 = arith.addi %mul3A_109, %get3A_106 : vector<16xi32>
        %swap3A = arith.constant 0 : index
        %swap3A_111 = tpu.vector_load %arg21[%swap3A] {strides = array<i32>} : memref<80xi32, #tpu.memory_space<vmem>>, vector<16xi32>,
        %swap3A_112 = vector.shape_cast %swap3A_111 : vector<16xi32> to vector<16xi32>
        %swap3A_113 = vector.shape_cast %add3A_110 : vector<16xi32> to vector<16xi32>
        tpu.vector_store %arg21[%swap3A], %swap3A_113 {strides = array<i32>} : memref<80xi32, #tpu.memory_space<vmem>>, vector<16xi32>,
        %get3A_114 = arith.constant 16 : index
        %get3A_115 = tpu.vector_load %arg23[%get3A_114] {strides = array<i32>} : memref<80xi32, #tpu.memory_space<vmem>>, vector<16xi32>,
        %get3A_116 = vector.shape_cast %get3A_115 : vector<16xi32> to vector<16xi32>
        %add3A_117 = arith.constant 16 : i32
        %add3A_118 = arith.addi %mul3A_53, %add3A_117 : i32
        %get3A_119 = arith.index_cast %add3A_118 : i32 to index
        %get3A_120 = tpu.vector_load %arg19[%get3A_119] {strides = array<i32>} : memref<10000xi32, #tpu.memory_space<vmem>>, vector<16xi32>,
        %get3A_121 = vector.shape_cast %get3A_120 : vector<16xi32> to vector<16xi32>
        %mul3A_122 = arith.constant 2000 : i32
        %mul3A_123 = vector.broadcast %mul3A_122 : i32 to vector<16xi32>
        %mul3A_124 = arith.muli %get3A_116, %mul3A_123 : vector<16xi32>
        %add3A_125 = arith.addi %mul3A_124, %get3A_121 : vector<16xi32>
        %swap3A_126 = arith.constant 16 : index
        %swap3A_127 = tpu.vector_load %arg21[%swap3A_126] {strides = array<i32>} : memref<80xi32, #tpu.memory_space<vmem>>, vector<16xi32>,
        %swap3A_128 = vector.shape_cast %swap3A_127 : vector<16xi32> to vector<16xi32>
        %swap3A_129 = vector.shape_cast %add3A_125 : vector<16xi32> to vector<16xi32>
        tpu.vector_store %arg21[%swap3A_126], %swap3A_129 {strides = array<i32>} : memref<80xi32, #tpu.memory_space<vmem>>, vector<16xi32>,
        %get3A_130 = arith.constant 32 : index
        %get3A_131 = tpu.vector_load %arg23[%get3A_130] {strides = array<i32>} : memref<80xi32, #tpu.memory_space<vmem>>, vector<16xi32>,
        %get3A_132 = vector.shape_cast %get3A_131 : vector<16xi32> to vector<16xi32>
        %add3A_133 = arith.constant 32 : i32
        %add3A_134 = arith.addi %mul3A_53, %add3A_133 : i32
        %get3A_135 = arith.index_cast %add3A_134 : i32 to index
        %get3A_136 = tpu.vector_load %arg19[%get3A_135] {strides = array<i32>} : memref<10000xi32, #tpu.memory_space<vmem>>, vector<16xi32>,
        %get3A_137 = vector.shape_cast %get3A_136 : vector<16xi32> to vector<16xi32>
        %mul3A_138 = arith.constant 2000 : i32
        %mul3A_139 = vector.broadcast %mul3A_138 : i32 to vector<16xi32>
        %mul3A_140 = arith.muli %get3A_132, %mul3A_139 : vector<16xi32>
        %add3A_141 = arith.addi %mul3A_140, %get3A_137 : vector<16xi32>
        %swap3A_142 = arith.constant 32 : index
        %swap3A_143 = tpu.vector_load %arg21[%swap3A_142] {strides = array<i32>} : memref<80xi32, #tpu.memory_space<vmem>>, vector<16xi32>,
        %swap3A_144 = vector.shape_cast %swap3A_143 : vector<16xi32> to vector<16xi32>
        %swap3A_145 = vector.shape_cast %add3A_141 : vector<16xi32> to vector<16xi32>
        tpu.vector_store %arg21[%swap3A_142], %swap3A_145 {strides = array<i32>} : memref<80xi32, #tpu.memory_space<vmem>>, vector<16xi32>,
        %get3A_146 = arith.constant 48 : index
        %get3A_147 = tpu.vector_load %arg23[%get3A_146] {strides = array<i32>} : memref<80xi32, #tpu.memory_space<vmem>>, vector<16xi32>,
        %get3A_148 = vector.shape_cast %get3A_147 : vector<16xi32> to vector<16xi32>
        %add3A_149 = arith.constant 48 : i32
        %add3A_150 = arith.addi %mul3A_53, %add3A_149 : i32
        %get3A_151 = arith.index_cast %add3A_150 : i32 to index
        %get3A_152 = tpu.vector_load %arg19[%get3A_151] {strides = array<i32>} : memref<10000xi32, #tpu.memory_space<vmem>>, vector<16xi32>,
        %get3A_153 = vector.shape_cast %get3A_152 : vector<16xi32> to vector<16xi32>
        %mul3A_154 = arith.constant 2000 : i32
        %mul3A_155 = vector.broadcast %mul3A_154 : i32 to vector<16xi32>
        %mul3A_156 = arith.muli %get3A_148, %mul3A_155 : vector<16xi32>
        %add3A_157 = arith.addi %mul3A_156, %get3A_153 : vector<16xi32>
        %swap3A_158 = arith.constant 48 : index
        %swap3A_159 = tpu.vector_load %arg21[%swap3A_158] {strides = array<i32>} : memref<80xi32, #tpu.memory_space<vmem>>, vector<16xi32>,
        %swap3A_160 = vector.shape_cast %swap3A_159 : vector<16xi32> to vector<16xi32>
        %swap3A_161 = vector.shape_cast %add3A_157 : vector<16xi32> to vector<16xi32>
        tpu.vector_store %arg21[%swap3A_158], %swap3A_161 {strides = array<i32>} : memref<80xi32, #tpu.memory_space<vmem>>, vector<16xi32>,
        %get3A_162 = arith.constant 64 : index
        %get3A_163 = tpu.vector_load %arg23[%get3A_162] {strides = array<i32>} : memref<80xi32, #tpu.memory_space<vmem>>, vector<16xi32>,
        %get3A_164 = vector.shape_cast %get3A_163 : vector<16xi32> to vector<16xi32>
        %add3A_165 = arith.constant 64 : i32
        %add3A_166 = arith.addi %mul3A_53, %add3A_165 : i32
        %get3A_167 = arith.index_cast %add3A_166 : i32 to index
        %get3A_168 = tpu.vector_load %arg19[%get3A_167] {strides = array<i32>} : memref<10000xi32, #tpu.memory_space<vmem>>, vector<16xi32>,
        %get3A_169 = vector.shape_cast %get3A_168 : vector<16xi32> to vector<16xi32>
        %mul3A_170 = arith.constant 2000 : i32
        %mul3A_171 = vector.broadcast %mul3A_170 : i32 to vector<16xi32>
        %mul3A_172 = arith.muli %get3A_164, %mul3A_171 : vector<16xi32>
        %add3A_173 = arith.addi %mul3A_172, %get3A_169 : vector<16xi32>
        %swap3A_174 = arith.constant 64 : index
        %swap3A_175 = tpu.vector_load %arg21[%swap3A_174] {strides = array<i32>} : memref<80xi32, #tpu.memory_space<vmem>>, vector<16xi32>,
        %swap3A_176 = vector.shape_cast %swap3A_175 : vector<16xi32> to vector<16xi32>
        %swap3A_177 = vector.shape_cast %add3A_173 : vector<16xi32> to vector<16xi32>
        tpu.vector_store %arg21[%swap3A_174], %swap3A_177 {strides = array<i32>} : memref<80xi32, #tpu.memory_space<vmem>>, vector<16xi32>,
        %dma_wait3A_178 = arith.constant 0 : i32
        %dma_wait3A_179 = arith.constant 0 : i32
        %dma_wait3A_180 = tpu.memref_slice %arg16[%dma_wait3A_178, %dma_wait3A_179] : memref<2048x64xf32, #tpu.memory_space<vmem_shared>> -> memref<80x64xf32, #tpu.memory_space<vmem_shared>>
        %dma_wait3A_181 = arith.constant 0 : i32
        %dma_wait3A_182 = arith.constant 0 : i32
        %dma_wait3A_183 = tpu.memref_slice %arg16[%dma_wait3A_181, %dma_wait3A_182] : memref<2048x64xf32, #tpu.memory_space<vmem_shared>> -> memref<80x64xf32, #tpu.memory_space<vmem_shared>>
        tpu.wait_dma2 semaphore(%arg30 : memref<!tpu.dma_semaphore, #tpu.memory_space<semaphore_mem>>) src(%dma_wait3A_183 : memref<80x64xf32, #tpu.memory_space<vmem_shared>>) dst(%arg25 : memref<80x64xf32, #tpu.memory_space<vmem>>)
        "tpu.region"() ({
          %run_scoped3A = tpu.sem_alloc : memref<!tpu.dma_semaphore, #tpu.memory_space<semaphore_mem>>
          %dma_start3A_187 = arith.constant 0 : i32
          %dma_start3A_188 = arith.constant 0 : i32
          %dma_start3A_189 = tpu.memref_slice %arg14[%dma_start3A_187, %dma_start3A_188] : memref<8192x64xf32, #tpu.memory_space<vmem_shared>> -> memref<8192x64xf32, #tpu.memory_space<vmem_shared>>
          tpu.enqueue_indirect_dma source(%arg25 : memref<80x64xf32, #tpu.memory_space<vmem>>) target(%dma_start3A_189 : memref<8192x64xf32, #tpu.memory_space<vmem_shared>>) offsets(%arg21 : memref<80xi32, #tpu.memory_space<vmem>>) semaphore(%run_scoped3A : memref<!tpu.dma_semaphore, #tpu.memory_space<semaphore_mem>>) {add = true}
          %dma_wait3A_190 = arith.constant 0 : i32
          %dma_wait3A_191 = arith.constant 0 : i32
          %dma_wait3A_192 = tpu.memref_slice %arg14[%dma_wait3A_190, %dma_wait3A_191] : memref<8192x64xf32, #tpu.memory_space<vmem_shared>> -> memref<8192x64xf32, #tpu.memory_space<vmem_shared>>
          tpu.wait_indirect_dma semaphore(%run_scoped3A : memref<!tpu.dma_semaphore, #tpu.memory_space<semaphore_mem>>) src(%arg25 : memref<80x64xf32, #tpu.memory_space<vmem>>) dst(%dma_wait3A_192 : memref<8192x64xf32, #tpu.memory_space<vmem_shared>>)
          tpu.yield
        }) : () -> ()
        %convert_element_type3A_184 = arith.extui %eq3A_0 : i1 to i32
        %cond3A_185 = arith.constant 0 : i32
        %cond3A_186 = arith.cmpi ne, %convert_element_type3A_184, %cond3A_185 : i32
        scf.if %cond3A_186 {
          "tpu.region"() ({
            %run_scoped3A = tpu.sem_alloc : memref<!tpu.dma_semaphore, #tpu.memory_space<semaphore_mem>>
            %dma_start3A_187 = arith.constant 0 : i32
            %dma_start3A_188 = arith.constant 0 : i32
            %dma_start3A_189 = tpu.memref_slice %arg15[%dma_start3A_187, %dma_start3A_188] : memref<8192x8xf32, #tpu.memory_space<vmem_shared>> -> memref<8192x8xf32, #tpu.memory_space<vmem_shared>>
            tpu.enqueue_indirect_dma source(%arg26 : memref<80x8xf32, #tpu.memory_space<vmem>>) target(%dma_start3A_189 : memref<8192x8xf32, #tpu.memory_space<vmem_shared>>) offsets(%arg21 : memref<80xi32, #tpu.memory_space<vmem>>) semaphore(%run_scoped3A : memref<!tpu.dma_semaphore, #tpu.memory_space<semaphore_mem>>) {add = true}
            %dma_wait3A_190 = arith.constant 0 : i32
            %dma_wait3A_191 = arith.constant 0 : i32
            %dma_wait3A_192 = tpu.memref_slice %arg15[%dma_wait3A_190, %dma_wait3A_191] : memref<8192x8xf32, #tpu.memory_space<vmem_shared>> -> memref<8192x8xf32, #tpu.memory_space<vmem_shared>>
            tpu.wait_indirect_dma semaphore(%run_scoped3A : memref<!tpu.dma_semaphore, #tpu.memory_space<semaphore_mem>>) src(%arg26 : memref<80x8xf32, #tpu.memory_space<vmem>>) dst(%dma_wait3A_192 : memref<8192x8xf32, #tpu.memory_space<vmem_shared>>)
            tpu.yield
          }) : () -> ()
        } else {
        }
      } else {
      }
    }
    %scan3A_41 = arith.constant 125 : i32
    %barrier3A_42 = arith.constant 0 : index
    tpu.barrier barrier_id(%barrier3A_42)
    %convert_element_type3A_43 = arith.extui %eq3A_0 : i1 to i32
    %cond3A_44 = arith.constant 0 : i32
    %cond3A_45 = arith.cmpi ne, %convert_element_type3A_43, %cond3A_44 : i32
    scf.if %cond3A_45 {
      "tpu.region"() ({
        %run_scoped3A = tpu.sem_alloc : memref<!tpu.dma_semaphore, #tpu.memory_space<semaphore_mem>>
        %dma_start3A_51 = arith.constant 0 : i32
        %dma_start3A_52 = tpu.memref_slice %arg11[%mul3A_1, %dma_start3A_51] : memref<8192x64xf32, #tpu.memory_space<hbm>> -> memref<512x64xf32, #tpu.memory_space<hbm>>
        %dma_start3A_53 = arith.constant 0 : i32
        %dma_start3A_54 = tpu.memref_slice %arg14[%mul3A_1, %dma_start3A_53] : memref<8192x64xf32, #tpu.memory_space<vmem_shared>> -> memref<512x64xf32, #tpu.memory_space<vmem_shared>>
        tpu.enqueue_dma source(%dma_start3A_54 : memref<512x64xf32, #tpu.memory_space<vmem_shared>>) target(%dma_start3A_52 : memref<512x64xf32, #tpu.memory_space<hbm>>) target_semaphore(%run_scoped3A : memref<!tpu.dma_semaphore, #tpu.memory_space<semaphore_mem>>)
        %dma_wait3A = arith.constant 0 : i32
        %dma_wait3A_55 = tpu.memref_slice %arg11[%mul3A_1, %dma_wait3A] : memref<8192x64xf32, #tpu.memory_space<hbm>> -> memref<512x64xf32, #tpu.memory_space<hbm>>
        %dma_wait3A_56 = arith.constant 0 : i32
        %dma_wait3A_57 = tpu.memref_slice %arg14[%mul3A_1, %dma_wait3A_56] : memref<8192x64xf32, #tpu.memory_space<vmem_shared>> -> memref<512x64xf32, #tpu.memory_space<vmem_shared>>
        tpu.wait_dma2 semaphore(%run_scoped3A : memref<!tpu.dma_semaphore, #tpu.memory_space<semaphore_mem>>) src(%dma_wait3A_57 : memref<512x64xf32, #tpu.memory_space<vmem_shared>>) dst(%dma_wait3A_55 : memref<512x64xf32, #tpu.memory_space<hbm>>)
        tpu.yield
      }) : () -> ()
      "tpu.region"() ({
        %run_scoped3A = tpu.sem_alloc : memref<!tpu.dma_semaphore, #tpu.memory_space<semaphore_mem>>
        %dma_start3A_51 = arith.constant 0 : i32
        %dma_start3A_52 = tpu.memref_slice %arg13[%mul3A_1, %dma_start3A_51] : memref<8192x8xf32, #tpu.memory_space<hbm>> -> memref<512x8xf32, #tpu.memory_space<hbm>>
        %dma_start3A_53 = arith.constant 0 : i32
        %dma_start3A_54 = tpu.memref_slice %arg15[%mul3A_1, %dma_start3A_53] : memref<8192x8xf32, #tpu.memory_space<vmem_shared>> -> memref<512x8xf32, #tpu.memory_space<vmem_shared>>
        tpu.enqueue_dma source(%dma_start3A_54 : memref<512x8xf32, #tpu.memory_space<vmem_shared>>) target(%dma_start3A_52 : memref<512x8xf32, #tpu.memory_space<hbm>>) target_semaphore(%run_scoped3A : memref<!tpu.dma_semaphore, #tpu.memory_space<semaphore_mem>>)
        %dma_wait3A = arith.constant 0 : i32
        %dma_wait3A_55 = tpu.memref_slice %arg13[%mul3A_1, %dma_wait3A] : memref<8192x8xf32, #tpu.memory_space<hbm>> -> memref<512x8xf32, #tpu.memory_space<hbm>>
        %dma_wait3A_56 = arith.constant 0 : i32
        %dma_wait3A_57 = tpu.memref_slice %arg15[%mul3A_1, %dma_wait3A_56] : memref<8192x8xf32, #tpu.memory_space<vmem_shared>> -> memref<512x8xf32, #tpu.memory_space<vmem_shared>>
        tpu.wait_dma2 semaphore(%run_scoped3A : memref<!tpu.dma_semaphore, #tpu.memory_space<semaphore_mem>>) src(%dma_wait3A_57 : memref<512x8xf32, #tpu.memory_space<vmem_shared>>) dst(%dma_wait3A_55 : memref<512x8xf32, #tpu.memory_space<hbm>>)
        tpu.yield
      }) : () -> ()
    } else {
    }
    %not3A_46 = arith.constant true
    %not3A_47 = arith.xori %eq3A_0, %not3A_46 : i1
    %convert_element_type3A_48 = arith.extui %not3A_47 : i1 to i32
    %cond3A_49 = arith.constant 0 : i32
    %cond3A_50 = arith.cmpi ne, %convert_element_type3A_48, %cond3A_49 : i32
    scf.if %cond3A_50 {
      "tpu.region"() ({
        %run_scoped3A = tpu.sem_alloc : memref<!tpu.dma_semaphore, #tpu.memory_space<semaphore_mem>>
        %dma_start3A_51 = arith.constant 0 : i32
        %dma_start3A_52 = tpu.memref_slice %arg12[%mul3A_1, %dma_start3A_51] : memref<8192x64xf32, #tpu.memory_space<hbm>> -> memref<512x64xf32, #tpu.memory_space<hbm>>
        %dma_start3A_53 = arith.constant 0 : i32
        %dma_start3A_54 = tpu.memref_slice %arg14[%mul3A_1, %dma_start3A_53] : memref<8192x64xf32, #tpu.memory_space<vmem_shared>> -> memref<512x64xf32, #tpu.memory_space<vmem_shared>>
        tpu.enqueue_dma source(%dma_start3A_54 : memref<512x64xf32, #tpu.memory_space<vmem_shared>>) target(%dma_start3A_52 : memref<512x64xf32, #tpu.memory_space<hbm>>) target_semaphore(%run_scoped3A : memref<!tpu.dma_semaphore, #tpu.memory_space<semaphore_mem>>)
        %dma_wait3A = arith.constant 0 : i32
        %dma_wait3A_55 = tpu.memref_slice %arg12[%mul3A_1, %dma_wait3A] : memref<8192x64xf32, #tpu.memory_space<hbm>> -> memref<512x64xf32, #tpu.memory_space<hbm>>
        %dma_wait3A_56 = arith.constant 0 : i32
        %dma_wait3A_57 = tpu.memref_slice %arg14[%mul3A_1, %dma_wait3A_56] : memref<8192x64xf32, #tpu.memory_space<vmem_shared>> -> memref<512x64xf32, #tpu.memory_space<vmem_shared>>
        tpu.wait_dma2 semaphore(%run_scoped3A : memref<!tpu.dma_semaphore, #tpu.memory_space<semaphore_mem>>) src(%dma_wait3A_57 : memref<512x64xf32, #tpu.memory_space<vmem_shared>>) dst(%dma_wait3A_55 : memref<512x64xf32, #tpu.memory_space<hbm>>)
        tpu.yield
      }) : () -> ()
    } else {
    }
    return
  }
}

module attributes {stable_mosaic.version = 14 : i64} {
  func.func @_dense_body(%arg0: i32, %arg1: i32, %arg2: memref<1000x64xf32, #tpu.memory_space<vmem>>, %arg3: memref<1000x64xf32, #tpu.memory_space<vmem>>, %arg4: memref<1000x8xf32, #tpu.memory_space<vmem>>, %arg5: memref<1000x64xf32, #tpu.memory_space<vmem>>, %arg6: memref<1000x64xf32, #tpu.memory_space<vmem>>, %arg7: memref<1000x1xf32, #tpu.memory_space<vmem>>, %arg8: memref<1x128x128xf32, #tpu.memory_space<vmem>>, %arg9: memref<2x128x128xf32, #tpu.memory_space<vmem>>, %arg10: memref<2x128xf32, #tpu.memory_space<vmem>>, %arg11: memref<1000x64xf32, #tpu.memory_space<vmem>>, %arg12: memref<1000x64xf32, #tpu.memory_space<vmem>>) attributes {dimension_semantics = [#tpu.dimension_semantics<arbitrary>, #tpu.dimension_semantics<arbitrary>], iteration_bounds = array<i64: 5, 4>, scalar_prefetch = 0 : i64, scratch_operands = 0 : i64, tpu.core_type = #tpu.core_type<tc>, window_params = [{transform_indices = @transform_0, window_bounds = array<i64: 1000, 64>}, {transform_indices = @transform_1, window_bounds = array<i64: 1000, 64>}, {transform_indices = @transform_2, window_bounds = array<i64: 1000, 8>}, {transform_indices = @transform_3, window_bounds = array<i64: 1000, 64>}, {transform_indices = @transform_4, window_bounds = array<i64: 1000, 64>}, {transform_indices = @transform_5, window_bounds = array<i64: 1000, 1>}, {transform_indices = @transform_6, window_bounds = array<i64: 1, 128, 128>}, {pipeline_mode = #tpu.pipeline_mode<synchronous>, transform_indices = @transform_7, window_bounds = array<i64: 2, 128, 128>}, {pipeline_mode = #tpu.pipeline_mode<synchronous>, transform_indices = @transform_8, window_bounds = array<i64: 2, 128>}, {transform_indices = @transform_9, window_bounds = array<i64: 1000, 64>}, {transform_indices = @transform_10, window_bounds = array<i64: 1000, 64>}]} {
    %eq3A = arith.constant 0 : i32
    %eq3A_0 = arith.cmpi eq, %arg1, %eq3A : i32
    %convert_element_type3A = arith.extui %eq3A_0 : i1 to i32
    %cond3A = arith.constant 0 : i32
    %cond3A_1 = arith.cmpi ne, %convert_element_type3A, %cond3A : i32
    scf.if %cond3A_1 {
      %get3A_49 = arith.constant 0 : index
      %get3A_50 = arith.constant 0 : index
      %get3A_51 = vector.load %arg5[%get3A_49, %get3A_50] : memref<1000x64xf32, #tpu.memory_space<vmem>>, vector<1000x64xf32>
      %get3A_52 = arith.constant 0 : index
      %get3A_53 = arith.constant 0 : index
      %get3A_54 = vector.load %arg6[%get3A_52, %get3A_53] : memref<1000x64xf32, #tpu.memory_space<vmem>>, vector<1000x64xf32>
      %get3A_55 = arith.constant 0 : index
      %get3A_56 = arith.constant 0 : index
      %get3A_57 = vector.load %arg7[%get3A_55, %get3A_56] : memref<1000x1xf32, #tpu.memory_space<vmem>>, vector<1000x1xf32>
      %eq3A_58 = arith.constant 0.000000e+00 : f32
      %eq3A_59 = vector.broadcast %eq3A_58 : f32 to vector<1000x1xf32>
      %eq3A_60 = arith.cmpf oeq, %get3A_57, %eq3A_59 : vector<1000x1xf32>
      %get3A_61 = arith.constant 0 : index
      %get3A_62 = arith.constant 0 : index
      %get3A_63 = arith.constant 0 : index
      %get3A_64 = vector.load %arg9[%get3A_61, %get3A_62, %get3A_63] : memref<2x128x128xf32, #tpu.memory_space<vmem>>, vector<1x64x128xf32>
      %get3A_65 = vector.shape_cast %get3A_64 : vector<1x64x128xf32> to vector<64x128xf32>
      %dot_general3A_66 = arith.constant dense<0.000000e+00> : vector<1000x128xf32>
      %dot_general3A_67 = tpu.matmul %get3A_51, %get3A_65, %dot_general3A_66 {dimension_numbers = #tpu.dot_dimension_numbers<[1], [0], [0], [1], [0, 0, 1, 1], [], []>, transpose_lhs_hint = false} : vector<1000x64xf32>, vector<64x128xf32>, vector<1000x128xf32> -> vector<1000x128xf32>
      %get3A_68 = arith.constant 0 : index
      %get3A_69 = arith.constant 64 : index
      %get3A_70 = arith.constant 0 : index
      %get3A_71 = vector.load %arg9[%get3A_68, %get3A_69, %get3A_70] : memref<2x128x128xf32, #tpu.memory_space<vmem>>, vector<1x64x128xf32>
      %get3A_72 = vector.shape_cast %get3A_71 : vector<1x64x128xf32> to vector<64x128xf32>
      %dot_general3A_73 = arith.constant dense<0.000000e+00> : vector<1000x128xf32>
      %dot_general3A_74 = tpu.matmul %get3A_54, %get3A_72, %dot_general3A_73 {dimension_numbers = #tpu.dot_dimension_numbers<[1], [0], [0], [1], [0, 0, 1, 1], [], []>, transpose_lhs_hint = false} : vector<1000x64xf32>, vector<64x128xf32>, vector<1000x128xf32> -> vector<1000x128xf32>
      %add3A_75 = arith.addf %dot_general3A_67, %dot_general3A_74 : vector<1000x128xf32>
      %get3A_76 = arith.constant 0 : index
      %get3A_77 = arith.constant 0 : index
      %get3A_78 = vector.load %arg10[%get3A_76, %get3A_77] : memref<2x128xf32, #tpu.memory_space<vmem>>, vector<1x128xf32>
      %get3A_79 = vector.shape_cast %get3A_78 : vector<1x128xf32> to vector<128xf32>
      %broadcast_in_dim3A = vector.shape_cast %get3A_79 : vector<128xf32> to vector<1x128xf32>
      %add3A_80 = vector.broadcast %broadcast_in_dim3A : vector<1x128xf32> to vector<1000x128xf32>
      %add3A_81 = arith.addf %add3A_75, %add3A_80 : vector<1000x128xf32>
      %get3A_82 = arith.constant 1 : index
      %get3A_83 = arith.constant 0 : index
      %get3A_84 = arith.constant 0 : index
      %get3A_85 = vector.load %arg9[%get3A_82, %get3A_83, %get3A_84] : memref<2x128x128xf32, #tpu.memory_space<vmem>>, vector<1x64x128xf32>
      %get3A_86 = vector.shape_cast %get3A_85 : vector<1x64x128xf32> to vector<64x128xf32>
      %dot_general3A_87 = arith.constant dense<0.000000e+00> : vector<1000x128xf32>
      %dot_general3A_88 = tpu.matmul %get3A_51, %get3A_86, %dot_general3A_87 {dimension_numbers = #tpu.dot_dimension_numbers<[1], [0], [0], [1], [0, 0, 1, 1], [], []>, transpose_lhs_hint = false} : vector<1000x64xf32>, vector<64x128xf32>, vector<1000x128xf32> -> vector<1000x128xf32>
      %get3A_89 = arith.constant 1 : index
      %get3A_90 = arith.constant 64 : index
      %get3A_91 = arith.constant 0 : index
      %get3A_92 = vector.load %arg9[%get3A_89, %get3A_90, %get3A_91] : memref<2x128x128xf32, #tpu.memory_space<vmem>>, vector<1x64x128xf32>
      %get3A_93 = vector.shape_cast %get3A_92 : vector<1x64x128xf32> to vector<64x128xf32>
      %dot_general3A_94 = arith.constant dense<0.000000e+00> : vector<1000x128xf32>
      %dot_general3A_95 = tpu.matmul %get3A_54, %get3A_93, %dot_general3A_94 {dimension_numbers = #tpu.dot_dimension_numbers<[1], [0], [0], [1], [0, 0, 1, 1], [], []>, transpose_lhs_hint = false} : vector<1000x64xf32>, vector<64x128xf32>, vector<1000x128xf32> -> vector<1000x128xf32>
      %add3A_96 = arith.addf %dot_general3A_88, %dot_general3A_95 : vector<1000x128xf32>
      %get3A_97 = arith.constant 1 : index
      %get3A_98 = arith.constant 0 : index
      %get3A_99 = vector.load %arg10[%get3A_97, %get3A_98] : memref<2x128xf32, #tpu.memory_space<vmem>>, vector<1x128xf32>
      %get3A_100 = vector.shape_cast %get3A_99 : vector<1x128xf32> to vector<128xf32>
      %broadcast_in_dim3A_101 = vector.shape_cast %get3A_100 : vector<128xf32> to vector<1x128xf32>
      %add3A_102 = vector.broadcast %broadcast_in_dim3A_101 : vector<1x128xf32> to vector<1000x128xf32>
      %add3A_103 = arith.addf %add3A_96, %add3A_102 : vector<1000x128xf32>
      %broadcast_in_dim3A_104 = vector.shape_cast %eq3A_60 : vector<1000x1xi1> to vector<1000x1xi1>
      %broadcast_in_dim3A_105 = vector.broadcast %broadcast_in_dim3A_104 : vector<1000x1xi1> to vector<1000x128xi1>
      %select_n3A = arith.select %broadcast_in_dim3A_105, %add3A_81, %add3A_103 : vector<1000x128xi1>, vector<1000x128xf32>
      %slice3A_106 = vector.extract_strided_slice %select_n3A {offsets = [0, 0], sizes = [1000, 64], strides = [1, 1]} : vector<1000x128xf32> to vector<1000x64xf32>
      %swap3A_107 = arith.constant 0 : index
      %swap3A_108 = arith.constant 0 : index
      %swap3A_109 = vector.load %arg11[%swap3A_107, %swap3A_108] : memref<1000x64xf32, #tpu.memory_space<vmem>>, vector<1000x64xf32>
      tpu.vector_store %arg11[%swap3A_107, %swap3A_108], %slice3A_106 {strides = array<i32>} : memref<1000x64xf32, #tpu.memory_space<vmem>>, vector<1000x64xf32>,
      %slice3A_110 = vector.extract_strided_slice %select_n3A {offsets = [0, 64], sizes = [1000, 64], strides = [1, 1]} : vector<1000x128xf32> to vector<1000x64xf32>
      %swap3A_111 = arith.constant 0 : index
      %swap3A_112 = arith.constant 0 : index
      %swap3A_113 = vector.load %arg12[%swap3A_111, %swap3A_112] : memref<1000x64xf32, #tpu.memory_space<vmem>>, vector<1000x64xf32>
      tpu.vector_store %arg12[%swap3A_111, %swap3A_112], %slice3A_110 {strides = array<i32>} : memref<1000x64xf32, #tpu.memory_space<vmem>>, vector<1000x64xf32>,
    } else {
    }
    %get3A = arith.constant 0 : index
    %get3A_2 = arith.constant 0 : index
    %get3A_3 = vector.load %arg4[%get3A, %get3A_2] : memref<1000x8xf32, #tpu.memory_space<vmem>>, vector<1000x1xf32>
    %max3A = arith.constant 1.000000e+00 : f32
    %max3A_4 = vector.broadcast %max3A : f32 to vector<1000x1xf32>
    %max3A_5 = arith.maximumf %get3A_3, %max3A_4 : vector<1000x1xf32>
    %div3A = arith.constant 1.000000e+00 : f32
    %div3A_6 = vector.broadcast %div3A : f32 to vector<1000x1xf32>
    %div3A_7 = arith.divf %div3A_6, %max3A_5 : vector<1000x1xf32>
    %get3A_8 = arith.constant 0 : index
    %get3A_9 = arith.constant 0 : index
    %get3A_10 = vector.load %arg2[%get3A_8, %get3A_9] : memref<1000x64xf32, #tpu.memory_space<vmem>>, vector<1000x64xf32>
    %mul3A = vector.broadcast %div3A_7 : vector<1000x1xf32> to vector<1000x64xf32>
    %mul3A_11 = arith.mulf %get3A_10, %mul3A : vector<1000x64xf32>
    %get3A_12 = arith.constant 0 : index
    %get3A_13 = arith.constant 0 : index
    %get3A_14 = vector.load %arg3[%get3A_12, %get3A_13] : memref<1000x64xf32, #tpu.memory_space<vmem>>, vector<1000x64xf32>
    %mul3A_15 = vector.broadcast %div3A_7 : vector<1000x1xf32> to vector<1000x64xf32>
    %mul3A_16 = arith.mulf %get3A_14, %mul3A_15 : vector<1000x64xf32>
    %get3A_17 = arith.constant 0 : index
    %get3A_18 = arith.constant 0 : index
    %get3A_19 = arith.constant 0 : index
    %get3A_20 = vector.load %arg8[%get3A_17, %get3A_18, %get3A_19] : memref<1x128x128xf32, #tpu.memory_space<vmem>>, vector<1x64x128xf32>
    %get3A_21 = vector.shape_cast %get3A_20 : vector<1x64x128xf32> to vector<64x128xf32>
    %dot_general3A = arith.constant dense<0.000000e+00> : vector<1000x128xf32>
    %dot_general3A_22 = tpu.matmul %mul3A_11, %get3A_21, %dot_general3A {dimension_numbers = #tpu.dot_dimension_numbers<[1], [0], [0], [1], [0, 0, 1, 1], [], []>, transpose_lhs_hint = false} : vector<1000x64xf32>, vector<64x128xf32>, vector<1000x128xf32> -> vector<1000x128xf32>
    %get3A_23 = arith.constant 0 : index
    %get3A_24 = arith.constant 64 : index
    %get3A_25 = arith.constant 0 : index
    %get3A_26 = vector.load %arg8[%get3A_23, %get3A_24, %get3A_25] : memref<1x128x128xf32, #tpu.memory_space<vmem>>, vector<1x64x128xf32>
    %get3A_27 = vector.shape_cast %get3A_26 : vector<1x64x128xf32> to vector<64x128xf32>
    %dot_general3A_28 = arith.constant dense<0.000000e+00> : vector<1000x128xf32>
    %dot_general3A_29 = tpu.matmul %mul3A_16, %get3A_27, %dot_general3A_28 {dimension_numbers = #tpu.dot_dimension_numbers<[1], [0], [0], [1], [0, 0, 1, 1], [], []>, transpose_lhs_hint = false} : vector<1000x64xf32>, vector<64x128xf32>, vector<1000x128xf32> -> vector<1000x128xf32>
    %add3A = arith.addf %dot_general3A_22, %dot_general3A_29 : vector<1000x128xf32>
    %get3A_30 = arith.constant 0 : index
    %get3A_31 = arith.constant 0 : index
    %get3A_32 = vector.load %arg11[%get3A_30, %get3A_31] : memref<1000x64xf32, #tpu.memory_space<vmem>>, vector<1000x64xf32>
    %slice3A = vector.extract_strided_slice %add3A {offsets = [0, 0], sizes = [1000, 64], strides = [1, 1]} : vector<1000x128xf32> to vector<1000x64xf32>
    %add3A_33 = arith.addf %get3A_32, %slice3A : vector<1000x64xf32>
    %swap3A = arith.constant 0 : index
    %swap3A_34 = arith.constant 0 : index
    %swap3A_35 = vector.load %arg11[%swap3A, %swap3A_34] : memref<1000x64xf32, #tpu.memory_space<vmem>>, vector<1000x64xf32>
    tpu.vector_store %arg11[%swap3A, %swap3A_34], %add3A_33 {strides = array<i32>} : memref<1000x64xf32, #tpu.memory_space<vmem>>, vector<1000x64xf32>,
    %get3A_36 = arith.constant 0 : index
    %get3A_37 = arith.constant 0 : index
    %get3A_38 = vector.load %arg12[%get3A_36, %get3A_37] : memref<1000x64xf32, #tpu.memory_space<vmem>>, vector<1000x64xf32>
    %slice3A_39 = vector.extract_strided_slice %add3A {offsets = [0, 64], sizes = [1000, 64], strides = [1, 1]} : vector<1000x128xf32> to vector<1000x64xf32>
    %add3A_40 = arith.addf %get3A_38, %slice3A_39 : vector<1000x64xf32>
    %swap3A_41 = arith.constant 0 : index
    %swap3A_42 = arith.constant 0 : index
    %swap3A_43 = vector.load %arg12[%swap3A_41, %swap3A_42] : memref<1000x64xf32, #tpu.memory_space<vmem>>, vector<1000x64xf32>
    tpu.vector_store %arg12[%swap3A_41, %swap3A_42], %add3A_40 {strides = array<i32>} : memref<1000x64xf32, #tpu.memory_space<vmem>>, vector<1000x64xf32>,
    %eq3A_44 = arith.constant 3 : i32
    %eq3A_45 = arith.cmpi eq, %arg1, %eq3A_44 : i32
    %convert_element_type3A_46 = arith.extui %eq3A_45 : i1 to i32
    %cond3A_47 = arith.constant 0 : i32
    %cond3A_48 = arith.cmpi ne, %convert_element_type3A_46, %cond3A_47 : i32
    scf.if %cond3A_48 {
      %get3A_49 = arith.constant 0 : index
      %get3A_50 = arith.constant 0 : index
      %get3A_51 = vector.load %arg11[%get3A_49, %get3A_50] : memref<1000x64xf32, #tpu.memory_space<vmem>>, vector<1000x64xf32>
      %max3A_52 = arith.constant 0.000000e+00 : f32
      %max3A_53 = vector.broadcast %max3A_52 : f32 to vector<1000x64xf32>
      %max3A_54 = arith.maximumf %get3A_51, %max3A_53 : vector<1000x64xf32>
      %swap3A_55 = arith.constant 0 : index
      %swap3A_56 = arith.constant 0 : index
      %swap3A_57 = vector.load %arg11[%swap3A_55, %swap3A_56] : memref<1000x64xf32, #tpu.memory_space<vmem>>, vector<1000x64xf32>
      tpu.vector_store %arg11[%swap3A_55, %swap3A_56], %max3A_54 {strides = array<i32>} : memref<1000x64xf32, #tpu.memory_space<vmem>>, vector<1000x64xf32>,
      %get3A_58 = arith.constant 0 : index
      %get3A_59 = arith.constant 0 : index
      %get3A_60 = vector.load %arg12[%get3A_58, %get3A_59] : memref<1000x64xf32, #tpu.memory_space<vmem>>, vector<1000x64xf32>
      %max3A_61 = arith.constant 0.000000e+00 : f32
      %max3A_62 = vector.broadcast %max3A_61 : f32 to vector<1000x64xf32>
      %max3A_63 = arith.maximumf %get3A_60, %max3A_62 : vector<1000x64xf32>
      %swap3A_64 = arith.constant 0 : index
      %swap3A_65 = arith.constant 0 : index
      %swap3A_66 = vector.load %arg12[%swap3A_64, %swap3A_65] : memref<1000x64xf32, #tpu.memory_space<vmem>>, vector<1000x64xf32>
      tpu.vector_store %arg12[%swap3A_64, %swap3A_65], %max3A_63 {strides = array<i32>} : memref<1000x64xf32, #tpu.memory_space<vmem>>, vector<1000x64xf32>,
    } else {
    }
    return
  }
  func.func @transform_0(%arg0: i32, %arg1: i32) -> (i32, i32) {
    %mul3A = arith.constant 5 : i32
    %mul3A_0 = arith.muli %arg1, %mul3A : i32
    %add3A = arith.addi %mul3A_0, %arg0 : i32
    %c0_i32 = arith.constant 0 : i32
    %c0_i32_1 = arith.constant 0 : i32
    return %add3A, %c0_i32 : i32, i32
  }
  func.func @transform_1(%arg0: i32, %arg1: i32) -> (i32, i32) {
    %mul3A = arith.constant 5 : i32
    %mul3A_0 = arith.muli %arg1, %mul3A : i32
    %add3A = arith.addi %mul3A_0, %arg0 : i32
    %c0_i32 = arith.constant 0 : i32
    %c0_i32_1 = arith.constant 0 : i32
    return %add3A, %c0_i32 : i32, i32
  }
  func.func @transform_2(%arg0: i32, %arg1: i32) -> (i32, i32) {
    %mul3A = arith.constant 5 : i32
    %mul3A_0 = arith.muli %arg1, %mul3A : i32
    %add3A = arith.addi %mul3A_0, %arg0 : i32
    %c0_i32 = arith.constant 0 : i32
    %c0_i32_1 = arith.constant 0 : i32
    return %add3A, %c0_i32 : i32, i32
  }
  func.func @transform_3(%arg0: i32, %arg1: i32) -> (i32, i32) {
    %c0_i32 = arith.constant 0 : i32
    %c0_i32_0 = arith.constant 0 : i32
    return %arg0, %c0_i32 : i32, i32
  }
  func.func @transform_4(%arg0: i32, %arg1: i32) -> (i32, i32) {
    %c0_i32 = arith.constant 0 : i32
    %c0_i32_0 = arith.constant 0 : i32
    return %arg0, %c0_i32 : i32, i32
  }
  func.func @transform_5(%arg0: i32, %arg1: i32) -> (i32, i32) {
    %c0_i32 = arith.constant 0 : i32
    %c0_i32_0 = arith.constant 0 : i32
    return %arg0, %c0_i32 : i32, i32
  }
  func.func @transform_6(%arg0: i32, %arg1: i32) -> (i32, i32, i32) {
    %c0_i32 = arith.constant 0 : i32
    %c0_i32_0 = arith.constant 0 : i32
    %c0_i32_1 = arith.constant 0 : i32
    return %arg1, %c0_i32, %c0_i32_0 : i32, i32, i32
  }
  func.func @transform_7(%arg0: i32, %arg1: i32) -> (i32, i32, i32) {
    %c0_i32 = arith.constant 0 : i32
    %c0_i32_0 = arith.constant 0 : i32
    %c0_i32_1 = arith.constant 0 : i32
    %c0_i32_2 = arith.constant 0 : i32
    return %c0_i32, %c0_i32_0, %c0_i32_1 : i32, i32, i32
  }
  func.func @transform_8(%arg0: i32, %arg1: i32) -> (i32, i32) {
    %c0_i32 = arith.constant 0 : i32
    %c0_i32_0 = arith.constant 0 : i32
    %c0_i32_1 = arith.constant 0 : i32
    return %c0_i32, %c0_i32_0 : i32, i32
  }
  func.func @transform_9(%arg0: i32, %arg1: i32) -> (i32, i32) {
    %c0_i32 = arith.constant 0 : i32
    %c0_i32_0 = arith.constant 0 : i32
    return %arg0, %c0_i32 : i32, i32
  }
  func.func @transform_10(%arg0: i32, %arg1: i32) -> (i32, i32) {
    %c0_i32 = arith.constant 0 : i32
    %c0_i32_0 = arith.constant 0 : i32
    return %arg0, %c0_i32 : i32, i32
  }
}

module attributes {stable_mosaic.version = 14 : i64} {
  func.func @_dense_body(%arg0: i32, %arg1: i32, %arg2: memref<1000x64xf32, #tpu.memory_space<vmem>>, %arg3: memref<1000x64xf32, #tpu.memory_space<vmem>>, %arg4: memref<1000x8xf32, #tpu.memory_space<vmem>>, %arg5: memref<1000x64xf32, #tpu.memory_space<vmem>>, %arg6: memref<1000x64xf32, #tpu.memory_space<vmem>>, %arg7: memref<1000x1xf32, #tpu.memory_space<vmem>>, %arg8: memref<1x128x128xf32, #tpu.memory_space<vmem>>, %arg9: memref<2x128x128xf32, #tpu.memory_space<vmem>>, %arg10: memref<2x128xf32, #tpu.memory_space<vmem>>, %arg11: memref<1000x128xf32, #tpu.memory_space<vmem>>) attributes {dimension_semantics = [#tpu.dimension_semantics<arbitrary>, #tpu.dimension_semantics<arbitrary>], iteration_bounds = array<i64: 2, 4>, scalar_prefetch = 0 : i64, scratch_operands = 0 : i64, tpu.core_type = #tpu.core_type<tc>, window_params = [{transform_indices = @transform_0, window_bounds = array<i64: 1000, 64>}, {transform_indices = @transform_1, window_bounds = array<i64: 1000, 64>}, {transform_indices = @transform_2, window_bounds = array<i64: 1000, 8>}, {transform_indices = @transform_3, window_bounds = array<i64: 1000, 64>}, {transform_indices = @transform_4, window_bounds = array<i64: 1000, 64>}, {transform_indices = @transform_5, window_bounds = array<i64: 1000, 1>}, {transform_indices = @transform_6, window_bounds = array<i64: 1, 128, 128>}, {pipeline_mode = #tpu.pipeline_mode<synchronous>, transform_indices = @transform_7, window_bounds = array<i64: 2, 128, 128>}, {pipeline_mode = #tpu.pipeline_mode<synchronous>, transform_indices = @transform_8, window_bounds = array<i64: 2, 128>}, {transform_indices = @transform_9, window_bounds = array<i64: 1000, 128>}]} {
    %eq3A = arith.constant 0 : i32
    %eq3A_0 = arith.cmpi eq, %arg1, %eq3A : i32
    %convert_element_type3A = arith.extui %eq3A_0 : i1 to i32
    %cond3A = arith.constant 0 : i32
    %cond3A_1 = arith.cmpi ne, %convert_element_type3A, %cond3A : i32
    scf.if %cond3A_1 {
      %get3A_41 = arith.constant 0 : index
      %get3A_42 = arith.constant 0 : index
      %get3A_43 = vector.load %arg5[%get3A_41, %get3A_42] : memref<1000x64xf32, #tpu.memory_space<vmem>>, vector<1000x64xf32>
      %get3A_44 = arith.constant 0 : index
      %get3A_45 = arith.constant 0 : index
      %get3A_46 = vector.load %arg6[%get3A_44, %get3A_45] : memref<1000x64xf32, #tpu.memory_space<vmem>>, vector<1000x64xf32>
      %get3A_47 = arith.constant 0 : index
      %get3A_48 = arith.constant 0 : index
      %get3A_49 = vector.load %arg7[%get3A_47, %get3A_48] : memref<1000x1xf32, #tpu.memory_space<vmem>>, vector<1000x1xf32>
      %eq3A_50 = arith.constant 0.000000e+00 : f32
      %eq3A_51 = vector.broadcast %eq3A_50 : f32 to vector<1000x1xf32>
      %eq3A_52 = arith.cmpf oeq, %get3A_49, %eq3A_51 : vector<1000x1xf32>
      %get3A_53 = arith.constant 0 : index
      %get3A_54 = arith.constant 0 : index
      %get3A_55 = arith.constant 0 : index
      %get3A_56 = vector.load %arg9[%get3A_53, %get3A_54, %get3A_55] : memref<2x128x128xf32, #tpu.memory_space<vmem>>, vector<1x64x128xf32>
      %get3A_57 = vector.shape_cast %get3A_56 : vector<1x64x128xf32> to vector<64x128xf32>
      %dot_general3A_58 = arith.constant dense<0.000000e+00> : vector<1000x128xf32>
      %dot_general3A_59 = tpu.matmul %get3A_43, %get3A_57, %dot_general3A_58 {dimension_numbers = #tpu.dot_dimension_numbers<[1], [0], [0], [1], [0, 0, 1, 1], [], []>, transpose_lhs_hint = false} : vector<1000x64xf32>, vector<64x128xf32>, vector<1000x128xf32> -> vector<1000x128xf32>
      %get3A_60 = arith.constant 0 : index
      %get3A_61 = arith.constant 64 : index
      %get3A_62 = arith.constant 0 : index
      %get3A_63 = vector.load %arg9[%get3A_60, %get3A_61, %get3A_62] : memref<2x128x128xf32, #tpu.memory_space<vmem>>, vector<1x64x128xf32>
      %get3A_64 = vector.shape_cast %get3A_63 : vector<1x64x128xf32> to vector<64x128xf32>
      %dot_general3A_65 = arith.constant dense<0.000000e+00> : vector<1000x128xf32>
      %dot_general3A_66 = tpu.matmul %get3A_46, %get3A_64, %dot_general3A_65 {dimension_numbers = #tpu.dot_dimension_numbers<[1], [0], [0], [1], [0, 0, 1, 1], [], []>, transpose_lhs_hint = false} : vector<1000x64xf32>, vector<64x128xf32>, vector<1000x128xf32> -> vector<1000x128xf32>
      %add3A_67 = arith.addf %dot_general3A_59, %dot_general3A_66 : vector<1000x128xf32>
      %get3A_68 = arith.constant 0 : index
      %get3A_69 = arith.constant 0 : index
      %get3A_70 = vector.load %arg10[%get3A_68, %get3A_69] : memref<2x128xf32, #tpu.memory_space<vmem>>, vector<1x128xf32>
      %get3A_71 = vector.shape_cast %get3A_70 : vector<1x128xf32> to vector<128xf32>
      %broadcast_in_dim3A = vector.shape_cast %get3A_71 : vector<128xf32> to vector<1x128xf32>
      %add3A_72 = vector.broadcast %broadcast_in_dim3A : vector<1x128xf32> to vector<1000x128xf32>
      %add3A_73 = arith.addf %add3A_67, %add3A_72 : vector<1000x128xf32>
      %get3A_74 = arith.constant 1 : index
      %get3A_75 = arith.constant 0 : index
      %get3A_76 = arith.constant 0 : index
      %get3A_77 = vector.load %arg9[%get3A_74, %get3A_75, %get3A_76] : memref<2x128x128xf32, #tpu.memory_space<vmem>>, vector<1x64x128xf32>
      %get3A_78 = vector.shape_cast %get3A_77 : vector<1x64x128xf32> to vector<64x128xf32>
      %dot_general3A_79 = arith.constant dense<0.000000e+00> : vector<1000x128xf32>
      %dot_general3A_80 = tpu.matmul %get3A_43, %get3A_78, %dot_general3A_79 {dimension_numbers = #tpu.dot_dimension_numbers<[1], [0], [0], [1], [0, 0, 1, 1], [], []>, transpose_lhs_hint = false} : vector<1000x64xf32>, vector<64x128xf32>, vector<1000x128xf32> -> vector<1000x128xf32>
      %get3A_81 = arith.constant 1 : index
      %get3A_82 = arith.constant 64 : index
      %get3A_83 = arith.constant 0 : index
      %get3A_84 = vector.load %arg9[%get3A_81, %get3A_82, %get3A_83] : memref<2x128x128xf32, #tpu.memory_space<vmem>>, vector<1x64x128xf32>
      %get3A_85 = vector.shape_cast %get3A_84 : vector<1x64x128xf32> to vector<64x128xf32>
      %dot_general3A_86 = arith.constant dense<0.000000e+00> : vector<1000x128xf32>
      %dot_general3A_87 = tpu.matmul %get3A_46, %get3A_85, %dot_general3A_86 {dimension_numbers = #tpu.dot_dimension_numbers<[1], [0], [0], [1], [0, 0, 1, 1], [], []>, transpose_lhs_hint = false} : vector<1000x64xf32>, vector<64x128xf32>, vector<1000x128xf32> -> vector<1000x128xf32>
      %add3A_88 = arith.addf %dot_general3A_80, %dot_general3A_87 : vector<1000x128xf32>
      %get3A_89 = arith.constant 1 : index
      %get3A_90 = arith.constant 0 : index
      %get3A_91 = vector.load %arg10[%get3A_89, %get3A_90] : memref<2x128xf32, #tpu.memory_space<vmem>>, vector<1x128xf32>
      %get3A_92 = vector.shape_cast %get3A_91 : vector<1x128xf32> to vector<128xf32>
      %broadcast_in_dim3A_93 = vector.shape_cast %get3A_92 : vector<128xf32> to vector<1x128xf32>
      %add3A_94 = vector.broadcast %broadcast_in_dim3A_93 : vector<1x128xf32> to vector<1000x128xf32>
      %add3A_95 = arith.addf %add3A_88, %add3A_94 : vector<1000x128xf32>
      %broadcast_in_dim3A_96 = vector.shape_cast %eq3A_52 : vector<1000x1xi1> to vector<1000x1xi1>
      %broadcast_in_dim3A_97 = vector.broadcast %broadcast_in_dim3A_96 : vector<1000x1xi1> to vector<1000x128xi1>
      %select_n3A = arith.select %broadcast_in_dim3A_97, %add3A_73, %add3A_95 : vector<1000x128xi1>, vector<1000x128xf32>
      %swap3A_98 = arith.constant 0 : index
      %swap3A_99 = arith.constant 0 : index
      %swap3A_100 = vector.load %arg11[%swap3A_98, %swap3A_99] : memref<1000x128xf32, #tpu.memory_space<vmem>>, vector<1000x128xf32>
      tpu.vector_store %arg11[%swap3A_98, %swap3A_99], %select_n3A {strides = array<i32>} : memref<1000x128xf32, #tpu.memory_space<vmem>>, vector<1000x128xf32>,
    } else {
    }
    %get3A = arith.constant 0 : index
    %get3A_2 = arith.constant 0 : index
    %get3A_3 = vector.load %arg4[%get3A, %get3A_2] : memref<1000x8xf32, #tpu.memory_space<vmem>>, vector<1000x1xf32>
    %max3A = arith.constant 1.000000e+00 : f32
    %max3A_4 = vector.broadcast %max3A : f32 to vector<1000x1xf32>
    %max3A_5 = arith.maximumf %get3A_3, %max3A_4 : vector<1000x1xf32>
    %div3A = arith.constant 1.000000e+00 : f32
    %div3A_6 = vector.broadcast %div3A : f32 to vector<1000x1xf32>
    %div3A_7 = arith.divf %div3A_6, %max3A_5 : vector<1000x1xf32>
    %get3A_8 = arith.constant 0 : index
    %get3A_9 = arith.constant 0 : index
    %get3A_10 = vector.load %arg2[%get3A_8, %get3A_9] : memref<1000x64xf32, #tpu.memory_space<vmem>>, vector<1000x64xf32>
    %mul3A = vector.broadcast %div3A_7 : vector<1000x1xf32> to vector<1000x64xf32>
    %mul3A_11 = arith.mulf %get3A_10, %mul3A : vector<1000x64xf32>
    %get3A_12 = arith.constant 0 : index
    %get3A_13 = arith.constant 0 : index
    %get3A_14 = vector.load %arg3[%get3A_12, %get3A_13] : memref<1000x64xf32, #tpu.memory_space<vmem>>, vector<1000x64xf32>
    %mul3A_15 = vector.broadcast %div3A_7 : vector<1000x1xf32> to vector<1000x64xf32>
    %mul3A_16 = arith.mulf %get3A_14, %mul3A_15 : vector<1000x64xf32>
    %get3A_17 = arith.constant 0 : index
    %get3A_18 = arith.constant 0 : index
    %get3A_19 = arith.constant 0 : index
    %get3A_20 = vector.load %arg8[%get3A_17, %get3A_18, %get3A_19] : memref<1x128x128xf32, #tpu.memory_space<vmem>>, vector<1x64x128xf32>
    %get3A_21 = vector.shape_cast %get3A_20 : vector<1x64x128xf32> to vector<64x128xf32>
    %dot_general3A = arith.constant dense<0.000000e+00> : vector<1000x128xf32>
    %dot_general3A_22 = tpu.matmul %mul3A_11, %get3A_21, %dot_general3A {dimension_numbers = #tpu.dot_dimension_numbers<[1], [0], [0], [1], [0, 0, 1, 1], [], []>, transpose_lhs_hint = false} : vector<1000x64xf32>, vector<64x128xf32>, vector<1000x128xf32> -> vector<1000x128xf32>
    %get3A_23 = arith.constant 0 : index
    %get3A_24 = arith.constant 64 : index
    %get3A_25 = arith.constant 0 : index
    %get3A_26 = vector.load %arg8[%get3A_23, %get3A_24, %get3A_25] : memref<1x128x128xf32, #tpu.memory_space<vmem>>, vector<1x64x128xf32>
    %get3A_27 = vector.shape_cast %get3A_26 : vector<1x64x128xf32> to vector<64x128xf32>
    %dot_general3A_28 = arith.constant dense<0.000000e+00> : vector<1000x128xf32>
    %dot_general3A_29 = tpu.matmul %mul3A_16, %get3A_27, %dot_general3A_28 {dimension_numbers = #tpu.dot_dimension_numbers<[1], [0], [0], [1], [0, 0, 1, 1], [], []>, transpose_lhs_hint = false} : vector<1000x64xf32>, vector<64x128xf32>, vector<1000x128xf32> -> vector<1000x128xf32>
    %add3A = arith.addf %dot_general3A_22, %dot_general3A_29 : vector<1000x128xf32>
    %get3A_30 = arith.constant 0 : index
    %get3A_31 = arith.constant 0 : index
    %get3A_32 = vector.load %arg11[%get3A_30, %get3A_31] : memref<1000x128xf32, #tpu.memory_space<vmem>>, vector<1000x128xf32>
    %add3A_33 = arith.addf %get3A_32, %add3A : vector<1000x128xf32>
    %swap3A = arith.constant 0 : index
    %swap3A_34 = arith.constant 0 : index
    %swap3A_35 = vector.load %arg11[%swap3A, %swap3A_34] : memref<1000x128xf32, #tpu.memory_space<vmem>>, vector<1000x128xf32>
    tpu.vector_store %arg11[%swap3A, %swap3A_34], %add3A_33 {strides = array<i32>} : memref<1000x128xf32, #tpu.memory_space<vmem>>, vector<1000x128xf32>,
    %eq3A_36 = arith.constant 3 : i32
    %eq3A_37 = arith.cmpi eq, %arg1, %eq3A_36 : i32
    %convert_element_type3A_38 = arith.extui %eq3A_37 : i1 to i32
    %cond3A_39 = arith.constant 0 : i32
    %cond3A_40 = arith.cmpi ne, %convert_element_type3A_38, %cond3A_39 : i32
    scf.if %cond3A_40 {
      %get3A_41 = arith.constant 0 : index
      %get3A_42 = arith.constant 0 : index
      %get3A_43 = vector.load %arg11[%get3A_41, %get3A_42] : memref<1000x128xf32, #tpu.memory_space<vmem>>, vector<1000x128xf32>
      %reduce_max3A = arith.constant dense<0xFF800000> : vector<1000xf32>
      %reduce_max3A_44 = vector.multi_reduction <maximumf>, %get3A_43, %reduce_max3A [1] : vector<1000x128xf32> to vector<1000xf32>
      %broadcast_in_dim3A = vector.shape_cast %reduce_max3A_44 : vector<1000xf32> to vector<1000x1xf32>
      %sub3A = vector.broadcast %broadcast_in_dim3A : vector<1000x1xf32> to vector<1000x128xf32>
      %sub3A_45 = arith.subf %get3A_43, %sub3A : vector<1000x128xf32>
      %exp3A = math.exp %sub3A_45 : vector<1000x128xf32>
      %sub3A_46 = vector.broadcast %broadcast_in_dim3A : vector<1000x1xf32> to vector<1000x128xf32>
      %sub3A_47 = arith.subf %get3A_43, %sub3A_46 : vector<1000x128xf32>
      %reduce_sum3A = arith.constant dense<0.000000e+00> : vector<1000xf32>
      %reduce_sum3A_48 = vector.multi_reduction <add>, %exp3A, %reduce_sum3A [1] : vector<1000x128xf32> to vector<1000xf32>
      %broadcast_in_dim3A_49 = vector.shape_cast %reduce_sum3A_48 : vector<1000xf32> to vector<1000x1xf32>
      %log3A = math.log %broadcast_in_dim3A_49 : vector<1000x1xf32>
      %sub3A_50 = vector.broadcast %log3A : vector<1000x1xf32> to vector<1000x128xf32>
      %sub3A_51 = arith.subf %sub3A_47, %sub3A_50 : vector<1000x128xf32>
      %swap3A_52 = arith.constant 0 : index
      %swap3A_53 = arith.constant 0 : index
      %swap3A_54 = vector.load %arg11[%swap3A_52, %swap3A_53] : memref<1000x128xf32, #tpu.memory_space<vmem>>, vector<1000x128xf32>
      tpu.vector_store %arg11[%swap3A_52, %swap3A_53], %sub3A_51 {strides = array<i32>} : memref<1000x128xf32, #tpu.memory_space<vmem>>, vector<1000x128xf32>,
    } else {
    }
    return
  }
  func.func @transform_0(%arg0: i32, %arg1: i32) -> (i32, i32) {
    %mul3A = arith.constant 2 : i32
    %mul3A_0 = arith.muli %arg1, %mul3A : i32
    %add3A = arith.addi %mul3A_0, %arg0 : i32
    %c0_i32 = arith.constant 0 : i32
    %c0_i32_1 = arith.constant 0 : i32
    return %add3A, %c0_i32 : i32, i32
  }
  func.func @transform_1(%arg0: i32, %arg1: i32) -> (i32, i32) {
    %mul3A = arith.constant 2 : i32
    %mul3A_0 = arith.muli %arg1, %mul3A : i32
    %add3A = arith.addi %mul3A_0, %arg0 : i32
    %c0_i32 = arith.constant 0 : i32
    %c0_i32_1 = arith.constant 0 : i32
    return %add3A, %c0_i32 : i32, i32
  }
  func.func @transform_2(%arg0: i32, %arg1: i32) -> (i32, i32) {
    %mul3A = arith.constant 2 : i32
    %mul3A_0 = arith.muli %arg1, %mul3A : i32
    %add3A = arith.addi %mul3A_0, %arg0 : i32
    %c0_i32 = arith.constant 0 : i32
    %c0_i32_1 = arith.constant 0 : i32
    return %add3A, %c0_i32 : i32, i32
  }
  func.func @transform_3(%arg0: i32, %arg1: i32) -> (i32, i32) {
    %c0_i32 = arith.constant 0 : i32
    %c0_i32_0 = arith.constant 0 : i32
    return %arg0, %c0_i32 : i32, i32
  }
  func.func @transform_4(%arg0: i32, %arg1: i32) -> (i32, i32) {
    %c0_i32 = arith.constant 0 : i32
    %c0_i32_0 = arith.constant 0 : i32
    return %arg0, %c0_i32 : i32, i32
  }
  func.func @transform_5(%arg0: i32, %arg1: i32) -> (i32, i32) {
    %c0_i32 = arith.constant 0 : i32
    %c0_i32_0 = arith.constant 0 : i32
    return %arg0, %c0_i32 : i32, i32
  }
  func.func @transform_6(%arg0: i32, %arg1: i32) -> (i32, i32, i32) {
    %c0_i32 = arith.constant 0 : i32
    %c0_i32_0 = arith.constant 0 : i32
    %c0_i32_1 = arith.constant 0 : i32
    return %arg1, %c0_i32, %c0_i32_0 : i32, i32, i32
  }
  func.func @transform_7(%arg0: i32, %arg1: i32) -> (i32, i32, i32) {
    %c0_i32 = arith.constant 0 : i32
    %c0_i32_0 = arith.constant 0 : i32
    %c0_i32_1 = arith.constant 0 : i32
    %c0_i32_2 = arith.constant 0 : i32
    return %c0_i32, %c0_i32_0, %c0_i32_1 : i32, i32, i32
  }
  func.func @transform_8(%arg0: i32, %arg1: i32) -> (i32, i32) {
    %c0_i32 = arith.constant 0 : i32
    %c0_i32_0 = arith.constant 0 : i32
    %c0_i32_1 = arith.constant 0 : i32
    return %c0_i32, %c0_i32_0 : i32, i32
  }
  func.func @transform_9(%arg0: i32, %arg1: i32) -> (i32, i32) {
    %c0_i32 = arith.constant 0 : i32
    %c0_i32_0 = arith.constant 0 : i32
    return %arg0, %c0_i32 : i32, i32
  }
}

</mosaic_0001>

<sc_bundles>
// kernel: kernel.6.cloned.1.call-start
scs
__scs_entry_jumppad:
0x0: {  	(pc) =	sbr.rel $0x88, $3  }
0x1: {  	(tag) =	ssettag $0x0;
	lr =	simm.s32 $0x1  }
0x2: {  	[smem:$0x3F92] =	sst lr;
	_ =	strace $0xD0000000  }
0x3: {  	_ = 	snop  }
0x4: {  	_ = 	snop  }
0x5: {  	_ = 	snop  }
0x6: {  	_ = 	snop  }
0x7: {  	_ = 	snop  }
__scs_overlays_trampoline_lowered:
0x8: {  	[smem:$0x3FA1] =	sst s0  }
0x9: {  	[smem:$0x3FA2] =	sst s1  }
0xa: {  	[smem:$0x3FA3] =	sst s2  }
0xb: {  	[smem:$0x3FA4] =	sst s3  }
0xc: {  	[smem:$0x3FA5] =	sst s4  }
0xd: {  	[smem:$0x3FA6] =	sst s5  }
0xe: {  	[smem:$0x3FA7] =	sst s6  }
0xf: {  	[smem:$0x3FA8] =	sst s7  }
0x10: {  	[smem:$0x3FA9] =	sst s8  }
0x11: {  	[smem:$0x3FAA] =	sst s9;
	s0 =	simm.s32 @!p0 $0x0  }
0x12: {  	s1 =	sld [smem:$0x3F90];
	s0 =	simm.s32 @p0 $0x1  }
0x13: {  	[smem:$0x3FAB] =	sst s0;
	s0 =	simm.s32 @!p1 $0x0  }
0x14: {  	s2 =	sld [smem:$0x3F8F];
	s0 =	simm.s32 @p1 $0x1  }
0x15: {  	[smem:$0x3FAC] =	sst s0;
	s0 =	simm.s32 @!p2 $0x0  }
0x16: {  	s3 =	sld [smem:$0x3FDB];
	s0 =	simm.s32 @p2 $0x1  }
0x17: {  	s4 =	simm.s32 $0x1BF5;
	[smem:$0x3FAE] =	sst s0  }
0x18: {  	s0 =	sld [smem:$0x3F91];
	_ =	swait.ge [sflag:s4], $0x0  }
0x19: {  	s7 =	sld [smem:$0x3F92]  }
0x1a: {  	s8 =	sadd.s32 $0xFFFFE003, lr  }
0x1b: {  	s9 =	sadd.s32 $0xFFFFFEF7, lr;
	s5 =	simm.s32 $0xFFFFFFFF;
	p2 =	slt.u32 s8, $0xFFFFF086  }
0x1c: {  	p1 =	slt.u32 s9, $0xF7A;
	s5 =	simm.s32 @!p2 $0x0  }
0x1d: {  	s5 =	simm.s32 @p1 $0x1;
	p0 =	seq.s32 s7, s2  }
0x1e: {  	s7 =	smul.u32 @!p0 $0xF7A, s2;
	p2 =	seq.s32 @!p0 s5, $0x0  }
0x1f: {  	s9 =	smul.u32 $0xF7A, s1;
	s8 =	simm.s32 @!p0 $0x1BF5;
	p2 =	por !p2, p0  }
0x20: {  	[sflag:s8] =	ssyncset.s32 @!p0 $0xFFFFF086;
	s6 =	sadd.s32 @!p0 s3, s7;
	s7 =	simm.s32 @!p0 $0x108  }
0x21: {  	s3 =	sadd.s32 s3, s9;
	s6 =	sadd.s32 @!p0 $0x88, s6;
	s7 =	simm.s32 @p2 $0x1082  }
0x22: {  	[simem:s7], [sflag:s8] =	dma.local @!p0 [hbm:s6], $0xF7A  }
0x23: {  	s9 =	sor.u32 $0xD0000000, s2;
	s6 =	simm.s32 $0x108;
	_ =	swait.ge @!p0 [sflag:s8], $0x0  }
0x24: {  	s3 =	sadd.s32 $0x88, s3;
	s6 =	simm.s32 @!p1 $0x1082;
	[sflag:s4] =	ssyncset.s32 $0xFFFFF086  }
0x25: {  	[simem:s6], [sflag:s4] =	dma.local [hbm:s3], $0xF7A  }
0x26: {  	[smem:$0x3F92] =	sst s1;
	(tag) =	ssettag s2;
	_ =	strace s9  }
0x27: {  	s1 =	sld [smem:$0x3FA2]  }
0x28: {  	s2 =	sld [smem:$0x3FA3]  }
0x29: {  	s4 =	sld [smem:$0x3FA5]  }
0x2a: {  	p0 =	seq.s32 s5, $0x0;
	s5 =	sld [smem:$0x3FA6]  }
0x2b: {  	s6 =	sld [smem:$0x3FA7]  }
0x2c: {  	s7 =	sld [smem:$0x3FA8]  }
0x2d: {  	s3 =	simm.s32 $0x108;
	s8 =	sld [smem:$0x3FA9]  }
0x2e: {  	s3 =	simm.s32 @!p0 $0x1082;
	s9 =	sld [smem:$0x3FAA]  }
0x2f: {  	lr =	sadd.s32 s0, s3;
	s0 =	sld [smem:$0x3FA1]  }
0x30: {  	s3 =	sld [smem:$0x3FA4]  }
0x31: {  	[smem:$0x3FAD] =	sst s10  }
0x32: {  	s10 =	sld [smem:$0x3FAB];
	_ =	sdelay $0x3  }
0x33: {  	p0 =	seq.s32 s10, $0x1;
	s10 =	sld [smem:$0x3FAD];
	_ =	sdelay $0x3  }
0x34: {  	[smem:$0x3FAD] =	sst s10  }
0x35: {  	s10 =	sld [smem:$0x3FAC];
	_ =	sdelay $0x3  }
0x36: {  	p1 =	seq.s32 s10, $0x1;
	s10 =	sld [smem:$0x3FAD];
	_ =	sdelay $0x3  }
0x37: {  	[smem:$0x3FAD] =	sst s10  }
0x38: {  	s10 =	sld [smem:$0x3FAE]  }
0x39: {  	_ = 	snop;
	(pc) =	sbr.ind lr, $3  }
0x3a: {  	_ = 	snop  }
0x3b: {  	_ = 	snop  }
0x3c: {  	p2 =	seq.s32 s10, $0x1;
	s10 =	sld [smem:$0x3FAD]  }
0x3d: {  	_ =	shalt  }
0x3e: {  	_ =	shalt  }
0x3f: {  	_ =	shalt  }
0x40: {  	_ =	shalt  }
0x41: {  	_ =	shalt  }
0x42: {  	_ =	shalt  }
0x43: {  	_ =	shalt  }
0x44: {  	_ =	shalt  }
0x45: {  	_ =	shalt  }
0x46: {  	_ =	shalt  }
0x47: {  	_ =	shalt  }
0x48: {  	_ =	shalt  }
0x49: {  	_ =	shalt  }
0x4a: {  	_ =	shalt  }
0x4b: {  	_ =	shalt  }
0x4c: {  	_ =	shalt  }
0x4d: {  	_ =	shalt  }
0x4e: {  	_ =	shalt  }
0x4f: {  	_ =	shalt  }
0x50: {  	_ =	shalt  }
0x51: {  	_ =	shalt  }
0x52: {  	_ =	shalt  }
0x53: {  	_ =	shalt  }
0x54: {  	_ =	shalt  }
0x55: {  	_ =	shalt  }
0x56: {  	_ =	shalt  }
0x57: {  	_ =	shalt  }
0x58: {  	_ =	shalt  }
0x59: {  	_ =	shalt  }
0x5a: {  	_ =	shalt  }
0x5b: {  	_ =	shalt  }
0x5c: {  	_ =	shalt  }
0x5d: {  	_ =	shalt  }
0x5e: {  	_ =	shalt  }
0x5f: {  	_ =	shalt  }
0x60: {  	_ =	shalt  }
0x61: {  	_ =	shalt  }
0x62: {  	_ =	shalt  }
0x63: {  	_ =	shalt  }
0x64: {  	_ =	shalt  }
0x65: {  	_ =	shalt  }
0x66: {  	_ =	shalt  }
0x67: {  	_ =	shalt  }
0x68: {  	_ =	shalt  }
0x69: {  	_ =	shalt  }
0x6a: {  	_ =	shalt  }
0x6b: {  	_ =	shalt  }
0x6c: {  	_ =	shalt  }
0x6d: {  	_ =	shalt  }
0x6e: {  	_ =	shalt  }
0x6f: {  	_ =	shalt  }
0x70: {  	_ =	shalt  }
0x71: {  	_ =	shalt  }
0x72: {  	_ =	shalt  }
0x73: {  	_ =	shalt  }
0x74: {  	_ =	shalt  }
0x75: {  	_ =	shalt  }
0x76: {  	_ =	shalt  }
0x77: {  	_ =	shalt  }
0x78: {  	_ =	shalt  }
0x79: {  	_ =	shalt  }
0x7a: {  	_ =	shalt  }
0x7b: {  	_ =	shalt  }
0x7c: {  	_ =	shalt  }
0x7d: {  	_ =	shalt  }
0x7e: {  	_ =	shalt  }
0x7f: {  	_ =	shalt  }
0x80: {  	_ =	shalt  }
0x81: {  	_ =	shalt  }
0x82: {  	_ =	shalt  }
0x83: {  	_ =	shalt  }
0x84: {  	_ =	shalt  }
0x85: {  	_ =	shalt  }
0x86: {  	_ =	shalt  }
0x87: {  	_ =	shalt  }
.Lfunc_end0:
.L_simem_size_0:
called_computation_lowered:
.L_overlay_start_0:
0x88: {  	s2 =	sld [smem:$0x3FD9]  }
0x89: {  	s3 =	sld [smem:$0x3FFE];
	_ =	sdelay $0x1  }
0x8a: {  	s1 =	srdreg.scid  }
0x8b: {  	s0 =	sand.u32 $0x1, s1  }
0x8c: {  	s17 =	sshll.u32 s0, $0xA;
	s2 =	sadd.s32 s3, s2  }
0x8d: {  	s2 =	sadd.s32 s2, s17  }
0x8e: {  	[smem:$0x3FB9] =	sst s2  }
0x8f: {  	_ = 	snop  }
0x90: {  	s2 =	sld [smem:$0x3FC6]  }
0x91: {  	s18 =	sld [smem:$0x3FC3]  }
0x92: {  	s4 =	sld [smem:$0x3FC2]  }
0x93: {  	s5 =	sld [smem:$0x3FC1]  }
0x94: {  	s6 =	sld [smem:$0x3FD0];
	(tm) =	ssettm $0x1  }
0x95: {  	s7 =	sld [smem:$0x3FFB];
	_ =	sdelay $0x3  }
0x96: {  	_ =	strace s7  }
0x97: {  	s7 =	sld [smem:$0x3FFC];
	_ =	sdelay $0x3  }
0x98: {  	_ =	strace s7  }
0x99: {  	s7 =	sld [smem:$0x3FFD];
	_ =	sdelay $0x3  }
0x9a: {  	_ =	strace s7  }
0x9b: {  	_ =	strace $0x8FFFFFFF  }
0x9c: {  	s19 =	sld [smem:$0x3FDB];
	_ =	sdelay $0x1  }
0x9d: {  	s8 =	simm.s32 $_scs_section_size  }
0x9e: {  	s9 =	simm.s32 $_size__tile_overlayer_lowered;
	s10 =	simm.s32 $_tile_overlayer_lowered  }
0x9f: {  	s22 =	simm.s32 $0x1BFF;
	s21 =	sshll.u32 s10, $0x1;
	s7 =	sadd.s32 s8, s19  }
0xa0: {  	s11 =	simm.s32 $0x0;
	s20 =	sshll.u32 s9, $0x1;
	s9 =	sadd.s32 s21, s7  }
0xa1: {  	[timem:s11], [sflag:s22] =	dma.local [hbm:s9], s20  }
0xa2: {  	_ =	swait.ge [sflag:s22], s20  }
0xa3: {  	s8 =	ssub.s32 $0x0, s20;
	[sflag:s22] =	ssyncset.done $0x0  }
0xa4: {  	[sflag:s22] =	ssyncadd.s32 s8;
	_ =	sdelay $0x1  }
0xa5: {  	s23 =	simm.s32 $0x1B8B  }
0xa6: {  	_ =	swait.ge [sflag:s23], $0x1  }
0xa7: {  	[sflag:s23] =	ssyncset.done $0x0  }
0xa8: {  	s25 =	simm.s32 $0x1B8E;
	s24 =	sld [smem:$0x3FFE];
	[sflag:s23] =	ssyncadd.s32 $0xFFFFFFFF  }
0xa9: {  	s26 =	simm.s32 $execute0_lowered;
	[smem:$0x3FD2] =	sst s25  }
0xaa: {  	s9 =	sshll.u32 s26, $0x1;
	_ =	strace $0x80000046;
	[dreg:$0x1] =	wrdreg $0xFFFFFFFF  }
0xab: {  	s28 =	simm.s32 $_size_execute0_lowered;
	s7 =	sadd.s32 s7, s9;
	[dreg:$0x0] =	wrdreg $0x0  }
0xac: {  	s9 =	sshll.u32 s28, $0x1;
	[dreg:$0x2] =	wrdreg s7  }
0xad: {  	[dreg:$0x3] =	wrdreg s9  }
0xae: {  	[dreg:$0x4] =	wrdreg $0xC0  }
0xaf: {  	_ =	task [dreg:s11], $0x5FFFF  }
0xb0: {  	[dreg:$0x1] =	wrdreg $0xFFFFFFFF  }
0xb1: {  	[dreg:$0x0] =	wrdreg $0x60  }
0xb2: {  	[dreg:$0x2] =	wrdreg s24  }
0xb3: {  	[dreg:$0x3] =	wrdreg s4  }
0xb4: {  	[dreg:$0x4] =	wrdreg s5  }
0xb5: {  	[dreg:$0x5] =	wrdreg s2  }
0xb6: {  	[dreg:$0x6] =	wrdreg s18  }
0xb7: {  	[dreg:$0x7] =	wrdreg s6  }
0xb8: {  	[dreg:$0x8] =	wrdreg $0x0  }
0xb9: {  	[dreg:$0x9] =	wrdreg $0x140000  }
0xba: {  	[dreg:$0xa] =	wrdreg $0x168000  }
0xbb: {  	[dreg:$0xb] =	wrdreg $0x9  }
0xbc: {  	_ =	task.clear_ibuf [dreg:s11], $0xCFFFF;
	_ =	strace $0x90000046  }
0xbd: {  	s29 =	simm.s32 $0x9;
	_ =	strace $0x80000048  }
0xbe: {  	_ =	swait.ge [sflag:s29], $0x1  }
0xbf: {  	[sflag:s29] =	ssyncadd.s32 $0xFFFFFFFF  }
0xc0: {  	_ =	strace $0x90000048  }
0xc1: {  	_ =	sfence  }
0xc2: {  	s30 =	sld [smem:$0x0];
	_ =	sdelay $0x2  }
0xc3: {  	s31 =	sshll.u32 s1, $0xD;
	s1 =	sshrl.u32 s1, $0x2  }
0xc4: {  	s3 =	sand.u32 $0x4000, s31;
	s1 =	sadd.s32 s1, s30  }
0xc5: {  	s0 =	sor.u32 s3, s0;
	s1 =	sshll.u32 s1, $0x11  }
0xc6: {  	s0 =	sor.u32 s1, s0  }
0xc7: {  	s0 =	sadd.s32 $0x8F2B, s0  }
0xc8: {  	[sflag:s0] =	ssyncadd.remote.s32 $0x1  }
0xc9: {  	_ =	sfence.sel $0xFFFF  }
0xca: {  	[dreg:$0x0] =	wrdreg $0xFFFFFFFF;
	(pc) =	sbr.abs _section_cstart, $3  }
0xcb: {  	[dreg:$0x1] =	wrdreg $0xFFFFFFFF  }
0xcc: {  	_ =	task.clear_ibuf [dreg:s11], $0x2FFFF;
	_ =	strace $0x9FFFFFFF  }
0xcd: {  	(tm) =	ssettm $0x7FFFFFFF  }
tec
execute0_lowered:
.L_overlay_start_1:
0x0: {  	(tag) =	ssettag $0x1  }
0x1: {  	s6 =	rddreg [dreg:$0x0]  }
0x2: {  	s9 =	rddreg [dreg:$0x1]  }
0x3: {  	s12 =	rddreg [dreg:$0x2]  }
0x4: {  	s1 =	rddreg [dreg:$0x3]  }
0x5: {  	s2 =	rddreg [dreg:$0x4]  }
0x6: {  	s13 =	rddreg [dreg:$0x5]  }
0x7: {  	s3 =	rddreg [dreg:$0x6]  }
0x8: {  	s4 =	rddreg [dreg:$0x7]  }
0x9: {  	s5 =	rddreg [dreg:$0x8]  }
0xa: {  	s0 =	simm.s32 $0x0;
	s29 =	stileid.u32;
	s18 =	srdreg.scid  }
0xb: {  	s31 =	simm.s32 $0x1CF70;
	[smem:$0x7FF] =	sst s0;
	s16 =	sadd.s32 $0x16000, s6  }
0xc: {  	s17 =	sadd.s32 $0x2600, s6;
	s10 =	sadd.s32 $0x33800, s6;
	s11 =	sadd.s32 $0x29A00, s6  }
0xd: {  	s7 =	sadd.s32 $0x3D600, s6;
	_ =	strace $0x80000047;
	[dreg:$0xa] =	wrdreg s16  }
0xe: {  	s8 =	smul.u32 $0x14000, s29;
	s14 =	sand.u32 $0x1, s18;
	[dreg:$0xb] =	wrdreg s17  }
0xf: {  	s19 =	sadd.s32 $0x3DC00, s6;
	s15 =	smul.u32 $0x28, s29;
	[dreg:$0xc] =	wrdreg s7  }
0x10: {  	s21 =	sadd.s32 $0x3DA00, s6;
	s0 =	smul.u32 $0x2800, s29;
	[dreg:$0xd] =	wrdreg s19  }
0x11: {  	s20 =	ssub.s32 $0x2, s14;
	[dreg:$0xe] =	wrdreg s21;
	s17 =	sadd.s32 $0x97E00, s6  }
0x12: {  	p0 =	sne.s32 s14, $0x0;
	p1 =	seq.s32 s14, $0x0;
	s16 =	sshrl.u32 s20, $0x1  }
0x13: {  	[dreg:$0xf] =	wrdreg s17;
	s22 =	sshrl.u32 s8, $0x3;
	s9 =	sadd.s32 s9, s15  }
0x14: {  	s23 =	sadd.s32 s12, s15;
	s24 =	sshrl.u32 s0, $0x3;
	[dreg:$0x10] =	wrdreg s9  }
0x15: {  	s0 =	sadd.s32 s0, s4;
	[dreg:$0x11] =	wrdreg s23;
	s12 =	sadd.s32 s13, s24  }
0x16: {  	s9 =	sadd.s32 s22, s6;
	s6 =	sadd.s32 $0x8DE00, s6;
	[dreg:$0x12] =	wrdreg s12  }
0x17: {  	s0 =	sshrl.u32 @!p0 s0, $0x3;
	s12 =	smul.u32 $0x500, s29;
	[dreg:$0x13] =	wrdreg s6  }
0x18: {  	s7 =	ssub.s32 s20, s16;
	s29 =	smul.u32 $0xA000, s29;
	[smem:$0x7FC] =	sst s0  }
0x19: {  	s6 =	sor.u32 $0x50, s12;
	s13 =	sor.u32 $0xA0, s12;
	s14 =	sor.u32 $0xF0, s12  }
0x1a: {  	s17 =	sadd.s32 $0x1E0, s12;
	s25 =	sshll.u32 s6, $0x6;
	s26 =	sshll.u32 s13, $0x6  }
0x1b: {  	s30 =	sshll.u32 s14, $0x6;
	s20 =	sshll.u32 s17, $0x6;
	s15 =	sadd.s32 s25, s3  }
0x1c: {  	s6 =	sshll.u32 s6, $0x3;
	s16 =	sadd.s32 s26, s3;
	[dreg:$0x14] =	wrdreg s15  }
0x1d: {  	s18 =	sadd.s32 s30, s3;
	s21 =	sadd.s32 s20, s3;
	[dreg:$0x15] =	wrdreg s16  }
0x1e: {  	s20 =	sadd.s32 $0x2D0, s12;
	s6 =	sadd.s32 s6, s4;
	[dreg:$0x16] =	wrdreg s18  }
0x1f: {  	s15 =	sadd.s32 $0x140, s12;
	s16 =	sadd.s32 $0x190, s12;
	[dreg:$0x19] =	wrdreg s21  }
0x20: {  	s23 =	sshll.u32 s20, $0x6;
	[smem:$0x7E5] =	sst s6;
	s18 =	sshll.u32 s15, $0x6  }
0x21: {  	s19 =	sshll.u32 s16, $0x6;
	s24 =	sadd.s32 s23, s3;
	s23 =	sadd.s32 $0x3C0, s12  }
0x22: {  	s18 =	sadd.s32 s18, s3;
	s19 =	sadd.s32 s19, s3;
	[dreg:$0x1c] =	wrdreg s24  }
0x23: {  	s26 =	sshll.u32 s23, $0x6;
	[dreg:$0x17] =	wrdreg s18;
	s18 =	sadd.s32 $0x230, s12  }
0x24: {  	[dreg:$0x18] =	wrdreg s19;
	s19 =	sadd.s32 $0x280, s12;
	s21 =	sshll.u32 s18, $0x6  }
0x25: {  	s26 =	sadd.s32 s26, s3;
	s22 =	sshll.u32 s19, $0x6;
	s21 =	sadd.s32 s21, s3  }
0x26: {  	s22 =	sadd.s32 s22, s3;
	[dreg:$0x1a] =	wrdreg s21;
	s21 =	sadd.s32 $0x320, s12  }
0x27: {  	[dreg:$0x1b] =	wrdreg s22;
	s22 =	sadd.s32 $0x370, s12;
	s24 =	sshll.u32 s21, $0x6  }
0x28: {  	[dreg:$0x1f] =	wrdreg s26;
	s25 =	sshll.u32 s22, $0x6;
	s24 =	sadd.s32 s24, s3  }
0x29: {  	s0 =	simm.s32 $0x1E460;
	s25 =	sadd.s32 s25, s3;
	[dreg:$0x1d] =	wrdreg s24  }
0x2a: {  	[dreg:$0x1e] =	wrdreg s25;
	s24 =	sadd.s32 $0x410, s12;
	s25 =	sadd.s32 $0x460, s12  }
0x2b: {  	s22 =	sshll.u32 s22, $0x3;
	s30 =	sshll.u32 s24, $0x6;
	s28 =	sshll.u32 s25, $0x6  }
0x2c: {  	s12 =	sadd.s32 $0x4B0, s12;
	s26 =	sadd.s32 s30, s3;
	s30 =	sadd.s32 s28, s3  }
0x2d: {  	s28 =	simm.s32 $0x1BFD0;
	[smem:$0x7E2] =	sst s30;
	s30 =	sshll.u32 s12, $0x6  }
0x2e: {  	[smem:$0x7E1] =	sst s26;
	s26 =	sadd.s32 s30, s3;
	s30 =	sshrl.u32 s29, $0x2  }
0x2f: {  	s29 =	simm.s32 $0x50;
	[smem:$0x7E3] =	sst s26;
	s26 =	sadd.s32 s30, s4  }
0x30: {  	s30 =	sshll.u32 s13, $0x3;
	s13 =	sshll.u32 s14, $0x3;
	s14 =	stileid.u32  }
0x31: {  	[smem:$0x7E4] =	sst s26;
	s6 =	sadd.s32 s30, s4;
	s26 =	sshll.u32 s15, $0x3  }
0x32: {  	s15 =	sshll.u32 s17, $0x3;
	[smem:$0x7E6] =	sst s6;
	s6 =	sadd.s32 s13, s4  }
0x33: {  	s30 =	sadd.s32 s26, s4;
	s13 =	sshll.u32 s16, $0x3;
	s16 =	sshll.u32 s18, $0x3  }
0x34: {  	s18 =	sshll.u32 s19, $0x3;
	s19 =	sshll.u32 s20, $0x3;
	[smem:$0x7E7] =	sst s6  }
0x35: {  	s20 =	sshll.u32 s21, $0x3;
	[smem:$0x7E8] =	sst s30;
	s6 =	sadd.s32 s13, s4  }
0x36: {  	s26 =	sshll.u32 s23, $0x3;
	s17 =	sadd.s32 s16, s4;
	[smem:$0x7E9] =	sst s6  }
0x37: {  	s21 =	sadd.s32 s20, s4;
	s30 =	sshll.u32 s24, $0x3;
	[smem:$0x7EB] =	sst s17  }
0x38: {  	s16 =	sshll.u32 s25, $0x3;
	s25 =	sadd.s32 $0x3DE00, s9;
	[smem:$0x7EE] =	sst s21  }
0x39: {  	s20 =	smul.u32 $0x5000, s14;
	s6 =	sadd.s32 s15, s4;
	[smem:$0x7F9] =	sst s25  }
0x3a: {  	s13 =	simm.s32 $0x5;
	s15 =	sadd.s32 s30, s4;
	[smem:$0x7EA] =	sst s6  }
0x3b: {  	s17 =	sshrl.u32 s8, $0x2;
	s30 =	smax.u32 s7, $0x1;
	[smem:$0x7F1] =	sst s15  }
0x3c: {  	s25 =	simm.s32 $0x1F860;
	s6 =	sadd.s32 s18, s4;
	[smem:$0x7FB] =	sst s30  }
0x3d: {  	s18 =	sshll.u32 s12, $0x3;
	s23 =	sadd.s32 s20, s5;
	[smem:$0x7EC] =	sst s6  }
0x3e: {  	s24 =	sshrl.u32 s20, $0x3;
	s15 =	simm.s32 $0x1C7A0;
	[smem:$0x7F7] =	sst s23  }
0x3f: {  	s12 =	simm.s32 $0x1CFC0;
	s6 =	sadd.s32 s19, s4;
	[smem:$0x7F8] =	sst s24  }
0x40: {  	s19 =	sadd.s32 s8, s3;
	s8 =	sadd.s32 s18, s4;
	[smem:$0x7ED] =	sst s6  }
0x41: {  	s23 =	simm.s32 $0x1D060;
	s24 =	simm.s32 $0x6;
	[smem:$0x7F3] =	sst s8  }
0x42: {  	s18 =	simm.s32 $0x7;
	s6 =	sadd.s32 s22, s4;
	[smem:$0x7FD] =	sst s19  }
0x43: {  	s8 =	simm.s32 $0x4;
	[smem:$0x7EF] =	sst s6;
	s6 =	sadd.s32 s26, s4  }
0x44: {  	s26 =	sadd.s32 $0x65E00, s9;
	[smem:$0x7F0] =	sst s6;
	s6 =	sadd.s32 s16, s4  }
.Ltmp0:
0x45: {  	[smem:$0x7F2] =	sst s6;
	s6 =	sadd.s32 s17, s5;
	(pc) =	sbr.rel .LBB2_1-.Ltmp0, $4  }
0x46: {  	s9 =	simm.s32 $0x2;
	[smem:$0x7FA] =	sst s26;
	s21 =	sadd.s32 $0x1400, s6  }
0x47: {  	s26 =	simm.s32 $0x1B800;
	s22 =	sadd.s32 $0x2800, s6;
	[smem:$0x7F4] =	sst s21  }
0x48: {  	s16 =	simm.s32 $0x0;
	s6 =	sadd.s32 $0x3C00, s6;
	[smem:$0x7F5] =	sst s22  }
0x49: {  	s17 =	simm.s32 $0x3;
	[smem:$0x7F6] =	sst s6;
	s22 =	smul.u32 $0x4E20, s14  }
.LBB2_11:
0x4a: {  	[bflag:$0x0] =	sbarrier.arrive $0xFFFF;
	s7 =	simm.s32 $0x1  }
0x4b: {  	_ =	swait.ge [sflag:s7], $0xA00  }
0x4c: {  	s19 =	sld [smem:$0x7FD]  }
0x4d: {  	s14 =	stileid.u32;
	s16 =	sld [smem:$0x7F9]  }
0x4e: {  	s6 =	sshll.u32 @p0 s14, $0x6;
	[sflag:s7] =	ssyncset.done $0x0  }
0x4f: {  	s6 =	sor.u32 @p0 $0x1C06, s6;
	[sflag:s7] =	ssyncadd.s32 $0xFFFFF600;
	s7 =	sshrl.u32 @p0 s19, $0x3  }
0x50: {  	[hbm:s16], [sflag:s6] =	dma.local @p0 [spmem:s7], $0x2800  }
0x51: {  	s6 =	simm.s32 @p0 $0x6  }
0x52: {  	_ =	swait.ge @p0 [sflag:s6], $0x2800  }
0x53: {  	s16 =	sld [smem:$0x7FA]  }
0x54: {  	s7 =	sshll.u32 @!p0 s14, $0x6;
	[sflag:s6] =	ssyncset.done @p0 $0x0  }
0x55: {  	[sflag:s6] =	ssyncadd.s32 @p0 $0xFFFFD800;
	s6 =	sor.u32 @!p0 $0x1C06, s7;
	s7 =	sshrl.u32 @!p0 s19, $0x3  }
0x56: {  	[hbm:s16], [sflag:s6] =	dma.local @!p0 [spmem:s7], $0x2800  }
0x57: {  	s7 =	simm.s32 @!p0 $0x6  }
0x58: {  	_ =	swait.ge @!p0 [sflag:s7], $0x2800  }
0x59: {  	s20 =	sld [smem:$0x7FC]  }
0x5a: {  	[sflag:s7] =	ssyncset.done @!p0 $0x0  }
0x5b: {  	s16 =	rddreg [dreg:$0x12];
	[sflag:s7] =	ssyncadd.s32 @!p0 $0xFFFFD800  }
0x5c: {  	[hbm:s16], [sflag:s6] =	dma.local @!p0 [spmem:s20], $0x500  }
0x5d: {  	_ =	swait.ge @!p0 [sflag:s7], $0x500  }
0x5e: {  	s21 =	sld [smem:$0x7E0]  }
0x5f: {  	s30 =	sld [smem:$0x7FB];
	_ =	sdelay $0x1  }
0x60: {  	s16 =	sadd.s32 $0x1, s21  }
0x61: {  	p2 =	sne.s32 s16, s30  }
.Ltmp1:
0x62: {  	_ = 	snop;
	(pc) =	sbr.rel @!p2 .LBB2_12-.Ltmp1, $3  }
0x63: {  	_ =	sdelay $0x1  }
0x64: {  	[sflag:s7] =	ssyncset.done @!p0 $0x0  }
0x65: {  	[sflag:s7] =	ssyncadd.s32 @!p0 $0xFFFFFB00  }
.LBB2_1:
0x66: {  	[smem:$0x7E0] =	sst s16  }
0x67: {  	s6 =	simm.s32 $0x0;
	s7 =	rddreg [dreg:$0xc]  }
0x68: {  	[tilespmem:s23], [sflag:$0x6] =	stream.linear.gather [hbm4b:s7+s6], $0x1400, $0x38;
	[tilespmem:$0x1FB30] =	vst v63  }
0x69: {  	_ =	swait.ge [sflag:s24], $0x1400  }
0x6a: {  	[sflag:s24] =	ssyncset.done $0x0  }
0x6b: {  	[sflag:s24] =	ssyncadd.s32 $0xFFFFEC00  }
0x6c: {  	[spmem:s19] =	stream.linear.scatter [tilespmem:s23], [sflag:$0x6], $0x1400, $0x38;
	[tilespmem:$0x1FB30] =	vst v63  }
0x6d: {  	_ =	swait.ge [sflag:s24], $0x1400  }
0x6e: {  	[sflag:s24] =	ssyncset.done $0x0  }
0x6f: {  	s7 =	rddreg [dreg:$0x14];
	[sflag:s24] =	ssyncadd.s32 $0xFFFFEC00  }
0x70: {  	[spmem:s7] =	stream.linear.scatter [tilespmem:s23], [sflag:$0x6], $0x1400, $0x38;
	[tilespmem:$0x1FB30] =	vst v63  }
0x71: {  	_ =	swait.ge [sflag:s24], $0x1400  }
0x72: {  	[sflag:s24] =	ssyncset.done $0x0  }
0x73: {  	s16 =	rddreg [dreg:$0x15];
	[sflag:s24] =	ssyncadd.s32 $0xFFFFEC00  }
0x74: {  	[spmem:s16] =	stream.linear.scatter [tilespmem:s23], [sflag:$0x6], $0x1400, $0x38;
	[tilespmem:$0x1FB30] =	vst v63  }
0x75: {  	_ =	swait.ge [sflag:s24], $0x1400  }
0x76: {  	[sflag:s24] =	ssyncset.done $0x0  }
0x77: {  	s19 =	rddreg [dreg:$0x16];
	[sflag:s24] =	ssyncadd.s32 $0xFFFFEC00  }
0x78: {  	[spmem:s19] =	stream.linear.scatter [tilespmem:s23], [sflag:$0x6], $0x1400, $0x38;
	[tilespmem:$0x1FB30] =	vst v63  }
0x79: {  	_ =	swait.ge [sflag:s24], $0x1400  }
0x7a: {  	[sflag:s24] =	ssyncset.done $0x0  }
0x7b: {  	s20 =	rddreg [dreg:$0x17];
	[sflag:s24] =	ssyncadd.s32 $0xFFFFEC00  }
0x7c: {  	[spmem:s20] =	stream.linear.scatter [tilespmem:s23], [sflag:$0x6], $0x1400, $0x38;
	[tilespmem:$0x1FB30] =	vst v63  }
0x7d: {  	_ =	swait.ge [sflag:s24], $0x1400  }
0x7e: {  	[sflag:s24] =	ssyncset.done $0x0  }
0x7f: {  	s21 =	rddreg [dreg:$0x18];
	[sflag:s24] =	ssyncadd.s32 $0xFFFFEC00  }
0x80: {  	[spmem:s21] =	stream.linear.scatter [tilespmem:s23], [sflag:$0x6], $0x1400, $0x38;
	[tilespmem:$0x1FB30] =	vst v63  }
0x81: {  	_ =	swait.ge [sflag:s24], $0x1400  }
0x82: {  	[sflag:s24] =	ssyncset.done $0x0  }
0x83: {  	s7 =	rddreg [dreg:$0x19];
	[sflag:s24] =	ssyncadd.s32 $0xFFFFEC00  }
0x84: {  	[spmem:s7] =	stream.linear.scatter [tilespmem:s23], [sflag:$0x6], $0x1400, $0x38;
	[tilespmem:$0x1FB30] =	vst v63  }
0x85: {  	_ =	swait.ge [sflag:s24], $0x1400  }
0x86: {  	[sflag:s24] =	ssyncset.done $0x0  }
0x87: {  	s16 =	rddreg [dreg:$0x1a];
	[sflag:s24] =	ssyncadd.s32 $0xFFFFEC00  }
0x88: {  	[spmem:s16] =	stream.linear.scatter [tilespmem:s23], [sflag:$0x6], $0x1400, $0x38;
	[tilespmem:$0x1FB30] =	vst v63  }
0x89: {  	_ =	swait.ge [sflag:s24], $0x1400  }
0x8a: {  	[sflag:s24] =	ssyncset.done $0x0  }
0x8b: {  	s19 =	rddreg [dreg:$0x1b];
	[sflag:s24] =	ssyncadd.s32 $0xFFFFEC00  }
0x8c: {  	[spmem:s19] =	stream.linear.scatter [tilespmem:s23], [sflag:$0x6], $0x1400, $0x38;
	[tilespmem:$0x1FB30] =	vst v63  }
0x8d: {  	_ =	swait.ge [sflag:s24], $0x1400  }
0x8e: {  	[sflag:s24] =	ssyncset.done $0x0  }
0x8f: {  	s20 =	rddreg [dreg:$0x1c];
	[sflag:s24] =	ssyncadd.s32 $0xFFFFEC00  }
0x90: {  	[spmem:s20] =	stream.linear.scatter [tilespmem:s23], [sflag:$0x6], $0x1400, $0x38;
	[tilespmem:$0x1FB30] =	vst v63  }
0x91: {  	_ =	swait.ge [sflag:s24], $0x1400  }
0x92: {  	[sflag:s24] =	ssyncset.done $0x0  }
0x93: {  	s21 =	rddreg [dreg:$0x1d];
	[sflag:s24] =	ssyncadd.s32 $0xFFFFEC00  }
0x94: {  	[spmem:s21] =	stream.linear.scatter [tilespmem:s23], [sflag:$0x6], $0x1400, $0x38;
	[tilespmem:$0x1FB30] =	vst v63  }
0x95: {  	_ =	swait.ge [sflag:s24], $0x1400  }
0x96: {  	[sflag:s24] =	ssyncset.done $0x0  }
0x97: {  	s7 =	rddreg [dreg:$0x1e];
	[sflag:s24] =	ssyncadd.s32 $0xFFFFEC00  }
0x98: {  	[spmem:s7] =	stream.linear.scatter [tilespmem:s23], [sflag:$0x6], $0x1400, $0x38;
	[tilespmem:$0x1FB30] =	vst v63  }
0x99: {  	_ =	swait.ge [sflag:s24], $0x1400  }
0x9a: {  	[sflag:s24] =	ssyncset.done $0x0  }
0x9b: {  	s16 =	rddreg [dreg:$0x1f];
	[sflag:s24] =	ssyncadd.s32 $0xFFFFEC00  }
0x9c: {  	[spmem:s16] =	stream.linear.scatter [tilespmem:s23], [sflag:$0x6], $0x1400, $0x38;
	[tilespmem:$0x1FB30] =	vst v63  }
0x9d: {  	_ =	swait.ge [sflag:s24], $0x1400  }
0x9e: {  	s19 =	sld [smem:$0x7E1]  }
0x9f: {  	[sflag:s24] =	ssyncset.done $0x0  }
0xa0: {  	[sflag:s24] =	ssyncadd.s32 $0xFFFFEC00  }
0xa1: {  	[spmem:s19] =	stream.linear.scatter [tilespmem:s23], [sflag:$0x6], $0x1400, $0x38;
	[tilespmem:$0x1FB30] =	vst v63  }
0xa2: {  	_ =	swait.ge [sflag:s24], $0x1400  }
0xa3: {  	s20 =	sld [smem:$0x7E2]  }
0xa4: {  	[sflag:s24] =	ssyncset.done $0x0  }
0xa5: {  	[sflag:s24] =	ssyncadd.s32 $0xFFFFEC00  }
0xa6: {  	[spmem:s20] =	stream.linear.scatter [tilespmem:s23], [sflag:$0x6], $0x1400, $0x38;
	[tilespmem:$0x1FB30] =	vst v63  }
0xa7: {  	_ =	swait.ge [sflag:s24], $0x1400  }
0xa8: {  	s21 =	sld [smem:$0x7E3]  }
0xa9: {  	[sflag:s24] =	ssyncset.done $0x0  }
.Ltmp2:
0xaa: {  	[sflag:s24] =	ssyncadd.s32 $0xFFFFEC00;
	(pc) =	sbr.rel @p0 .LBB2_3-.Ltmp2, $4  }
0xab: {  	[spmem:s21] =	stream.linear.scatter [tilespmem:s23], [sflag:$0x6], $0x1400, $0x38;
	[tilespmem:$0x1FB30] =	vst v63  }
0xac: {  	_ =	swait.ge [sflag:s24], $0x1400  }
0xad: {  	[sflag:s24] =	ssyncset.done $0x0;
	s21 =	rddreg [dreg:$0x13]  }
0xae: {  	s30 =	rddreg [dreg:$0xb];
	[sflag:s24] =	ssyncadd.s32 $0xFFFFEC00  }
0xaf: {  	s6 =	simm.s32 $0x0;
	s7 =	rddreg [dreg:$0xd]  }
0xb0: {  	[tilespmem:s25], [sflag:$0x6] =	stream.linear.gather [hbm4b:s7+s6], $0x280, $0x38;
	[tilespmem:$0x1FB30] =	vst v63  }
0xb1: {  	_ =	swait.ge [sflag:s24], $0x280  }
0xb2: {  	s21 =	sld [smem:$0x7E4]  }
0xb3: {  	[sflag:s24] =	ssyncset.done $0x0  }
0xb4: {  	[sflag:s24] =	ssyncadd.s32 $0xFFFFFD80  }
0xb5: {  	[spmem:s21] =	stream.linear.scatter [tilespmem:s25], [sflag:$0x6], $0x280, $0x38;
	[tilespmem:$0x1FB30] =	vst v63  }
0xb6: {  	_ =	swait.ge [sflag:s24], $0x280  }
0xb7: {  	s7 =	sld [smem:$0x7E5]  }
0xb8: {  	[sflag:s24] =	ssyncset.done $0x0  }
0xb9: {  	[sflag:s24] =	ssyncadd.s32 $0xFFFFFD80  }
0xba: {  	[spmem:s7] =	stream.linear.scatter [tilespmem:s25], [sflag:$0x6], $0x280, $0x38;
	[tilespmem:$0x1FB30] =	vst v63  }
0xbb: {  	_ =	swait.ge [sflag:s24], $0x280  }
0xbc: {  	s16 =	sld [smem:$0x7E6]  }
0xbd: {  	[sflag:s24] =	ssyncset.done $0x0  }
0xbe: {  	[sflag:s24] =	ssyncadd.s32 $0xFFFFFD80  }
0xbf: {  	[spmem:s16] =	stream.linear.scatter [tilespmem:s25], [sflag:$0x6], $0x280, $0x38;
	[tilespmem:$0x1FB30] =	vst v63  }
0xc0: {  	_ =	swait.ge [sflag:s24], $0x280  }
0xc1: {  	s19 =	sld [smem:$0x7E7]  }
0xc2: {  	[sflag:s24] =	ssyncset.done $0x0  }
0xc3: {  	[sflag:s24] =	ssyncadd.s32 $0xFFFFFD80  }
0xc4: {  	[spmem:s19] =	stream.linear.scatter [tilespmem:s25], [sflag:$0x6], $0x280, $0x38;
	[tilespmem:$0x1FB30] =	vst v63  }
0xc5: {  	_ =	swait.ge [sflag:s24], $0x280  }
0xc6: {  	s20 =	sld [smem:$0x7E8]  }
0xc7: {  	[sflag:s24] =	ssyncset.done $0x0  }
0xc8: {  	[sflag:s24] =	ssyncadd.s32 $0xFFFFFD80  }
0xc9: {  	[spmem:s20] =	stream.linear.scatter [tilespmem:s25], [sflag:$0x6], $0x280, $0x38;
	[tilespmem:$0x1FB30] =	vst v63  }
0xca: {  	_ =	swait.ge [sflag:s24], $0x280  }
0xcb: {  	s21 =	sld [smem:$0x7E9]  }
0xcc: {  	[sflag:s24] =	ssyncset.done $0x0  }
0xcd: {  	[sflag:s24] =	ssyncadd.s32 $0xFFFFFD80  }
0xce: {  	[spmem:s21] =	stream.linear.scatter [tilespmem:s25], [sflag:$0x6], $0x280, $0x38;
	[tilespmem:$0x1FB30] =	vst v63  }
0xcf: {  	_ =	swait.ge [sflag:s24], $0x280  }
0xd0: {  	s7 =	sld [smem:$0x7EA]  }
0xd1: {  	[sflag:s24] =	ssyncset.done $0x0  }
0xd2: {  	[sflag:s24] =	ssyncadd.s32 $0xFFFFFD80  }
0xd3: {  	[spmem:s7] =	stream.linear.scatter [tilespmem:s25], [sflag:$0x6], $0x280, $0x38;
	[tilespmem:$0x1FB30] =	vst v63  }
0xd4: {  	_ =	swait.ge [sflag:s24], $0x280  }
0xd5: {  	s16 =	sld [smem:$0x7EB]  }
0xd6: {  	[sflag:s24] =	ssyncset.done $0x0  }
0xd7: {  	[sflag:s24] =	ssyncadd.s32 $0xFFFFFD80  }
0xd8: {  	[spmem:s16] =	stream.linear.scatter [tilespmem:s25], [sflag:$0x6], $0x280, $0x38;
	[tilespmem:$0x1FB30] =	vst v63  }
0xd9: {  	_ =	swait.ge [sflag:s24], $0x280  }
0xda: {  	s19 =	sld [smem:$0x7EC]  }
0xdb: {  	[sflag:s24] =	ssyncset.done $0x0  }
0xdc: {  	[sflag:s24] =	ssyncadd.s32 $0xFFFFFD80  }
0xdd: {  	[spmem:s19] =	stream.linear.scatter [tilespmem:s25], [sflag:$0x6], $0x280, $0x38;
	[tilespmem:$0x1FB30] =	vst v63  }
0xde: {  	_ =	swait.ge [sflag:s24], $0x280  }
0xdf: {  	s20 =	sld [smem:$0x7ED]  }
0xe0: {  	[sflag:s24] =	ssyncset.done $0x0  }
0xe1: {  	[sflag:s24] =	ssyncadd.s32 $0xFFFFFD80  }
0xe2: {  	[spmem:s20] =	stream.linear.scatter [tilespmem:s25], [sflag:$0x6], $0x280, $0x38;
	[tilespmem:$0x1FB30] =	vst v63  }
0xe3: {  	_ =	swait.ge [sflag:s24], $0x280  }
0xe4: {  	s21 =	sld [smem:$0x7EE]  }
0xe5: {  	[sflag:s24] =	ssyncset.done $0x0  }
0xe6: {  	[sflag:s24] =	ssyncadd.s32 $0xFFFFFD80  }
0xe7: {  	[spmem:s21] =	stream.linear.scatter [tilespmem:s25], [sflag:$0x6], $0x280, $0x38;
	[tilespmem:$0x1FB30] =	vst v63  }
0xe8: {  	_ =	swait.ge [sflag:s24], $0x280  }
0xe9: {  	s7 =	sld [smem:$0x7EF]  }
0xea: {  	[sflag:s24] =	ssyncset.done $0x0  }
0xeb: {  	[sflag:s24] =	ssyncadd.s32 $0xFFFFFD80  }
0xec: {  	[spmem:s7] =	stream.linear.scatter [tilespmem:s25], [sflag:$0x6], $0x280, $0x38;
	[tilespmem:$0x1FB30] =	vst v63  }
0xed: {  	_ =	swait.ge [sflag:s24], $0x280  }
0xee: {  	s16 =	sld [smem:$0x7F0]  }
0xef: {  	[sflag:s24] =	ssyncset.done $0x0  }
0xf0: {  	[sflag:s24] =	ssyncadd.s32 $0xFFFFFD80  }
0xf1: {  	[spmem:s16] =	stream.linear.scatter [tilespmem:s25], [sflag:$0x6], $0x280, $0x38;
	[tilespmem:$0x1FB30] =	vst v63  }
0xf2: {  	_ =	swait.ge [sflag:s24], $0x280  }
0xf3: {  	s19 =	sld [smem:$0x7F1]  }
0xf4: {  	[sflag:s24] =	ssyncset.done $0x0  }
0xf5: {  	[sflag:s24] =	ssyncadd.s32 $0xFFFFFD80  }
0xf6: {  	[spmem:s19] =	stream.linear.scatter [tilespmem:s25], [sflag:$0x6], $0x280, $0x38;
	[tilespmem:$0x1FB30] =	vst v63  }
0xf7: {  	_ =	swait.ge [sflag:s24], $0x280  }
0xf8: {  	s20 =	sld [smem:$0x7F2]  }
0xf9: {  	[sflag:s24] =	ssyncset.done $0x0  }
0xfa: {  	[sflag:s24] =	ssyncadd.s32 $0xFFFFFD80  }
0xfb: {  	[spmem:s20] =	stream.linear.scatter [tilespmem:s25], [sflag:$0x6], $0x280, $0x38;
	[tilespmem:$0x1FB30] =	vst v63  }
0xfc: {  	_ =	swait.ge [sflag:s24], $0x280  }
0xfd: {  	s21 =	sld [smem:$0x7F3]  }
0xfe: {  	[sflag:s24] =	ssyncset.done $0x0  }
0xff: {  	[sflag:s24] =	ssyncadd.s32 $0xFFFFFD80  }
0x100: {  	[spmem:s21] =	stream.linear.scatter [tilespmem:s25], [sflag:$0x6], $0x280, $0x38;
	[tilespmem:$0x1FB30] =	vst v63  }
0x101: {  	_ =	swait.ge [sflag:s24], $0x280  }
0x102: {  	[sflag:s24] =	ssyncset.done $0x0;
	s21 =	rddreg [dreg:$0xf]  }
0x103: {  	s30 =	rddreg [dreg:$0xa];
	[sflag:s24] =	ssyncadd.s32 $0xFFFFFD80  }
.LBB2_3:
0x104: {  	s20 =	simm.s32 $0x0;
	s6 =	rddreg [dreg:$0xe]  }
0x105: {  	[tilespmem:s25], [sflag:$0x6] =	stream.linear.gather [hbm4b:s6+s20], $0x280, $0x38;
	[tilespmem:$0x1FB30] =	vst v63  }
0x106: {  	_ =	swait.ge [sflag:s24], $0x280  }
0x107: {  	[sflag:s24] =	ssyncset.done $0x0  }
0x108: {  	s16 =	rddreg [dreg:$0x10];
	[sflag:s24] =	ssyncadd.s32 $0xFFFFFD80  }
0x109: {  	[tilespmem:s26], [sflag:$0x6] =	stream.linear.gather [hbm4b:s16+s20], $0x140, $0x38;
	[tilespmem:$0x1FB30] =	vst v63  }
0x10a: {  	_ =	swait.ge [sflag:s24], $0x140  }
0x10b: {  	[sflag:s24] =	ssyncset.done $0x0  }
0x10c: {  	s19 =	rddreg [dreg:$0x11];
	[sflag:s24] =	ssyncadd.s32 $0xFFFFFEC0  }
0x10d: {  	[tilespmem:s28], [sflag:$0x6] =	stream.linear.gather [hbm4b:s19+s20], $0x140, $0x38;
	[tilespmem:$0x1FB30] =	vst v63  }
0x10e: {  	_ =	swait.ge [sflag:s24], $0x140  }
0x10f: {  	[sflag:s24] =	ssyncset.done $0x0  }
0x110: {  	[sflag:s24] =	ssyncadd.s32 $0xFFFFFEC0  }
0x111: {  	v0 =	vld [tilespmem:$0x1B800]  }
0x112: {  	v1 =	vld [tilespmem:$0x1BFD0]  }
0x113: {  	v2 =	vld [tilespmem:$0x1B810]  }
0x114: {  	v3 =	vld [tilespmem:$0x1BFE0]  }
0x115: {  	v4 =	vld [tilespmem:$0x1B820]  }
0x116: {  	v5 =	vld [tilespmem:$0x1BFF0]  }
0x117: {  	v6 =	vld [tilespmem:$0x1B830]  }
0x118: {  	v7 =	vld [tilespmem:$0x1C000]  }
0x119: {  	v8 =	vld [tilespmem:$0x1B840]  }
0x11a: {  	v9 =	vld [tilespmem:$0x1C010]  }
0x11b: {  	vm0 =	veq.s32 v0, $0x0;
	v50 =	vadd.s32 $0x1770, v1  }
0x11c: {  	vm9 =	veq.s32 v2, $0x0;
	v51 =	vadd.s32 $0x1770, v3;
	v0 =	vsel vm0, v1, v50  }
0x11d: {  	vm10 =	veq.s32 v4, $0x0;
	v53 =	vadd.s32 $0x1770, v5;
	v52 =	vsel vm9, v3, v51;
	[tilespmem:$0x1FAE0] =	vst v0  }
0x11e: {  	vm11 =	veq.s32 v6, $0x0;
	v55 =	vadd.s32 $0x1770, v7;
	v54 =	vsel vm10, v5, v53;
	[tilespmem:$0x1FAF0] =	vst v52  }
0x11f: {  	vm12 =	veq.s32 v8, $0x0;
	v57 =	vadd.s32 $0x1770, v9;
	v56 =	vsel vm11, v7, v55;
	[tilespmem:$0x1FB00] =	vst v54  }
0x120: {  	v58 =	vsel vm12, v9, v57;
	[tilespmem:$0x1FB10] =	vst v56  }
0x121: {  	s7 =	simm.s32 $0x1FAE0;
	[tilespmem:$0x1FB20] =	vst v58  }
0x122: {  	[tilespmem:s23], [sflag:$0x4] =	stream.indirect.gather [hbm4b:s30+s29], $0x40, s7, s29, $0xb8;
	[tilespmem:$0x1FB30] =	vst v63  }
0x123: {  	v59 =	vld [tilespmem:$0x1B850]  }
0x124: {  	v60 =	vld [tilespmem:$0x1C020]  }
0x125: {  	v61 =	vld [tilespmem:$0x1B860]  }
0x126: {  	v62 =	vld [tilespmem:$0x1C030]  }
0x127: {  	v63 =	vld [tilespmem:$0x1B870]  }
0x128: {  	v12 =	vld [tilespmem:$0x1C040]  }
0x129: {  	v13 =	vld [tilespmem:$0x1B880]  }
0x12a: {  	v14 =	vld [tilespmem:$0x1C050]  }
0x12b: {  	v15 =	vld [tilespmem:$0x1B890]  }
0x12c: {  	v16 =	vld [tilespmem:$0x1C060]  }
0x12d: {  	vm13 =	veq.s32 v59, $0x0;
	v17 =	vadd.s32 $0x1770, v60  }
0x12e: {  	vm14 =	veq.s32 v61, $0x0;
	v18 =	vadd.s32 $0x1770, v62;
	v0 =	vsel vm13, v60, v17  }
0x12f: {  	vm15 =	veq.s32 v63, $0x0;
	v20 =	vadd.s32 $0x1770, v12;
	v19 =	vsel vm14, v62, v18;
	[tilespmem:$0x1CF70] =	vst v0  }
0x130: {  	vm4 =	veq.s32 v13, $0x0;
	v22 =	vadd.s32 $0x1770, v14;
	v21 =	vsel vm15, v12, v20;
	[tilespmem:$0x1CF80] =	vst v19  }
0x131: {  	vm5 =	veq.s32 v15, $0x0;
	v24 =	vadd.s32 $0x1770, v16;
	v23 =	vsel vm4, v14, v22;
	[tilespmem:$0x1CF90] =	vst v21  }
0x132: {  	v25 =	vsel vm5, v16, v24;
	[tilespmem:$0x1CFA0] =	vst v23  }
0x133: {  	[tilespmem:$0x1CFB0] =	vst v25  }
0x134: {  	[tilespmem:s0], [sflag:$0x5] =	stream.indirect.gather [hbm4b:s30+s29], $0x40, s31, s29, $0xb8;
	[tilespmem:$0x1FB30] =	vst v63  }
0x135: {  	_ =	swait.ge [sflag:s8], $0x1400  }
0x136: {  	s16 =	sld [smem:$0x7F7]  }
0x137: {  	[sflag:s8] =	ssyncset.done $0x0  }
0x138: {  	[sflag:s8] =	ssyncadd.s32 $0xFFFFEC00  }
0x139: {  	[spmem:s16] =	stream.linear.scatter [tilespmem:s23], [sflag:$0x6], $0x1400, $0x38;
	[tilespmem:$0x1FB30] =	vst v63  }
0x13a: {  	_ =	swait.ge [sflag:s24], $0x1400  }
0x13b: {  	[sflag:s24] =	ssyncset.done $0x0  }
0x13c: {  	[sflag:s24] =	ssyncadd.s32 $0xFFFFEC00  }
0x13d: {  	v26 =	vld [tilespmem:$0x1B8A0]  }
0x13e: {  	v27 =	vld [tilespmem:$0x1C070]  }
0x13f: {  	v28 =	vld [tilespmem:$0x1B8B0]  }
0x140: {  	v29 =	vld [tilespmem:$0x1C080]  }
0x141: {  	v30 =	vld [tilespmem:$0x1B8C0]  }
0x142: {  	v31 =	vld [tilespmem:$0x1C090]  }
0x143: {  	v32 =	vld [tilespmem:$0x1B8D0]  }
0x144: {  	v33 =	vld [tilespmem:$0x1C0A0]  }
0x145: {  	v34 =	vld [tilespmem:$0x1B8E0]  }
0x146: {  	v35 =	vld [tilespmem:$0x1C0B0]  }
0x147: {  	vm6 =	veq.s32 v26, $0x0;
	v36 =	vadd.s32 $0x1770, v27  }
0x148: {  	vm7 =	veq.s32 v28, $0x0;
	v37 =	vadd.s32 $0x1770, v29;
	v0 =	vsel vm6, v27, v36  }
0x149: {  	vm8 =	veq.s32 v30, $0x0;
	v39 =	vadd.s32 $0x1770, v31;
	v38 =	vsel vm7, v29, v37;
	[tilespmem:$0x1FAE0] =	vst v0  }
0x14a: {  	vm9 =	veq.s32 v32, $0x0;
	v41 =	vadd.s32 $0x1770, v33;
	v40 =	vsel vm8, v31, v39;
	[tilespmem:$0x1FAF0] =	vst v38  }
0x14b: {  	vm10 =	veq.s32 v34, $0x0;
	v43 =	vadd.s32 $0x1770, v35;
	v42 =	vsel vm9, v33, v41;
	[tilespmem:$0x1FB00] =	vst v40  }
0x14c: {  	v44 =	vsel vm10, v35, v43;
	[tilespmem:$0x1FB10] =	vst v42  }
0x14d: {  	[tilespmem:$0x1FB20] =	vst v44  }
0x14e: {  	[tilespmem:s23], [sflag:$0x4] =	stream.indirect.gather [hbm4b:s30+s29], $0x40, s7, s29, $0xb8;
	[tilespmem:$0x1FB30] =	vst v63  }
0x14f: {  	_ =	swait.ge [sflag:s13], $0x1400  }
0x150: {  	s19 =	sld [smem:$0x7F4]  }
0x151: {  	[sflag:s13] =	ssyncset.done $0x0  }
0x152: {  	[sflag:s13] =	ssyncadd.s32 $0xFFFFEC00  }
0x153: {  	[spmem:s19] =	stream.linear.scatter [tilespmem:s0], [sflag:$0x6], $0x1400, $0x38;
	[tilespmem:$0x1FB30] =	vst v63  }
0x154: {  	_ =	swait.ge [sflag:s24], $0x1400  }
0x155: {  	[sflag:s24] =	ssyncset.done $0x0  }
0x156: {  	[sflag:s24] =	ssyncadd.s32 $0xFFFFEC00  }
0x157: {  	v45 =	vld [tilespmem:$0x1B8F0]  }
0x158: {  	v46 =	vld [tilespmem:$0x1C0C0]  }
0x159: {  	v47 =	vld [tilespmem:$0x1B900]  }
0x15a: {  	v48 =	vld [tilespmem:$0x1C0D0]  }
0x15b: {  	v49 =	vld [tilespmem:$0x1B910]  }
0x15c: {  	v50 =	vld [tilespmem:$0x1C0E0]  }
0x15d: {  	v51 =	vld [tilespmem:$0x1B920]  }
0x15e: {  	v52 =	vld [tilespmem:$0x1C0F0]  }
0x15f: {  	v53 =	vld [tilespmem:$0x1B930]  }
0x160: {  	v54 =	vld [tilespmem:$0x1C100]  }
0x161: {  	vm11 =	veq.s32 v45, $0x0;
	v55 =	vadd.s32 $0x1770, v46  }
0x162: {  	vm12 =	veq.s32 v47, $0x0;
	v56 =	vadd.s32 $0x1770, v48;
	v0 =	vsel vm11, v46, v55  }
0x163: {  	vm13 =	veq.s32 v49, $0x0;
	v58 =	vadd.s32 $0x1770, v50;
	v57 =	vsel vm12, v48, v56;
	[tilespmem:$0x1CF70] =	vst v0  }
0x164: {  	vm14 =	veq.s32 v51, $0x0;
	v60 =	vadd.s32 $0x1770, v52;
	v59 =	vsel vm13, v50, v58;
	[tilespmem:$0x1CF80] =	vst v57  }
0x165: {  	vm15 =	veq.s32 v53, $0x0;
	v62 =	vadd.s32 $0x1770, v54;
	v61 =	vsel vm14, v52, v60;
	[tilespmem:$0x1CF90] =	vst v59  }
0x166: {  	v63 =	vsel vm15, v54, v62;
	[tilespmem:$0x1CFA0] =	vst v61  }
0x167: {  	[tilespmem:$0x1CFB0] =	vst v63  }
0x168: {  	[tilespmem:s0], [sflag:$0x5] =	stream.indirect.gather [hbm4b:s30+s29], $0x40, s31, s29, $0xb8;
	[tilespmem:$0x1FB30] =	vst v63  }
0x169: {  	_ =	swait.ge [sflag:s8], $0x1400  }
0x16a: {  	s30 =	sld [smem:$0x7F5]  }
0x16b: {  	[sflag:s8] =	ssyncset.done $0x0  }
0x16c: {  	[sflag:s8] =	ssyncadd.s32 $0xFFFFEC00  }
0x16d: {  	[spmem:s30] =	stream.linear.scatter [tilespmem:s23], [sflag:$0x6], $0x1400, $0x38;
	[tilespmem:$0x1FB30] =	vst v63  }
0x16e: {  	_ =	swait.ge [sflag:s24], $0x1400  }
0x16f: {  	[sflag:s24] =	ssyncset.done $0x0  }
0x170: {  	[sflag:s24] =	ssyncadd.s32 $0xFFFFEC00  }
0x171: {  	_ =	swait.ge [sflag:s13], $0x1400  }
0x172: {  	s7 =	sld [smem:$0x7F6]  }
0x173: {  	[sflag:s13] =	ssyncset.done $0x0  }
0x174: {  	[sflag:s13] =	ssyncadd.s32 $0xFFFFEC00  }
0x175: {  	[spmem:s7] =	stream.linear.scatter [tilespmem:s0], [sflag:$0x6], $0x1400, $0x38;
	[tilespmem:$0x1FB30] =	vst v63  }
0x176: {  	_ =	swait.ge [sflag:s24], $0x1400  }
0x177: {  	s7 =	sld [smem:$0x7F8]  }
0x178: {  	s19 =	sshll.u32 s14, $0x6  }
.Ltmp3:
0x179: {  	s6 =	sor.u32 $0x1C01, s19;
	[sflag:s24] =	ssyncset.done $0x0;
	(pc) =	sbr.rel .LBB2_4-.Ltmp3, $4  }
0x17a: {  	s30 =	sshrl.u32 s16, $0x3;
	[sflag:s24] =	ssyncadd.s32 $0xFFFFEC00;
	s7 =	sadd.s32 s21, s7  }
0x17b: {  	[hbm:s7], [sflag:s6] =	dma.local [spmem:s30], $0xA00  }
0x17c: {  	[bflag:$0x0] =	sbarrier.arrive $0xFFFF  }
0x17d: {  	s21 =	simm.s32 $0x0  }
.LBB2_10:
0x17e: {  	s21 =	sadd.s32 $0x1, s21  }
0x17f: {  	p2 =	sne.s32 s21, $0xA  }
.Ltmp4:
0x180: {  	_ = 	snop;
	(pc) =	sbr.rel @!p2 .LBB2_11-.Ltmp4, $1  }
0x181: {  	_ =	sdelay $0x3  }
.LBB2_4:
0x182: {  	s6 =	smul.u32 $0x7D0, s21;
	_ =	sdelay $0x1  }
0x183: {  	s6 =	sadd.s32 s22, s6  }
0x184: {  	s6 =	sshrl.u32 s6, $0x3  }
0x185: {  	s7 =	sadd.s32 s10, s6  }
0x186: {  	[tilespmem:s26], [sflag:$0x6] =	stream.linear.gather [hbm4b:s7+s20], $0x7D0, $0x38;
	[tilespmem:$0x1FB30] =	vst v63  }
0x187: {  	_ =	swait.ge [sflag:s24], $0x7D0  }
0x188: {  	[sflag:s24] =	ssyncset.done $0x0  }
0x189: {  	s19 =	sadd.s32 s11, s6;
	[sflag:s24] =	ssyncadd.s32 $0xFFFFF830  }
0x18a: {  	[tilespmem:s28], [sflag:$0x6] =	stream.linear.gather [hbm4b:s19+s20], $0x7D0, $0x38;
	[tilespmem:$0x1FB30] =	vst v63  }
0x18b: {  	_ =	swait.ge [sflag:s24], $0x7D0  }
0x18c: {  	[sflag:s24] =	ssyncset.done $0x0  }
0x18d: {  	s6 =	sadd.s32 s1, s6;
	[sflag:s24] =	ssyncadd.s32 $0xFFFFF830  }
0x18e: {  	[tilespmem:s15], [sflag:$0x6] =	stream.linear.gather [hbm4b:s6+s20], $0x7D0, $0x38;
	[tilespmem:$0x1FB30] =	vst v63  }
0x18f: {  	_ =	swait.ge [sflag:s24], $0x7D0  }
.Ltmp5:
0x190: {  	[sflag:s24] =	ssyncset.done $0x0;
	(pc) =	sbr.rel .LBB2_5-.Ltmp5, $4  }
0x191: {  	s30 =	simm.s32 $0x1B850;
	[sflag:s24] =	ssyncadd.s32 $0xFFFFF830  }
0x192: {  	[tilespmem:s12], [sflag:$0x2] =	stream.indirect.gather [hbm4b:s2+s29], $0x1, s15, s29, $0xb8;
	[tilespmem:$0x1FB30] =	vst v63  }
0x193: {  	s14 =	simm.s32 $0x1BFF0;
	s16 =	simm.s32 $0x0;
	s7 =	simm.s32 $0x1C7F0  }
0x194: {  	[tilespmem:s23], [sflag:$0x4] =	stream.indirect.gather [spmem:s5], $0x40, s26, s29, $0xb8;
	[tilespmem:$0x1FB30] =	vst v63  }
.LBB2_8:
0x195: {  	[spmem:s4] =	stream.indirect.scatter.add.f32 [tilespmem:s25], [sflag:s6], $0x8, s31, s29, $0xb8;
	[tilespmem:$0x1FB30] =	vst v63  }
0x196: {  	_ =	swait.ge [sflag:s6], $0x280  }
0x197: {  	[sflag:s6] =	ssyncset.done $0x0  }
0x198: {  	[sflag:s6] =	ssyncadd.s32 $0xFFFFFD80  }
.LBB2_9:
0x199: {  	s16 =	sadd.s32 $0x1, s16  }
0x19a: {  	p2 =	sne.s32 s16, $0x19  }
.Ltmp6:
0x19b: {  	_ = 	snop;
	(pc) =	sbr.rel @!p2 .LBB2_10-.Ltmp6, $2  }
0x19c: {  	_ =	sdelay $0x2  }
0x19d: {  	s30 =	sadd.s32 $0x50, s30;
	s7 =	sadd.s32 $0x50, s7;
	s14 =	sadd.s32 $0x50, s14  }
.LBB2_5:
0x19e: {  	s6 =	sand.u32 $0x1, s16  }
0x19f: {  	p2 =	seq.s32 s6, $0x1  }
.Ltmp7:
0x1a0: {  	_ = 	snop;
	(pc) =	sbr.rel @p2 .LBB2_7-.Ltmp7, $1  }
0x1a1: {  	_ =	sdelay $0x3  }
0x1a2: {  	p2 =	seq.s32 s16, $0x18  }
0x1a3: {  	s6 =	simm.s32 @!p2 $0x50;
	s19 =	simm.s32 @!p2 $0x1D010  }
0x1a4: {  	[tilespmem:s19], [sflag:$0x3] =	stream.indirect.gather @!p2 [hbm4b:s2+s6], $0x1, s7, s6, $0xb8;
	[tilespmem:$0x1FB30] =	vst v63  }
0x1a5: {  	s19 =	simm.s32 @!p2 $0x1E460  }
0x1a6: {  	[tilespmem:s19], [sflag:$0x5] =	stream.indirect.gather @!p2 [spmem:s5], $0x40, s30, s6, $0xb8;
	[tilespmem:$0x1FB30] =	vst v63  }
0x1a7: {  	_ =	swait.ge [sflag:s9], $0x50  }
0x1a8: {  	[sflag:s9] =	ssyncset.done $0x0  }
0x1a9: {  	[sflag:s9] =	ssyncadd.s32 $0xFFFFFFB0  }
0x1aa: {  	v0 =	vld [tilespmem:$0x1CFC0];
	_ =	sdelay $0x1  }
0x1ab: {  	v1 =	vld [tilespmem:s14+$0xFFFFFFE0];
	_ =	sdelay $0x2  }
0x1ac: {  	v0 =	vmul.u32 $0x1388, v0;
	_ =	sdelay $0x1  }
0x1ad: {  	v60 =	vld [tilespmem:$0x1CFD0];
	v0 =	vadd.s32 v1, v0  }
0x1ae: {  	[tilespmem:$0x1CF70] =	vst v0  }
0x1af: {  	v0 =	vld [tilespmem:s14+$0xFFFFFFF0];
	_ =	sdelay $0x2  }
0x1b0: {  	v1 =	vmul.u32 $0x1388, v60;
	_ =	sdelay $0x1  }
0x1b1: {  	v61 =	vld [tilespmem:$0x1CFE0];
	v0 =	vadd.s32 v0, v1  }
0x1b2: {  	[tilespmem:$0x1CF80] =	vst v0  }
0x1b3: {  	v0 =	vld [tilespmem:s14+$0x0];
	_ =	sdelay $0x2  }
0x1b4: {  	v1 =	vmul.u32 $0x1388, v61;
	_ =	sdelay $0x1  }
0x1b5: {  	v62 =	vld [tilespmem:$0x1CFF0];
	v0 =	vadd.s32 v0, v1  }
0x1b6: {  	[tilespmem:$0x1CF90] =	vst v0  }
0x1b7: {  	v0 =	vld [tilespmem:s14+$0x10];
	_ =	sdelay $0x2  }
0x1b8: {  	v1 =	vmul.u32 $0x1388, v62;
	_ =	sdelay $0x1  }
0x1b9: {  	v63 =	vld [tilespmem:$0x1D000];
	v0 =	vadd.s32 v0, v1  }
0x1ba: {  	[tilespmem:$0x1CFA0] =	vst v0  }
0x1bb: {  	v0 =	vld [tilespmem:s14+$0x20];
	_ =	sdelay $0x2  }
0x1bc: {  	v1 =	vmul.u32 $0x1388, v63;
	_ =	sdelay $0x1  }
0x1bd: {  	v0 =	vadd.s32 v0, v1  }
0x1be: {  	[tilespmem:$0x1CFB0] =	vst v0  }
0x1bf: {  	_ =	swait.ge [sflag:s8], $0x1400  }
0x1c0: {  	[sflag:s8] =	ssyncset.done $0x0  }
0x1c1: {  	[sflag:s8] =	ssyncadd.s32 $0xFFFFEC00  }
0x1c2: {  	[spmem:s3] =	stream.indirect.scatter.add.f32 [tilespmem:s23], [sflag:$0x7], $0x40, s31, s29, $0xb8;
	[tilespmem:$0x1FB30] =	vst v63  }
.Ltmp8:
0x1c3: {  	_ = 	snop;
	(pc) =	sbr.rel @p1 .LBB2_8-.Ltmp8, $4  }
.Ltmp9:
0x1c4: {  	s6 =	simm.s32 $0x7;
	(pc) =	sbr.rel @!p1 .LBB2_9-.Ltmp9, $4  }
0x1c5: {  	_ =	swait.ge [sflag:s6], $0x1400  }
0x1c6: {  	[sflag:s6] =	ssyncset.done $0x0  }
0x1c7: {  	[sflag:s6] =	ssyncadd.s32 $0xFFFFEC00  }
0x1c8: {  	_ = 	snop  }
.LBB2_7:
0x1c9: {  	[tilespmem:s12], [sflag:$0x2] =	stream.indirect.gather [hbm4b:s2+s29], $0x1, s7, s29, $0xb8;
	[tilespmem:$0x1FB30] =	vst v63  }
0x1ca: {  	_ = 	snop  }
0x1cb: {  	[tilespmem:s23], [sflag:$0x4] =	stream.indirect.gather [spmem:s5], $0x40, s30, s29, $0xb8;
	[tilespmem:$0x1FB30] =	vst v63  }
0x1cc: {  	_ =	swait.ge [sflag:s17], $0x50  }
0x1cd: {  	[sflag:s17] =	ssyncset.done $0x0  }
0x1ce: {  	[sflag:s17] =	ssyncadd.s32 $0xFFFFFFB0  }
0x1cf: {  	v0 =	vld [tilespmem:$0x1D010];
	_ =	sdelay $0x1  }
0x1d0: {  	v1 =	vld [tilespmem:s14+$0xFFFFFFE0];
	_ =	sdelay $0x2  }
0x1d1: {  	v0 =	vmul.u32 $0x1388, v0;
	_ =	sdelay $0x1  }
0x1d2: {  	v60 =	vld [tilespmem:$0x1D020];
	v0 =	vadd.s32 v1, v0  }
0x1d3: {  	[tilespmem:$0x1CF70] =	vst v0  }
0x1d4: {  	v0 =	vld [tilespmem:s14+$0xFFFFFFF0];
	_ =	sdelay $0x2  }
0x1d5: {  	v1 =	vmul.u32 $0x1388, v60;
	_ =	sdelay $0x1  }
0x1d6: {  	v61 =	vld [tilespmem:$0x1D030];
	v0 =	vadd.s32 v0, v1  }
0x1d7: {  	[tilespmem:$0x1CF80] =	vst v0  }
0x1d8: {  	v0 =	vld [tilespmem:s14+$0x0];
	_ =	sdelay $0x2  }
0x1d9: {  	v1 =	vmul.u32 $0x1388, v61;
	_ =	sdelay $0x1  }
0x1da: {  	v62 =	vld [tilespmem:$0x1D040];
	v0 =	vadd.s32 v0, v1  }
0x1db: {  	[tilespmem:$0x1CF90] =	vst v0  }
0x1dc: {  	v0 =	vld [tilespmem:s14+$0x10];
	_ =	sdelay $0x2  }
0x1dd: {  	v1 =	vmul.u32 $0x1388, v62;
	_ =	sdelay $0x1  }
0x1de: {  	v63 =	vld [tilespmem:$0x1D050];
	v0 =	vadd.s32 v0, v1  }
0x1df: {  	[tilespmem:$0x1CFA0] =	vst v0  }
0x1e0: {  	v0 =	vld [tilespmem:s14+$0x20];
	_ =	sdelay $0x2  }
0x1e1: {  	v1 =	vmul.u32 $0x1388, v63;
	_ =	sdelay $0x1  }
0x1e2: {  	v0 =	vadd.s32 v0, v1  }
0x1e3: {  	[tilespmem:$0x1CFB0] =	vst v0  }
0x1e4: {  	_ =	swait.ge [sflag:s13], $0x1400  }
0x1e5: {  	[sflag:s13] =	ssyncset.done $0x0  }
0x1e6: {  	[sflag:s13] =	ssyncadd.s32 $0xFFFFEC00  }
0x1e7: {  	[spmem:s3] =	stream.indirect.scatter.add.f32 [tilespmem:s0], [sflag:$0x7], $0x40, s31, s29, $0xb8;
	[tilespmem:$0x1FB30] =	vst v63  }
.Ltmp10:
0x1e8: {  	_ = 	snop;
	(pc) =	sbr.rel @p0 .LBB2_9-.Ltmp10, $4  }
.Ltmp11:
0x1e9: {  	_ = 	snop;
	(pc) =	sbr.rel @!p0 .LBB2_8-.Ltmp11, $4  }
0x1ea: {  	_ =	swait.ge [sflag:s18], $0x1400  }
0x1eb: {  	[sflag:s18] =	ssyncset.done $0x0  }
0x1ec: {  	s6 =	simm.s32 $0x6;
	[sflag:s18] =	ssyncadd.s32 $0xFFFFEC00  }
0x1ed: {  	_ = 	snop  }
.LBB2_12:
0x1ee: {  	_ =	sfence.sel $0x180000  }
0x1ef: {  	[bflag:$0x0] =	sbarrier.arrive $0xFFFF  }
0x1f0: {  	_ =	strace $0x90000047  }
0x1f1: {  	[bflag:$0x2] =	sbarrier.arrive $0xFFFF  }
0x1f2: {  	p0 =	sne.s32 s14, $0x0;
	s0 =	rddreg [dreg:$0x9]  }
0x1f3: {  	s0 =	sadd.s32 @!p0 $0x100000, s0  }
0x1f4: {  	[sflag:s0] =	ssyncadd.tile.s32 @!p0 $0x1;
	_ =	shalt  }
.Lfunc_end2:
_tile_overlayer_lowered:
.L_overlay_start_2:
0x1f5: {  	(tag) =	ssettag $0x2  }
0x1f6: {  	s0 =	rddreg [dreg:$0x0];
	s2 =	stileid.u32  }
0x1f7: {  	s1 =	rddreg [dreg:$0x1];
	p0 =	sne.s32 s2, $0x0  }
0x1f8: {  	s3 =	rddreg [dreg:$0x2];
	[bflag:$0x3] =	sbarrier.arrive $0xFFFF;
	s2 =	simm.s32 @!p0 $0x1C06  }
0x1f9: {  	[timem:s3], [sflag:s2] =	dma.local @!p0 [hbm:s0], s1  }
0x1fa: {  	s0 =	simm.s32 @!p0 $0x6  }
0x1fb: {  	_ =	swait.ge @!p0 [sflag:s0], s1  }
0x1fc: {  	s1 =	ssub.s32 @!p0 $0x0, s1;
	[sflag:s0] =	ssyncset.done @!p0 $0x0  }
0x1fd: {  	[sflag:s0] =	ssyncadd.s32 @!p0 s1  }
0x1fe: {  	[bflag:$0x3] =	sbarrier.arrive $0xFFFF  }
0x1ff: {  	_ =	shalt  }

// kernel: kernel.9.cloned.1.call-start
scs
__scs_entry_jumppad:
0x0: {  	(pc) =	sbr.rel $0x88, $3  }
0x1: {  	(tag) =	ssettag $0x0;
	lr =	simm.s32 $0x1  }
0x2: {  	[smem:$0x3F92] =	sst lr;
	_ =	strace $0xD0000000  }
0x3: {  	_ = 	snop  }
0x4: {  	_ = 	snop  }
0x5: {  	_ = 	snop  }
0x6: {  	_ = 	snop  }
0x7: {  	_ = 	snop  }
__scs_overlays_trampoline_lowered:
0x8: {  	[smem:$0x3FA1] =	sst s0  }
0x9: {  	[smem:$0x3FA2] =	sst s1  }
0xa: {  	[smem:$0x3FA3] =	sst s2  }
0xb: {  	[smem:$0x3FA4] =	sst s3  }
0xc: {  	[smem:$0x3FA5] =	sst s4  }
0xd: {  	[smem:$0x3FA6] =	sst s5  }
0xe: {  	[smem:$0x3FA7] =	sst s6  }
0xf: {  	[smem:$0x3FA8] =	sst s7  }
0x10: {  	[smem:$0x3FA9] =	sst s8  }
0x11: {  	[smem:$0x3FAA] =	sst s9;
	s0 =	simm.s32 @!p0 $0x0  }
0x12: {  	s1 =	sld [smem:$0x3F90];
	s0 =	simm.s32 @p0 $0x1  }
0x13: {  	[smem:$0x3FAB] =	sst s0;
	s0 =	simm.s32 @!p1 $0x0  }
0x14: {  	s2 =	sld [smem:$0x3F8F];
	s0 =	simm.s32 @p1 $0x1  }
0x15: {  	[smem:$0x3FAC] =	sst s0;
	s0 =	simm.s32 @!p2 $0x0  }
0x16: {  	s3 =	sld [smem:$0x3FDB];
	s0 =	simm.s32 @p2 $0x1  }
0x17: {  	s4 =	simm.s32 $0x1BF5;
	[smem:$0x3FAE] =	sst s0  }
0x18: {  	s0 =	sld [smem:$0x3F91];
	_ =	swait.ge [sflag:s4], $0x0  }
0x19: {  	s7 =	sld [smem:$0x3F92]  }
0x1a: {  	s8 =	sadd.s32 $0xFFFFE003, lr  }
0x1b: {  	s9 =	sadd.s32 $0xFFFFFEF7, lr;
	s5 =	simm.s32 $0xFFFFFFFF;
	p2 =	slt.u32 s8, $0xFFFFF086  }
0x1c: {  	p1 =	slt.u32 s9, $0xF7A;
	s5 =	simm.s32 @!p2 $0x0  }
0x1d: {  	s5 =	simm.s32 @p1 $0x1;
	p0 =	seq.s32 s7, s2  }
0x1e: {  	s7 =	smul.u32 @!p0 $0xF7A, s2;
	p2 =	seq.s32 @!p0 s5, $0x0  }
0x1f: {  	s9 =	smul.u32 $0xF7A, s1;
	s8 =	simm.s32 @!p0 $0x1BF5;
	p2 =	por !p2, p0  }
0x20: {  	[sflag:s8] =	ssyncset.s32 @!p0 $0xFFFFF086;
	s6 =	sadd.s32 @!p0 s3, s7;
	s7 =	simm.s32 @!p0 $0x108  }
0x21: {  	s3 =	sadd.s32 s3, s9;
	s6 =	sadd.s32 @!p0 $0x88, s6;
	s7 =	simm.s32 @p2 $0x1082  }
0x22: {  	[simem:s7], [sflag:s8] =	dma.local @!p0 [hbm:s6], $0xF7A  }
0x23: {  	s9 =	sor.u32 $0xD0000000, s2;
	s6 =	simm.s32 $0x108;
	_ =	swait.ge @!p0 [sflag:s8], $0x0  }
0x24: {  	s3 =	sadd.s32 $0x88, s3;
	s6 =	simm.s32 @!p1 $0x1082;
	[sflag:s4] =	ssyncset.s32 $0xFFFFF086  }
0x25: {  	[simem:s6], [sflag:s4] =	dma.local [hbm:s3], $0xF7A  }
0x26: {  	[smem:$0x3F92] =	sst s1;
	(tag) =	ssettag s2;
	_ =	strace s9  }
0x27: {  	s1 =	sld [smem:$0x3FA2]  }
0x28: {  	s2 =	sld [smem:$0x3FA3]  }
0x29: {  	s4 =	sld [smem:$0x3FA5]  }
0x2a: {  	p0 =	seq.s32 s5, $0x0;
	s5 =	sld [smem:$0x3FA6]  }
0x2b: {  	s6 =	sld [smem:$0x3FA7]  }
0x2c: {  	s7 =	sld [smem:$0x3FA8]  }
0x2d: {  	s3 =	simm.s32 $0x108;
	s8 =	sld [smem:$0x3FA9]  }
0x2e: {  	s3 =	simm.s32 @!p0 $0x1082;
	s9 =	sld [smem:$0x3FAA]  }
0x2f: {  	lr =	sadd.s32 s0, s3;
	s0 =	sld [smem:$0x3FA1]  }
0x30: {  	s3 =	sld [smem:$0x3FA4]  }
0x31: {  	[smem:$0x3FAD] =	sst s10  }
0x32: {  	s10 =	sld [smem:$0x3FAB];
	_ =	sdelay $0x3  }
0x33: {  	p0 =	seq.s32 s10, $0x1;
	s10 =	sld [smem:$0x3FAD];
	_ =	sdelay $0x3  }
0x34: {  	[smem:$0x3FAD] =	sst s10  }
0x35: {  	s10 =	sld [smem:$0x3FAC];
	_ =	sdelay $0x3  }
0x36: {  	p1 =	seq.s32 s10, $0x1;
	s10 =	sld [smem:$0x3FAD];
	_ =	sdelay $0x3  }
0x37: {  	[smem:$0x3FAD] =	sst s10  }
0x38: {  	s10 =	sld [smem:$0x3FAE]  }
0x39: {  	_ = 	snop;
	(pc) =	sbr.ind lr, $3  }
0x3a: {  	_ = 	snop  }
0x3b: {  	_ = 	snop  }
0x3c: {  	p2 =	seq.s32 s10, $0x1;
	s10 =	sld [smem:$0x3FAD]  }
0x3d: {  	_ =	shalt  }
0x3e: {  	_ =	shalt  }
0x3f: {  	_ =	shalt  }
0x40: {  	_ =	shalt  }
0x41: {  	_ =	shalt  }
0x42: {  	_ =	shalt  }
0x43: {  	_ =	shalt  }
0x44: {  	_ =	shalt  }
0x45: {  	_ =	shalt  }
0x46: {  	_ =	shalt  }
0x47: {  	_ =	shalt  }
0x48: {  	_ =	shalt  }
0x49: {  	_ =	shalt  }
0x4a: {  	_ =	shalt  }
0x4b: {  	_ =	shalt  }
0x4c: {  	_ =	shalt  }
0x4d: {  	_ =	shalt  }
0x4e: {  	_ =	shalt  }
0x4f: {  	_ =	shalt  }
0x50: {  	_ =	shalt  }
0x51: {  	_ =	shalt  }
0x52: {  	_ =	shalt  }
0x53: {  	_ =	shalt  }
0x54: {  	_ =	shalt  }
0x55: {  	_ =	shalt  }
0x56: {  	_ =	shalt  }
0x57: {  	_ =	shalt  }
0x58: {  	_ =	shalt  }
0x59: {  	_ =	shalt  }
0x5a: {  	_ =	shalt  }
0x5b: {  	_ =	shalt  }
0x5c: {  	_ =	shalt  }
0x5d: {  	_ =	shalt  }
0x5e: {  	_ =	shalt  }
0x5f: {  	_ =	shalt  }
0x60: {  	_ =	shalt  }
0x61: {  	_ =	shalt  }
0x62: {  	_ =	shalt  }
0x63: {  	_ =	shalt  }
0x64: {  	_ =	shalt  }
0x65: {  	_ =	shalt  }
0x66: {  	_ =	shalt  }
0x67: {  	_ =	shalt  }
0x68: {  	_ =	shalt  }
0x69: {  	_ =	shalt  }
0x6a: {  	_ =	shalt  }
0x6b: {  	_ =	shalt  }
0x6c: {  	_ =	shalt  }
0x6d: {  	_ =	shalt  }
0x6e: {  	_ =	shalt  }
0x6f: {  	_ =	shalt  }
0x70: {  	_ =	shalt  }
0x71: {  	_ =	shalt  }
0x72: {  	_ =	shalt  }
0x73: {  	_ =	shalt  }
0x74: {  	_ =	shalt  }
0x75: {  	_ =	shalt  }
0x76: {  	_ =	shalt  }
0x77: {  	_ =	shalt  }
0x78: {  	_ =	shalt  }
0x79: {  	_ =	shalt  }
0x7a: {  	_ =	shalt  }
0x7b: {  	_ =	shalt  }
0x7c: {  	_ =	shalt  }
0x7d: {  	_ =	shalt  }
0x7e: {  	_ =	shalt  }
0x7f: {  	_ =	shalt  }
0x80: {  	_ =	shalt  }
0x81: {  	_ =	shalt  }
0x82: {  	_ =	shalt  }
0x83: {  	_ =	shalt  }
0x84: {  	_ =	shalt  }
0x85: {  	_ =	shalt  }
0x86: {  	_ =	shalt  }
0x87: {  	_ =	shalt  }
.Lfunc_end0:
.L_simem_size_0:
called_computation.1_lowered:
.L_overlay_start_0:
0x88: {  	s2 =	sld [smem:$0x3FD9]  }
0x89: {  	s3 =	sld [smem:$0x3FFE];
	_ =	sdelay $0x1  }
0x8a: {  	s1 =	srdreg.scid  }
0x8b: {  	s0 =	sand.u32 $0x1, s1  }
0x8c: {  	s17 =	sshll.u32 s0, $0xA;
	s2 =	sadd.s32 s3, s2  }
0x8d: {  	s2 =	sadd.s32 s2, s17  }
0x8e: {  	[smem:$0x3FB9] =	sst s2  }
0x8f: {  	_ = 	snop  }
0x90: {  	s2 =	sld [smem:$0x3FC4]  }
0x91: {  	s18 =	sld [smem:$0x3FC3]  }
0x92: {  	s4 =	sld [smem:$0x3FD0];
	(tm) =	ssettm $0x1  }
0x93: {  	s5 =	sld [smem:$0x3FFB];
	_ =	sdelay $0x3  }
0x94: {  	_ =	strace s5  }
0x95: {  	s5 =	sld [smem:$0x3FFC];
	_ =	sdelay $0x3  }
0x96: {  	_ =	strace s5  }
0x97: {  	s5 =	sld [smem:$0x3FFD];
	_ =	sdelay $0x3  }
0x98: {  	_ =	strace s5  }
0x99: {  	_ =	strace $0x8FFFFFFF  }
0x9a: {  	s19 =	sld [smem:$0x3FDB];
	_ =	sdelay $0x1  }
0x9b: {  	s6 =	simm.s32 $_scs_section_size  }
0x9c: {  	s7 =	simm.s32 $_size__tile_overlayer_lowered;
	s8 =	simm.s32 $_tile_overlayer_lowered  }
0x9d: {  	s22 =	simm.s32 $0x1BFF;
	s21 =	sshll.u32 s8, $0x1;
	s5 =	sadd.s32 s6, s19  }
0x9e: {  	s9 =	simm.s32 $0x0;
	s20 =	sshll.u32 s7, $0x1;
	s7 =	sadd.s32 s21, s5  }
0x9f: {  	[timem:s9], [sflag:s22] =	dma.local [hbm:s7], s20  }
0xa0: {  	_ =	swait.ge [sflag:s22], s20  }
0xa1: {  	s6 =	ssub.s32 $0x0, s20;
	[sflag:s22] =	ssyncset.done $0x0  }
0xa2: {  	[sflag:s22] =	ssyncadd.s32 s6;
	_ =	sdelay $0x1  }
0xa3: {  	s23 =	simm.s32 $0x1B8B  }
0xa4: {  	_ =	swait.ge [sflag:s23], $0x1  }
0xa5: {  	[sflag:s23] =	ssyncset.done $0x0  }
0xa6: {  	s25 =	simm.s32 $0x1B8E;
	s24 =	sld [smem:$0x3FFE];
	[sflag:s23] =	ssyncadd.s32 $0xFFFFFFFF  }
0xa7: {  	s26 =	simm.s32 $execute0_lowered;
	[smem:$0x3FD2] =	sst s25  }
0xa8: {  	s7 =	sshll.u32 s26, $0x1;
	_ =	strace $0x80000049;
	[dreg:$0x1] =	wrdreg $0xFFFFFFFF  }
0xa9: {  	s28 =	simm.s32 $_size_execute0_lowered;
	s5 =	sadd.s32 s5, s7;
	[dreg:$0x0] =	wrdreg $0x0  }
0xaa: {  	s7 =	sshll.u32 s28, $0x1;
	[dreg:$0x2] =	wrdreg s5  }
0xab: {  	[dreg:$0x3] =	wrdreg s7  }
0xac: {  	[dreg:$0x4] =	wrdreg $0xC0  }
0xad: {  	_ =	task [dreg:s9], $0x5FFFF  }
0xae: {  	[dreg:$0x1] =	wrdreg $0xFFFFFFFF  }
0xaf: {  	[dreg:$0x0] =	wrdreg $0x60  }
0xb0: {  	[dreg:$0x2] =	wrdreg s24  }
0xb1: {  	[dreg:$0x3] =	wrdreg s2  }
0xb2: {  	[dreg:$0x4] =	wrdreg s18  }
0xb3: {  	[dreg:$0x5] =	wrdreg s4  }
0xb4: {  	[dreg:$0x6] =	wrdreg $0x0  }
0xb5: {  	[dreg:$0x7] =	wrdreg $0x80000  }
0xb6: {  	[dreg:$0x8] =	wrdreg $0x90000  }
0xb7: {  	[dreg:$0x9] =	wrdreg $0xB0000  }
0xb8: {  	[dreg:$0xa] =	wrdreg $0x9  }
0xb9: {  	_ =	task.clear_ibuf [dreg:s9], $0xBFFFF;
	_ =	strace $0x90000049  }
0xba: {  	s29 =	simm.s32 $0x9;
	_ =	strace $0x8000004B  }
0xbb: {  	_ =	swait.ge [sflag:s29], $0x1  }
0xbc: {  	[sflag:s29] =	ssyncadd.s32 $0xFFFFFFFF  }
0xbd: {  	_ =	strace $0x9000004B  }
0xbe: {  	_ =	sfence  }
0xbf: {  	s30 =	sld [smem:$0x0];
	_ =	sdelay $0x2  }
0xc0: {  	s31 =	sshll.u32 s1, $0xD;
	s1 =	sshrl.u32 s1, $0x2  }
0xc1: {  	s3 =	sand.u32 $0x4000, s31;
	s1 =	sadd.s32 s1, s30  }
0xc2: {  	s0 =	sor.u32 s3, s0;
	s1 =	sshll.u32 s1, $0x11  }
0xc3: {  	s0 =	sor.u32 s1, s0  }
0xc4: {  	s0 =	sadd.s32 $0x8F2B, s0  }
0xc5: {  	[sflag:s0] =	ssyncadd.remote.s32 $0x1  }
0xc6: {  	_ =	sfence.sel $0xFFFF  }
0xc7: {  	[dreg:$0x0] =	wrdreg $0xFFFFFFFF;
	(pc) =	sbr.abs _section_cstart, $3  }
0xc8: {  	[dreg:$0x1] =	wrdreg $0xFFFFFFFF  }
0xc9: {  	_ =	task.clear_ibuf [dreg:s9], $0x2FFFF;
	_ =	strace $0x9FFFFFFF  }
0xca: {  	(tm) =	ssettm $0x7FFFFFFF  }
0xcb: {  	_ =	shalt  }
tec
execute0_lowered:
.L_overlay_start_1:
0x0: {  	(tag) =	ssettag $0x1  }
0x1: {  	s0 =	rddreg [dreg:$0x0]  }
0x2: {  	s3 =	rddreg [dreg:$0x1]  }
0x3: {  	s7 =	rddreg [dreg:$0x2]  }
0x4: {  	s8 =	rddreg [dreg:$0x3]  }
0x5: {  	s1 =	rddreg [dreg:$0x4]  }
0x6: {  	s2 =	rddreg [dreg:$0x5]  }
0x7: {  	s4 =	rddreg [dreg:$0x6]  }
0x8: {  	s5 =	rddreg [dreg:$0x7];
	s6 =	simm.s32 $0x0;
	s21 =	stileid.u32  }
0x9: {  	s10 =	srdreg.scid;
	[smem:$0x7FF] =	sst s6  }
0xa: {  	s9 =	smul.u32 $0x4E2, s21;
	s11 =	sadd.s32 $0xC400, s0;
	s12 =	sadd.s32 $0x2600, s0  }
0xb: {  	s14 =	sand.u32 $0x1, s10;
	s26 =	sadd.s32 $0x3D600, s0;
	s28 =	sadd.s32 $0x3DC00, s0  }
0xc: {  	s15 =	sshll.u32 s21, $0xC;
	_ =	strace $0x8000004A;
	[dreg:$0x9] =	wrdreg s26  }
0xd: {  	s17 =	smul.u32 $0x7530, s21;
	s18 =	sadd.s32 $0x3DA00, s0;
	[dreg:$0xa] =	wrdreg s28  }
0xe: {  	s30 =	sshll.u32 s21, $0xF;
	s29 =	ssub.s32 $0x2, s14;
	[dreg:$0xb] =	wrdreg s18  }
0xf: {  	s18 =	sshll.u32 s21, $0x9;
	s10 =	sadd.s32 s30, s1;
	p0 =	sne.s32 s14, $0x0  }
0x10: {  	p1 =	seq.s32 s14, $0x0;
	s13 =	sadd.s32 s9, s0;
	s16 =	sshrl.u32 s29, $0x1  }
0x11: {  	s0 =	sadd.s32 s15, s0;
	s19 =	sshrl.u32 s17, $0x3;
	s20 =	sor.u32 $0x50, s18  }
0x12: {  	s3 =	sadd.s32 s3, s9;
	s11 =	smov.u32 @p0 s12;
	s12 =	sshll.u32 s21, $0xA  }
0x13: {  	s23 =	sor.u32 $0xF0, s18;
	s24 =	sor.u32 $0x140, s18;
	s8 =	sadd.s32 s8, s18  }
0x14: {  	s30 =	sor.u32 $0x1E0, s18;
	s16 =	ssub.s32 s29, s16;
	s7 =	sadd.s32 s7, s19  }
0x15: {  	s31 =	sshll.u32 s20, $0x6;
	[dreg:$0xd] =	wrdreg s3;
	s3 =	sor.u32 $0xA0, s18  }
0x16: {  	s19 =	sadd.s32 s11, s12;
	s25 =	sshll.u32 s23, $0x6;
	s26 =	sshll.u32 s24, $0x6  }
0x17: {  	s29 =	sor.u32 $0x190, s18;
	[dreg:$0x13] =	wrdreg s8;
	s14 =	sshll.u32 s30, $0x6  }
0x18: {  	s18 =	sshll.u32 s21, $0xD;
	s21 =	sadd.s32 s15, s2;
	s20 =	sshll.u32 s20, $0x3  }
0x19: {  	s9 =	sshll.u32 s23, $0x3;
	s23 =	sshll.u32 s24, $0x3;
	s8 =	sshll.u32 s30, $0x3  }
0x1a: {  	s30 =	sadd.s32 $0x16200, s0;
	s0 =	sadd.s32 $0x26200, s0;
	[dreg:$0xc] =	wrdreg s7  }
0x1b: {  	s11 =	simm.s32 $0x5;
	s15 =	simm.s32 $0x50;
	[dreg:$0xf] =	wrdreg s19  }
0x1c: {  	s7 =	sadd.s32 s31, s1;
	s22 =	sshll.u32 s3, $0x6;
	[dreg:$0x1e] =	wrdreg s30  }
0x1d: {  	s28 =	sadd.s32 s26, s1;
	s31 =	sshll.u32 s29, $0x6;
	[dreg:$0x1f] =	wrdreg s0  }
0x1e: {  	s19 =	sadd.s32 s18, s4;
	s3 =	sshll.u32 s3, $0x3;
	[dreg:$0xe] =	wrdreg s7  }
0x1f: {  	s26 =	sadd.s32 s17, s5;
	s7 =	sadd.s32 s22, s1;
	[dreg:$0x12] =	wrdreg s28  }
0x20: {  	s17 =	simm.s32 $0x1;
	s12 =	sadd.s32 s31, s1;
	[dreg:$0x10] =	wrdreg s7  }
0x21: {  	s18 =	simm.s32 $0x3;
	s3 =	sadd.s32 s3, s2;
	[dreg:$0x14] =	wrdreg s12  }
0x22: {  	s22 =	sadd.s32 s9, s2;
	s28 =	sadd.s32 $0xA6E00, s13;
	[dreg:$0x17] =	wrdreg s3  }
0x23: {  	s31 =	smax.u32 s16, $0x1;
	s9 =	simm.s32 $0x19B50;
	[dreg:$0x18] =	wrdreg s22  }
0x24: {  	s16 =	simm.s32 $0x19AB0;
	s7 =	sadd.s32 s25, s1;
	[dreg:$0x1c] =	wrdreg s28  }
0x25: {  	s12 =	sadd.s32 s14, s1;
	s14 =	sadd.s32 s20, s2;
	[smem:$0x7FD] =	sst s31  }
0x26: {  	s3 =	sadd.s32 s23, s2;
	s25 =	sadd.s32 s8, s2;
	[dreg:$0x11] =	wrdreg s7  }
0x27: {  	s8 =	sshrl.u32 s26, $0x3;
	s20 =	simm.s32 $0x2;
	[dreg:$0x15] =	wrdreg s12  }
0x28: {  	s22 =	simm.s32 $0x4;
	s23 =	simm.s32 $0x1AF50;
	[dreg:$0x16] =	wrdreg s14  }
.Ltmp0:
0x29: {  	s7 =	sshll.u32 s29, $0x3;
	[dreg:$0x19] =	wrdreg s3;
	(pc) =	sbr.rel .LBB2_1-.Ltmp0, $4  }
0x2a: {  	[dreg:$0x1b] =	wrdreg s25;
	s29 =	sadd.s32 $0xA1E00, s13;
	s12 =	simm.s32 $0x1C350  }
0x2b: {  	s13 =	simm.s32 $0x12530;
	s14 =	simm.s32 $0x17350;
	s25 =	simm.s32 $0x0  }
0x2c: {  	s24 =	sadd.s32 s7, s2;
	[dreg:$0x1d] =	wrdreg s29;
	s7 =	sshrl.u32 s19, $0x3  }
0x2d: {  	s19 =	simm.s32 $0x19A60;
	[dreg:$0x1a] =	wrdreg s24;
	s24 =	simm.s32 $0x6  }
.LBB2_7:
0x2e: {  	[bflag:$0x0] =	sbarrier.arrive $0xFFFF  }
0x2f: {  	s0 =	sshrl.u32 @p0 s10, $0x3;
	s3 =	rddreg [dreg:$0x1e]  }
0x30: {  	[hbm:s3], [sflag:s26] =	dma.local @p0 [spmem:s0], $0x1000  }
0x31: {  	s0 =	simm.s32 @p0 $0x5  }
0x32: {  	_ =	swait.ge @p0 [sflag:s0], $0x1000  }
0x33: {  	[sflag:s0] =	ssyncset.done @p0 $0x0  }
0x34: {  	s3 =	rddreg [dreg:$0x1f];
	[sflag:s0] =	ssyncadd.s32 @p0 $0xFFFFF000;
	s0 =	sshrl.u32 @!p0 s10, $0x3  }
0x35: {  	[hbm:s3], [sflag:s26] =	dma.local @!p0 [spmem:s0], $0x1000  }
0x36: {  	s0 =	simm.s32 @!p0 $0x5  }
0x37: {  	_ =	swait.ge @!p0 [sflag:s0], $0x1000  }
0x38: {  	[sflag:s0] =	ssyncset.done @!p0 $0x0  }
0x39: {  	s3 =	sshrl.u32 @!p0 s21, $0x3;
	s28 =	rddreg [dreg:$0x13];
	[sflag:s0] =	ssyncadd.s32 @!p0 $0xFFFFF000  }
0x3a: {  	[hbm:s28], [sflag:s26] =	dma.local @!p0 [spmem:s3], $0x200  }
0x3b: {  	_ =	swait.ge @!p0 [sflag:s0], $0x200  }
0x3c: {  	s31 =	sld [smem:$0x7FD];
	_ =	sdelay $0x1  }
0x3d: {  	s25 =	sadd.s32 $0x1, s25  }
0x3e: {  	p2 =	sne.s32 s25, s31  }
.Ltmp1:
0x3f: {  	_ = 	snop;
	(pc) =	sbr.rel @!p2 .LBB2_8-.Ltmp1, $3  }
0x40: {  	_ =	sdelay $0x1  }
0x41: {  	[sflag:s0] =	ssyncset.done @!p0 $0x0  }
0x42: {  	[sflag:s0] =	ssyncadd.s32 @!p0 $0xFFFFFE00  }
.LBB2_1:
0x43: {  	s0 =	rddreg [dreg:$0x9]  }
0x44: {  	[tilespmem:s9], [sflag:$0x5] =	stream.linear.gather [hbm4b:s0+s6], $0x1400, $0x38;
	[tilespmem:$0x1C5D0] =	vst v63  }
0x45: {  	_ =	swait.ge [sflag:s11], $0x1400  }
0x46: {  	[sflag:s11] =	ssyncset.done $0x0  }
0x47: {  	[sflag:s11] =	ssyncadd.s32 $0xFFFFEC00  }
0x48: {  	[spmem:s10] =	stream.linear.scatter [tilespmem:s9], [sflag:$0x5], $0x1400, $0x38;
	[tilespmem:$0x1C5D0] =	vst v63  }
0x49: {  	_ =	swait.ge [sflag:s11], $0x1400  }
0x4a: {  	[sflag:s11] =	ssyncset.done $0x0  }
0x4b: {  	s26 =	rddreg [dreg:$0xe];
	[sflag:s11] =	ssyncadd.s32 $0xFFFFEC00  }
0x4c: {  	[spmem:s26] =	stream.linear.scatter [tilespmem:s9], [sflag:$0x5], $0x1400, $0x38;
	[tilespmem:$0x1C5D0] =	vst v63  }
0x4d: {  	_ =	swait.ge [sflag:s11], $0x1400  }
0x4e: {  	[sflag:s11] =	ssyncset.done $0x0  }
0x4f: {  	s3 =	rddreg [dreg:$0x10];
	[sflag:s11] =	ssyncadd.s32 $0xFFFFEC00  }
0x50: {  	[spmem:s3] =	stream.linear.scatter [tilespmem:s9], [sflag:$0x5], $0x1400, $0x38;
	[tilespmem:$0x1C5D0] =	vst v63  }
0x51: {  	_ =	swait.ge [sflag:s11], $0x1400  }
0x52: {  	[sflag:s11] =	ssyncset.done $0x0  }
0x53: {  	s26 =	rddreg [dreg:$0x11];
	[sflag:s11] =	ssyncadd.s32 $0xFFFFEC00  }
0x54: {  	[spmem:s26] =	stream.linear.scatter [tilespmem:s9], [sflag:$0x5], $0x1400, $0x38;
	[tilespmem:$0x1C5D0] =	vst v63  }
0x55: {  	_ =	swait.ge [sflag:s11], $0x1400  }
0x56: {  	[sflag:s11] =	ssyncset.done $0x0  }
0x57: {  	s3 =	rddreg [dreg:$0x12];
	[sflag:s11] =	ssyncadd.s32 $0xFFFFEC00  }
0x58: {  	[spmem:s3] =	stream.linear.scatter [tilespmem:s9], [sflag:$0x5], $0x1400, $0x38;
	[tilespmem:$0x1C5D0] =	vst v63  }
0x59: {  	_ =	swait.ge [sflag:s11], $0x1400  }
0x5a: {  	[sflag:s11] =	ssyncset.done $0x0  }
0x5b: {  	s26 =	rddreg [dreg:$0x14];
	[sflag:s11] =	ssyncadd.s32 $0xFFFFEC00  }
0x5c: {  	[spmem:s26] =	stream.linear.scatter [tilespmem:s9], [sflag:$0x5], $0x1400, $0x38;
	[tilespmem:$0x1C5D0] =	vst v63  }
0x5d: {  	_ =	swait.ge [sflag:s11], $0x1400  }
0x5e: {  	[sflag:s11] =	ssyncset.done $0x0  }
0x5f: {  	s3 =	rddreg [dreg:$0x15];
	[sflag:s11] =	ssyncadd.s32 $0xFFFFEC00  }
0x60: {  	[spmem:s3] =	stream.linear.scatter [tilespmem:s9], [sflag:$0x5], $0x800, $0x38;
	[tilespmem:$0x1C5D0] =	vst v63  }
0x61: {  	_ =	swait.ge [sflag:s11], $0x800  }
0x62: {  	s0 =	simm.s32 @!p0 $0x0;
	[sflag:s11] =	ssyncset.done $0x0  }
0x63: {  	s26 =	simm.s32 @!p0 $0x1C350;
	s3 =	rddreg [dreg:$0xa];
	[sflag:s11] =	ssyncadd.s32 $0xFFFFF800  }
0x64: {  	[tilespmem:s26], [sflag:$0x5] =	stream.linear.gather @!p0 [hbm4b:s3+s0], $0x280, $0x38;
	[tilespmem:$0x1C5D0] =	vst v63  }
0x65: {  	s0 =	simm.s32 @!p0 $0x5  }
0x66: {  	_ =	swait.ge @!p0 [sflag:s0], $0x280  }
0x67: {  	[sflag:s0] =	ssyncset.done @!p0 $0x0  }
0x68: {  	[sflag:s0] =	ssyncadd.s32 @!p0 $0xFFFFFD80  }
0x69: {  	[spmem:s21] =	stream.linear.scatter @!p0 [tilespmem:s26], [sflag:$0x5], $0x280, $0x38;
	[tilespmem:$0x1C5D0] =	vst v63  }
0x6a: {  	_ =	swait.ge @!p0 [sflag:s0], $0x280  }
0x6b: {  	[sflag:s0] =	ssyncset.done @!p0 $0x0  }
0x6c: {  	s3 =	rddreg [dreg:$0x16];
	[sflag:s0] =	ssyncadd.s32 @!p0 $0xFFFFFD80  }
0x6d: {  	[spmem:s3] =	stream.linear.scatter @!p0 [tilespmem:s26], [sflag:$0x5], $0x280, $0x38;
	[tilespmem:$0x1C5D0] =	vst v63  }
0x6e: {  	_ =	swait.ge @!p0 [sflag:s0], $0x280  }
0x6f: {  	[sflag:s0] =	ssyncset.done @!p0 $0x0  }
0x70: {  	s3 =	rddreg [dreg:$0x17];
	[sflag:s0] =	ssyncadd.s32 @!p0 $0xFFFFFD80  }
0x71: {  	[spmem:s3] =	stream.linear.scatter @!p0 [tilespmem:s26], [sflag:$0x5], $0x280, $0x38;
	[tilespmem:$0x1C5D0] =	vst v63  }
0x72: {  	_ =	swait.ge @!p0 [sflag:s0], $0x280  }
0x73: {  	[sflag:s0] =	ssyncset.done @!p0 $0x0  }
0x74: {  	s3 =	rddreg [dreg:$0x18];
	[sflag:s0] =	ssyncadd.s32 @!p0 $0xFFFFFD80  }
0x75: {  	[spmem:s3] =	stream.linear.scatter @!p0 [tilespmem:s26], [sflag:$0x5], $0x280, $0x38;
	[tilespmem:$0x1C5D0] =	vst v63  }
0x76: {  	_ =	swait.ge @!p0 [sflag:s0], $0x280  }
0x77: {  	[sflag:s0] =	ssyncset.done @!p0 $0x0  }
0x78: {  	s3 =	rddreg [dreg:$0x19];
	[sflag:s0] =	ssyncadd.s32 @!p0 $0xFFFFFD80  }
0x79: {  	[spmem:s3] =	stream.linear.scatter @!p0 [tilespmem:s26], [sflag:$0x5], $0x280, $0x38;
	[tilespmem:$0x1C5D0] =	vst v63  }
0x7a: {  	_ =	swait.ge @!p0 [sflag:s0], $0x280  }
0x7b: {  	[sflag:s0] =	ssyncset.done @!p0 $0x0  }
0x7c: {  	s3 =	rddreg [dreg:$0x1a];
	[sflag:s0] =	ssyncadd.s32 @!p0 $0xFFFFFD80  }
0x7d: {  	[spmem:s3] =	stream.linear.scatter @!p0 [tilespmem:s26], [sflag:$0x5], $0x280, $0x38;
	[tilespmem:$0x1C5D0] =	vst v63  }
0x7e: {  	_ =	swait.ge @!p0 [sflag:s0], $0x280  }
0x7f: {  	[sflag:s0] =	ssyncset.done @!p0 $0x0  }
0x80: {  	s3 =	rddreg [dreg:$0x1b];
	[sflag:s0] =	ssyncadd.s32 @!p0 $0xFFFFFD80  }
0x81: {  	[spmem:s3] =	stream.linear.scatter @!p0 [tilespmem:s26], [sflag:$0x5], $0x100, $0x38;
	[tilespmem:$0x1C5D0] =	vst v63  }
0x82: {  	s26 =	stileid.u32;
	_ =	swait.ge @!p0 [sflag:s0], $0x100  }
0x83: {  	s3 =	sshll.u32 s26, $0x6;
	[sflag:s0] =	ssyncset.done @!p0 $0x0  }
0x84: {  	s26 =	sor.u32 $0x1C05, s3;
	s3 =	rddreg [dreg:$0xf];
	[sflag:s0] =	ssyncadd.s32 @!p0 $0xFFFFFF00  }
0x85: {  	[spmem:s7], [sflag:s26] =	dma.local [hbm:s3], $0x400  }
0x86: {  	_ =	swait.ge [sflag:s11], $0x400  }
0x87: {  	[sflag:s11] =	ssyncset.done $0x0  }
0x88: {  	s3 =	rddreg [dreg:$0xc];
	[sflag:s11] =	ssyncadd.s32 $0xFFFFFC00  }
0x89: {  	[spmem:s8], [sflag:s26] =	dma.local [hbm:s3], $0xEA6  }
0x8a: {  	_ =	swait.ge [sflag:s11], $0xEA6  }
0x8b: {  	[sflag:s11] =	ssyncset.done $0x0  }
0x8c: {  	s3 =	rddreg [dreg:$0xb];
	[sflag:s11] =	ssyncadd.s32 $0xFFFFF15A  }
0x8d: {  	[tilespmem:s12], [sflag:$0x5] =	stream.linear.gather [hbm4b:s3+s6], $0x280, $0x38;
	[tilespmem:$0x1C5D0] =	vst v63  }
0x8e: {  	_ =	swait.ge [sflag:s11], $0x280  }
0x8f: {  	[sflag:s11] =	ssyncset.done $0x0  }
0x90: {  	s3 =	rddreg [dreg:$0x1c];
	[sflag:s11] =	ssyncadd.s32 $0xFFFFFD80  }
0x91: {  	[tilespmem:s13], [sflag:$0x5] =	stream.linear.gather [hbm4b:s3+s6], $0x2710, $0x38;
	[tilespmem:$0x1C5D0] =	vst v63  }
0x92: {  	_ =	swait.ge [sflag:s11], $0x2710  }
0x93: {  	[sflag:s11] =	ssyncset.done $0x0  }
0x94: {  	s3 =	simm.s32 $0x14C40;
	s0 =	rddreg [dreg:$0x1d];
	[sflag:s11] =	ssyncadd.s32 $0xFFFFD8F0  }
0x95: {  	[tilespmem:s3], [sflag:$0x5] =	stream.linear.gather [hbm4b:s0+s6], $0x2710, $0x38;
	[tilespmem:$0x1C5D0] =	vst v63  }
0x96: {  	_ =	swait.ge [sflag:s11], $0x2710  }
0x97: {  	[sflag:s11] =	ssyncset.done $0x0  }
0x98: {  	s3 =	rddreg [dreg:$0xd];
	[sflag:s11] =	ssyncadd.s32 $0xFFFFD8F0  }
0x99: {  	[tilespmem:s14], [sflag:$0x5] =	stream.linear.gather [hbm4b:s3+s6], $0x2710, $0x38;
	[tilespmem:$0x1C5D0] =	vst v63  }
0x9a: {  	_ =	swait.ge [sflag:s11], $0x2710  }
0x9b: {  	[sflag:s11] =	ssyncset.done $0x0  }
.Ltmp2:
0x9c: {  	[sflag:s11] =	ssyncadd.s32 $0xFFFFD8F0;
	(pc) =	sbr.rel .LBB2_2-.Ltmp2, $4  }
0x9d: {  	s28 =	simm.s32 $0x12580;
	[bflag:$0x0] =	sbarrier.arrive $0xFFFF  }
0x9e: {  	[tilespmem:s16], [sflag:$0x1] =	stream.indirect.gather [spmem:s5], $0x1, s14, s15, $0xb8;
	[tilespmem:$0x1C5D0] =	vst v63  }
0x9f: {  	s29 =	simm.s32 $0x173A0;
	s30 =	simm.s32 $0x14C60;
	s31 =	simm.s32 $0x0  }
0xa0: {  	[tilespmem:s9], [sflag:$0x3] =	stream.indirect.gather [spmem:s4], $0x40, s13, s15, $0xb8;
	[tilespmem:$0x1C5D0] =	vst v63  }
.LBB2_5:
0xa1: {  	[spmem:s2] =	stream.indirect.scatter.add.f32 [tilespmem:s12], [sflag:s0], $0x8, s19, s15, $0xb8;
	[tilespmem:$0x1C5D0] =	vst v63  }
0xa2: {  	_ =	swait.ge [sflag:s0], $0x280  }
0xa3: {  	[sflag:s0] =	ssyncset.done $0x0  }
0xa4: {  	[sflag:s0] =	ssyncadd.s32 $0xFFFFFD80  }
.LBB2_6:
0xa5: {  	s31 =	sadd.s32 $0x1, s31  }
0xa6: {  	p2 =	sne.s32 s31, $0x7D  }
.Ltmp3:
0xa7: {  	_ = 	snop;
	(pc) =	sbr.rel @!p2 .LBB2_7-.Ltmp3, $2  }
0xa8: {  	_ =	sdelay $0x2  }
0xa9: {  	s28 =	sadd.s32 $0x50, s28;
	s29 =	sadd.s32 $0x50, s29;
	s30 =	sadd.s32 $0x50, s30  }
.LBB2_2:
0xaa: {  	s0 =	sand.u32 $0x1, s31  }
0xab: {  	p2 =	seq.s32 s0, $0x1  }
.Ltmp4:
0xac: {  	_ = 	snop;
	(pc) =	sbr.rel @p2 .LBB2_4-.Ltmp4, $1  }
0xad: {  	_ =	sdelay $0x3  }
0xae: {  	p2 =	seq.s32 s31, $0x7C  }
0xaf: {  	s0 =	simm.s32 @!p2 $0x50;
	s3 =	simm.s32 @!p2 $0x19B00  }
0xb0: {  	[tilespmem:s3], [sflag:$0x2] =	stream.indirect.gather @!p2 [spmem:s5], $0x1, s29, s0, $0xb8;
	[tilespmem:$0x1C5D0] =	vst v63  }
0xb1: {  	s3 =	simm.s32 @!p2 $0x1AF50  }
0xb2: {  	[tilespmem:s3], [sflag:$0x4] =	stream.indirect.gather @!p2 [spmem:s4], $0x40, s28, s0, $0xb8;
	[tilespmem:$0x1C5D0] =	vst v63  }
0xb3: {  	_ =	swait.ge [sflag:s17], $0x50  }
0xb4: {  	[sflag:s17] =	ssyncset.done $0x0  }
0xb5: {  	[sflag:s17] =	ssyncadd.s32 $0xFFFFFFB0  }
0xb6: {  	v0 =	vld [tilespmem:$0x19AB0];
	_ =	sdelay $0x1  }
0xb7: {  	v1 =	vld [tilespmem:s30+$0xFFFFFFE0];
	_ =	sdelay $0x2  }
0xb8: {  	v0 =	vmul.u32 $0x7D0, v0;
	_ =	sdelay $0x1  }
0xb9: {  	v60 =	vld [tilespmem:$0x19AC0];
	v0 =	vadd.s32 v1, v0  }
0xba: {  	[tilespmem:$0x19A60] =	vst v0  }
0xbb: {  	v0 =	vld [tilespmem:s30+$0xFFFFFFF0];
	_ =	sdelay $0x2  }
0xbc: {  	v1 =	vmul.u32 $0x7D0, v60;
	_ =	sdelay $0x1  }
0xbd: {  	v61 =	vld [tilespmem:$0x19AD0];
	v0 =	vadd.s32 v0, v1  }
0xbe: {  	[tilespmem:$0x19A70] =	vst v0  }
0xbf: {  	v0 =	vld [tilespmem:s30+$0x0];
	_ =	sdelay $0x2  }
0xc0: {  	v1 =	vmul.u32 $0x7D0, v61;
	_ =	sdelay $0x1  }
0xc1: {  	v62 =	vld [tilespmem:$0x19AE0];
	v0 =	vadd.s32 v0, v1  }
0xc2: {  	[tilespmem:$0x19A80] =	vst v0  }
0xc3: {  	v0 =	vld [tilespmem:s30+$0x10];
	_ =	sdelay $0x2  }
0xc4: {  	v1 =	vmul.u32 $0x7D0, v62;
	_ =	sdelay $0x1  }
0xc5: {  	v63 =	vld [tilespmem:$0x19AF0];
	v0 =	vadd.s32 v0, v1  }
0xc6: {  	[tilespmem:$0x19A90] =	vst v0  }
0xc7: {  	v0 =	vld [tilespmem:s30+$0x20];
	_ =	sdelay $0x2  }
0xc8: {  	v1 =	vmul.u32 $0x7D0, v63;
	_ =	sdelay $0x1  }
0xc9: {  	v0 =	vadd.s32 v0, v1  }
0xca: {  	[tilespmem:$0x19AA0] =	vst v0  }
0xcb: {  	_ =	swait.ge [sflag:s18], $0x1400  }
0xcc: {  	[sflag:s18] =	ssyncset.done $0x0  }
0xcd: {  	[sflag:s18] =	ssyncadd.s32 $0xFFFFEC00  }
0xce: {  	[spmem:s1] =	stream.indirect.scatter.add.f32 [tilespmem:s9], [sflag:$0x6], $0x40, s19, s15, $0xb8;
	[tilespmem:$0x1C5D0] =	vst v63  }
.Ltmp5:
0xcf: {  	_ = 	snop;
	(pc) =	sbr.rel @p1 .LBB2_5-.Ltmp5, $4  }
.Ltmp6:
0xd0: {  	s0 =	simm.s32 $0x6;
	(pc) =	sbr.rel @!p1 .LBB2_6-.Ltmp6, $4  }
0xd1: {  	_ =	swait.ge [sflag:s0], $0x1400  }
0xd2: {  	[sflag:s0] =	ssyncset.done $0x0  }
0xd3: {  	[sflag:s0] =	ssyncadd.s32 $0xFFFFEC00  }
0xd4: {  	_ = 	snop  }
.LBB2_4:
0xd5: {  	[tilespmem:s16], [sflag:$0x1] =	stream.indirect.gather [spmem:s5], $0x1, s29, s15, $0xb8;
	[tilespmem:$0x1C5D0] =	vst v63  }
0xd6: {  	_ = 	snop  }
0xd7: {  	[tilespmem:s9], [sflag:$0x3] =	stream.indirect.gather [spmem:s4], $0x40, s28, s15, $0xb8;
	[tilespmem:$0x1C5D0] =	vst v63  }
0xd8: {  	_ =	swait.ge [sflag:s20], $0x50  }
0xd9: {  	[sflag:s20] =	ssyncset.done $0x0  }
0xda: {  	[sflag:s20] =	ssyncadd.s32 $0xFFFFFFB0  }
0xdb: {  	v0 =	vld [tilespmem:$0x19B00];
	_ =	sdelay $0x1  }
0xdc: {  	v1 =	vld [tilespmem:s30+$0xFFFFFFE0];
	_ =	sdelay $0x2  }
0xdd: {  	v0 =	vmul.u32 $0x7D0, v0;
	_ =	sdelay $0x1  }
0xde: {  	v60 =	vld [tilespmem:$0x19B10];
	v0 =	vadd.s32 v1, v0  }
0xdf: {  	[tilespmem:$0x19A60] =	vst v0  }
0xe0: {  	v0 =	vld [tilespmem:s30+$0xFFFFFFF0];
	_ =	sdelay $0x2  }
0xe1: {  	v1 =	vmul.u32 $0x7D0, v60;
	_ =	sdelay $0x1  }
0xe2: {  	v61 =	vld [tilespmem:$0x19B20];
	v0 =	vadd.s32 v0, v1  }
0xe3: {  	[tilespmem:$0x19A70] =	vst v0  }
0xe4: {  	v0 =	vld [tilespmem:s30+$0x0];
	_ =	sdelay $0x2  }
0xe5: {  	v1 =	vmul.u32 $0x7D0, v61;
	_ =	sdelay $0x1  }
0xe6: {  	v62 =	vld [tilespmem:$0x19B30];
	v0 =	vadd.s32 v0, v1  }
0xe7: {  	[tilespmem:$0x19A80] =	vst v0  }
0xe8: {  	v0 =	vld [tilespmem:s30+$0x10];
	_ =	sdelay $0x2  }
0xe9: {  	v1 =	vmul.u32 $0x7D0, v62;
	_ =	sdelay $0x1  }
0xea: {  	v63 =	vld [tilespmem:$0x19B40];
	v0 =	vadd.s32 v0, v1  }
0xeb: {  	[tilespmem:$0x19A90] =	vst v0  }
0xec: {  	v0 =	vld [tilespmem:s30+$0x20];
	_ =	sdelay $0x2  }
0xed: {  	v1 =	vmul.u32 $0x7D0, v63;
	_ =	sdelay $0x1  }
0xee: {  	v0 =	vadd.s32 v0, v1  }
0xef: {  	[tilespmem:$0x19AA0] =	vst v0  }
0xf0: {  	_ =	swait.ge [sflag:s22], $0x1400  }
0xf1: {  	[sflag:s22] =	ssyncset.done $0x0  }
0xf2: {  	[sflag:s22] =	ssyncadd.s32 $0xFFFFEC00  }
0xf3: {  	[spmem:s1] =	stream.indirect.scatter.add.f32 [tilespmem:s23], [sflag:$0x6], $0x40, s19, s15, $0xb8;
	[tilespmem:$0x1C5D0] =	vst v63  }
.Ltmp7:
0xf4: {  	_ = 	snop;
	(pc) =	sbr.rel @p0 .LBB2_6-.Ltmp7, $4  }
.Ltmp8:
0xf5: {  	_ = 	snop;
	(pc) =	sbr.rel @!p0 .LBB2_5-.Ltmp8, $4  }
0xf6: {  	_ =	swait.ge [sflag:s24], $0x1400  }
0xf7: {  	[sflag:s24] =	ssyncset.done $0x0  }
0xf8: {  	s0 =	simm.s32 $0x5;
	[sflag:s24] =	ssyncadd.s32 $0xFFFFEC00  }
0xf9: {  	_ = 	snop  }
.LBB2_8:
0xfa: {  	_ =	sfence.sel $0x180000  }
0xfb: {  	[bflag:$0x0] =	sbarrier.arrive $0xFFFF  }
0xfc: {  	_ =	strace $0x9000004A  }
0xfd: {  	s0 =	stileid.u32;
	[bflag:$0x2] =	sbarrier.arrive $0xFFFF  }
0xfe: {  	p0 =	sne.s32 s0, $0x0;
	s0 =	rddreg [dreg:$0x8]  }
0xff: {  	s0 =	sadd.s32 @!p0 $0x100000, s0  }
0x100: {  	[sflag:s0] =	ssyncadd.tile.s32 @!p0 $0x1;
	_ =	shalt  }
.Lfunc_end2:
_tile_overlayer_lowered:
.L_overlay_start_2:
0x101: {  	(tag) =	ssettag $0x2  }
0x102: {  	s0 =	rddreg [dreg:$0x0];
	s2 =	stileid.u32  }
0x103: {  	s1 =	rddreg [dreg:$0x1];
	p0 =	sne.s32 s2, $0x0  }
0x104: {  	s3 =	rddreg [dreg:$0x2];
	[bflag:$0x3] =	sbarrier.arrive $0xFFFF;
	s2 =	simm.s32 @!p0 $0x1C05  }
0x105: {  	[timem:s3], [sflag:s2] =	dma.local @!p0 [hbm:s0], s1  }
0x106: {  	s0 =	simm.s32 @!p0 $0x5  }
0x107: {  	_ =	swait.ge @!p0 [sflag:s0], s1  }
0x108: {  	s1 =	ssub.s32 @!p0 $0x0, s1;
	[sflag:s0] =	ssyncset.done @!p0 $0x0  }
0x109: {  	[sflag:s0] =	ssyncadd.s32 @!p0 s1  }
0x10a: {  	[bflag:$0x3] =	sbarrier.arrive $0xFFFF  }
0x10b: {  	_ =	shalt  }

</sc_bundles>
